<compile_context>
chip_gen: v7x
topology: tpu7x:2x2x1
jax: 0.10.2.dev20260603
libtpu: 0.0.44.dev20260713+nightly
codegen_flags: <defaults>
</compile_context>

<pallas_src>
import functools

import jax
import jax.numpy as jnp
from jax import lax
from jax.experimental import pallas as pl
from jax.experimental.pallas import tpu as pltpu
from jax.experimental.pallas import tpu_sc as plsc

N = 100000
F = 64
K = 9
C = 80
G = N // C
NW = 32
IPS = 120
NSUB = C * K // IPS
T2MAX = (G + 2 * NW - 1) // (2 * NW)

_GDN = lax.GatherDimensionNumbers(offset_dims=(), collapsed_slice_dims=(0,),
                                  start_index_map=(0,))


def _permute(x, idx2d):
    return lax.gather(x, idx2d, _GDN, (1,),
                      mode=lax.GatherScatterMode.PROMISE_IN_BOUNDS)


def _lane_sum(x, perms):
    for p in perms:
        x = x + _permute(x, p)
    return x


def _newton_rsqrt(x):
    i = lax.bitcast_convert_type(x, jnp.int32)
    y = lax.bitcast_convert_type(jnp.int32(0x5F3759DF) - (i >> 1), jnp.float32)
    hx = 0.5 * x
    for _ in range(2):
        y = y * (1.5 - hx * y * y)
    return y


def _newton_sqrt(x):
    return x * _newton_rsqrt(x)


def _sc_body(lat_hbm, hs_hbm, nbr_hbm, par_hbm, bias_hbm,
             aflow_hbm, w_hbm,
             idx0, idx1, rows0, rows1, lat0, lat1, out0, out1, wv0, wv1,
             par_v, bias_v,
             sg0, sg1, sl0, sl1, so0, so1):
    idx_v = (idx0, idx1)
    rows_v = (rows0, rows1)
    lat_v = (lat0, lat1)
    out_v = (out0, out1)
    w_v = (wv0, wv1)
    sem_g = (sg0, sg1)
    sem_l = (sl0, sl1)
    sem_o = (so0, so1)

    wid = lax.axis_index("s") * 2 + lax.axis_index("c")
    pltpu.sync_copy(par_hbm, par_v)
    pltpu.sync_copy(bias_hbm, bias_v)
    alpha_v = par_v[pl.ds(0, 16)]
    beta_v = par_v[pl.ds(16, 16)]
    biasj = [bias_v[pl.ds(16 * j, 16)] for j in range(4)]
    iota = lax.iota(jnp.int32, 16)
    mask9 = iota < K
    perms = [jnp.bitwise_xor(iota, sh)[:, None] for sh in (8, 4, 2, 1)]
    kfull = [jnp.full((16, 1), k, jnp.int32) for k in range(K)]
    kmask = [iota == k for k in range(K)]

    def issue_in(b, g):
        pltpu.sync_copy(nbr_hbm.at[g], idx_v[b])
        for jj in range(NSUB):
            pltpu.async_copy(
                hs_hbm.at[idx_v[b].at[jj]],
                rows_v[b].at[pl.ds(jj * IPS, IPS)], sem_g[b])
        pltpu.async_copy(lat_hbm.at[pl.ds(g * C, C)], lat_v[b], sem_l[b])

    def wait_in(b):
        for jj in range(NSUB):
            pltpu.make_async_copy(
                hs_hbm.at[idx_v[b].at[jj]],
                rows_v[b].at[pl.ds(jj * IPS, IPS)], sem_g[b]).wait()
        pltpu.make_async_copy(lat_hbm.at[pl.ds(0, C)], lat_v[b],
                              sem_l[b]).wait()

    def issue_out(b, g):
        pltpu.async_copy(out_v[b], aflow_hbm.at[pl.ds(g * C, C)], sem_o[b])
        pltpu.async_copy(w_v[b], w_hbm.at[pl.ds(g * C, C)], sem_o[b])

    def wait_out(b):
        pltpu.make_async_copy(out_v[b], aflow_hbm.at[pl.ds(0, C)],
                              sem_o[b]).wait()
        pltpu.make_async_copy(w_v[b], w_hbm.at[pl.ds(0, C)], sem_o[b]).wait()

    def compute(b):
        rows = rows_v[b]
        lat = lat_v[b]
        out = out_v[b]
        wsc = w_v[b]

        def vbody(v, vc):
            latj = [lat[v, pl.ds(16 * j, 16)] for j in range(4)]
            ssvec = jnp.zeros((16,), jnp.float32)
            for k in range(K):
                acc = None
                for j in range(4):
                    d = rows[v * K + k, pl.ds(16 * j, 16)] - latj[j]
                    acc = d * d if acc is None else acc + d * d
                ssvec = jnp.where(kmask[k], jnp.sum(acc), ssvec)
            svec = _newton_sqrt(ssvec)
            dsum = _lane_sum(svec, perms)
            av = alpha_v * dsum
            bv = beta_v / dsum
            wv = (av - jnp.minimum(svec, av)) * bv
            vfull = jnp.full((16,), 1, jnp.int32) * v
            plsc.store_scatter(wsc, [vfull, iota], wv, mask=mask9)
            ojs = list(biasj)
            for k in range(K):
                wk = _permute(wv, kfull[k])
                for j in range(4):
                    ojs[j] = ojs[j] + rows[v * K + k, pl.ds(16 * j, 16)] * wk
            for j in range(4):
                out[v, pl.ds(16 * j, 16)] = ojs[j]
            return vc

        lax.fori_loop(0, C, vbody, 0, unroll=2)

    issue_in(0, wid)

    def outer(t2, carry):
        for b in (0, 1):
            t = t2 * 2 + b
            g = wid + t * NW
            gn = g + NW

            @pl.when(gn < G)
            def _prefetch(b=b, gn=gn):
                issue_in(1 - b, gn)

            @pl.when(g < G)
            def _work(b=b, g=g, t2=t2):
                wait_in(b)

                @pl.when(t2 >= 1)
                def _drain(b=b):
                    wait_out(b)

                compute(b)
                issue_out(b, g)

        return carry

    lax.fori_loop(0, T2MAX, outer, 0)
    wait_out(0)
    wait_out(1)


@jax.jit
def _run(lattice_values, hidden_state, neighbor_idx, params, bias):
    nbr3 = neighbor_idx.reshape(G, NSUB, IPS)
    mesh = plsc.VectorSubcoreMesh(core_axis_name="c", subcore_axis_name="s")
    f = functools.partial(
        pl.kernel,
        mesh=mesh,
        out_type=[
            jax.ShapeDtypeStruct((N, F), jnp.float32),
            jax.ShapeDtypeStruct((N, K), jnp.float32),
        ],
        scratch_types=[
            pltpu.VMEM((NSUB, IPS), jnp.int32),
            pltpu.VMEM((NSUB, IPS), jnp.int32),
            pltpu.VMEM((C * K, F), jnp.float32),
            pltpu.VMEM((C * K, F), jnp.float32),
            pltpu.VMEM((C, F), jnp.float32),
            pltpu.VMEM((C, F), jnp.float32),
            pltpu.VMEM((C, F), jnp.float32),
            pltpu.VMEM((C, F), jnp.float32),
            pltpu.VMEM((C, K), jnp.float32),
            pltpu.VMEM((C, K), jnp.float32),
            pltpu.VMEM((32,), jnp.float32),
            pltpu.VMEM((F,), jnp.float32),
            pltpu.SemaphoreType.DMA,
            pltpu.SemaphoreType.DMA,
            pltpu.SemaphoreType.DMA,
            pltpu.SemaphoreType.DMA,
            pltpu.SemaphoreType.DMA,
            pltpu.SemaphoreType.DMA,
        ],
        compiler_params=pltpu.CompilerParams(needs_layout_passes=False,
                                             use_tc_tiling_on_sc=False),
    )(_sc_body)
    return f(lattice_values, hidden_state, nbr3, params, bias)


def kernel(lattice_values, hidden_state, neighbor_idx, alpha, beta, bias):
    params = jnp.concatenate([jnp.full((16,), alpha, jnp.float32),
                              jnp.full((16,), beta, jnp.float32)])
    aflow, w = _run(lattice_values, hidden_state, neighbor_idx, params, bias)
    return aflow, w, neighbor_idx

# --- scband reference (transcript-rebuilt; emitter-appended) ---
"""Pipeline reference for scband-custom-kernel-conv-lattice-im2-row-module-39384850105055 (READ-ONLY COPY).

The authoritative reference and input builder live on the scoring server;
editing this copy changes nothing except your own understanding.
"""

import jax, jax.numpy as jnp
import numpy as np

N = 100000
F = 64  # nr_filters == val_dim of lattice values
K = 9   # filter_extent for neighbourhood_size=1 in a 2D permutohedral lattice (8 neighbors + center)


def setup_inputs(seed: int = 0) -> dict:
    key = jax.random.key(seed)
    k1, k2, k3, k4 = jax.random.split(key, 4)
    lattice_values = jax.random.normal(k1, (N, F), dtype=jnp.float32)
    hidden_state = jax.random.normal(k2, (N, F), dtype=jnp.float32)
    # Surrogate for Im2RowIndicesLattice output: per-vertex neighbor row indices
    # (-1 would mark a missing neighbor; here all neighbors are valid and in-range).
    neighbor_idx = jax.random.randint(k3, (N, K), 0, N, dtype=jnp.int32)
    # Learned parameters (self.weight is allocated but unused in this forward path).
    alpha = jnp.asarray(0.1, dtype=jnp.float32)
    beta = jnp.asarray(0.1, dtype=jnp.float32)
    bound = 1.0 / np.sqrt(F)
    bias = jax.random.uniform(k4, (F,), minval=-bound, maxval=bound, dtype=jnp.float32)
    return {
        "lattice_values": lattice_values,
        "hidden_state": hidden_state,
        "neighbor_idx": neighbor_idx,
        "alpha": alpha,
        "beta": beta,
        "bias": bias,
    }


def reference(lattice_values, hidden_state, neighbor_idx, alpha, beta, bias):
    # Im2RowLattice: gather the 9 neighbor rows of hidden_state for every lattice vertex.
    valid = (neighbor_idx != -1)
    safe_idx = jnp.where(valid, neighbor_idx, 0)
    neigh = jnp.take(hidden_state, safe_idx, axis=0)            # [N, 9, F]
    neigh = neigh * valid[..., None].astype(neigh.dtype)
    # torch.cdist(p=2) between each neighbor row and the vertex's own lattice value.
    diff = neigh - lattice_values[:, None, :]                   # [N, 9, F]
    dist = jnp.sqrt(jnp.sum(diff * diff, axis=-1))              # [N, 9]
    dist = dist * valid.astype(dist.dtype)
    # use_center=True -> no zeroing of the center column.
    denom = jax.lax.stop_gradient(jnp.sum(dist, axis=1, keepdims=True))  # .detach() in torch
    dist = dist / denom
    alpha_t = jnp.ones_like(dist) * alpha
    w = (alpha_t - jnp.minimum(dist, alpha_t)) * beta           # [N, 9]
    w = w * valid.astype(w.dtype)
    aflow = jnp.sum(neigh * w[:, :, None], axis=1)              # [N, F]
    aflow = aflow + bias
    return aflow, w, neighbor_idx


if False:  # reference __main__ guard neutralized (emitter)
    out = reference(**setup_inputs())
    print(out[0].shape, out[1].shape, out[2].shape)

if __name__ == "__main__":
    import jax
    _d = setup_inputs()
    print(jax.jit(kernel)(*tuple(_d.values())))

</pallas_src>

<mosaic_0001>
#map = affine_map<(d0, d1) -> (0, 0)>
#map1 = affine_map<(d0, d1) -> (0, 0, 0)>
#map2 = affine_map<(d0, d1) -> (0)>
module attributes {stable_mosaic.version = 14 : i64} {
  func.func @_sc_body(%arg0: i32, %arg1: i32, %arg2: memref<100000x64xf32, #tpu.memory_space<hbm>>, %arg3: memref<100000x64xf32, #tpu.memory_space<hbm>>, %arg4: memref<1250x6x120xi32, #tpu.memory_space<hbm>>, %arg5: memref<32xf32, #tpu.memory_space<hbm>>, %arg6: memref<64xf32, #tpu.memory_space<hbm>>, %arg7: memref<100000x64xf32, #tpu.memory_space<hbm>>, %arg8: memref<100000x9xf32, #tpu.memory_space<hbm>>, %arg9: memref<6x120xi32, #tpu.memory_space<vmem>>, %arg10: memref<6x120xi32, #tpu.memory_space<vmem>>, %arg11: memref<720x64xf32, #tpu.memory_space<vmem>>, %arg12: memref<720x64xf32, #tpu.memory_space<vmem>>, %arg13: memref<80x64xf32, #tpu.memory_space<vmem>>, %arg14: memref<80x64xf32, #tpu.memory_space<vmem>>, %arg15: memref<80x64xf32, #tpu.memory_space<vmem>>, %arg16: memref<80x64xf32, #tpu.memory_space<vmem>>, %arg17: memref<80x9xf32, #tpu.memory_space<vmem>>, %arg18: memref<80x9xf32, #tpu.memory_space<vmem>>, %arg19: memref<32xf32, #tpu.memory_space<vmem>>, %arg20: memref<64xf32, #tpu.memory_space<vmem>>, %arg21: memref<!tpu.dma_semaphore, #tpu.memory_space<semaphore_mem>>, %arg22: memref<!tpu.dma_semaphore, #tpu.memory_space<semaphore_mem>>, %arg23: memref<!tpu.dma_semaphore, #tpu.memory_space<semaphore_mem>>, %arg24: memref<!tpu.dma_semaphore, #tpu.memory_space<semaphore_mem>>, %arg25: memref<!tpu.dma_semaphore, #tpu.memory_space<semaphore_mem>>, %arg26: memref<!tpu.dma_semaphore, #tpu.memory_space<semaphore_mem>>) attributes {dimension_semantics = [#tpu.dimension_semantics<core_parallel>, #tpu.dimension_semantics<subcore_parallel>], iteration_bounds = array<i64: 2, 16>, scalar_prefetch = 0 : i64, scratch_operands = 18 : i64, tpu.core_type = #tpu.core_type<sc_vector_subcore>, window_params = [{transform_indices = #map}, {transform_indices = #map}, {transform_indices = #map1}, {transform_indices = #map2}, {transform_indices = #map2}, {transform_indices = #map}, {transform_indices = #map}]} {
    %mul3A = arith.constant 2 : i32
    %mul3A_0 = arith.muli %arg1, %mul3A : i32
    %add3A = arith.addi %mul3A_0, %arg0 : i32
    "tpu.region"() ({
      %run_scoped3A = tpu.sem_alloc : memref<!tpu.dma_semaphore, #tpu.memory_space<semaphore_mem>>
      tpu.enqueue_dma source(%arg5 : memref<32xf32, #tpu.memory_space<hbm>>) target(%arg19 : memref<32xf32, #tpu.memory_space<vmem>>) target_semaphore(%run_scoped3A : memref<!tpu.dma_semaphore, #tpu.memory_space<semaphore_mem>>)
      tpu.wait_dma2 semaphore(%run_scoped3A : memref<!tpu.dma_semaphore, #tpu.memory_space<semaphore_mem>>) src(%arg5 : memref<32xf32, #tpu.memory_space<hbm>>) dst(%arg19 : memref<32xf32, #tpu.memory_space<vmem>>)
      tpu.yield
    }) : () -> ()
    "tpu.region"() ({
      %run_scoped3A = tpu.sem_alloc : memref<!tpu.dma_semaphore, #tpu.memory_space<semaphore_mem>>
      tpu.enqueue_dma source(%arg6 : memref<64xf32, #tpu.memory_space<hbm>>) target(%arg20 : memref<64xf32, #tpu.memory_space<vmem>>) target_semaphore(%run_scoped3A : memref<!tpu.dma_semaphore, #tpu.memory_space<semaphore_mem>>)
      tpu.wait_dma2 semaphore(%run_scoped3A : memref<!tpu.dma_semaphore, #tpu.memory_space<semaphore_mem>>) src(%arg6 : memref<64xf32, #tpu.memory_space<hbm>>) dst(%arg20 : memref<64xf32, #tpu.memory_space<vmem>>)
      tpu.yield
    }) : () -> ()
    %get3A = arith.constant 0 : index
    %get3A_1 = tpu.vector_load %arg19[%get3A] {strides = array<i32>} : memref<32xf32, #tpu.memory_space<vmem>>, vector<16xf32>,
    %get3A_2 = arith.constant 16 : index
    %get3A_3 = tpu.vector_load %arg19[%get3A_2] {strides = array<i32>} : memref<32xf32, #tpu.memory_space<vmem>>, vector<16xf32>,
    %get3A_4 = arith.constant 0 : index
    %get3A_5 = tpu.vector_load %arg20[%get3A_4] {strides = array<i32>} : memref<64xf32, #tpu.memory_space<vmem>>, vector<16xf32>,
    %get3A_6 = arith.constant 16 : index
    %get3A_7 = tpu.vector_load %arg20[%get3A_6] {strides = array<i32>} : memref<64xf32, #tpu.memory_space<vmem>>, vector<16xf32>,
    %get3A_8 = arith.constant 32 : index
    %get3A_9 = tpu.vector_load %arg20[%get3A_8] {strides = array<i32>} : memref<64xf32, #tpu.memory_space<vmem>>, vector<16xf32>,
    %get3A_10 = arith.constant 48 : index
    %get3A_11 = tpu.vector_load %arg20[%get3A_10] {strides = array<i32>} : memref<64xf32, #tpu.memory_space<vmem>>, vector<16xf32>,
    %iota3A = tpu.iota {dimensions = array<i32: 0>} : vector<16xi32>
    %lt3A = arith.constant 9 : i32
    %lt3A_12 = vector.broadcast %lt3A : i32 to vector<16xi32>
    %lt3A_13 = arith.cmpi slt, %iota3A, %lt3A_12 : vector<16xi32>
    %xor3A = arith.constant 8 : i32
    %xor3A_14 = vector.broadcast %xor3A : i32 to vector<16xi32>
    %xor3A_15 = arith.xori %iota3A, %xor3A_14 : vector<16xi32>
    %broadcast_in_dim3A = vector.shape_cast %xor3A_15 : vector<16xi32> to vector<16x1xi32>
    %xor3A_16 = arith.constant 4 : i32
    %xor3A_17 = vector.broadcast %xor3A_16 : i32 to vector<16xi32>
    %xor3A_18 = arith.xori %iota3A, %xor3A_17 : vector<16xi32>
    %broadcast_in_dim3A_19 = vector.shape_cast %xor3A_18 : vector<16xi32> to vector<16x1xi32>
    %xor3A_20 = arith.constant 2 : i32
    %xor3A_21 = vector.broadcast %xor3A_20 : i32 to vector<16xi32>
    %xor3A_22 = arith.xori %iota3A, %xor3A_21 : vector<16xi32>
    %broadcast_in_dim3A_23 = vector.shape_cast %xor3A_22 : vector<16xi32> to vector<16x1xi32>
    %xor3A_24 = arith.constant 1 : i32
    %xor3A_25 = vector.broadcast %xor3A_24 : i32 to vector<16xi32>
    %xor3A_26 = arith.xori %iota3A, %xor3A_25 : vector<16xi32>
    %broadcast_in_dim3A_27 = vector.shape_cast %xor3A_26 : vector<16xi32> to vector<16x1xi32>
    %broadcast_in_dim3A_28 = arith.constant 0 : i32
    %broadcast_in_dim3A_29 = vector.broadcast %broadcast_in_dim3A_28 : i32 to vector<16x1xi32>
    %broadcast_in_dim3A_30 = arith.constant 1 : i32
    %broadcast_in_dim3A_31 = vector.broadcast %broadcast_in_dim3A_30 : i32 to vector<16x1xi32>
    %broadcast_in_dim3A_32 = arith.constant 2 : i32
    %broadcast_in_dim3A_33 = vector.broadcast %broadcast_in_dim3A_32 : i32 to vector<16x1xi32>
    %broadcast_in_dim3A_34 = arith.constant 3 : i32
    %broadcast_in_dim3A_35 = vector.broadcast %broadcast_in_dim3A_34 : i32 to vector<16x1xi32>
    %broadcast_in_dim3A_36 = arith.constant 4 : i32
    %broadcast_in_dim3A_37 = vector.broadcast %broadcast_in_dim3A_36 : i32 to vector<16x1xi32>
    %broadcast_in_dim3A_38 = arith.constant 5 : i32
    %broadcast_in_dim3A_39 = vector.broadcast %broadcast_in_dim3A_38 : i32 to vector<16x1xi32>
    %broadcast_in_dim3A_40 = arith.constant 6 : i32
    %broadcast_in_dim3A_41 = vector.broadcast %broadcast_in_dim3A_40 : i32 to vector<16x1xi32>
    %broadcast_in_dim3A_42 = arith.constant 7 : i32
    %broadcast_in_dim3A_43 = vector.broadcast %broadcast_in_dim3A_42 : i32 to vector<16x1xi32>
    %broadcast_in_dim3A_44 = arith.constant 8 : i32
    %broadcast_in_dim3A_45 = vector.broadcast %broadcast_in_dim3A_44 : i32 to vector<16x1xi32>
    %eq3A = arith.constant 0 : i32
    %eq3A_46 = vector.broadcast %eq3A : i32 to vector<16xi32>
    %eq3A_47 = arith.cmpi eq, %iota3A, %eq3A_46 : vector<16xi32>
    %eq3A_48 = arith.constant 1 : i32
    %eq3A_49 = vector.broadcast %eq3A_48 : i32 to vector<16xi32>
    %eq3A_50 = arith.cmpi eq, %iota3A, %eq3A_49 : vector<16xi32>
    %eq3A_51 = arith.constant 2 : i32
    %eq3A_52 = vector.broadcast %eq3A_51 : i32 to vector<16xi32>
    %eq3A_53 = arith.cmpi eq, %iota3A, %eq3A_52 : vector<16xi32>
    %eq3A_54 = arith.constant 3 : i32
    %eq3A_55 = vector.broadcast %eq3A_54 : i32 to vector<16xi32>
    %eq3A_56 = arith.cmpi eq, %iota3A, %eq3A_55 : vector<16xi32>
    %eq3A_57 = arith.constant 4 : i32
    %eq3A_58 = vector.broadcast %eq3A_57 : i32 to vector<16xi32>
    %eq3A_59 = arith.cmpi eq, %iota3A, %eq3A_58 : vector<16xi32>
    %eq3A_60 = arith.constant 5 : i32
    %eq3A_61 = vector.broadcast %eq3A_60 : i32 to vector<16xi32>
    %eq3A_62 = arith.cmpi eq, %iota3A, %eq3A_61 : vector<16xi32>
    %eq3A_63 = arith.constant 6 : i32
    %eq3A_64 = vector.broadcast %eq3A_63 : i32 to vector<16xi32>
    %eq3A_65 = arith.cmpi eq, %iota3A, %eq3A_64 : vector<16xi32>
    %eq3A_66 = arith.constant 7 : i32
    %eq3A_67 = vector.broadcast %eq3A_66 : i32 to vector<16xi32>
    %eq3A_68 = arith.cmpi eq, %iota3A, %eq3A_67 : vector<16xi32>
    %eq3A_69 = arith.constant 8 : i32
    %eq3A_70 = vector.broadcast %eq3A_69 : i32 to vector<16xi32>
    %eq3A_71 = arith.cmpi eq, %iota3A, %eq3A_70 : vector<16xi32>
    "tpu.region"() ({
      %run_scoped3A = tpu.sem_alloc : memref<!tpu.dma_semaphore, #tpu.memory_space<semaphore_mem>>
      %dma_start3A_165 = arith.constant 0 : i32
      %dma_start3A_166 = arith.constant 0 : i32
      %dma_start3A_167 = tpu.memref_slice %arg4[%add3A, %dma_start3A_165, %dma_start3A_166] : memref<1250x6x120xi32, #tpu.memory_space<hbm>> -> memref<1x6x120xi32, #tpu.memory_space<hbm>>
      %dma_start3A_168 = tpu.memref_squeeze %dma_start3A_167 : memref<1x6x120xi32, #tpu.memory_space<hbm>> -> memref<6x120xi32, #tpu.memory_space<hbm>>
      %dma_start3A_169 = arith.constant 0 : i32
      %dma_start3A_170 = arith.constant 0 : i32
      %dma_start3A_171 = tpu.memref_slice %arg4[%add3A, %dma_start3A_169, %dma_start3A_170] : memref<1250x6x120xi32, #tpu.memory_space<hbm>> -> memref<1x6x120xi32, #tpu.memory_space<hbm>>
      %dma_start3A_172 = tpu.memref_squeeze %dma_start3A_171 : memref<1x6x120xi32, #tpu.memory_space<hbm>> -> memref<6x120xi32, #tpu.memory_space<hbm>>
      tpu.enqueue_dma source(%dma_start3A_172 : memref<6x120xi32, #tpu.memory_space<hbm>>) target(%arg9 : memref<6x120xi32, #tpu.memory_space<vmem>>) target_semaphore(%run_scoped3A : memref<!tpu.dma_semaphore, #tpu.memory_space<semaphore_mem>>)
      %dma_wait3A_173 = arith.constant 0 : i32
      %dma_wait3A_174 = arith.constant 0 : i32
      %dma_wait3A_175 = tpu.memref_slice %arg4[%add3A, %dma_wait3A_173, %dma_wait3A_174] : memref<1250x6x120xi32, #tpu.memory_space<hbm>> -> memref<1x6x120xi32, #tpu.memory_space<hbm>>
      %dma_wait3A_176 = tpu.memref_squeeze %dma_wait3A_175 : memref<1x6x120xi32, #tpu.memory_space<hbm>> -> memref<6x120xi32, #tpu.memory_space<hbm>>
      %dma_wait3A_177 = arith.constant 0 : i32
      %dma_wait3A_178 = arith.constant 0 : i32
      %dma_wait3A_179 = tpu.memref_slice %arg4[%add3A, %dma_wait3A_177, %dma_wait3A_178] : memref<1250x6x120xi32, #tpu.memory_space<hbm>> -> memref<1x6x120xi32, #tpu.memory_space<hbm>>
      %dma_wait3A_180 = tpu.memref_squeeze %dma_wait3A_179 : memref<1x6x120xi32, #tpu.memory_space<hbm>> -> memref<6x120xi32, #tpu.memory_space<hbm>>
      tpu.wait_dma2 semaphore(%run_scoped3A : memref<!tpu.dma_semaphore, #tpu.memory_space<semaphore_mem>>) src(%dma_wait3A_180 : memref<6x120xi32, #tpu.memory_space<hbm>>) dst(%arg9 : memref<6x120xi32, #tpu.memory_space<vmem>>)
      tpu.yield
    }) : () -> ()
    %dma_start3A = arith.constant 0 : i32
    %dma_start3A_72 = arith.constant 0 : i32
    %dma_start3A_73 = arith.constant 0 : i32
    %dma_start3A_74 = tpu.memref_slice %arg11[%dma_start3A_72, %dma_start3A_73] : memref<720x64xf32, #tpu.memory_space<vmem>> -> memref<120x64xf32, #tpu.memory_space<vmem>>
    %dma_start3A_75 = arith.constant 0 : i32
    %dma_start3A_76 = tpu.memref_slice %arg9[%dma_start3A, %dma_start3A_75] : memref<6x120xi32, #tpu.memory_space<vmem>> -> memref<1x120xi32, #tpu.memory_space<vmem>>
    %dma_start3A_77 = tpu.memref_squeeze %dma_start3A_76 : memref<1x120xi32, #tpu.memory_space<vmem>> -> memref<120xi32, #tpu.memory_space<vmem>>
    %dma_start3A_78 = arith.constant 0 : i32
    %dma_start3A_79 = arith.constant 0 : i32
    %dma_start3A_80 = tpu.memref_slice %arg3[%dma_start3A_78, %dma_start3A_79] : memref<100000x64xf32, #tpu.memory_space<hbm>> -> memref<100000x64xf32, #tpu.memory_space<hbm>>
    tpu.enqueue_indirect_dma source(%dma_start3A_80 : memref<100000x64xf32, #tpu.memory_space<hbm>>) target(%dma_start3A_74 : memref<120x64xf32, #tpu.memory_space<vmem>>) offsets(%dma_start3A_77 : memref<120xi32, #tpu.memory_space<vmem>>) semaphore(%arg21 : memref<!tpu.dma_semaphore, #tpu.memory_space<semaphore_mem>>)
    %dma_start3A_81 = arith.constant 1 : i32
    %dma_start3A_82 = arith.constant 120 : i32
    %dma_start3A_83 = arith.constant 0 : i32
    %dma_start3A_84 = tpu.memref_slice %arg11[%dma_start3A_82, %dma_start3A_83] : memref<720x64xf32, #tpu.memory_space<vmem>> -> memref<120x64xf32, #tpu.memory_space<vmem>>
    %dma_start3A_85 = arith.constant 0 : i32
    %dma_start3A_86 = tpu.memref_slice %arg9[%dma_start3A_81, %dma_start3A_85] : memref<6x120xi32, #tpu.memory_space<vmem>> -> memref<1x120xi32, #tpu.memory_space<vmem>>
    %dma_start3A_87 = tpu.memref_squeeze %dma_start3A_86 : memref<1x120xi32, #tpu.memory_space<vmem>> -> memref<120xi32, #tpu.memory_space<vmem>>
    %dma_start3A_88 = arith.constant 0 : i32
    %dma_start3A_89 = arith.constant 0 : i32
    %dma_start3A_90 = tpu.memref_slice %arg3[%dma_start3A_88, %dma_start3A_89] : memref<100000x64xf32, #tpu.memory_space<hbm>> -> memref<100000x64xf32, #tpu.memory_space<hbm>>
    tpu.enqueue_indirect_dma source(%dma_start3A_90 : memref<100000x64xf32, #tpu.memory_space<hbm>>) target(%dma_start3A_84 : memref<120x64xf32, #tpu.memory_space<vmem>>) offsets(%dma_start3A_87 : memref<120xi32, #tpu.memory_space<vmem>>) semaphore(%arg21 : memref<!tpu.dma_semaphore, #tpu.memory_space<semaphore_mem>>)
    %dma_start3A_91 = arith.constant 2 : i32
    %dma_start3A_92 = arith.constant 240 : i32
    %dma_start3A_93 = arith.constant 0 : i32
    %dma_start3A_94 = tpu.memref_slice %arg11[%dma_start3A_92, %dma_start3A_93] : memref<720x64xf32, #tpu.memory_space<vmem>> -> memref<120x64xf32, #tpu.memory_space<vmem>>
    %dma_start3A_95 = arith.constant 0 : i32
    %dma_start3A_96 = tpu.memref_slice %arg9[%dma_start3A_91, %dma_start3A_95] : memref<6x120xi32, #tpu.memory_space<vmem>> -> memref<1x120xi32, #tpu.memory_space<vmem>>
    %dma_start3A_97 = tpu.memref_squeeze %dma_start3A_96 : memref<1x120xi32, #tpu.memory_space<vmem>> -> memref<120xi32, #tpu.memory_space<vmem>>
    %dma_start3A_98 = arith.constant 0 : i32
    %dma_start3A_99 = arith.constant 0 : i32
    %dma_start3A_100 = tpu.memref_slice %arg3[%dma_start3A_98, %dma_start3A_99] : memref<100000x64xf32, #tpu.memory_space<hbm>> -> memref<100000x64xf32, #tpu.memory_space<hbm>>
    tpu.enqueue_indirect_dma source(%dma_start3A_100 : memref<100000x64xf32, #tpu.memory_space<hbm>>) target(%dma_start3A_94 : memref<120x64xf32, #tpu.memory_space<vmem>>) offsets(%dma_start3A_97 : memref<120xi32, #tpu.memory_space<vmem>>) semaphore(%arg21 : memref<!tpu.dma_semaphore, #tpu.memory_space<semaphore_mem>>)
    %dma_start3A_101 = arith.constant 3 : i32
    %dma_start3A_102 = arith.constant 360 : i32
    %dma_start3A_103 = arith.constant 0 : i32
    %dma_start3A_104 = tpu.memref_slice %arg11[%dma_start3A_102, %dma_start3A_103] : memref<720x64xf32, #tpu.memory_space<vmem>> -> memref<120x64xf32, #tpu.memory_space<vmem>>
    %dma_start3A_105 = arith.constant 0 : i32
    %dma_start3A_106 = tpu.memref_slice %arg9[%dma_start3A_101, %dma_start3A_105] : memref<6x120xi32, #tpu.memory_space<vmem>> -> memref<1x120xi32, #tpu.memory_space<vmem>>
    %dma_start3A_107 = tpu.memref_squeeze %dma_start3A_106 : memref<1x120xi32, #tpu.memory_space<vmem>> -> memref<120xi32, #tpu.memory_space<vmem>>
    %dma_start3A_108 = arith.constant 0 : i32
    %dma_start3A_109 = arith.constant 0 : i32
    %dma_start3A_110 = tpu.memref_slice %arg3[%dma_start3A_108, %dma_start3A_109] : memref<100000x64xf32, #tpu.memory_space<hbm>> -> memref<100000x64xf32, #tpu.memory_space<hbm>>
    tpu.enqueue_indirect_dma source(%dma_start3A_110 : memref<100000x64xf32, #tpu.memory_space<hbm>>) target(%dma_start3A_104 : memref<120x64xf32, #tpu.memory_space<vmem>>) offsets(%dma_start3A_107 : memref<120xi32, #tpu.memory_space<vmem>>) semaphore(%arg21 : memref<!tpu.dma_semaphore, #tpu.memory_space<semaphore_mem>>)
    %dma_start3A_111 = arith.constant 4 : i32
    %dma_start3A_112 = arith.constant 480 : i32
    %dma_start3A_113 = arith.constant 0 : i32
    %dma_start3A_114 = tpu.memref_slice %arg11[%dma_start3A_112, %dma_start3A_113] : memref<720x64xf32, #tpu.memory_space<vmem>> -> memref<120x64xf32, #tpu.memory_space<vmem>>
    %dma_start3A_115 = arith.constant 0 : i32
    %dma_start3A_116 = tpu.memref_slice %arg9[%dma_start3A_111, %dma_start3A_115] : memref<6x120xi32, #tpu.memory_space<vmem>> -> memref<1x120xi32, #tpu.memory_space<vmem>>
    %dma_start3A_117 = tpu.memref_squeeze %dma_start3A_116 : memref<1x120xi32, #tpu.memory_space<vmem>> -> memref<120xi32, #tpu.memory_space<vmem>>
    %dma_start3A_118 = arith.constant 0 : i32
    %dma_start3A_119 = arith.constant 0 : i32
    %dma_start3A_120 = tpu.memref_slice %arg3[%dma_start3A_118, %dma_start3A_119] : memref<100000x64xf32, #tpu.memory_space<hbm>> -> memref<100000x64xf32, #tpu.memory_space<hbm>>
    tpu.enqueue_indirect_dma source(%dma_start3A_120 : memref<100000x64xf32, #tpu.memory_space<hbm>>) target(%dma_start3A_114 : memref<120x64xf32, #tpu.memory_space<vmem>>) offsets(%dma_start3A_117 : memref<120xi32, #tpu.memory_space<vmem>>) semaphore(%arg21 : memref<!tpu.dma_semaphore, #tpu.memory_space<semaphore_mem>>)
    %dma_start3A_121 = arith.constant 5 : i32
    %dma_start3A_122 = arith.constant 600 : i32
    %dma_start3A_123 = arith.constant 0 : i32
    %dma_start3A_124 = tpu.memref_slice %arg11[%dma_start3A_122, %dma_start3A_123] : memref<720x64xf32, #tpu.memory_space<vmem>> -> memref<120x64xf32, #tpu.memory_space<vmem>>
    %dma_start3A_125 = arith.constant 0 : i32
    %dma_start3A_126 = tpu.memref_slice %arg9[%dma_start3A_121, %dma_start3A_125] : memref<6x120xi32, #tpu.memory_space<vmem>> -> memref<1x120xi32, #tpu.memory_space<vmem>>
    %dma_start3A_127 = tpu.memref_squeeze %dma_start3A_126 : memref<1x120xi32, #tpu.memory_space<vmem>> -> memref<120xi32, #tpu.memory_space<vmem>>
    %dma_start3A_128 = arith.constant 0 : i32
    %dma_start3A_129 = arith.constant 0 : i32
    %dma_start3A_130 = tpu.memref_slice %arg3[%dma_start3A_128, %dma_start3A_129] : memref<100000x64xf32, #tpu.memory_space<hbm>> -> memref<100000x64xf32, #tpu.memory_space<hbm>>
    tpu.enqueue_indirect_dma source(%dma_start3A_130 : memref<100000x64xf32, #tpu.memory_space<hbm>>) target(%dma_start3A_124 : memref<120x64xf32, #tpu.memory_space<vmem>>) offsets(%dma_start3A_127 : memref<120xi32, #tpu.memory_space<vmem>>) semaphore(%arg21 : memref<!tpu.dma_semaphore, #tpu.memory_space<semaphore_mem>>)
    %mul3A_131 = arith.constant 80 : i32
    %mul3A_132 = arith.muli %add3A, %mul3A_131 : i32
    %dma_start3A_133 = arith.constant 0 : i32
    %dma_start3A_134 = tpu.memref_slice %arg2[%mul3A_132, %dma_start3A_133] : memref<100000x64xf32, #tpu.memory_space<hbm>> -> memref<80x64xf32, #tpu.memory_space<hbm>>
    %dma_start3A_135 = arith.constant 0 : i32
    %dma_start3A_136 = tpu.memref_slice %arg2[%mul3A_132, %dma_start3A_135] : memref<100000x64xf32, #tpu.memory_space<hbm>> -> memref<80x64xf32, #tpu.memory_space<hbm>>
    tpu.enqueue_dma source(%dma_start3A_136 : memref<80x64xf32, #tpu.memory_space<hbm>>) target(%arg13 : memref<80x64xf32, #tpu.memory_space<vmem>>) target_semaphore(%arg23 : memref<!tpu.dma_semaphore, #tpu.memory_space<semaphore_mem>>)
    %scan3A = arith.constant 0 : i32
    %scan3A_137 = arith.constant 0 : i32
    %scan3A_138 = arith.constant 20 : i32
    %scan3A_139 = arith.addi %scan3A_137, %scan3A_138 : i32
    %scan3A_140 = arith.constant 1 : i32
    scf.for %scan3A_165 = %scan3A_137 to %scan3A_139 step %scan3A_140  : i32 {
      %mul3A_166 = arith.constant 2 : i32
      %mul3A_167 = arith.muli %scan3A_165, %mul3A_166 : i32
      %add3A_168 = arith.constant 0 : i32
      %add3A_169 = arith.addi %mul3A_167, %add3A_168 : i32
      %mul3A_170 = arith.constant 32 : i32
      %mul3A_171 = arith.muli %add3A_169, %mul3A_170 : i32
      %add3A_172 = arith.addi %add3A, %mul3A_171 : i32
      %add3A_173 = arith.constant 32 : i32
      %add3A_174 = arith.addi %add3A_172, %add3A_173 : i32
      %lt3A_175 = arith.constant 1250 : i32
      %lt3A_176 = arith.cmpi slt, %add3A_174, %lt3A_175 : i32
      %convert_element_type3A = arith.extui %lt3A_176 : i1 to i32
      %cond3A = arith.constant 0 : i32
      %cond3A_177 = arith.cmpi ne, %convert_element_type3A, %cond3A : i32
      scf.if %cond3A_177 {
        "tpu.region"() ({
          %run_scoped3A = tpu.sem_alloc : memref<!tpu.dma_semaphore, #tpu.memory_space<semaphore_mem>>
          %dma_start3A_268 = arith.constant 0 : i32
          %dma_start3A_269 = arith.constant 0 : i32
          %dma_start3A_270 = tpu.memref_slice %arg4[%add3A_174, %dma_start3A_268, %dma_start3A_269] : memref<1250x6x120xi32, #tpu.memory_space<hbm>> -> memref<1x6x120xi32, #tpu.memory_space<hbm>>
          %dma_start3A_271 = tpu.memref_squeeze %dma_start3A_270 : memref<1x6x120xi32, #tpu.memory_space<hbm>> -> memref<6x120xi32, #tpu.memory_space<hbm>>
          %dma_start3A_272 = arith.constant 0 : i32
          %dma_start3A_273 = arith.constant 0 : i32
          %dma_start3A_274 = tpu.memref_slice %arg4[%add3A_174, %dma_start3A_272, %dma_start3A_273] : memref<1250x6x120xi32, #tpu.memory_space<hbm>> -> memref<1x6x120xi32, #tpu.memory_space<hbm>>
          %dma_start3A_275 = tpu.memref_squeeze %dma_start3A_274 : memref<1x6x120xi32, #tpu.memory_space<hbm>> -> memref<6x120xi32, #tpu.memory_space<hbm>>
          tpu.enqueue_dma source(%dma_start3A_275 : memref<6x120xi32, #tpu.memory_space<hbm>>) target(%arg10 : memref<6x120xi32, #tpu.memory_space<vmem>>) target_semaphore(%run_scoped3A : memref<!tpu.dma_semaphore, #tpu.memory_space<semaphore_mem>>)
          %dma_wait3A_276 = arith.constant 0 : i32
          %dma_wait3A_277 = arith.constant 0 : i32
          %dma_wait3A_278 = tpu.memref_slice %arg4[%add3A_174, %dma_wait3A_276, %dma_wait3A_277] : memref<1250x6x120xi32, #tpu.memory_space<hbm>> -> memref<1x6x120xi32, #tpu.memory_space<hbm>>
          %dma_wait3A_279 = tpu.memref_squeeze %dma_wait3A_278 : memref<1x6x120xi32, #tpu.memory_space<hbm>> -> memref<6x120xi32, #tpu.memory_space<hbm>>
          %dma_wait3A_280 = arith.constant 0 : i32
          %dma_wait3A_281 = arith.constant 0 : i32
          %dma_wait3A_282 = tpu.memref_slice %arg4[%add3A_174, %dma_wait3A_280, %dma_wait3A_281] : memref<1250x6x120xi32, #tpu.memory_space<hbm>> -> memref<1x6x120xi32, #tpu.memory_space<hbm>>
          %dma_wait3A_283 = tpu.memref_squeeze %dma_wait3A_282 : memref<1x6x120xi32, #tpu.memory_space<hbm>> -> memref<6x120xi32, #tpu.memory_space<hbm>>
          tpu.wait_dma2 semaphore(%run_scoped3A : memref<!tpu.dma_semaphore, #tpu.memory_space<semaphore_mem>>) src(%dma_wait3A_283 : memref<6x120xi32, #tpu.memory_space<hbm>>) dst(%arg10 : memref<6x120xi32, #tpu.memory_space<vmem>>)
          tpu.yield
        }) : () -> ()
        %dma_start3A_202 = arith.constant 0 : i32
        %dma_start3A_203 = arith.constant 0 : i32
        %dma_start3A_204 = arith.constant 0 : i32
        %dma_start3A_205 = tpu.memref_slice %arg12[%dma_start3A_203, %dma_start3A_204] : memref<720x64xf32, #tpu.memory_space<vmem>> -> memref<120x64xf32, #tpu.memory_space<vmem>>
        %dma_start3A_206 = arith.constant 0 : i32
        %dma_start3A_207 = tpu.memref_slice %arg10[%dma_start3A_202, %dma_start3A_206] : memref<6x120xi32, #tpu.memory_space<vmem>> -> memref<1x120xi32, #tpu.memory_space<vmem>>
        %dma_start3A_208 = tpu.memref_squeeze %dma_start3A_207 : memref<1x120xi32, #tpu.memory_space<vmem>> -> memref<120xi32, #tpu.memory_space<vmem>>
        %dma_start3A_209 = arith.constant 0 : i32
        %dma_start3A_210 = arith.constant 0 : i32
        %dma_start3A_211 = tpu.memref_slice %arg3[%dma_start3A_209, %dma_start3A_210] : memref<100000x64xf32, #tpu.memory_space<hbm>> -> memref<100000x64xf32, #tpu.memory_space<hbm>>
        tpu.enqueue_indirect_dma source(%dma_start3A_211 : memref<100000x64xf32, #tpu.memory_space<hbm>>) target(%dma_start3A_205 : memref<120x64xf32, #tpu.memory_space<vmem>>) offsets(%dma_start3A_208 : memref<120xi32, #tpu.memory_space<vmem>>) semaphore(%arg22 : memref<!tpu.dma_semaphore, #tpu.memory_space<semaphore_mem>>)
        %dma_start3A_212 = arith.constant 1 : i32
        %dma_start3A_213 = arith.constant 120 : i32
        %dma_start3A_214 = arith.constant 0 : i32
        %dma_start3A_215 = tpu.memref_slice %arg12[%dma_start3A_213, %dma_start3A_214] : memref<720x64xf32, #tpu.memory_space<vmem>> -> memref<120x64xf32, #tpu.memory_space<vmem>>
        %dma_start3A_216 = arith.constant 0 : i32
        %dma_start3A_217 = tpu.memref_slice %arg10[%dma_start3A_212, %dma_start3A_216] : memref<6x120xi32, #tpu.memory_space<vmem>> -> memref<1x120xi32, #tpu.memory_space<vmem>>
        %dma_start3A_218 = tpu.memref_squeeze %dma_start3A_217 : memref<1x120xi32, #tpu.memory_space<vmem>> -> memref<120xi32, #tpu.memory_space<vmem>>
        %dma_start3A_219 = arith.constant 0 : i32
        %dma_start3A_220 = arith.constant 0 : i32
        %dma_start3A_221 = tpu.memref_slice %arg3[%dma_start3A_219, %dma_start3A_220] : memref<100000x64xf32, #tpu.memory_space<hbm>> -> memref<100000x64xf32, #tpu.memory_space<hbm>>
        tpu.enqueue_indirect_dma source(%dma_start3A_221 : memref<100000x64xf32, #tpu.memory_space<hbm>>) target(%dma_start3A_215 : memref<120x64xf32, #tpu.memory_space<vmem>>) offsets(%dma_start3A_218 : memref<120xi32, #tpu.memory_space<vmem>>) semaphore(%arg22 : memref<!tpu.dma_semaphore, #tpu.memory_space<semaphore_mem>>)
        %dma_start3A_222 = arith.constant 2 : i32
        %dma_start3A_223 = arith.constant 240 : i32
        %dma_start3A_224 = arith.constant 0 : i32
        %dma_start3A_225 = tpu.memref_slice %arg12[%dma_start3A_223, %dma_start3A_224] : memref<720x64xf32, #tpu.memory_space<vmem>> -> memref<120x64xf32, #tpu.memory_space<vmem>>
        %dma_start3A_226 = arith.constant 0 : i32
        %dma_start3A_227 = tpu.memref_slice %arg10[%dma_start3A_222, %dma_start3A_226] : memref<6x120xi32, #tpu.memory_space<vmem>> -> memref<1x120xi32, #tpu.memory_space<vmem>>
        %dma_start3A_228 = tpu.memref_squeeze %dma_start3A_227 : memref<1x120xi32, #tpu.memory_space<vmem>> -> memref<120xi32, #tpu.memory_space<vmem>>
        %dma_start3A_229 = arith.constant 0 : i32
        %dma_start3A_230 = arith.constant 0 : i32
        %dma_start3A_231 = tpu.memref_slice %arg3[%dma_start3A_229, %dma_start3A_230] : memref<100000x64xf32, #tpu.memory_space<hbm>> -> memref<100000x64xf32, #tpu.memory_space<hbm>>
        tpu.enqueue_indirect_dma source(%dma_start3A_231 : memref<100000x64xf32, #tpu.memory_space<hbm>>) target(%dma_start3A_225 : memref<120x64xf32, #tpu.memory_space<vmem>>) offsets(%dma_start3A_228 : memref<120xi32, #tpu.memory_space<vmem>>) semaphore(%arg22 : memref<!tpu.dma_semaphore, #tpu.memory_space<semaphore_mem>>)
        %dma_start3A_232 = arith.constant 3 : i32
        %dma_start3A_233 = arith.constant 360 : i32
        %dma_start3A_234 = arith.constant 0 : i32
        %dma_start3A_235 = tpu.memref_slice %arg12[%dma_start3A_233, %dma_start3A_234] : memref<720x64xf32, #tpu.memory_space<vmem>> -> memref<120x64xf32, #tpu.memory_space<vmem>>
        %dma_start3A_236 = arith.constant 0 : i32
        %dma_start3A_237 = tpu.memref_slice %arg10[%dma_start3A_232, %dma_start3A_236] : memref<6x120xi32, #tpu.memory_space<vmem>> -> memref<1x120xi32, #tpu.memory_space<vmem>>
        %dma_start3A_238 = tpu.memref_squeeze %dma_start3A_237 : memref<1x120xi32, #tpu.memory_space<vmem>> -> memref<120xi32, #tpu.memory_space<vmem>>
        %dma_start3A_239 = arith.constant 0 : i32
        %dma_start3A_240 = arith.constant 0 : i32
        %dma_start3A_241 = tpu.memref_slice %arg3[%dma_start3A_239, %dma_start3A_240] : memref<100000x64xf32, #tpu.memory_space<hbm>> -> memref<100000x64xf32, #tpu.memory_space<hbm>>
        tpu.enqueue_indirect_dma source(%dma_start3A_241 : memref<100000x64xf32, #tpu.memory_space<hbm>>) target(%dma_start3A_235 : memref<120x64xf32, #tpu.memory_space<vmem>>) offsets(%dma_start3A_238 : memref<120xi32, #tpu.memory_space<vmem>>) semaphore(%arg22 : memref<!tpu.dma_semaphore, #tpu.memory_space<semaphore_mem>>)
        %dma_start3A_242 = arith.constant 4 : i32
        %dma_start3A_243 = arith.constant 480 : i32
        %dma_start3A_244 = arith.constant 0 : i32
        %dma_start3A_245 = tpu.memref_slice %arg12[%dma_start3A_243, %dma_start3A_244] : memref<720x64xf32, #tpu.memory_space<vmem>> -> memref<120x64xf32, #tpu.memory_space<vmem>>
        %dma_start3A_246 = arith.constant 0 : i32
        %dma_start3A_247 = tpu.memref_slice %arg10[%dma_start3A_242, %dma_start3A_246] : memref<6x120xi32, #tpu.memory_space<vmem>> -> memref<1x120xi32, #tpu.memory_space<vmem>>
        %dma_start3A_248 = tpu.memref_squeeze %dma_start3A_247 : memref<1x120xi32, #tpu.memory_space<vmem>> -> memref<120xi32, #tpu.memory_space<vmem>>
        %dma_start3A_249 = arith.constant 0 : i32
        %dma_start3A_250 = arith.constant 0 : i32
        %dma_start3A_251 = tpu.memref_slice %arg3[%dma_start3A_249, %dma_start3A_250] : memref<100000x64xf32, #tpu.memory_space<hbm>> -> memref<100000x64xf32, #tpu.memory_space<hbm>>
        tpu.enqueue_indirect_dma source(%dma_start3A_251 : memref<100000x64xf32, #tpu.memory_space<hbm>>) target(%dma_start3A_245 : memref<120x64xf32, #tpu.memory_space<vmem>>) offsets(%dma_start3A_248 : memref<120xi32, #tpu.memory_space<vmem>>) semaphore(%arg22 : memref<!tpu.dma_semaphore, #tpu.memory_space<semaphore_mem>>)
        %dma_start3A_252 = arith.constant 5 : i32
        %dma_start3A_253 = arith.constant 600 : i32
        %dma_start3A_254 = arith.constant 0 : i32
        %dma_start3A_255 = tpu.memref_slice %arg12[%dma_start3A_253, %dma_start3A_254] : memref<720x64xf32, #tpu.memory_space<vmem>> -> memref<120x64xf32, #tpu.memory_space<vmem>>
        %dma_start3A_256 = arith.constant 0 : i32
        %dma_start3A_257 = tpu.memref_slice %arg10[%dma_start3A_252, %dma_start3A_256] : memref<6x120xi32, #tpu.memory_space<vmem>> -> memref<1x120xi32, #tpu.memory_space<vmem>>
        %dma_start3A_258 = tpu.memref_squeeze %dma_start3A_257 : memref<1x120xi32, #tpu.memory_space<vmem>> -> memref<120xi32, #tpu.memory_space<vmem>>
        %dma_start3A_259 = arith.constant 0 : i32
        %dma_start3A_260 = arith.constant 0 : i32
        %dma_start3A_261 = tpu.memref_slice %arg3[%dma_start3A_259, %dma_start3A_260] : memref<100000x64xf32, #tpu.memory_space<hbm>> -> memref<100000x64xf32, #tpu.memory_space<hbm>>
        tpu.enqueue_indirect_dma source(%dma_start3A_261 : memref<100000x64xf32, #tpu.memory_space<hbm>>) target(%dma_start3A_255 : memref<120x64xf32, #tpu.memory_space<vmem>>) offsets(%dma_start3A_258 : memref<120xi32, #tpu.memory_space<vmem>>) semaphore(%arg22 : memref<!tpu.dma_semaphore, #tpu.memory_space<semaphore_mem>>)
        %mul3A_262 = arith.constant 80 : i32
        %mul3A_263 = arith.muli %add3A_174, %mul3A_262 : i32
        %dma_start3A_264 = arith.constant 0 : i32
        %dma_start3A_265 = tpu.memref_slice %arg2[%mul3A_263, %dma_start3A_264] : memref<100000x64xf32, #tpu.memory_space<hbm>> -> memref<80x64xf32, #tpu.memory_space<hbm>>
        %dma_start3A_266 = arith.constant 0 : i32
        %dma_start3A_267 = tpu.memref_slice %arg2[%mul3A_263, %dma_start3A_266] : memref<100000x64xf32, #tpu.memory_space<hbm>> -> memref<80x64xf32, #tpu.memory_space<hbm>>
        tpu.enqueue_dma source(%dma_start3A_267 : memref<80x64xf32, #tpu.memory_space<hbm>>) target(%arg14 : memref<80x64xf32, #tpu.memory_space<vmem>>) target_semaphore(%arg24 : memref<!tpu.dma_semaphore, #tpu.memory_space<semaphore_mem>>)
      } else {
      }
      %lt3A_178 = arith.constant 1250 : i32
      %lt3A_179 = arith.cmpi slt, %add3A_172, %lt3A_178 : i32
      %convert_element_type3A_180 = arith.extui %lt3A_179 : i1 to i32
      %cond3A_181 = arith.constant 0 : i32
      %cond3A_182 = arith.cmpi ne, %convert_element_type3A_180, %cond3A_181 : i32
      scf.if %cond3A_182 {
        %dma_wait3A_202 = arith.constant 0 : i32
        %dma_wait3A_203 = arith.constant 0 : i32
        %dma_wait3A_204 = arith.constant 0 : i32
        %dma_wait3A_205 = tpu.memref_slice %arg11[%dma_wait3A_203, %dma_wait3A_204] : memref<720x64xf32, #tpu.memory_space<vmem>> -> memref<120x64xf32, #tpu.memory_space<vmem>>
        %dma_wait3A_206 = arith.constant 0 : i32
        %dma_wait3A_207 = tpu.memref_slice %arg9[%dma_wait3A_202, %dma_wait3A_206] : memref<6x120xi32, #tpu.memory_space<vmem>> -> memref<1x120xi32, #tpu.memory_space<vmem>>
        %dma_wait3A_208 = tpu.memref_squeeze %dma_wait3A_207 : memref<1x120xi32, #tpu.memory_space<vmem>> -> memref<120xi32, #tpu.memory_space<vmem>>
        %dma_wait3A_209 = arith.constant 0 : i32
        %dma_wait3A_210 = arith.constant 0 : i32
        %dma_wait3A_211 = tpu.memref_slice %arg3[%dma_wait3A_209, %dma_wait3A_210] : memref<100000x64xf32, #tpu.memory_space<hbm>> -> memref<100000x64xf32, #tpu.memory_space<hbm>>
        tpu.wait_indirect_dma semaphore(%arg21 : memref<!tpu.dma_semaphore, #tpu.memory_space<semaphore_mem>>) src(%dma_wait3A_211 : memref<100000x64xf32, #tpu.memory_space<hbm>>) dst(%dma_wait3A_205 : memref<120x64xf32, #tpu.memory_space<vmem>>)
        %dma_wait3A_212 = arith.constant 1 : i32
        %dma_wait3A_213 = arith.constant 120 : i32
        %dma_wait3A_214 = arith.constant 0 : i32
        %dma_wait3A_215 = tpu.memref_slice %arg11[%dma_wait3A_213, %dma_wait3A_214] : memref<720x64xf32, #tpu.memory_space<vmem>> -> memref<120x64xf32, #tpu.memory_space<vmem>>
        %dma_wait3A_216 = arith.constant 0 : i32
        %dma_wait3A_217 = tpu.memref_slice %arg9[%dma_wait3A_212, %dma_wait3A_216] : memref<6x120xi32, #tpu.memory_space<vmem>> -> memref<1x120xi32, #tpu.memory_space<vmem>>
        %dma_wait3A_218 = tpu.memref_squeeze %dma_wait3A_217 : memref<1x120xi32, #tpu.memory_space<vmem>> -> memref<120xi32, #tpu.memory_space<vmem>>
        %dma_wait3A_219 = arith.constant 0 : i32
        %dma_wait3A_220 = arith.constant 0 : i32
        %dma_wait3A_221 = tpu.memref_slice %arg3[%dma_wait3A_219, %dma_wait3A_220] : memref<100000x64xf32, #tpu.memory_space<hbm>> -> memref<100000x64xf32, #tpu.memory_space<hbm>>
        tpu.wait_indirect_dma semaphore(%arg21 : memref<!tpu.dma_semaphore, #tpu.memory_space<semaphore_mem>>) src(%dma_wait3A_221 : memref<100000x64xf32, #tpu.memory_space<hbm>>) dst(%dma_wait3A_215 : memref<120x64xf32, #tpu.memory_space<vmem>>)
        %dma_wait3A_222 = arith.constant 2 : i32
        %dma_wait3A_223 = arith.constant 240 : i32
        %dma_wait3A_224 = arith.constant 0 : i32
        %dma_wait3A_225 = tpu.memref_slice %arg11[%dma_wait3A_223, %dma_wait3A_224] : memref<720x64xf32, #tpu.memory_space<vmem>> -> memref<120x64xf32, #tpu.memory_space<vmem>>
        %dma_wait3A_226 = arith.constant 0 : i32
        %dma_wait3A_227 = tpu.memref_slice %arg9[%dma_wait3A_222, %dma_wait3A_226] : memref<6x120xi32, #tpu.memory_space<vmem>> -> memref<1x120xi32, #tpu.memory_space<vmem>>
        %dma_wait3A_228 = tpu.memref_squeeze %dma_wait3A_227 : memref<1x120xi32, #tpu.memory_space<vmem>> -> memref<120xi32, #tpu.memory_space<vmem>>
        %dma_wait3A_229 = arith.constant 0 : i32
        %dma_wait3A_230 = arith.constant 0 : i32
        %dma_wait3A_231 = tpu.memref_slice %arg3[%dma_wait3A_229, %dma_wait3A_230] : memref<100000x64xf32, #tpu.memory_space<hbm>> -> memref<100000x64xf32, #tpu.memory_space<hbm>>
        tpu.wait_indirect_dma semaphore(%arg21 : memref<!tpu.dma_semaphore, #tpu.memory_space<semaphore_mem>>) src(%dma_wait3A_231 : memref<100000x64xf32, #tpu.memory_space<hbm>>) dst(%dma_wait3A_225 : memref<120x64xf32, #tpu.memory_space<vmem>>)
        %dma_wait3A_232 = arith.constant 3 : i32
        %dma_wait3A_233 = arith.constant 360 : i32
        %dma_wait3A_234 = arith.constant 0 : i32
        %dma_wait3A_235 = tpu.memref_slice %arg11[%dma_wait3A_233, %dma_wait3A_234] : memref<720x64xf32, #tpu.memory_space<vmem>> -> memref<120x64xf32, #tpu.memory_space<vmem>>
        %dma_wait3A_236 = arith.constant 0 : i32
        %dma_wait3A_237 = tpu.memref_slice %arg9[%dma_wait3A_232, %dma_wait3A_236] : memref<6x120xi32, #tpu.memory_space<vmem>> -> memref<1x120xi32, #tpu.memory_space<vmem>>
        %dma_wait3A_238 = tpu.memref_squeeze %dma_wait3A_237 : memref<1x120xi32, #tpu.memory_space<vmem>> -> memref<120xi32, #tpu.memory_space<vmem>>
        %dma_wait3A_239 = arith.constant 0 : i32
        %dma_wait3A_240 = arith.constant 0 : i32
        %dma_wait3A_241 = tpu.memref_slice %arg3[%dma_wait3A_239, %dma_wait3A_240] : memref<100000x64xf32, #tpu.memory_space<hbm>> -> memref<100000x64xf32, #tpu.memory_space<hbm>>
        tpu.wait_indirect_dma semaphore(%arg21 : memref<!tpu.dma_semaphore, #tpu.memory_space<semaphore_mem>>) src(%dma_wait3A_241 : memref<100000x64xf32, #tpu.memory_space<hbm>>) dst(%dma_wait3A_235 : memref<120x64xf32, #tpu.memory_space<vmem>>)
        %dma_wait3A_242 = arith.constant 4 : i32
        %dma_wait3A_243 = arith.constant 480 : i32
        %dma_wait3A_244 = arith.constant 0 : i32
        %dma_wait3A_245 = tpu.memref_slice %arg11[%dma_wait3A_243, %dma_wait3A_244] : memref<720x64xf32, #tpu.memory_space<vmem>> -> memref<120x64xf32, #tpu.memory_space<vmem>>
        %dma_wait3A_246 = arith.constant 0 : i32
        %dma_wait3A_247 = tpu.memref_slice %arg9[%dma_wait3A_242, %dma_wait3A_246] : memref<6x120xi32, #tpu.memory_space<vmem>> -> memref<1x120xi32, #tpu.memory_space<vmem>>
        %dma_wait3A_248 = tpu.memref_squeeze %dma_wait3A_247 : memref<1x120xi32, #tpu.memory_space<vmem>> -> memref<120xi32, #tpu.memory_space<vmem>>
        %dma_wait3A_249 = arith.constant 0 : i32
        %dma_wait3A_250 = arith.constant 0 : i32
        %dma_wait3A_251 = tpu.memref_slice %arg3[%dma_wait3A_249, %dma_wait3A_250] : memref<100000x64xf32, #tpu.memory_space<hbm>> -> memref<100000x64xf32, #tpu.memory_space<hbm>>
        tpu.wait_indirect_dma semaphore(%arg21 : memref<!tpu.dma_semaphore, #tpu.memory_space<semaphore_mem>>) src(%dma_wait3A_251 : memref<100000x64xf32, #tpu.memory_space<hbm>>) dst(%dma_wait3A_245 : memref<120x64xf32, #tpu.memory_space<vmem>>)
        %dma_wait3A_252 = arith.constant 5 : i32
        %dma_wait3A_253 = arith.constant 600 : i32
        %dma_wait3A_254 = arith.constant 0 : i32
        %dma_wait3A_255 = tpu.memref_slice %arg11[%dma_wait3A_253, %dma_wait3A_254] : memref<720x64xf32, #tpu.memory_space<vmem>> -> memref<120x64xf32, #tpu.memory_space<vmem>>
        %dma_wait3A_256 = arith.constant 0 : i32
        %dma_wait3A_257 = tpu.memref_slice %arg9[%dma_wait3A_252, %dma_wait3A_256] : memref<6x120xi32, #tpu.memory_space<vmem>> -> memref<1x120xi32, #tpu.memory_space<vmem>>
        %dma_wait3A_258 = tpu.memref_squeeze %dma_wait3A_257 : memref<1x120xi32, #tpu.memory_space<vmem>> -> memref<120xi32, #tpu.memory_space<vmem>>
        %dma_wait3A_259 = arith.constant 0 : i32
        %dma_wait3A_260 = arith.constant 0 : i32
        %dma_wait3A_261 = tpu.memref_slice %arg3[%dma_wait3A_259, %dma_wait3A_260] : memref<100000x64xf32, #tpu.memory_space<hbm>> -> memref<100000x64xf32, #tpu.memory_space<hbm>>
        tpu.wait_indirect_dma semaphore(%arg21 : memref<!tpu.dma_semaphore, #tpu.memory_space<semaphore_mem>>) src(%dma_wait3A_261 : memref<100000x64xf32, #tpu.memory_space<hbm>>) dst(%dma_wait3A_255 : memref<120x64xf32, #tpu.memory_space<vmem>>)
        %dma_wait3A_262 = arith.constant 0 : i32
        %dma_wait3A_263 = arith.constant 0 : i32
        %dma_wait3A_264 = tpu.memref_slice %arg2[%dma_wait3A_262, %dma_wait3A_263] : memref<100000x64xf32, #tpu.memory_space<hbm>> -> memref<80x64xf32, #tpu.memory_space<hbm>>
        %dma_wait3A_265 = arith.constant 0 : i32
        %dma_wait3A_266 = arith.constant 0 : i32
        %dma_wait3A_267 = tpu.memref_slice %arg2[%dma_wait3A_265, %dma_wait3A_266] : memref<100000x64xf32, #tpu.memory_space<hbm>> -> memref<80x64xf32, #tpu.memory_space<hbm>>
        tpu.wait_dma2 semaphore(%arg23 : memref<!tpu.dma_semaphore, #tpu.memory_space<semaphore_mem>>) src(%dma_wait3A_267 : memref<80x64xf32, #tpu.memory_space<hbm>>) dst(%arg13 : memref<80x64xf32, #tpu.memory_space<vmem>>)
        %ge3A = arith.constant 1 : i32
        %ge3A_268 = arith.cmpi sge, %scan3A_165, %ge3A : i32
        %convert_element_type3A_269 = arith.extui %ge3A_268 : i1 to i32
        %cond3A_270 = arith.constant 0 : i32
        %cond3A_271 = arith.cmpi ne, %convert_element_type3A_269, %cond3A_270 : i32
        scf.if %cond3A_271 {
          %dma_wait3A_290 = arith.constant 0 : i32
          %dma_wait3A_291 = arith.constant 0 : i32
          %dma_wait3A_292 = tpu.memref_slice %arg7[%dma_wait3A_290, %dma_wait3A_291] : memref<100000x64xf32, #tpu.memory_space<hbm>> -> memref<80x64xf32, #tpu.memory_space<hbm>>
          %dma_wait3A_293 = arith.constant 0 : i32
          %dma_wait3A_294 = arith.constant 0 : i32
          %dma_wait3A_295 = tpu.memref_slice %arg7[%dma_wait3A_293, %dma_wait3A_294] : memref<100000x64xf32, #tpu.memory_space<hbm>> -> memref<80x64xf32, #tpu.memory_space<hbm>>
          tpu.wait_dma2 semaphore(%arg25 : memref<!tpu.dma_semaphore, #tpu.memory_space<semaphore_mem>>) src(%arg15 : memref<80x64xf32, #tpu.memory_space<vmem>>) dst(%dma_wait3A_295 : memref<80x64xf32, #tpu.memory_space<hbm>>)
          %dma_wait3A_296 = arith.constant 0 : i32
          %dma_wait3A_297 = arith.constant 0 : i32
          %dma_wait3A_298 = tpu.memref_slice %arg8[%dma_wait3A_296, %dma_wait3A_297] : memref<100000x9xf32, #tpu.memory_space<hbm>> -> memref<80x9xf32, #tpu.memory_space<hbm>>
          %dma_wait3A_299 = arith.constant 0 : i32
          %dma_wait3A_300 = arith.constant 0 : i32
          %dma_wait3A_301 = tpu.memref_slice %arg8[%dma_wait3A_299, %dma_wait3A_300] : memref<100000x9xf32, #tpu.memory_space<hbm>> -> memref<80x9xf32, #tpu.memory_space<hbm>>
          tpu.wait_dma2 semaphore(%arg25 : memref<!tpu.dma_semaphore, #tpu.memory_space<semaphore_mem>>) src(%arg17 : memref<80x9xf32, #tpu.memory_space<vmem>>) dst(%dma_wait3A_301 : memref<80x9xf32, #tpu.memory_space<hbm>>)
        } else {
        }
        %scan3A_272 = arith.constant 0 : i32
        %scan3A_273 = arith.constant 0 : i32
        %scan3A_274 = arith.constant 80 : i32
        %scan3A_275 = arith.addi %scan3A_273, %scan3A_274 : i32
        %scan3A_276 = arith.constant 2 : i32
        scf.for %scan3A_290 = %scan3A_273 to %scan3A_275 step %scan3A_276  : i32 {
          %get3A_291 = arith.index_cast %scan3A_290 : i32 to index
          %get3A_292 = arith.constant 0 : index
          %get3A_293 = tpu.vector_load %arg13[%get3A_291, %get3A_292] {strides = array<i32>} : memref<80x64xf32, #tpu.memory_space<vmem>>, vector<16xf32>,
          %get3A_294 = arith.index_cast %scan3A_290 : i32 to index
          %get3A_295 = arith.constant 16 : index
          %get3A_296 = tpu.vector_load %arg13[%get3A_294, %get3A_295] {strides = array<i32>} : memref<80x64xf32, #tpu.memory_space<vmem>>, vector<16xf32>,
          %get3A_297 = arith.index_cast %scan3A_290 : i32 to index
          %get3A_298 = arith.constant 32 : index
          %get3A_299 = tpu.vector_load %arg13[%get3A_297, %get3A_298] {strides = array<i32>} : memref<80x64xf32, #tpu.memory_space<vmem>>, vector<16xf32>,
          %get3A_300 = arith.index_cast %scan3A_290 : i32 to index
          %get3A_301 = arith.constant 48 : index
          %get3A_302 = tpu.vector_load %arg13[%get3A_300, %get3A_301] {strides = array<i32>} : memref<80x64xf32, #tpu.memory_space<vmem>>, vector<16xf32>,
          %broadcast_in_dim3A_303 = arith.constant 0.000000e+00 : f32
          %broadcast_in_dim3A_304 = vector.broadcast %broadcast_in_dim3A_303 : f32 to vector<16xf32>
          %mul3A_305 = arith.constant 9 : i32
          %mul3A_306 = arith.muli %scan3A_290, %mul3A_305 : i32
          %add3A_307 = arith.constant 0 : i32
          %add3A_308 = arith.addi %mul3A_306, %add3A_307 : i32
          %get3A_309 = arith.index_cast %add3A_308 : i32 to index
          %get3A_310 = arith.constant 0 : index
          %get3A_311 = tpu.vector_load %arg11[%get3A_309, %get3A_310] {strides = array<i32>} : memref<720x64xf32, #tpu.memory_space<vmem>>, vector<16xf32>,
          %sub3A = arith.subf %get3A_311, %get3A_293 : vector<16xf32>
          %mul3A_312 = arith.mulf %sub3A, %sub3A : vector<16xf32>
          %mul3A_313 = arith.constant 9 : i32
          %mul3A_314 = arith.muli %scan3A_290, %mul3A_313 : i32
          %add3A_315 = arith.constant 0 : i32
          %add3A_316 = arith.addi %mul3A_314, %add3A_315 : i32
          %get3A_317 = arith.index_cast %add3A_316 : i32 to index
          %get3A_318 = arith.constant 16 : index
          %get3A_319 = tpu.vector_load %arg11[%get3A_317, %get3A_318] {strides = array<i32>} : memref<720x64xf32, #tpu.memory_space<vmem>>, vector<16xf32>,
          %sub3A_320 = arith.subf %get3A_319, %get3A_296 : vector<16xf32>
          %mul3A_321 = arith.mulf %sub3A_320, %sub3A_320 : vector<16xf32>
          %add3A_322 = arith.addf %mul3A_312, %mul3A_321 : vector<16xf32>
          %mul3A_323 = arith.constant 9 : i32
          %mul3A_324 = arith.muli %scan3A_290, %mul3A_323 : i32
          %add3A_325 = arith.constant 0 : i32
          %add3A_326 = arith.addi %mul3A_324, %add3A_325 : i32
          %get3A_327 = arith.index_cast %add3A_326 : i32 to index
          %get3A_328 = arith.constant 32 : index
          %get3A_329 = tpu.vector_load %arg11[%get3A_327, %get3A_328] {strides = array<i32>} : memref<720x64xf32, #tpu.memory_space<vmem>>, vector<16xf32>,
          %sub3A_330 = arith.subf %get3A_329, %get3A_299 : vector<16xf32>
          %mul3A_331 = arith.mulf %sub3A_330, %sub3A_330 : vector<16xf32>
          %add3A_332 = arith.addf %add3A_322, %mul3A_331 : vector<16xf32>
          %mul3A_333 = arith.constant 9 : i32
          %mul3A_334 = arith.muli %scan3A_290, %mul3A_333 : i32
          %add3A_335 = arith.constant 0 : i32
          %add3A_336 = arith.addi %mul3A_334, %add3A_335 : i32
          %get3A_337 = arith.index_cast %add3A_336 : i32 to index
          %get3A_338 = arith.constant 48 : index
          %get3A_339 = tpu.vector_load %arg11[%get3A_337, %get3A_338] {strides = array<i32>} : memref<720x64xf32, #tpu.memory_space<vmem>>, vector<16xf32>,
          %sub3A_340 = arith.subf %get3A_339, %get3A_302 : vector<16xf32>
          %mul3A_341 = arith.mulf %sub3A_340, %sub3A_340 : vector<16xf32>
          %add3A_342 = arith.addf %add3A_332, %mul3A_341 : vector<16xf32>
          %reduce_sum3A = arith.constant true
          %reduce_sum3A_343 = vector.broadcast %reduce_sum3A : i1 to vector<16xi1>
          %reduce_sum3A_344 = tpu.scan <sum>, %add3A_342 masked %reduce_sum3A_343 : vector<16xf32>, vector<16xi1> -> vector<16xf32>
          %reduce_sum3A_345 = vector.extract %reduce_sum3A_344[15] : f32 from vector<16xf32>
          %broadcast_in_dim3A_346 = vector.broadcast %reduce_sum3A_345 : f32 to vector<16xf32>
          %select_n3A = arith.select %eq3A_47, %broadcast_in_dim3A_346, %broadcast_in_dim3A_304 : vector<16xi1>, vector<16xf32>
          %mul3A_347 = arith.constant 9 : i32
          %mul3A_348 = arith.muli %scan3A_290, %mul3A_347 : i32
          %add3A_349 = arith.constant 1 : i32
          %add3A_350 = arith.addi %mul3A_348, %add3A_349 : i32
          %get3A_351 = arith.index_cast %add3A_350 : i32 to index
          %get3A_352 = arith.constant 0 : index
          %get3A_353 = tpu.vector_load %arg11[%get3A_351, %get3A_352] {strides = array<i32>} : memref<720x64xf32, #tpu.memory_space<vmem>>, vector<16xf32>,
          %sub3A_354 = arith.subf %get3A_353, %get3A_293 : vector<16xf32>
          %mul3A_355 = arith.mulf %sub3A_354, %sub3A_354 : vector<16xf32>
          %mul3A_356 = arith.constant 9 : i32
          %mul3A_357 = arith.muli %scan3A_290, %mul3A_356 : i32
          %add3A_358 = arith.constant 1 : i32
          %add3A_359 = arith.addi %mul3A_357, %add3A_358 : i32
          %get3A_360 = arith.index_cast %add3A_359 : i32 to index
          %get3A_361 = arith.constant 16 : index
          %get3A_362 = tpu.vector_load %arg11[%get3A_360, %get3A_361] {strides = array<i32>} : memref<720x64xf32, #tpu.memory_space<vmem>>, vector<16xf32>,
          %sub3A_363 = arith.subf %get3A_362, %get3A_296 : vector<16xf32>
          %mul3A_364 = arith.mulf %sub3A_363, %sub3A_363 : vector<16xf32>
          %add3A_365 = arith.addf %mul3A_355, %mul3A_364 : vector<16xf32>
          %mul3A_366 = arith.constant 9 : i32
          %mul3A_367 = arith.muli %scan3A_290, %mul3A_366 : i32
          %add3A_368 = arith.constant 1 : i32
          %add3A_369 = arith.addi %mul3A_367, %add3A_368 : i32
          %get3A_370 = arith.index_cast %add3A_369 : i32 to index
          %get3A_371 = arith.constant 32 : index
          %get3A_372 = tpu.vector_load %arg11[%get3A_370, %get3A_371] {strides = array<i32>} : memref<720x64xf32, #tpu.memory_space<vmem>>, vector<16xf32>,
          %sub3A_373 = arith.subf %get3A_372, %get3A_299 : vector<16xf32>
          %mul3A_374 = arith.mulf %sub3A_373, %sub3A_373 : vector<16xf32>
          %add3A_375 = arith.addf %add3A_365, %mul3A_374 : vector<16xf32>
          %mul3A_376 = arith.constant 9 : i32
          %mul3A_377 = arith.muli %scan3A_290, %mul3A_376 : i32
          %add3A_378 = arith.constant 1 : i32
          %add3A_379 = arith.addi %mul3A_377, %add3A_378 : i32
          %get3A_380 = arith.index_cast %add3A_379 : i32 to index
          %get3A_381 = arith.constant 48 : index
          %get3A_382 = tpu.vector_load %arg11[%get3A_380, %get3A_381] {strides = array<i32>} : memref<720x64xf32, #tpu.memory_space<vmem>>, vector<16xf32>,
          %sub3A_383 = arith.subf %get3A_382, %get3A_302 : vector<16xf32>
          %mul3A_384 = arith.mulf %sub3A_383, %sub3A_383 : vector<16xf32>
          %add3A_385 = arith.addf %add3A_375, %mul3A_384 : vector<16xf32>
          %reduce_sum3A_386 = arith.constant true
          %reduce_sum3A_387 = vector.broadcast %reduce_sum3A_386 : i1 to vector<16xi1>
          %reduce_sum3A_388 = tpu.scan <sum>, %add3A_385 masked %reduce_sum3A_387 : vector<16xf32>, vector<16xi1> -> vector<16xf32>
          %reduce_sum3A_389 = vector.extract %reduce_sum3A_388[15] : f32 from vector<16xf32>
          %broadcast_in_dim3A_390 = vector.broadcast %reduce_sum3A_389 : f32 to vector<16xf32>
          %select_n3A_391 = arith.select %eq3A_50, %broadcast_in_dim3A_390, %select_n3A : vector<16xi1>, vector<16xf32>
          %mul3A_392 = arith.constant 9 : i32
          %mul3A_393 = arith.muli %scan3A_290, %mul3A_392 : i32
          %add3A_394 = arith.constant 2 : i32
          %add3A_395 = arith.addi %mul3A_393, %add3A_394 : i32
          %get3A_396 = arith.index_cast %add3A_395 : i32 to index
          %get3A_397 = arith.constant 0 : index
          %get3A_398 = tpu.vector_load %arg11[%get3A_396, %get3A_397] {strides = array<i32>} : memref<720x64xf32, #tpu.memory_space<vmem>>, vector<16xf32>,
          %sub3A_399 = arith.subf %get3A_398, %get3A_293 : vector<16xf32>
          %mul3A_400 = arith.mulf %sub3A_399, %sub3A_399 : vector<16xf32>
          %mul3A_401 = arith.constant 9 : i32
          %mul3A_402 = arith.muli %scan3A_290, %mul3A_401 : i32
          %add3A_403 = arith.constant 2 : i32
          %add3A_404 = arith.addi %mul3A_402, %add3A_403 : i32
          %get3A_405 = arith.index_cast %add3A_404 : i32 to index
          %get3A_406 = arith.constant 16 : index
          %get3A_407 = tpu.vector_load %arg11[%get3A_405, %get3A_406] {strides = array<i32>} : memref<720x64xf32, #tpu.memory_space<vmem>>, vector<16xf32>,
          %sub3A_408 = arith.subf %get3A_407, %get3A_296 : vector<16xf32>
          %mul3A_409 = arith.mulf %sub3A_408, %sub3A_408 : vector<16xf32>
          %add3A_410 = arith.addf %mul3A_400, %mul3A_409 : vector<16xf32>
          %mul3A_411 = arith.constant 9 : i32
          %mul3A_412 = arith.muli %scan3A_290, %mul3A_411 : i32
          %add3A_413 = arith.constant 2 : i32
          %add3A_414 = arith.addi %mul3A_412, %add3A_413 : i32
          %get3A_415 = arith.index_cast %add3A_414 : i32 to index
          %get3A_416 = arith.constant 32 : index
          %get3A_417 = tpu.vector_load %arg11[%get3A_415, %get3A_416] {strides = array<i32>} : memref<720x64xf32, #tpu.memory_space<vmem>>, vector<16xf32>,
          %sub3A_418 = arith.subf %get3A_417, %get3A_299 : vector<16xf32>
          %mul3A_419 = arith.mulf %sub3A_418, %sub3A_418 : vector<16xf32>
          %add3A_420 = arith.addf %add3A_410, %mul3A_419 : vector<16xf32>
          %mul3A_421 = arith.constant 9 : i32
          %mul3A_422 = arith.muli %scan3A_290, %mul3A_421 : i32
          %add3A_423 = arith.constant 2 : i32
          %add3A_424 = arith.addi %mul3A_422, %add3A_423 : i32
          %get3A_425 = arith.index_cast %add3A_424 : i32 to index
          %get3A_426 = arith.constant 48 : index
          %get3A_427 = tpu.vector_load %arg11[%get3A_425, %get3A_426] {strides = array<i32>} : memref<720x64xf32, #tpu.memory_space<vmem>>, vector<16xf32>,
          %sub3A_428 = arith.subf %get3A_427, %get3A_302 : vector<16xf32>
          %mul3A_429 = arith.mulf %sub3A_428, %sub3A_428 : vector<16xf32>
          %add3A_430 = arith.addf %add3A_420, %mul3A_429 : vector<16xf32>
          %reduce_sum3A_431 = arith.constant true
          %reduce_sum3A_432 = vector.broadcast %reduce_sum3A_431 : i1 to vector<16xi1>
          %reduce_sum3A_433 = tpu.scan <sum>, %add3A_430 masked %reduce_sum3A_432 : vector<16xf32>, vector<16xi1> -> vector<16xf32>
          %reduce_sum3A_434 = vector.extract %reduce_sum3A_433[15] : f32 from vector<16xf32>
          %broadcast_in_dim3A_435 = vector.broadcast %reduce_sum3A_434 : f32 to vector<16xf32>
          %select_n3A_436 = arith.select %eq3A_53, %broadcast_in_dim3A_435, %select_n3A_391 : vector<16xi1>, vector<16xf32>
          %mul3A_437 = arith.constant 9 : i32
          %mul3A_438 = arith.muli %scan3A_290, %mul3A_437 : i32
          %add3A_439 = arith.constant 3 : i32
          %add3A_440 = arith.addi %mul3A_438, %add3A_439 : i32
          %get3A_441 = arith.index_cast %add3A_440 : i32 to index
          %get3A_442 = arith.constant 0 : index
          %get3A_443 = tpu.vector_load %arg11[%get3A_441, %get3A_442] {strides = array<i32>} : memref<720x64xf32, #tpu.memory_space<vmem>>, vector<16xf32>,
          %sub3A_444 = arith.subf %get3A_443, %get3A_293 : vector<16xf32>
          %mul3A_445 = arith.mulf %sub3A_444, %sub3A_444 : vector<16xf32>
          %mul3A_446 = arith.constant 9 : i32
          %mul3A_447 = arith.muli %scan3A_290, %mul3A_446 : i32
          %add3A_448 = arith.constant 3 : i32
          %add3A_449 = arith.addi %mul3A_447, %add3A_448 : i32
          %get3A_450 = arith.index_cast %add3A_449 : i32 to index
          %get3A_451 = arith.constant 16 : index
          %get3A_452 = tpu.vector_load %arg11[%get3A_450, %get3A_451] {strides = array<i32>} : memref<720x64xf32, #tpu.memory_space<vmem>>, vector<16xf32>,
          %sub3A_453 = arith.subf %get3A_452, %get3A_296 : vector<16xf32>
          %mul3A_454 = arith.mulf %sub3A_453, %sub3A_453 : vector<16xf32>
          %add3A_455 = arith.addf %mul3A_445, %mul3A_454 : vector<16xf32>
          %mul3A_456 = arith.constant 9 : i32
          %mul3A_457 = arith.muli %scan3A_290, %mul3A_456 : i32
          %add3A_458 = arith.constant 3 : i32
          %add3A_459 = arith.addi %mul3A_457, %add3A_458 : i32
          %get3A_460 = arith.index_cast %add3A_459 : i32 to index
          %get3A_461 = arith.constant 32 : index
          %get3A_462 = tpu.vector_load %arg11[%get3A_460, %get3A_461] {strides = array<i32>} : memref<720x64xf32, #tpu.memory_space<vmem>>, vector<16xf32>,
          %sub3A_463 = arith.subf %get3A_462, %get3A_299 : vector<16xf32>
          %mul3A_464 = arith.mulf %sub3A_463, %sub3A_463 : vector<16xf32>
          %add3A_465 = arith.addf %add3A_455, %mul3A_464 : vector<16xf32>
          %mul3A_466 = arith.constant 9 : i32
          %mul3A_467 = arith.muli %scan3A_290, %mul3A_466 : i32
          %add3A_468 = arith.constant 3 : i32
          %add3A_469 = arith.addi %mul3A_467, %add3A_468 : i32
          %get3A_470 = arith.index_cast %add3A_469 : i32 to index
          %get3A_471 = arith.constant 48 : index
          %get3A_472 = tpu.vector_load %arg11[%get3A_470, %get3A_471] {strides = array<i32>} : memref<720x64xf32, #tpu.memory_space<vmem>>, vector<16xf32>,
          %sub3A_473 = arith.subf %get3A_472, %get3A_302 : vector<16xf32>
          %mul3A_474 = arith.mulf %sub3A_473, %sub3A_473 : vector<16xf32>
          %add3A_475 = arith.addf %add3A_465, %mul3A_474 : vector<16xf32>
          %reduce_sum3A_476 = arith.constant true
          %reduce_sum3A_477 = vector.broadcast %reduce_sum3A_476 : i1 to vector<16xi1>
          %reduce_sum3A_478 = tpu.scan <sum>, %add3A_475 masked %reduce_sum3A_477 : vector<16xf32>, vector<16xi1> -> vector<16xf32>
          %reduce_sum3A_479 = vector.extract %reduce_sum3A_478[15] : f32 from vector<16xf32>
          %broadcast_in_dim3A_480 = vector.broadcast %reduce_sum3A_479 : f32 to vector<16xf32>
          %select_n3A_481 = arith.select %eq3A_56, %broadcast_in_dim3A_480, %select_n3A_436 : vector<16xi1>, vector<16xf32>
          %mul3A_482 = arith.constant 9 : i32
          %mul3A_483 = arith.muli %scan3A_290, %mul3A_482 : i32
          %add3A_484 = arith.constant 4 : i32
          %add3A_485 = arith.addi %mul3A_483, %add3A_484 : i32
          %get3A_486 = arith.index_cast %add3A_485 : i32 to index
          %get3A_487 = arith.constant 0 : index
          %get3A_488 = tpu.vector_load %arg11[%get3A_486, %get3A_487] {strides = array<i32>} : memref<720x64xf32, #tpu.memory_space<vmem>>, vector<16xf32>,
          %sub3A_489 = arith.subf %get3A_488, %get3A_293 : vector<16xf32>
          %mul3A_490 = arith.mulf %sub3A_489, %sub3A_489 : vector<16xf32>
          %mul3A_491 = arith.constant 9 : i32
          %mul3A_492 = arith.muli %scan3A_290, %mul3A_491 : i32
          %add3A_493 = arith.constant 4 : i32
          %add3A_494 = arith.addi %mul3A_492, %add3A_493 : i32
          %get3A_495 = arith.index_cast %add3A_494 : i32 to index
          %get3A_496 = arith.constant 16 : index
          %get3A_497 = tpu.vector_load %arg11[%get3A_495, %get3A_496] {strides = array<i32>} : memref<720x64xf32, #tpu.memory_space<vmem>>, vector<16xf32>,
          %sub3A_498 = arith.subf %get3A_497, %get3A_296 : vector<16xf32>
          %mul3A_499 = arith.mulf %sub3A_498, %sub3A_498 : vector<16xf32>
          %add3A_500 = arith.addf %mul3A_490, %mul3A_499 : vector<16xf32>
          %mul3A_501 = arith.constant 9 : i32
          %mul3A_502 = arith.muli %scan3A_290, %mul3A_501 : i32
          %add3A_503 = arith.constant 4 : i32
          %add3A_504 = arith.addi %mul3A_502, %add3A_503 : i32
          %get3A_505 = arith.index_cast %add3A_504 : i32 to index
          %get3A_506 = arith.constant 32 : index
          %get3A_507 = tpu.vector_load %arg11[%get3A_505, %get3A_506] {strides = array<i32>} : memref<720x64xf32, #tpu.memory_space<vmem>>, vector<16xf32>,
          %sub3A_508 = arith.subf %get3A_507, %get3A_299 : vector<16xf32>
          %mul3A_509 = arith.mulf %sub3A_508, %sub3A_508 : vector<16xf32>
          %add3A_510 = arith.addf %add3A_500, %mul3A_509 : vector<16xf32>
          %mul3A_511 = arith.constant 9 : i32
          %mul3A_512 = arith.muli %scan3A_290, %mul3A_511 : i32
          %add3A_513 = arith.constant 4 : i32
          %add3A_514 = arith.addi %mul3A_512, %add3A_513 : i32
          %get3A_515 = arith.index_cast %add3A_514 : i32 to index
          %get3A_516 = arith.constant 48 : index
          %get3A_517 = tpu.vector_load %arg11[%get3A_515, %get3A_516] {strides = array<i32>} : memref<720x64xf32, #tpu.memory_space<vmem>>, vector<16xf32>,
          %sub3A_518 = arith.subf %get3A_517, %get3A_302 : vector<16xf32>
          %mul3A_519 = arith.mulf %sub3A_518, %sub3A_518 : vector<16xf32>
          %add3A_520 = arith.addf %add3A_510, %mul3A_519 : vector<16xf32>
          %reduce_sum3A_521 = arith.constant true
          %reduce_sum3A_522 = vector.broadcast %reduce_sum3A_521 : i1 to vector<16xi1>
          %reduce_sum3A_523 = tpu.scan <sum>, %add3A_520 masked %reduce_sum3A_522 : vector<16xf32>, vector<16xi1> -> vector<16xf32>
          %reduce_sum3A_524 = vector.extract %reduce_sum3A_523[15] : f32 from vector<16xf32>
          %broadcast_in_dim3A_525 = vector.broadcast %reduce_sum3A_524 : f32 to vector<16xf32>
          %select_n3A_526 = arith.select %eq3A_59, %broadcast_in_dim3A_525, %select_n3A_481 : vector<16xi1>, vector<16xf32>
          %mul3A_527 = arith.constant 9 : i32
          %mul3A_528 = arith.muli %scan3A_290, %mul3A_527 : i32
          %add3A_529 = arith.constant 5 : i32
          %add3A_530 = arith.addi %mul3A_528, %add3A_529 : i32
          %get3A_531 = arith.index_cast %add3A_530 : i32 to index
          %get3A_532 = arith.constant 0 : index
          %get3A_533 = tpu.vector_load %arg11[%get3A_531, %get3A_532] {strides = array<i32>} : memref<720x64xf32, #tpu.memory_space<vmem>>, vector<16xf32>,
          %sub3A_534 = arith.subf %get3A_533, %get3A_293 : vector<16xf32>
          %mul3A_535 = arith.mulf %sub3A_534, %sub3A_534 : vector<16xf32>
          %mul3A_536 = arith.constant 9 : i32
          %mul3A_537 = arith.muli %scan3A_290, %mul3A_536 : i32
          %add3A_538 = arith.constant 5 : i32
          %add3A_539 = arith.addi %mul3A_537, %add3A_538 : i32
          %get3A_540 = arith.index_cast %add3A_539 : i32 to index
          %get3A_541 = arith.constant 16 : index
          %get3A_542 = tpu.vector_load %arg11[%get3A_540, %get3A_541] {strides = array<i32>} : memref<720x64xf32, #tpu.memory_space<vmem>>, vector<16xf32>,
          %sub3A_543 = arith.subf %get3A_542, %get3A_296 : vector<16xf32>
          %mul3A_544 = arith.mulf %sub3A_543, %sub3A_543 : vector<16xf32>
          %add3A_545 = arith.addf %mul3A_535, %mul3A_544 : vector<16xf32>
          %mul3A_546 = arith.constant 9 : i32
          %mul3A_547 = arith.muli %scan3A_290, %mul3A_546 : i32
          %add3A_548 = arith.constant 5 : i32
          %add3A_549 = arith.addi %mul3A_547, %add3A_548 : i32
          %get3A_550 = arith.index_cast %add3A_549 : i32 to index
          %get3A_551 = arith.constant 32 : index
          %get3A_552 = tpu.vector_load %arg11[%get3A_550, %get3A_551] {strides = array<i32>} : memref<720x64xf32, #tpu.memory_space<vmem>>, vector<16xf32>,
          %sub3A_553 = arith.subf %get3A_552, %get3A_299 : vector<16xf32>
          %mul3A_554 = arith.mulf %sub3A_553, %sub3A_553 : vector<16xf32>
          %add3A_555 = arith.addf %add3A_545, %mul3A_554 : vector<16xf32>
          %mul3A_556 = arith.constant 9 : i32
          %mul3A_557 = arith.muli %scan3A_290, %mul3A_556 : i32
          %add3A_558 = arith.constant 5 : i32
          %add3A_559 = arith.addi %mul3A_557, %add3A_558 : i32
          %get3A_560 = arith.index_cast %add3A_559 : i32 to index
          %get3A_561 = arith.constant 48 : index
          %get3A_562 = tpu.vector_load %arg11[%get3A_560, %get3A_561] {strides = array<i32>} : memref<720x64xf32, #tpu.memory_space<vmem>>, vector<16xf32>,
          %sub3A_563 = arith.subf %get3A_562, %get3A_302 : vector<16xf32>
          %mul3A_564 = arith.mulf %sub3A_563, %sub3A_563 : vector<16xf32>
          %add3A_565 = arith.addf %add3A_555, %mul3A_564 : vector<16xf32>
          %reduce_sum3A_566 = arith.constant true
          %reduce_sum3A_567 = vector.broadcast %reduce_sum3A_566 : i1 to vector<16xi1>
          %reduce_sum3A_568 = tpu.scan <sum>, %add3A_565 masked %reduce_sum3A_567 : vector<16xf32>, vector<16xi1> -> vector<16xf32>
          %reduce_sum3A_569 = vector.extract %reduce_sum3A_568[15] : f32 from vector<16xf32>
          %broadcast_in_dim3A_570 = vector.broadcast %reduce_sum3A_569 : f32 to vector<16xf32>
          %select_n3A_571 = arith.select %eq3A_62, %broadcast_in_dim3A_570, %select_n3A_526 : vector<16xi1>, vector<16xf32>
          %mul3A_572 = arith.constant 9 : i32
          %mul3A_573 = arith.muli %scan3A_290, %mul3A_572 : i32
          %add3A_574 = arith.constant 6 : i32
          %add3A_575 = arith.addi %mul3A_573, %add3A_574 : i32
          %get3A_576 = arith.index_cast %add3A_575 : i32 to index
          %get3A_577 = arith.constant 0 : index
          %get3A_578 = tpu.vector_load %arg11[%get3A_576, %get3A_577] {strides = array<i32>} : memref<720x64xf32, #tpu.memory_space<vmem>>, vector<16xf32>,
          %sub3A_579 = arith.subf %get3A_578, %get3A_293 : vector<16xf32>
          %mul3A_580 = arith.mulf %sub3A_579, %sub3A_579 : vector<16xf32>
          %mul3A_581 = arith.constant 9 : i32
          %mul3A_582 = arith.muli %scan3A_290, %mul3A_581 : i32
          %add3A_583 = arith.constant 6 : i32
          %add3A_584 = arith.addi %mul3A_582, %add3A_583 : i32
          %get3A_585 = arith.index_cast %add3A_584 : i32 to index
          %get3A_586 = arith.constant 16 : index
          %get3A_587 = tpu.vector_load %arg11[%get3A_585, %get3A_586] {strides = array<i32>} : memref<720x64xf32, #tpu.memory_space<vmem>>, vector<16xf32>,
          %sub3A_588 = arith.subf %get3A_587, %get3A_296 : vector<16xf32>
          %mul3A_589 = arith.mulf %sub3A_588, %sub3A_588 : vector<16xf32>
          %add3A_590 = arith.addf %mul3A_580, %mul3A_589 : vector<16xf32>
          %mul3A_591 = arith.constant 9 : i32
          %mul3A_592 = arith.muli %scan3A_290, %mul3A_591 : i32
          %add3A_593 = arith.constant 6 : i32
          %add3A_594 = arith.addi %mul3A_592, %add3A_593 : i32
          %get3A_595 = arith.index_cast %add3A_594 : i32 to index
          %get3A_596 = arith.constant 32 : index
          %get3A_597 = tpu.vector_load %arg11[%get3A_595, %get3A_596] {strides = array<i32>} : memref<720x64xf32, #tpu.memory_space<vmem>>, vector<16xf32>,
          %sub3A_598 = arith.subf %get3A_597, %get3A_299 : vector<16xf32>
          %mul3A_599 = arith.mulf %sub3A_598, %sub3A_598 : vector<16xf32>
          %add3A_600 = arith.addf %add3A_590, %mul3A_599 : vector<16xf32>
          %mul3A_601 = arith.constant 9 : i32
          %mul3A_602 = arith.muli %scan3A_290, %mul3A_601 : i32
          %add3A_603 = arith.constant 6 : i32
          %add3A_604 = arith.addi %mul3A_602, %add3A_603 : i32
          %get3A_605 = arith.index_cast %add3A_604 : i32 to index
          %get3A_606 = arith.constant 48 : index
          %get3A_607 = tpu.vector_load %arg11[%get3A_605, %get3A_606] {strides = array<i32>} : memref<720x64xf32, #tpu.memory_space<vmem>>, vector<16xf32>,
          %sub3A_608 = arith.subf %get3A_607, %get3A_302 : vector<16xf32>
          %mul3A_609 = arith.mulf %sub3A_608, %sub3A_608 : vector<16xf32>
          %add3A_610 = arith.addf %add3A_600, %mul3A_609 : vector<16xf32>
          %reduce_sum3A_611 = arith.constant true
          %reduce_sum3A_612 = vector.broadcast %reduce_sum3A_611 : i1 to vector<16xi1>
          %reduce_sum3A_613 = tpu.scan <sum>, %add3A_610 masked %reduce_sum3A_612 : vector<16xf32>, vector<16xi1> -> vector<16xf32>
          %reduce_sum3A_614 = vector.extract %reduce_sum3A_613[15] : f32 from vector<16xf32>
          %broadcast_in_dim3A_615 = vector.broadcast %reduce_sum3A_614 : f32 to vector<16xf32>
          %select_n3A_616 = arith.select %eq3A_65, %broadcast_in_dim3A_615, %select_n3A_571 : vector<16xi1>, vector<16xf32>
          %mul3A_617 = arith.constant 9 : i32
          %mul3A_618 = arith.muli %scan3A_290, %mul3A_617 : i32
          %add3A_619 = arith.constant 7 : i32
          %add3A_620 = arith.addi %mul3A_618, %add3A_619 : i32
          %get3A_621 = arith.index_cast %add3A_620 : i32 to index
          %get3A_622 = arith.constant 0 : index
          %get3A_623 = tpu.vector_load %arg11[%get3A_621, %get3A_622] {strides = array<i32>} : memref<720x64xf32, #tpu.memory_space<vmem>>, vector<16xf32>,
          %sub3A_624 = arith.subf %get3A_623, %get3A_293 : vector<16xf32>
          %mul3A_625 = arith.mulf %sub3A_624, %sub3A_624 : vector<16xf32>
          %mul3A_626 = arith.constant 9 : i32
          %mul3A_627 = arith.muli %scan3A_290, %mul3A_626 : i32
          %add3A_628 = arith.constant 7 : i32
          %add3A_629 = arith.addi %mul3A_627, %add3A_628 : i32
          %get3A_630 = arith.index_cast %add3A_629 : i32 to index
          %get3A_631 = arith.constant 16 : index
          %get3A_632 = tpu.vector_load %arg11[%get3A_630, %get3A_631] {strides = array<i32>} : memref<720x64xf32, #tpu.memory_space<vmem>>, vector<16xf32>,
          %sub3A_633 = arith.subf %get3A_632, %get3A_296 : vector<16xf32>
          %mul3A_634 = arith.mulf %sub3A_633, %sub3A_633 : vector<16xf32>
          %add3A_635 = arith.addf %mul3A_625, %mul3A_634 : vector<16xf32>
          %mul3A_636 = arith.constant 9 : i32
          %mul3A_637 = arith.muli %scan3A_290, %mul3A_636 : i32
          %add3A_638 = arith.constant 7 : i32
          %add3A_639 = arith.addi %mul3A_637, %add3A_638 : i32
          %get3A_640 = arith.index_cast %add3A_639 : i32 to index
          %get3A_641 = arith.constant 32 : index
          %get3A_642 = tpu.vector_load %arg11[%get3A_640, %get3A_641] {strides = array<i32>} : memref<720x64xf32, #tpu.memory_space<vmem>>, vector<16xf32>,
          %sub3A_643 = arith.subf %get3A_642, %get3A_299 : vector<16xf32>
          %mul3A_644 = arith.mulf %sub3A_643, %sub3A_643 : vector<16xf32>
          %add3A_645 = arith.addf %add3A_635, %mul3A_644 : vector<16xf32>
          %mul3A_646 = arith.constant 9 : i32
          %mul3A_647 = arith.muli %scan3A_290, %mul3A_646 : i32
          %add3A_648 = arith.constant 7 : i32
          %add3A_649 = arith.addi %mul3A_647, %add3A_648 : i32
          %get3A_650 = arith.index_cast %add3A_649 : i32 to index
          %get3A_651 = arith.constant 48 : index
          %get3A_652 = tpu.vector_load %arg11[%get3A_650, %get3A_651] {strides = array<i32>} : memref<720x64xf32, #tpu.memory_space<vmem>>, vector<16xf32>,
          %sub3A_653 = arith.subf %get3A_652, %get3A_302 : vector<16xf32>
          %mul3A_654 = arith.mulf %sub3A_653, %sub3A_653 : vector<16xf32>
          %add3A_655 = arith.addf %add3A_645, %mul3A_654 : vector<16xf32>
          %reduce_sum3A_656 = arith.constant true
          %reduce_sum3A_657 = vector.broadcast %reduce_sum3A_656 : i1 to vector<16xi1>
          %reduce_sum3A_658 = tpu.scan <sum>, %add3A_655 masked %reduce_sum3A_657 : vector<16xf32>, vector<16xi1> -> vector<16xf32>
          %reduce_sum3A_659 = vector.extract %reduce_sum3A_658[15] : f32 from vector<16xf32>
          %broadcast_in_dim3A_660 = vector.broadcast %reduce_sum3A_659 : f32 to vector<16xf32>
          %select_n3A_661 = arith.select %eq3A_68, %broadcast_in_dim3A_660, %select_n3A_616 : vector<16xi1>, vector<16xf32>
          %mul3A_662 = arith.constant 9 : i32
          %mul3A_663 = arith.muli %scan3A_290, %mul3A_662 : i32
          %add3A_664 = arith.constant 8 : i32
          %add3A_665 = arith.addi %mul3A_663, %add3A_664 : i32
          %get3A_666 = arith.index_cast %add3A_665 : i32 to index
          %get3A_667 = arith.constant 0 : index
          %get3A_668 = tpu.vector_load %arg11[%get3A_666, %get3A_667] {strides = array<i32>} : memref<720x64xf32, #tpu.memory_space<vmem>>, vector<16xf32>,
          %sub3A_669 = arith.subf %get3A_668, %get3A_293 : vector<16xf32>
          %mul3A_670 = arith.mulf %sub3A_669, %sub3A_669 : vector<16xf32>
          %mul3A_671 = arith.constant 9 : i32
          %mul3A_672 = arith.muli %scan3A_290, %mul3A_671 : i32
          %add3A_673 = arith.constant 8 : i32
          %add3A_674 = arith.addi %mul3A_672, %add3A_673 : i32
          %get3A_675 = arith.index_cast %add3A_674 : i32 to index
          %get3A_676 = arith.constant 16 : index
          %get3A_677 = tpu.vector_load %arg11[%get3A_675, %get3A_676] {strides = array<i32>} : memref<720x64xf32, #tpu.memory_space<vmem>>, vector<16xf32>,
          %sub3A_678 = arith.subf %get3A_677, %get3A_296 : vector<16xf32>
          %mul3A_679 = arith.mulf %sub3A_678, %sub3A_678 : vector<16xf32>
          %add3A_680 = arith.addf %mul3A_670, %mul3A_679 : vector<16xf32>
          %mul3A_681 = arith.constant 9 : i32
          %mul3A_682 = arith.muli %scan3A_290, %mul3A_681 : i32
          %add3A_683 = arith.constant 8 : i32
          %add3A_684 = arith.addi %mul3A_682, %add3A_683 : i32
          %get3A_685 = arith.index_cast %add3A_684 : i32 to index
          %get3A_686 = arith.constant 32 : index
          %get3A_687 = tpu.vector_load %arg11[%get3A_685, %get3A_686] {strides = array<i32>} : memref<720x64xf32, #tpu.memory_space<vmem>>, vector<16xf32>,
          %sub3A_688 = arith.subf %get3A_687, %get3A_299 : vector<16xf32>
          %mul3A_689 = arith.mulf %sub3A_688, %sub3A_688 : vector<16xf32>
          %add3A_690 = arith.addf %add3A_680, %mul3A_689 : vector<16xf32>
          %mul3A_691 = arith.constant 9 : i32
          %mul3A_692 = arith.muli %scan3A_290, %mul3A_691 : i32
          %add3A_693 = arith.constant 8 : i32
          %add3A_694 = arith.addi %mul3A_692, %add3A_693 : i32
          %get3A_695 = arith.index_cast %add3A_694 : i32 to index
          %get3A_696 = arith.constant 48 : index
          %get3A_697 = tpu.vector_load %arg11[%get3A_695, %get3A_696] {strides = array<i32>} : memref<720x64xf32, #tpu.memory_space<vmem>>, vector<16xf32>,
          %sub3A_698 = arith.subf %get3A_697, %get3A_302 : vector<16xf32>
          %mul3A_699 = arith.mulf %sub3A_698, %sub3A_698 : vector<16xf32>
          %add3A_700 = arith.addf %add3A_690, %mul3A_699 : vector<16xf32>
          %reduce_sum3A_701 = arith.constant true
          %reduce_sum3A_702 = vector.broadcast %reduce_sum3A_701 : i1 to vector<16xi1>
          %reduce_sum3A_703 = tpu.scan <sum>, %add3A_700 masked %reduce_sum3A_702 : vector<16xf32>, vector<16xi1> -> vector<16xf32>
          %reduce_sum3A_704 = vector.extract %reduce_sum3A_703[15] : f32 from vector<16xf32>
          %broadcast_in_dim3A_705 = vector.broadcast %reduce_sum3A_704 : f32 to vector<16xf32>
          %select_n3A_706 = arith.select %eq3A_71, %broadcast_in_dim3A_705, %select_n3A_661 : vector<16xi1>, vector<16xf32>
          %bitcast_convert_type3A = tpu.bitcast %select_n3A_706 : vector<16xf32> -> vector<16xi32>
          %shift_right_arithmetic3A = arith.constant 1 : i32
          %shift_right_arithmetic3A_707 = vector.broadcast %shift_right_arithmetic3A : i32 to vector<16xi32>
          %shift_right_arithmetic3A_708 = arith.shrsi %bitcast_convert_type3A, %shift_right_arithmetic3A_707 : vector<16xi32>
          %sub3A_709 = arith.constant 1597463007 : i32
          %sub3A_710 = vector.broadcast %sub3A_709 : i32 to vector<16xi32>
          %sub3A_711 = arith.subi %sub3A_710, %shift_right_arithmetic3A_708 : vector<16xi32>
          %bitcast_convert_type3A_712 = tpu.bitcast %sub3A_711 : vector<16xi32> -> vector<16xf32>
          %mul3A_713 = arith.constant 5.000000e-01 : f32
          %mul3A_714 = vector.broadcast %mul3A_713 : f32 to vector<16xf32>
          %mul3A_715 = arith.mulf %mul3A_714, %select_n3A_706 : vector<16xf32>
          %mul3A_716 = arith.mulf %mul3A_715, %bitcast_convert_type3A_712 : vector<16xf32>
          %mul3A_717 = arith.mulf %mul3A_716, %bitcast_convert_type3A_712 : vector<16xf32>
          %sub3A_718 = arith.constant 1.500000e+00 : f32
          %sub3A_719 = vector.broadcast %sub3A_718 : f32 to vector<16xf32>
          %sub3A_720 = arith.subf %sub3A_719, %mul3A_717 : vector<16xf32>
          %mul3A_721 = arith.mulf %bitcast_convert_type3A_712, %sub3A_720 : vector<16xf32>
          %mul3A_722 = arith.mulf %mul3A_715, %mul3A_721 : vector<16xf32>
          %mul3A_723 = arith.mulf %mul3A_722, %mul3A_721 : vector<16xf32>
          %sub3A_724 = arith.constant 1.500000e+00 : f32
          %sub3A_725 = vector.broadcast %sub3A_724 : f32 to vector<16xf32>
          %sub3A_726 = arith.subf %sub3A_725, %mul3A_723 : vector<16xf32>
          %mul3A_727 = arith.mulf %mul3A_721, %sub3A_726 : vector<16xf32>
          %mul3A_728 = arith.mulf %select_n3A_706, %mul3A_727 : vector<16xf32>
          %gather3A = vector.shape_cast %broadcast_in_dim3A : vector<16x1xi32> to vector<16xi32>
          %gather3A_729 = tpu.dynamic_gather %mul3A_728[%gather3A] in [0] : vector<16xf32>, vector<16xi32> -> vector<16xf32>
          %add3A_730 = arith.addf %mul3A_728, %gather3A_729 : vector<16xf32>
          %gather3A_731 = vector.shape_cast %broadcast_in_dim3A_19 : vector<16x1xi32> to vector<16xi32>
          %gather3A_732 = tpu.dynamic_gather %add3A_730[%gather3A_731] in [0] : vector<16xf32>, vector<16xi32> -> vector<16xf32>
          %add3A_733 = arith.addf %add3A_730, %gather3A_732 : vector<16xf32>
          %gather3A_734 = vector.shape_cast %broadcast_in_dim3A_23 : vector<16x1xi32> to vector<16xi32>
          %gather3A_735 = tpu.dynamic_gather %add3A_733[%gather3A_734] in [0] : vector<16xf32>, vector<16xi32> -> vector<16xf32>
          %add3A_736 = arith.addf %add3A_733, %gather3A_735 : vector<16xf32>
          %gather3A_737 = vector.shape_cast %broadcast_in_dim3A_27 : vector<16x1xi32> to vector<16xi32>
          %gather3A_738 = tpu.dynamic_gather %add3A_736[%gather3A_737] in [0] : vector<16xf32>, vector<16xi32> -> vector<16xf32>
          %add3A_739 = arith.addf %add3A_736, %gather3A_738 : vector<16xf32>
          %mul3A_740 = arith.mulf %get3A_1, %add3A_739 : vector<16xf32>
          %div3A = arith.divf %get3A_3, %add3A_739 : vector<16xf32>
          %min3A = arith.minimumf %mul3A_728, %mul3A_740 : vector<16xf32>
          %sub3A_741 = arith.subf %mul3A_740, %min3A : vector<16xf32>
          %mul3A_742 = arith.mulf %sub3A_741, %div3A : vector<16xf32>
          %broadcast_in_dim3A_743 = arith.constant 1 : i32
          %broadcast_in_dim3A_744 = vector.broadcast %broadcast_in_dim3A_743 : i32 to vector<16xi32>
          %mul3A_745 = vector.broadcast %scan3A_290 : i32 to vector<16xi32>
          %mul3A_746 = arith.muli %broadcast_in_dim3A_744, %mul3A_745 : vector<16xi32>
          tpu.vector_store_idx %arg17[%mul3A_746, %iota3A], %mul3A_742 masked %lt3A_13 : memref<80x9xf32, #tpu.memory_space<vmem>>[vector<16xi32>, vector<16xi32>], vector<16xf32>, vector<16xi1>
          %gather3A_747 = vector.shape_cast %broadcast_in_dim3A_29 : vector<16x1xi32> to vector<16xi32>
          %gather3A_748 = tpu.dynamic_gather %mul3A_742[%gather3A_747] in [0] : vector<16xf32>, vector<16xi32> -> vector<16xf32>
          %mul3A_749 = arith.constant 9 : i32
          %mul3A_750 = arith.muli %scan3A_290, %mul3A_749 : i32
          %add3A_751 = arith.constant 0 : i32
          %add3A_752 = arith.addi %mul3A_750, %add3A_751 : i32
          %get3A_753 = arith.index_cast %add3A_752 : i32 to index
          %get3A_754 = arith.constant 0 : index
          %get3A_755 = tpu.vector_load %arg11[%get3A_753, %get3A_754] {strides = array<i32>} : memref<720x64xf32, #tpu.memory_space<vmem>>, vector<16xf32>,
          %mul3A_756 = arith.mulf %get3A_755, %gather3A_748 : vector<16xf32>
          %add3A_757 = arith.addf %get3A_5, %mul3A_756 : vector<16xf32>
          %mul3A_758 = arith.constant 9 : i32
          %mul3A_759 = arith.muli %scan3A_290, %mul3A_758 : i32
          %add3A_760 = arith.constant 0 : i32
          %add3A_761 = arith.addi %mul3A_759, %add3A_760 : i32
          %get3A_762 = arith.index_cast %add3A_761 : i32 to index
          %get3A_763 = arith.constant 16 : index
          %get3A_764 = tpu.vector_load %arg11[%get3A_762, %get3A_763] {strides = array<i32>} : memref<720x64xf32, #tpu.memory_space<vmem>>, vector<16xf32>,
          %mul3A_765 = arith.mulf %get3A_764, %gather3A_748 : vector<16xf32>
          %add3A_766 = arith.addf %get3A_7, %mul3A_765 : vector<16xf32>
          %mul3A_767 = arith.constant 9 : i32
          %mul3A_768 = arith.muli %scan3A_290, %mul3A_767 : i32
          %add3A_769 = arith.constant 0 : i32
          %add3A_770 = arith.addi %mul3A_768, %add3A_769 : i32
          %get3A_771 = arith.index_cast %add3A_770 : i32 to index
          %get3A_772 = arith.constant 32 : index
          %get3A_773 = tpu.vector_load %arg11[%get3A_771, %get3A_772] {strides = array<i32>} : memref<720x64xf32, #tpu.memory_space<vmem>>, vector<16xf32>,
          %mul3A_774 = arith.mulf %get3A_773, %gather3A_748 : vector<16xf32>
          %add3A_775 = arith.addf %get3A_9, %mul3A_774 : vector<16xf32>
          %mul3A_776 = arith.constant 9 : i32
          %mul3A_777 = arith.muli %scan3A_290, %mul3A_776 : i32
          %add3A_778 = arith.constant 0 : i32
          %add3A_779 = arith.addi %mul3A_777, %add3A_778 : i32
          %get3A_780 = arith.index_cast %add3A_779 : i32 to index
          %get3A_781 = arith.constant 48 : index
          %get3A_782 = tpu.vector_load %arg11[%get3A_780, %get3A_781] {strides = array<i32>} : memref<720x64xf32, #tpu.memory_space<vmem>>, vector<16xf32>,
          %mul3A_783 = arith.mulf %get3A_782, %gather3A_748 : vector<16xf32>
          %add3A_784 = arith.addf %get3A_11, %mul3A_783 : vector<16xf32>
          %gather3A_785 = vector.shape_cast %broadcast_in_dim3A_31 : vector<16x1xi32> to vector<16xi32>
          %gather3A_786 = tpu.dynamic_gather %mul3A_742[%gather3A_785] in [0] : vector<16xf32>, vector<16xi32> -> vector<16xf32>
          %mul3A_787 = arith.constant 9 : i32
          %mul3A_788 = arith.muli %scan3A_290, %mul3A_787 : i32
          %add3A_789 = arith.constant 1 : i32
          %add3A_790 = arith.addi %mul3A_788, %add3A_789 : i32
          %get3A_791 = arith.index_cast %add3A_790 : i32 to index
          %get3A_792 = arith.constant 0 : index
          %get3A_793 = tpu.vector_load %arg11[%get3A_791, %get3A_792] {strides = array<i32>} : memref<720x64xf32, #tpu.memory_space<vmem>>, vector<16xf32>,
          %mul3A_794 = arith.mulf %get3A_793, %gather3A_786 : vector<16xf32>
          %add3A_795 = arith.addf %add3A_757, %mul3A_794 : vector<16xf32>
          %mul3A_796 = arith.constant 9 : i32
          %mul3A_797 = arith.muli %scan3A_290, %mul3A_796 : i32
          %add3A_798 = arith.constant 1 : i32
          %add3A_799 = arith.addi %mul3A_797, %add3A_798 : i32
          %get3A_800 = arith.index_cast %add3A_799 : i32 to index
          %get3A_801 = arith.constant 16 : index
          %get3A_802 = tpu.vector_load %arg11[%get3A_800, %get3A_801] {strides = array<i32>} : memref<720x64xf32, #tpu.memory_space<vmem>>, vector<16xf32>,
          %mul3A_803 = arith.mulf %get3A_802, %gather3A_786 : vector<16xf32>
          %add3A_804 = arith.addf %add3A_766, %mul3A_803 : vector<16xf32>
          %mul3A_805 = arith.constant 9 : i32
          %mul3A_806 = arith.muli %scan3A_290, %mul3A_805 : i32
          %add3A_807 = arith.constant 1 : i32
          %add3A_808 = arith.addi %mul3A_806, %add3A_807 : i32
          %get3A_809 = arith.index_cast %add3A_808 : i32 to index
          %get3A_810 = arith.constant 32 : index
          %get3A_811 = tpu.vector_load %arg11[%get3A_809, %get3A_810] {strides = array<i32>} : memref<720x64xf32, #tpu.memory_space<vmem>>, vector<16xf32>,
          %mul3A_812 = arith.mulf %get3A_811, %gather3A_786 : vector<16xf32>
          %add3A_813 = arith.addf %add3A_775, %mul3A_812 : vector<16xf32>
          %mul3A_814 = arith.constant 9 : i32
          %mul3A_815 = arith.muli %scan3A_290, %mul3A_814 : i32
          %add3A_816 = arith.constant 1 : i32
          %add3A_817 = arith.addi %mul3A_815, %add3A_816 : i32
          %get3A_818 = arith.index_cast %add3A_817 : i32 to index
          %get3A_819 = arith.constant 48 : index
          %get3A_820 = tpu.vector_load %arg11[%get3A_818, %get3A_819] {strides = array<i32>} : memref<720x64xf32, #tpu.memory_space<vmem>>, vector<16xf32>,
          %mul3A_821 = arith.mulf %get3A_820, %gather3A_786 : vector<16xf32>
          %add3A_822 = arith.addf %add3A_784, %mul3A_821 : vector<16xf32>
          %gather3A_823 = vector.shape_cast %broadcast_in_dim3A_33 : vector<16x1xi32> to vector<16xi32>
          %gather3A_824 = tpu.dynamic_gather %mul3A_742[%gather3A_823] in [0] : vector<16xf32>, vector<16xi32> -> vector<16xf32>
          %mul3A_825 = arith.constant 9 : i32
          %mul3A_826 = arith.muli %scan3A_290, %mul3A_825 : i32
          %add3A_827 = arith.constant 2 : i32
          %add3A_828 = arith.addi %mul3A_826, %add3A_827 : i32
          %get3A_829 = arith.index_cast %add3A_828 : i32 to index
          %get3A_830 = arith.constant 0 : index
          %get3A_831 = tpu.vector_load %arg11[%get3A_829, %get3A_830] {strides = array<i32>} : memref<720x64xf32, #tpu.memory_space<vmem>>, vector<16xf32>,
          %mul3A_832 = arith.mulf %get3A_831, %gather3A_824 : vector<16xf32>
          %add3A_833 = arith.addf %add3A_795, %mul3A_832 : vector<16xf32>
          %mul3A_834 = arith.constant 9 : i32
          %mul3A_835 = arith.muli %scan3A_290, %mul3A_834 : i32
          %add3A_836 = arith.constant 2 : i32
          %add3A_837 = arith.addi %mul3A_835, %add3A_836 : i32
          %get3A_838 = arith.index_cast %add3A_837 : i32 to index
          %get3A_839 = arith.constant 16 : index
          %get3A_840 = tpu.vector_load %arg11[%get3A_838, %get3A_839] {strides = array<i32>} : memref<720x64xf32, #tpu.memory_space<vmem>>, vector<16xf32>,
          %mul3A_841 = arith.mulf %get3A_840, %gather3A_824 : vector<16xf32>
          %add3A_842 = arith.addf %add3A_804, %mul3A_841 : vector<16xf32>
          %mul3A_843 = arith.constant 9 : i32
          %mul3A_844 = arith.muli %scan3A_290, %mul3A_843 : i32
          %add3A_845 = arith.constant 2 : i32
          %add3A_846 = arith.addi %mul3A_844, %add3A_845 : i32
          %get3A_847 = arith.index_cast %add3A_846 : i32 to index
          %get3A_848 = arith.constant 32 : index
          %get3A_849 = tpu.vector_load %arg11[%get3A_847, %get3A_848] {strides = array<i32>} : memref<720x64xf32, #tpu.memory_space<vmem>>, vector<16xf32>,
          %mul3A_850 = arith.mulf %get3A_849, %gather3A_824 : vector<16xf32>
          %add3A_851 = arith.addf %add3A_813, %mul3A_850 : vector<16xf32>
          %mul3A_852 = arith.constant 9 : i32
          %mul3A_853 = arith.muli %scan3A_290, %mul3A_852 : i32
          %add3A_854 = arith.constant 2 : i32
          %add3A_855 = arith.addi %mul3A_853, %add3A_854 : i32
          %get3A_856 = arith.index_cast %add3A_855 : i32 to index
          %get3A_857 = arith.constant 48 : index
          %get3A_858 = tpu.vector_load %arg11[%get3A_856, %get3A_857] {strides = array<i32>} : memref<720x64xf32, #tpu.memory_space<vmem>>, vector<16xf32>,
          %mul3A_859 = arith.mulf %get3A_858, %gather3A_824 : vector<16xf32>
          %add3A_860 = arith.addf %add3A_822, %mul3A_859 : vector<16xf32>
          %gather3A_861 = vector.shape_cast %broadcast_in_dim3A_35 : vector<16x1xi32> to vector<16xi32>
          %gather3A_862 = tpu.dynamic_gather %mul3A_742[%gather3A_861] in [0] : vector<16xf32>, vector<16xi32> -> vector<16xf32>
          %mul3A_863 = arith.constant 9 : i32
          %mul3A_864 = arith.muli %scan3A_290, %mul3A_863 : i32
          %add3A_865 = arith.constant 3 : i32
          %add3A_866 = arith.addi %mul3A_864, %add3A_865 : i32
          %get3A_867 = arith.index_cast %add3A_866 : i32 to index
          %get3A_868 = arith.constant 0 : index
          %get3A_869 = tpu.vector_load %arg11[%get3A_867, %get3A_868] {strides = array<i32>} : memref<720x64xf32, #tpu.memory_space<vmem>>, vector<16xf32>,
          %mul3A_870 = arith.mulf %get3A_869, %gather3A_862 : vector<16xf32>
          %add3A_871 = arith.addf %add3A_833, %mul3A_870 : vector<16xf32>
          %mul3A_872 = arith.constant 9 : i32
          %mul3A_873 = arith.muli %scan3A_290, %mul3A_872 : i32
          %add3A_874 = arith.constant 3 : i32
          %add3A_875 = arith.addi %mul3A_873, %add3A_874 : i32
          %get3A_876 = arith.index_cast %add3A_875 : i32 to index
          %get3A_877 = arith.constant 16 : index
          %get3A_878 = tpu.vector_load %arg11[%get3A_876, %get3A_877] {strides = array<i32>} : memref<720x64xf32, #tpu.memory_space<vmem>>, vector<16xf32>,
          %mul3A_879 = arith.mulf %get3A_878, %gather3A_862 : vector<16xf32>
          %add3A_880 = arith.addf %add3A_842, %mul3A_879 : vector<16xf32>
          %mul3A_881 = arith.constant 9 : i32
          %mul3A_882 = arith.muli %scan3A_290, %mul3A_881 : i32
          %add3A_883 = arith.constant 3 : i32
          %add3A_884 = arith.addi %mul3A_882, %add3A_883 : i32
          %get3A_885 = arith.index_cast %add3A_884 : i32 to index
          %get3A_886 = arith.constant 32 : index
          %get3A_887 = tpu.vector_load %arg11[%get3A_885, %get3A_886] {strides = array<i32>} : memref<720x64xf32, #tpu.memory_space<vmem>>, vector<16xf32>,
          %mul3A_888 = arith.mulf %get3A_887, %gather3A_862 : vector<16xf32>
          %add3A_889 = arith.addf %add3A_851, %mul3A_888 : vector<16xf32>
          %mul3A_890 = arith.constant 9 : i32
          %mul3A_891 = arith.muli %scan3A_290, %mul3A_890 : i32
          %add3A_892 = arith.constant 3 : i32
          %add3A_893 = arith.addi %mul3A_891, %add3A_892 : i32
          %get3A_894 = arith.index_cast %add3A_893 : i32 to index
          %get3A_895 = arith.constant 48 : index
          %get3A_896 = tpu.vector_load %arg11[%get3A_894, %get3A_895] {strides = array<i32>} : memref<720x64xf32, #tpu.memory_space<vmem>>, vector<16xf32>,
          %mul3A_897 = arith.mulf %get3A_896, %gather3A_862 : vector<16xf32>
          %add3A_898 = arith.addf %add3A_860, %mul3A_897 : vector<16xf32>
          %gather3A_899 = vector.shape_cast %broadcast_in_dim3A_37 : vector<16x1xi32> to vector<16xi32>
          %gather3A_900 = tpu.dynamic_gather %mul3A_742[%gather3A_899] in [0] : vector<16xf32>, vector<16xi32> -> vector<16xf32>
          %mul3A_901 = arith.constant 9 : i32
          %mul3A_902 = arith.muli %scan3A_290, %mul3A_901 : i32
          %add3A_903 = arith.constant 4 : i32
          %add3A_904 = arith.addi %mul3A_902, %add3A_903 : i32
          %get3A_905 = arith.index_cast %add3A_904 : i32 to index
          %get3A_906 = arith.constant 0 : index
          %get3A_907 = tpu.vector_load %arg11[%get3A_905, %get3A_906] {strides = array<i32>} : memref<720x64xf32, #tpu.memory_space<vmem>>, vector<16xf32>,
          %mul3A_908 = arith.mulf %get3A_907, %gather3A_900 : vector<16xf32>
          %add3A_909 = arith.addf %add3A_871, %mul3A_908 : vector<16xf32>
          %mul3A_910 = arith.constant 9 : i32
          %mul3A_911 = arith.muli %scan3A_290, %mul3A_910 : i32
          %add3A_912 = arith.constant 4 : i32
          %add3A_913 = arith.addi %mul3A_911, %add3A_912 : i32
          %get3A_914 = arith.index_cast %add3A_913 : i32 to index
          %get3A_915 = arith.constant 16 : index
          %get3A_916 = tpu.vector_load %arg11[%get3A_914, %get3A_915] {strides = array<i32>} : memref<720x64xf32, #tpu.memory_space<vmem>>, vector<16xf32>,
          %mul3A_917 = arith.mulf %get3A_916, %gather3A_900 : vector<16xf32>
          %add3A_918 = arith.addf %add3A_880, %mul3A_917 : vector<16xf32>
          %mul3A_919 = arith.constant 9 : i32
          %mul3A_920 = arith.muli %scan3A_290, %mul3A_919 : i32
          %add3A_921 = arith.constant 4 : i32
          %add3A_922 = arith.addi %mul3A_920, %add3A_921 : i32
          %get3A_923 = arith.index_cast %add3A_922 : i32 to index
          %get3A_924 = arith.constant 32 : index
          %get3A_925 = tpu.vector_load %arg11[%get3A_923, %get3A_924] {strides = array<i32>} : memref<720x64xf32, #tpu.memory_space<vmem>>, vector<16xf32>,
          %mul3A_926 = arith.mulf %get3A_925, %gather3A_900 : vector<16xf32>
          %add3A_927 = arith.addf %add3A_889, %mul3A_926 : vector<16xf32>
          %mul3A_928 = arith.constant 9 : i32
          %mul3A_929 = arith.muli %scan3A_290, %mul3A_928 : i32
          %add3A_930 = arith.constant 4 : i32
          %add3A_931 = arith.addi %mul3A_929, %add3A_930 : i32
          %get3A_932 = arith.index_cast %add3A_931 : i32 to index
          %get3A_933 = arith.constant 48 : index
          %get3A_934 = tpu.vector_load %arg11[%get3A_932, %get3A_933] {strides = array<i32>} : memref<720x64xf32, #tpu.memory_space<vmem>>, vector<16xf32>,
          %mul3A_935 = arith.mulf %get3A_934, %gather3A_900 : vector<16xf32>
          %add3A_936 = arith.addf %add3A_898, %mul3A_935 : vector<16xf32>
          %gather3A_937 = vector.shape_cast %broadcast_in_dim3A_39 : vector<16x1xi32> to vector<16xi32>
          %gather3A_938 = tpu.dynamic_gather %mul3A_742[%gather3A_937] in [0] : vector<16xf32>, vector<16xi32> -> vector<16xf32>
          %mul3A_939 = arith.constant 9 : i32
          %mul3A_940 = arith.muli %scan3A_290, %mul3A_939 : i32
          %add3A_941 = arith.constant 5 : i32
          %add3A_942 = arith.addi %mul3A_940, %add3A_941 : i32
          %get3A_943 = arith.index_cast %add3A_942 : i32 to index
          %get3A_944 = arith.constant 0 : index
          %get3A_945 = tpu.vector_load %arg11[%get3A_943, %get3A_944] {strides = array<i32>} : memref<720x64xf32, #tpu.memory_space<vmem>>, vector<16xf32>,
          %mul3A_946 = arith.mulf %get3A_945, %gather3A_938 : vector<16xf32>
          %add3A_947 = arith.addf %add3A_909, %mul3A_946 : vector<16xf32>
          %mul3A_948 = arith.constant 9 : i32
          %mul3A_949 = arith.muli %scan3A_290, %mul3A_948 : i32
          %add3A_950 = arith.constant 5 : i32
          %add3A_951 = arith.addi %mul3A_949, %add3A_950 : i32
          %get3A_952 = arith.index_cast %add3A_951 : i32 to index
          %get3A_953 = arith.constant 16 : index
          %get3A_954 = tpu.vector_load %arg11[%get3A_952, %get3A_953] {strides = array<i32>} : memref<720x64xf32, #tpu.memory_space<vmem>>, vector<16xf32>,
          %mul3A_955 = arith.mulf %get3A_954, %gather3A_938 : vector<16xf32>
          %add3A_956 = arith.addf %add3A_918, %mul3A_955 : vector<16xf32>
          %mul3A_957 = arith.constant 9 : i32
          %mul3A_958 = arith.muli %scan3A_290, %mul3A_957 : i32
          %add3A_959 = arith.constant 5 : i32
          %add3A_960 = arith.addi %mul3A_958, %add3A_959 : i32
          %get3A_961 = arith.index_cast %add3A_960 : i32 to index
          %get3A_962 = arith.constant 32 : index
          %get3A_963 = tpu.vector_load %arg11[%get3A_961, %get3A_962] {strides = array<i32>} : memref<720x64xf32, #tpu.memory_space<vmem>>, vector<16xf32>,
          %mul3A_964 = arith.mulf %get3A_963, %gather3A_938 : vector<16xf32>
          %add3A_965 = arith.addf %add3A_927, %mul3A_964 : vector<16xf32>
          %mul3A_966 = arith.constant 9 : i32
          %mul3A_967 = arith.muli %scan3A_290, %mul3A_966 : i32
          %add3A_968 = arith.constant 5 : i32
          %add3A_969 = arith.addi %mul3A_967, %add3A_968 : i32
          %get3A_970 = arith.index_cast %add3A_969 : i32 to index
          %get3A_971 = arith.constant 48 : index
          %get3A_972 = tpu.vector_load %arg11[%get3A_970, %get3A_971] {strides = array<i32>} : memref<720x64xf32, #tpu.memory_space<vmem>>, vector<16xf32>,
          %mul3A_973 = arith.mulf %get3A_972, %gather3A_938 : vector<16xf32>
          %add3A_974 = arith.addf %add3A_936, %mul3A_973 : vector<16xf32>
          %gather3A_975 = vector.shape_cast %broadcast_in_dim3A_41 : vector<16x1xi32> to vector<16xi32>
          %gather3A_976 = tpu.dynamic_gather %mul3A_742[%gather3A_975] in [0] : vector<16xf32>, vector<16xi32> -> vector<16xf32>
          %mul3A_977 = arith.constant 9 : i32
          %mul3A_978 = arith.muli %scan3A_290, %mul3A_977 : i32
          %add3A_979 = arith.constant 6 : i32
          %add3A_980 = arith.addi %mul3A_978, %add3A_979 : i32
          %get3A_981 = arith.index_cast %add3A_980 : i32 to index
          %get3A_982 = arith.constant 0 : index
          %get3A_983 = tpu.vector_load %arg11[%get3A_981, %get3A_982] {strides = array<i32>} : memref<720x64xf32, #tpu.memory_space<vmem>>, vector<16xf32>,
          %mul3A_984 = arith.mulf %get3A_983, %gather3A_976 : vector<16xf32>
          %add3A_985 = arith.addf %add3A_947, %mul3A_984 : vector<16xf32>
          %mul3A_986 = arith.constant 9 : i32
          %mul3A_987 = arith.muli %scan3A_290, %mul3A_986 : i32
          %add3A_988 = arith.constant 6 : i32
          %add3A_989 = arith.addi %mul3A_987, %add3A_988 : i32
          %get3A_990 = arith.index_cast %add3A_989 : i32 to index
          %get3A_991 = arith.constant 16 : index
          %get3A_992 = tpu.vector_load %arg11[%get3A_990, %get3A_991] {strides = array<i32>} : memref<720x64xf32, #tpu.memory_space<vmem>>, vector<16xf32>,
          %mul3A_993 = arith.mulf %get3A_992, %gather3A_976 : vector<16xf32>
          %add3A_994 = arith.addf %add3A_956, %mul3A_993 : vector<16xf32>
          %mul3A_995 = arith.constant 9 : i32
          %mul3A_996 = arith.muli %scan3A_290, %mul3A_995 : i32
          %add3A_997 = arith.constant 6 : i32
          %add3A_998 = arith.addi %mul3A_996, %add3A_997 : i32
          %get3A_999 = arith.index_cast %add3A_998 : i32 to index
          %get3A_1000 = arith.constant 32 : index
          %get3A_1001 = tpu.vector_load %arg11[%get3A_999, %get3A_1000] {strides = array<i32>} : memref<720x64xf32, #tpu.memory_space<vmem>>, vector<16xf32>,
          %mul3A_1002 = arith.mulf %get3A_1001, %gather3A_976 : vector<16xf32>
          %add3A_1003 = arith.addf %add3A_965, %mul3A_1002 : vector<16xf32>
          %mul3A_1004 = arith.constant 9 : i32
          %mul3A_1005 = arith.muli %scan3A_290, %mul3A_1004 : i32
          %add3A_1006 = arith.constant 6 : i32
          %add3A_1007 = arith.addi %mul3A_1005, %add3A_1006 : i32
          %get3A_1008 = arith.index_cast %add3A_1007 : i32 to index
          %get3A_1009 = arith.constant 48 : index
          %get3A_1010 = tpu.vector_load %arg11[%get3A_1008, %get3A_1009] {strides = array<i32>} : memref<720x64xf32, #tpu.memory_space<vmem>>, vector<16xf32>,
          %mul3A_1011 = arith.mulf %get3A_1010, %gather3A_976 : vector<16xf32>
          %add3A_1012 = arith.addf %add3A_974, %mul3A_1011 : vector<16xf32>
          %gather3A_1013 = vector.shape_cast %broadcast_in_dim3A_43 : vector<16x1xi32> to vector<16xi32>
          %gather3A_1014 = tpu.dynamic_gather %mul3A_742[%gather3A_1013] in [0] : vector<16xf32>, vector<16xi32> -> vector<16xf32>
          %mul3A_1015 = arith.constant 9 : i32
          %mul3A_1016 = arith.muli %scan3A_290, %mul3A_1015 : i32
          %add3A_1017 = arith.constant 7 : i32
          %add3A_1018 = arith.addi %mul3A_1016, %add3A_1017 : i32
          %get3A_1019 = arith.index_cast %add3A_1018 : i32 to index
          %get3A_1020 = arith.constant 0 : index
          %get3A_1021 = tpu.vector_load %arg11[%get3A_1019, %get3A_1020] {strides = array<i32>} : memref<720x64xf32, #tpu.memory_space<vmem>>, vector<16xf32>,
          %mul3A_1022 = arith.mulf %get3A_1021, %gather3A_1014 : vector<16xf32>
          %add3A_1023 = arith.addf %add3A_985, %mul3A_1022 : vector<16xf32>
          %mul3A_1024 = arith.constant 9 : i32
          %mul3A_1025 = arith.muli %scan3A_290, %mul3A_1024 : i32
          %add3A_1026 = arith.constant 7 : i32
          %add3A_1027 = arith.addi %mul3A_1025, %add3A_1026 : i32
          %get3A_1028 = arith.index_cast %add3A_1027 : i32 to index
          %get3A_1029 = arith.constant 16 : index
          %get3A_1030 = tpu.vector_load %arg11[%get3A_1028, %get3A_1029] {strides = array<i32>} : memref<720x64xf32, #tpu.memory_space<vmem>>, vector<16xf32>,
          %mul3A_1031 = arith.mulf %get3A_1030, %gather3A_1014 : vector<16xf32>
          %add3A_1032 = arith.addf %add3A_994, %mul3A_1031 : vector<16xf32>
          %mul3A_1033 = arith.constant 9 : i32
          %mul3A_1034 = arith.muli %scan3A_290, %mul3A_1033 : i32
          %add3A_1035 = arith.constant 7 : i32
          %add3A_1036 = arith.addi %mul3A_1034, %add3A_1035 : i32
          %get3A_1037 = arith.index_cast %add3A_1036 : i32 to index
          %get3A_1038 = arith.constant 32 : index
          %get3A_1039 = tpu.vector_load %arg11[%get3A_1037, %get3A_1038] {strides = array<i32>} : memref<720x64xf32, #tpu.memory_space<vmem>>, vector<16xf32>,
          %mul3A_1040 = arith.mulf %get3A_1039, %gather3A_1014 : vector<16xf32>
          %add3A_1041 = arith.addf %add3A_1003, %mul3A_1040 : vector<16xf32>
          %mul3A_1042 = arith.constant 9 : i32
          %mul3A_1043 = arith.muli %scan3A_290, %mul3A_1042 : i32
          %add3A_1044 = arith.constant 7 : i32
          %add3A_1045 = arith.addi %mul3A_1043, %add3A_1044 : i32
          %get3A_1046 = arith.index_cast %add3A_1045 : i32 to index
          %get3A_1047 = arith.constant 48 : index
          %get3A_1048 = tpu.vector_load %arg11[%get3A_1046, %get3A_1047] {strides = array<i32>} : memref<720x64xf32, #tpu.memory_space<vmem>>, vector<16xf32>,
          %mul3A_1049 = arith.mulf %get3A_1048, %gather3A_1014 : vector<16xf32>
          %add3A_1050 = arith.addf %add3A_1012, %mul3A_1049 : vector<16xf32>
          %gather3A_1051 = vector.shape_cast %broadcast_in_dim3A_45 : vector<16x1xi32> to vector<16xi32>
          %gather3A_1052 = tpu.dynamic_gather %mul3A_742[%gather3A_1051] in [0] : vector<16xf32>, vector<16xi32> -> vector<16xf32>
          %mul3A_1053 = arith.constant 9 : i32
          %mul3A_1054 = arith.muli %scan3A_290, %mul3A_1053 : i32
          %add3A_1055 = arith.constant 8 : i32
          %add3A_1056 = arith.addi %mul3A_1054, %add3A_1055 : i32
          %get3A_1057 = arith.index_cast %add3A_1056 : i32 to index
          %get3A_1058 = arith.constant 0 : index
          %get3A_1059 = tpu.vector_load %arg11[%get3A_1057, %get3A_1058] {strides = array<i32>} : memref<720x64xf32, #tpu.memory_space<vmem>>, vector<16xf32>,
          %mul3A_1060 = arith.mulf %get3A_1059, %gather3A_1052 : vector<16xf32>
          %add3A_1061 = arith.addf %add3A_1023, %mul3A_1060 : vector<16xf32>
          %mul3A_1062 = arith.constant 9 : i32
          %mul3A_1063 = arith.muli %scan3A_290, %mul3A_1062 : i32
          %add3A_1064 = arith.constant 8 : i32
          %add3A_1065 = arith.addi %mul3A_1063, %add3A_1064 : i32
          %get3A_1066 = arith.index_cast %add3A_1065 : i32 to index
          %get3A_1067 = arith.constant 16 : index
          %get3A_1068 = tpu.vector_load %arg11[%get3A_1066, %get3A_1067] {strides = array<i32>} : memref<720x64xf32, #tpu.memory_space<vmem>>, vector<16xf32>,
          %mul3A_1069 = arith.mulf %get3A_1068, %gather3A_1052 : vector<16xf32>
          %add3A_1070 = arith.addf %add3A_1032, %mul3A_1069 : vector<16xf32>
          %mul3A_1071 = arith.constant 9 : i32
          %mul3A_1072 = arith.muli %scan3A_290, %mul3A_1071 : i32
          %add3A_1073 = arith.constant 8 : i32
          %add3A_1074 = arith.addi %mul3A_1072, %add3A_1073 : i32
          %get3A_1075 = arith.index_cast %add3A_1074 : i32 to index
          %get3A_1076 = arith.constant 32 : index
          %get3A_1077 = tpu.vector_load %arg11[%get3A_1075, %get3A_1076] {strides = array<i32>} : memref<720x64xf32, #tpu.memory_space<vmem>>, vector<16xf32>,
          %mul3A_1078 = arith.mulf %get3A_1077, %gather3A_1052 : vector<16xf32>
          %add3A_1079 = arith.addf %add3A_1041, %mul3A_1078 : vector<16xf32>
          %mul3A_1080 = arith.constant 9 : i32
          %mul3A_1081 = arith.muli %scan3A_290, %mul3A_1080 : i32
          %add3A_1082 = arith.constant 8 : i32
          %add3A_1083 = arith.addi %mul3A_1081, %add3A_1082 : i32
          %get3A_1084 = arith.index_cast %add3A_1083 : i32 to index
          %get3A_1085 = arith.constant 48 : index
          %get3A_1086 = tpu.vector_load %arg11[%get3A_1084, %get3A_1085] {strides = array<i32>} : memref<720x64xf32, #tpu.memory_space<vmem>>, vector<16xf32>,
          %mul3A_1087 = arith.mulf %get3A_1086, %gather3A_1052 : vector<16xf32>
          %add3A_1088 = arith.addf %add3A_1050, %mul3A_1087 : vector<16xf32>
          %swap3A = arith.index_cast %scan3A_290 : i32 to index
          %swap3A_1089 = arith.constant 0 : index
          %swap3A_1090 = tpu.vector_load %arg15[%swap3A, %swap3A_1089] {strides = array<i32>} : memref<80x64xf32, #tpu.memory_space<vmem>>, vector<16xf32>,
          tpu.vector_store %arg15[%swap3A, %swap3A_1089], %add3A_1061 {strides = array<i32>} : memref<80x64xf32, #tpu.memory_space<vmem>>, vector<16xf32>,
          %swap3A_1091 = arith.index_cast %scan3A_290 : i32 to index
          %swap3A_1092 = arith.constant 16 : index
          %swap3A_1093 = tpu.vector_load %arg15[%swap3A_1091, %swap3A_1092] {strides = array<i32>} : memref<80x64xf32, #tpu.memory_space<vmem>>, vector<16xf32>,
          tpu.vector_store %arg15[%swap3A_1091, %swap3A_1092], %add3A_1070 {strides = array<i32>} : memref<80x64xf32, #tpu.memory_space<vmem>>, vector<16xf32>,
          %swap3A_1094 = arith.index_cast %scan3A_290 : i32 to index
          %swap3A_1095 = arith.constant 32 : index
          %swap3A_1096 = tpu.vector_load %arg15[%swap3A_1094, %swap3A_1095] {strides = array<i32>} : memref<80x64xf32, #tpu.memory_space<vmem>>, vector<16xf32>,
          tpu.vector_store %arg15[%swap3A_1094, %swap3A_1095], %add3A_1079 {strides = array<i32>} : memref<80x64xf32, #tpu.memory_space<vmem>>, vector<16xf32>,
          %swap3A_1097 = arith.index_cast %scan3A_290 : i32 to index
          %swap3A_1098 = arith.constant 48 : index
          %swap3A_1099 = tpu.vector_load %arg15[%swap3A_1097, %swap3A_1098] {strides = array<i32>} : memref<80x64xf32, #tpu.memory_space<vmem>>, vector<16xf32>,
          tpu.vector_store %arg15[%swap3A_1097, %swap3A_1098], %add3A_1088 {strides = array<i32>} : memref<80x64xf32, #tpu.memory_space<vmem>>, vector<16xf32>,
          %scan3A_1100 = arith.constant 1 : i32
          %scan3A_1101 = arith.addi %scan3A_290, %scan3A_1100 : i32
          %get3A_1102 = arith.index_cast %scan3A_1101 : i32 to index
          %get3A_1103 = arith.constant 0 : index
          %get3A_1104 = tpu.vector_load %arg13[%get3A_1102, %get3A_1103] {strides = array<i32>} : memref<80x64xf32, #tpu.memory_space<vmem>>, vector<16xf32>,
          %get3A_1105 = arith.index_cast %scan3A_1101 : i32 to index
          %get3A_1106 = arith.constant 16 : index
          %get3A_1107 = tpu.vector_load %arg13[%get3A_1105, %get3A_1106] {strides = array<i32>} : memref<80x64xf32, #tpu.memory_space<vmem>>, vector<16xf32>,
          %get3A_1108 = arith.index_cast %scan3A_1101 : i32 to index
          %get3A_1109 = arith.constant 32 : index
          %get3A_1110 = tpu.vector_load %arg13[%get3A_1108, %get3A_1109] {strides = array<i32>} : memref<80x64xf32, #tpu.memory_space<vmem>>, vector<16xf32>,
          %get3A_1111 = arith.index_cast %scan3A_1101 : i32 to index
          %get3A_1112 = arith.constant 48 : index
          %get3A_1113 = tpu.vector_load %arg13[%get3A_1111, %get3A_1112] {strides = array<i32>} : memref<80x64xf32, #tpu.memory_space<vmem>>, vector<16xf32>,
          %broadcast_in_dim3A_1114 = arith.constant 0.000000e+00 : f32
          %broadcast_in_dim3A_1115 = vector.broadcast %broadcast_in_dim3A_1114 : f32 to vector<16xf32>
          %mul3A_1116 = arith.constant 9 : i32
          %mul3A_1117 = arith.muli %scan3A_1101, %mul3A_1116 : i32
          %add3A_1118 = arith.constant 0 : i32
          %add3A_1119 = arith.addi %mul3A_1117, %add3A_1118 : i32
          %get3A_1120 = arith.index_cast %add3A_1119 : i32 to index
          %get3A_1121 = arith.constant 0 : index
          %get3A_1122 = tpu.vector_load %arg11[%get3A_1120, %get3A_1121] {strides = array<i32>} : memref<720x64xf32, #tpu.memory_space<vmem>>, vector<16xf32>,
          %sub3A_1123 = arith.subf %get3A_1122, %get3A_1104 : vector<16xf32>
          %mul3A_1124 = arith.mulf %sub3A_1123, %sub3A_1123 : vector<16xf32>
          %mul3A_1125 = arith.constant 9 : i32
          %mul3A_1126 = arith.muli %scan3A_1101, %mul3A_1125 : i32
          %add3A_1127 = arith.constant 0 : i32
          %add3A_1128 = arith.addi %mul3A_1126, %add3A_1127 : i32
          %get3A_1129 = arith.index_cast %add3A_1128 : i32 to index
          %get3A_1130 = arith.constant 16 : index
          %get3A_1131 = tpu.vector_load %arg11[%get3A_1129, %get3A_1130] {strides = array<i32>} : memref<720x64xf32, #tpu.memory_space<vmem>>, vector<16xf32>,
          %sub3A_1132 = arith.subf %get3A_1131, %get3A_1107 : vector<16xf32>
          %mul3A_1133 = arith.mulf %sub3A_1132, %sub3A_1132 : vector<16xf32>
          %add3A_1134 = arith.addf %mul3A_1124, %mul3A_1133 : vector<16xf32>
          %mul3A_1135 = arith.constant 9 : i32
          %mul3A_1136 = arith.muli %scan3A_1101, %mul3A_1135 : i32
          %add3A_1137 = arith.constant 0 : i32
          %add3A_1138 = arith.addi %mul3A_1136, %add3A_1137 : i32
          %get3A_1139 = arith.index_cast %add3A_1138 : i32 to index
          %get3A_1140 = arith.constant 32 : index
          %get3A_1141 = tpu.vector_load %arg11[%get3A_1139, %get3A_1140] {strides = array<i32>} : memref<720x64xf32, #tpu.memory_space<vmem>>, vector<16xf32>,
          %sub3A_1142 = arith.subf %get3A_1141, %get3A_1110 : vector<16xf32>
          %mul3A_1143 = arith.mulf %sub3A_1142, %sub3A_1142 : vector<16xf32>
          %add3A_1144 = arith.addf %add3A_1134, %mul3A_1143 : vector<16xf32>
          %mul3A_1145 = arith.constant 9 : i32
          %mul3A_1146 = arith.muli %scan3A_1101, %mul3A_1145 : i32
          %add3A_1147 = arith.constant 0 : i32
          %add3A_1148 = arith.addi %mul3A_1146, %add3A_1147 : i32
          %get3A_1149 = arith.index_cast %add3A_1148 : i32 to index
          %get3A_1150 = arith.constant 48 : index
          %get3A_1151 = tpu.vector_load %arg11[%get3A_1149, %get3A_1150] {strides = array<i32>} : memref<720x64xf32, #tpu.memory_space<vmem>>, vector<16xf32>,
          %sub3A_1152 = arith.subf %get3A_1151, %get3A_1113 : vector<16xf32>
          %mul3A_1153 = arith.mulf %sub3A_1152, %sub3A_1152 : vector<16xf32>
          %add3A_1154 = arith.addf %add3A_1144, %mul3A_1153 : vector<16xf32>
          %reduce_sum3A_1155 = arith.constant true
          %reduce_sum3A_1156 = vector.broadcast %reduce_sum3A_1155 : i1 to vector<16xi1>
          %reduce_sum3A_1157 = tpu.scan <sum>, %add3A_1154 masked %reduce_sum3A_1156 : vector<16xf32>, vector<16xi1> -> vector<16xf32>
          %reduce_sum3A_1158 = vector.extract %reduce_sum3A_1157[15] : f32 from vector<16xf32>
          %broadcast_in_dim3A_1159 = vector.broadcast %reduce_sum3A_1158 : f32 to vector<16xf32>
          %select_n3A_1160 = arith.select %eq3A_47, %broadcast_in_dim3A_1159, %broadcast_in_dim3A_1115 : vector<16xi1>, vector<16xf32>
          %mul3A_1161 = arith.constant 9 : i32
          %mul3A_1162 = arith.muli %scan3A_1101, %mul3A_1161 : i32
          %add3A_1163 = arith.constant 1 : i32
          %add3A_1164 = arith.addi %mul3A_1162, %add3A_1163 : i32
          %get3A_1165 = arith.index_cast %add3A_1164 : i32 to index
          %get3A_1166 = arith.constant 0 : index
          %get3A_1167 = tpu.vector_load %arg11[%get3A_1165, %get3A_1166] {strides = array<i32>} : memref<720x64xf32, #tpu.memory_space<vmem>>, vector<16xf32>,
          %sub3A_1168 = arith.subf %get3A_1167, %get3A_1104 : vector<16xf32>
          %mul3A_1169 = arith.mulf %sub3A_1168, %sub3A_1168 : vector<16xf32>
          %mul3A_1170 = arith.constant 9 : i32
          %mul3A_1171 = arith.muli %scan3A_1101, %mul3A_1170 : i32
          %add3A_1172 = arith.constant 1 : i32
          %add3A_1173 = arith.addi %mul3A_1171, %add3A_1172 : i32
          %get3A_1174 = arith.index_cast %add3A_1173 : i32 to index
          %get3A_1175 = arith.constant 16 : index
          %get3A_1176 = tpu.vector_load %arg11[%get3A_1174, %get3A_1175] {strides = array<i32>} : memref<720x64xf32, #tpu.memory_space<vmem>>, vector<16xf32>,
          %sub3A_1177 = arith.subf %get3A_1176, %get3A_1107 : vector<16xf32>
          %mul3A_1178 = arith.mulf %sub3A_1177, %sub3A_1177 : vector<16xf32>
          %add3A_1179 = arith.addf %mul3A_1169, %mul3A_1178 : vector<16xf32>
          %mul3A_1180 = arith.constant 9 : i32
          %mul3A_1181 = arith.muli %scan3A_1101, %mul3A_1180 : i32
          %add3A_1182 = arith.constant 1 : i32
          %add3A_1183 = arith.addi %mul3A_1181, %add3A_1182 : i32
          %get3A_1184 = arith.index_cast %add3A_1183 : i32 to index
          %get3A_1185 = arith.constant 32 : index
          %get3A_1186 = tpu.vector_load %arg11[%get3A_1184, %get3A_1185] {strides = array<i32>} : memref<720x64xf32, #tpu.memory_space<vmem>>, vector<16xf32>,
          %sub3A_1187 = arith.subf %get3A_1186, %get3A_1110 : vector<16xf32>
          %mul3A_1188 = arith.mulf %sub3A_1187, %sub3A_1187 : vector<16xf32>
          %add3A_1189 = arith.addf %add3A_1179, %mul3A_1188 : vector<16xf32>
          %mul3A_1190 = arith.constant 9 : i32
          %mul3A_1191 = arith.muli %scan3A_1101, %mul3A_1190 : i32
          %add3A_1192 = arith.constant 1 : i32
          %add3A_1193 = arith.addi %mul3A_1191, %add3A_1192 : i32
          %get3A_1194 = arith.index_cast %add3A_1193 : i32 to index
          %get3A_1195 = arith.constant 48 : index
          %get3A_1196 = tpu.vector_load %arg11[%get3A_1194, %get3A_1195] {strides = array<i32>} : memref<720x64xf32, #tpu.memory_space<vmem>>, vector<16xf32>,
          %sub3A_1197 = arith.subf %get3A_1196, %get3A_1113 : vector<16xf32>
          %mul3A_1198 = arith.mulf %sub3A_1197, %sub3A_1197 : vector<16xf32>
          %add3A_1199 = arith.addf %add3A_1189, %mul3A_1198 : vector<16xf32>
          %reduce_sum3A_1200 = arith.constant true
          %reduce_sum3A_1201 = vector.broadcast %reduce_sum3A_1200 : i1 to vector<16xi1>
          %reduce_sum3A_1202 = tpu.scan <sum>, %add3A_1199 masked %reduce_sum3A_1201 : vector<16xf32>, vector<16xi1> -> vector<16xf32>
          %reduce_sum3A_1203 = vector.extract %reduce_sum3A_1202[15] : f32 from vector<16xf32>
          %broadcast_in_dim3A_1204 = vector.broadcast %reduce_sum3A_1203 : f32 to vector<16xf32>
          %select_n3A_1205 = arith.select %eq3A_50, %broadcast_in_dim3A_1204, %select_n3A_1160 : vector<16xi1>, vector<16xf32>
          %mul3A_1206 = arith.constant 9 : i32
          %mul3A_1207 = arith.muli %scan3A_1101, %mul3A_1206 : i32
          %add3A_1208 = arith.constant 2 : i32
          %add3A_1209 = arith.addi %mul3A_1207, %add3A_1208 : i32
          %get3A_1210 = arith.index_cast %add3A_1209 : i32 to index
          %get3A_1211 = arith.constant 0 : index
          %get3A_1212 = tpu.vector_load %arg11[%get3A_1210, %get3A_1211] {strides = array<i32>} : memref<720x64xf32, #tpu.memory_space<vmem>>, vector<16xf32>,
          %sub3A_1213 = arith.subf %get3A_1212, %get3A_1104 : vector<16xf32>
          %mul3A_1214 = arith.mulf %sub3A_1213, %sub3A_1213 : vector<16xf32>
          %mul3A_1215 = arith.constant 9 : i32
          %mul3A_1216 = arith.muli %scan3A_1101, %mul3A_1215 : i32
          %add3A_1217 = arith.constant 2 : i32
          %add3A_1218 = arith.addi %mul3A_1216, %add3A_1217 : i32
          %get3A_1219 = arith.index_cast %add3A_1218 : i32 to index
          %get3A_1220 = arith.constant 16 : index
          %get3A_1221 = tpu.vector_load %arg11[%get3A_1219, %get3A_1220] {strides = array<i32>} : memref<720x64xf32, #tpu.memory_space<vmem>>, vector<16xf32>,
          %sub3A_1222 = arith.subf %get3A_1221, %get3A_1107 : vector<16xf32>
          %mul3A_1223 = arith.mulf %sub3A_1222, %sub3A_1222 : vector<16xf32>
          %add3A_1224 = arith.addf %mul3A_1214, %mul3A_1223 : vector<16xf32>
          %mul3A_1225 = arith.constant 9 : i32
          %mul3A_1226 = arith.muli %scan3A_1101, %mul3A_1225 : i32
          %add3A_1227 = arith.constant 2 : i32
          %add3A_1228 = arith.addi %mul3A_1226, %add3A_1227 : i32
          %get3A_1229 = arith.index_cast %add3A_1228 : i32 to index
          %get3A_1230 = arith.constant 32 : index
          %get3A_1231 = tpu.vector_load %arg11[%get3A_1229, %get3A_1230] {strides = array<i32>} : memref<720x64xf32, #tpu.memory_space<vmem>>, vector<16xf32>,
          %sub3A_1232 = arith.subf %get3A_1231, %get3A_1110 : vector<16xf32>
          %mul3A_1233 = arith.mulf %sub3A_1232, %sub3A_1232 : vector<16xf32>
          %add3A_1234 = arith.addf %add3A_1224, %mul3A_1233 : vector<16xf32>
          %mul3A_1235 = arith.constant 9 : i32
          %mul3A_1236 = arith.muli %scan3A_1101, %mul3A_1235 : i32
          %add3A_1237 = arith.constant 2 : i32
          %add3A_1238 = arith.addi %mul3A_1236, %add3A_1237 : i32
          %get3A_1239 = arith.index_cast %add3A_1238 : i32 to index
          %get3A_1240 = arith.constant 48 : index
          %get3A_1241 = tpu.vector_load %arg11[%get3A_1239, %get3A_1240] {strides = array<i32>} : memref<720x64xf32, #tpu.memory_space<vmem>>, vector<16xf32>,
          %sub3A_1242 = arith.subf %get3A_1241, %get3A_1113 : vector<16xf32>
          %mul3A_1243 = arith.mulf %sub3A_1242, %sub3A_1242 : vector<16xf32>
          %add3A_1244 = arith.addf %add3A_1234, %mul3A_1243 : vector<16xf32>
          %reduce_sum3A_1245 = arith.constant true
          %reduce_sum3A_1246 = vector.broadcast %reduce_sum3A_1245 : i1 to vector<16xi1>
          %reduce_sum3A_1247 = tpu.scan <sum>, %add3A_1244 masked %reduce_sum3A_1246 : vector<16xf32>, vector<16xi1> -> vector<16xf32>
          %reduce_sum3A_1248 = vector.extract %reduce_sum3A_1247[15] : f32 from vector<16xf32>
          %broadcast_in_dim3A_1249 = vector.broadcast %reduce_sum3A_1248 : f32 to vector<16xf32>
          %select_n3A_1250 = arith.select %eq3A_53, %broadcast_in_dim3A_1249, %select_n3A_1205 : vector<16xi1>, vector<16xf32>
          %mul3A_1251 = arith.constant 9 : i32
          %mul3A_1252 = arith.muli %scan3A_1101, %mul3A_1251 : i32
          %add3A_1253 = arith.constant 3 : i32
          %add3A_1254 = arith.addi %mul3A_1252, %add3A_1253 : i32
          %get3A_1255 = arith.index_cast %add3A_1254 : i32 to index
          %get3A_1256 = arith.constant 0 : index
          %get3A_1257 = tpu.vector_load %arg11[%get3A_1255, %get3A_1256] {strides = array<i32>} : memref<720x64xf32, #tpu.memory_space<vmem>>, vector<16xf32>,
          %sub3A_1258 = arith.subf %get3A_1257, %get3A_1104 : vector<16xf32>
          %mul3A_1259 = arith.mulf %sub3A_1258, %sub3A_1258 : vector<16xf32>
          %mul3A_1260 = arith.constant 9 : i32
          %mul3A_1261 = arith.muli %scan3A_1101, %mul3A_1260 : i32
          %add3A_1262 = arith.constant 3 : i32
          %add3A_1263 = arith.addi %mul3A_1261, %add3A_1262 : i32
          %get3A_1264 = arith.index_cast %add3A_1263 : i32 to index
          %get3A_1265 = arith.constant 16 : index
          %get3A_1266 = tpu.vector_load %arg11[%get3A_1264, %get3A_1265] {strides = array<i32>} : memref<720x64xf32, #tpu.memory_space<vmem>>, vector<16xf32>,
          %sub3A_1267 = arith.subf %get3A_1266, %get3A_1107 : vector<16xf32>
          %mul3A_1268 = arith.mulf %sub3A_1267, %sub3A_1267 : vector<16xf32>
          %add3A_1269 = arith.addf %mul3A_1259, %mul3A_1268 : vector<16xf32>
          %mul3A_1270 = arith.constant 9 : i32
          %mul3A_1271 = arith.muli %scan3A_1101, %mul3A_1270 : i32
          %add3A_1272 = arith.constant 3 : i32
          %add3A_1273 = arith.addi %mul3A_1271, %add3A_1272 : i32
          %get3A_1274 = arith.index_cast %add3A_1273 : i32 to index
          %get3A_1275 = arith.constant 32 : index
          %get3A_1276 = tpu.vector_load %arg11[%get3A_1274, %get3A_1275] {strides = array<i32>} : memref<720x64xf32, #tpu.memory_space<vmem>>, vector<16xf32>,
          %sub3A_1277 = arith.subf %get3A_1276, %get3A_1110 : vector<16xf32>
          %mul3A_1278 = arith.mulf %sub3A_1277, %sub3A_1277 : vector<16xf32>
          %add3A_1279 = arith.addf %add3A_1269, %mul3A_1278 : vector<16xf32>
          %mul3A_1280 = arith.constant 9 : i32
          %mul3A_1281 = arith.muli %scan3A_1101, %mul3A_1280 : i32
          %add3A_1282 = arith.constant 3 : i32
          %add3A_1283 = arith.addi %mul3A_1281, %add3A_1282 : i32
          %get3A_1284 = arith.index_cast %add3A_1283 : i32 to index
          %get3A_1285 = arith.constant 48 : index
          %get3A_1286 = tpu.vector_load %arg11[%get3A_1284, %get3A_1285] {strides = array<i32>} : memref<720x64xf32, #tpu.memory_space<vmem>>, vector<16xf32>,
          %sub3A_1287 = arith.subf %get3A_1286, %get3A_1113 : vector<16xf32>
          %mul3A_1288 = arith.mulf %sub3A_1287, %sub3A_1287 : vector<16xf32>
          %add3A_1289 = arith.addf %add3A_1279, %mul3A_1288 : vector<16xf32>
          %reduce_sum3A_1290 = arith.constant true
          %reduce_sum3A_1291 = vector.broadcast %reduce_sum3A_1290 : i1 to vector<16xi1>
          %reduce_sum3A_1292 = tpu.scan <sum>, %add3A_1289 masked %reduce_sum3A_1291 : vector<16xf32>, vector<16xi1> -> vector<16xf32>
          %reduce_sum3A_1293 = vector.extract %reduce_sum3A_1292[15] : f32 from vector<16xf32>
          %broadcast_in_dim3A_1294 = vector.broadcast %reduce_sum3A_1293 : f32 to vector<16xf32>
          %select_n3A_1295 = arith.select %eq3A_56, %broadcast_in_dim3A_1294, %select_n3A_1250 : vector<16xi1>, vector<16xf32>
          %mul3A_1296 = arith.constant 9 : i32
          %mul3A_1297 = arith.muli %scan3A_1101, %mul3A_1296 : i32
          %add3A_1298 = arith.constant 4 : i32
          %add3A_1299 = arith.addi %mul3A_1297, %add3A_1298 : i32
          %get3A_1300 = arith.index_cast %add3A_1299 : i32 to index
          %get3A_1301 = arith.constant 0 : index
          %get3A_1302 = tpu.vector_load %arg11[%get3A_1300, %get3A_1301] {strides = array<i32>} : memref<720x64xf32, #tpu.memory_space<vmem>>, vector<16xf32>,
          %sub3A_1303 = arith.subf %get3A_1302, %get3A_1104 : vector<16xf32>
          %mul3A_1304 = arith.mulf %sub3A_1303, %sub3A_1303 : vector<16xf32>
          %mul3A_1305 = arith.constant 9 : i32
          %mul3A_1306 = arith.muli %scan3A_1101, %mul3A_1305 : i32
          %add3A_1307 = arith.constant 4 : i32
          %add3A_1308 = arith.addi %mul3A_1306, %add3A_1307 : i32
          %get3A_1309 = arith.index_cast %add3A_1308 : i32 to index
          %get3A_1310 = arith.constant 16 : index
          %get3A_1311 = tpu.vector_load %arg11[%get3A_1309, %get3A_1310] {strides = array<i32>} : memref<720x64xf32, #tpu.memory_space<vmem>>, vector<16xf32>,
          %sub3A_1312 = arith.subf %get3A_1311, %get3A_1107 : vector<16xf32>
          %mul3A_1313 = arith.mulf %sub3A_1312, %sub3A_1312 : vector<16xf32>
          %add3A_1314 = arith.addf %mul3A_1304, %mul3A_1313 : vector<16xf32>
          %mul3A_1315 = arith.constant 9 : i32
          %mul3A_1316 = arith.muli %scan3A_1101, %mul3A_1315 : i32
          %add3A_1317 = arith.constant 4 : i32
          %add3A_1318 = arith.addi %mul3A_1316, %add3A_1317 : i32
          %get3A_1319 = arith.index_cast %add3A_1318 : i32 to index
          %get3A_1320 = arith.constant 32 : index
          %get3A_1321 = tpu.vector_load %arg11[%get3A_1319, %get3A_1320] {strides = array<i32>} : memref<720x64xf32, #tpu.memory_space<vmem>>, vector<16xf32>,
          %sub3A_1322 = arith.subf %get3A_1321, %get3A_1110 : vector<16xf32>
          %mul3A_1323 = arith.mulf %sub3A_1322, %sub3A_1322 : vector<16xf32>
          %add3A_1324 = arith.addf %add3A_1314, %mul3A_1323 : vector<16xf32>
          %mul3A_1325 = arith.constant 9 : i32
          %mul3A_1326 = arith.muli %scan3A_1101, %mul3A_1325 : i32
          %add3A_1327 = arith.constant 4 : i32
          %add3A_1328 = arith.addi %mul3A_1326, %add3A_1327 : i32
          %get3A_1329 = arith.index_cast %add3A_1328 : i32 to index
          %get3A_1330 = arith.constant 48 : index
          %get3A_1331 = tpu.vector_load %arg11[%get3A_1329, %get3A_1330] {strides = array<i32>} : memref<720x64xf32, #tpu.memory_space<vmem>>, vector<16xf32>,
          %sub3A_1332 = arith.subf %get3A_1331, %get3A_1113 : vector<16xf32>
          %mul3A_1333 = arith.mulf %sub3A_1332, %sub3A_1332 : vector<16xf32>
          %add3A_1334 = arith.addf %add3A_1324, %mul3A_1333 : vector<16xf32>
          %reduce_sum3A_1335 = arith.constant true
          %reduce_sum3A_1336 = vector.broadcast %reduce_sum3A_1335 : i1 to vector<16xi1>
          %reduce_sum3A_1337 = tpu.scan <sum>, %add3A_1334 masked %reduce_sum3A_1336 : vector<16xf32>, vector<16xi1> -> vector<16xf32>
          %reduce_sum3A_1338 = vector.extract %reduce_sum3A_1337[15] : f32 from vector<16xf32>
          %broadcast_in_dim3A_1339 = vector.broadcast %reduce_sum3A_1338 : f32 to vector<16xf32>
          %select_n3A_1340 = arith.select %eq3A_59, %broadcast_in_dim3A_1339, %select_n3A_1295 : vector<16xi1>, vector<16xf32>
          %mul3A_1341 = arith.constant 9 : i32
          %mul3A_1342 = arith.muli %scan3A_1101, %mul3A_1341 : i32
          %add3A_1343 = arith.constant 5 : i32
          %add3A_1344 = arith.addi %mul3A_1342, %add3A_1343 : i32
          %get3A_1345 = arith.index_cast %add3A_1344 : i32 to index
          %get3A_1346 = arith.constant 0 : index
          %get3A_1347 = tpu.vector_load %arg11[%get3A_1345, %get3A_1346] {strides = array<i32>} : memref<720x64xf32, #tpu.memory_space<vmem>>, vector<16xf32>,
          %sub3A_1348 = arith.subf %get3A_1347, %get3A_1104 : vector<16xf32>
          %mul3A_1349 = arith.mulf %sub3A_1348, %sub3A_1348 : vector<16xf32>
          %mul3A_1350 = arith.constant 9 : i32
          %mul3A_1351 = arith.muli %scan3A_1101, %mul3A_1350 : i32
          %add3A_1352 = arith.constant 5 : i32
          %add3A_1353 = arith.addi %mul3A_1351, %add3A_1352 : i32
          %get3A_1354 = arith.index_cast %add3A_1353 : i32 to index
          %get3A_1355 = arith.constant 16 : index
          %get3A_1356 = tpu.vector_load %arg11[%get3A_1354, %get3A_1355] {strides = array<i32>} : memref<720x64xf32, #tpu.memory_space<vmem>>, vector<16xf32>,
          %sub3A_1357 = arith.subf %get3A_1356, %get3A_1107 : vector<16xf32>
          %mul3A_1358 = arith.mulf %sub3A_1357, %sub3A_1357 : vector<16xf32>
          %add3A_1359 = arith.addf %mul3A_1349, %mul3A_1358 : vector<16xf32>
          %mul3A_1360 = arith.constant 9 : i32
          %mul3A_1361 = arith.muli %scan3A_1101, %mul3A_1360 : i32
          %add3A_1362 = arith.constant 5 : i32
          %add3A_1363 = arith.addi %mul3A_1361, %add3A_1362 : i32
          %get3A_1364 = arith.index_cast %add3A_1363 : i32 to index
          %get3A_1365 = arith.constant 32 : index
          %get3A_1366 = tpu.vector_load %arg11[%get3A_1364, %get3A_1365] {strides = array<i32>} : memref<720x64xf32, #tpu.memory_space<vmem>>, vector<16xf32>,
          %sub3A_1367 = arith.subf %get3A_1366, %get3A_1110 : vector<16xf32>
          %mul3A_1368 = arith.mulf %sub3A_1367, %sub3A_1367 : vector<16xf32>
          %add3A_1369 = arith.addf %add3A_1359, %mul3A_1368 : vector<16xf32>
          %mul3A_1370 = arith.constant 9 : i32
          %mul3A_1371 = arith.muli %scan3A_1101, %mul3A_1370 : i32
          %add3A_1372 = arith.constant 5 : i32
          %add3A_1373 = arith.addi %mul3A_1371, %add3A_1372 : i32
          %get3A_1374 = arith.index_cast %add3A_1373 : i32 to index
          %get3A_1375 = arith.constant 48 : index
          %get3A_1376 = tpu.vector_load %arg11[%get3A_1374, %get3A_1375] {strides = array<i32>} : memref<720x64xf32, #tpu.memory_space<vmem>>, vector<16xf32>,
          %sub3A_1377 = arith.subf %get3A_1376, %get3A_1113 : vector<16xf32>
          %mul3A_1378 = arith.mulf %sub3A_1377, %sub3A_1377 : vector<16xf32>
          %add3A_1379 = arith.addf %add3A_1369, %mul3A_1378 : vector<16xf32>
          %reduce_sum3A_1380 = arith.constant true
          %reduce_sum3A_1381 = vector.broadcast %reduce_sum3A_1380 : i1 to vector<16xi1>
          %reduce_sum3A_1382 = tpu.scan <sum>, %add3A_1379 masked %reduce_sum3A_1381 : vector<16xf32>, vector<16xi1> -> vector<16xf32>
          %reduce_sum3A_1383 = vector.extract %reduce_sum3A_1382[15] : f32 from vector<16xf32>
          %broadcast_in_dim3A_1384 = vector.broadcast %reduce_sum3A_1383 : f32 to vector<16xf32>
          %select_n3A_1385 = arith.select %eq3A_62, %broadcast_in_dim3A_1384, %select_n3A_1340 : vector<16xi1>, vector<16xf32>
          %mul3A_1386 = arith.constant 9 : i32
          %mul3A_1387 = arith.muli %scan3A_1101, %mul3A_1386 : i32
          %add3A_1388 = arith.constant 6 : i32
          %add3A_1389 = arith.addi %mul3A_1387, %add3A_1388 : i32
          %get3A_1390 = arith.index_cast %add3A_1389 : i32 to index
          %get3A_1391 = arith.constant 0 : index
          %get3A_1392 = tpu.vector_load %arg11[%get3A_1390, %get3A_1391] {strides = array<i32>} : memref<720x64xf32, #tpu.memory_space<vmem>>, vector<16xf32>,
          %sub3A_1393 = arith.subf %get3A_1392, %get3A_1104 : vector<16xf32>
          %mul3A_1394 = arith.mulf %sub3A_1393, %sub3A_1393 : vector<16xf32>
          %mul3A_1395 = arith.constant 9 : i32
          %mul3A_1396 = arith.muli %scan3A_1101, %mul3A_1395 : i32
          %add3A_1397 = arith.constant 6 : i32
          %add3A_1398 = arith.addi %mul3A_1396, %add3A_1397 : i32
          %get3A_1399 = arith.index_cast %add3A_1398 : i32 to index
          %get3A_1400 = arith.constant 16 : index
          %get3A_1401 = tpu.vector_load %arg11[%get3A_1399, %get3A_1400] {strides = array<i32>} : memref<720x64xf32, #tpu.memory_space<vmem>>, vector<16xf32>,
          %sub3A_1402 = arith.subf %get3A_1401, %get3A_1107 : vector<16xf32>
          %mul3A_1403 = arith.mulf %sub3A_1402, %sub3A_1402 : vector<16xf32>
          %add3A_1404 = arith.addf %mul3A_1394, %mul3A_1403 : vector<16xf32>
          %mul3A_1405 = arith.constant 9 : i32
          %mul3A_1406 = arith.muli %scan3A_1101, %mul3A_1405 : i32
          %add3A_1407 = arith.constant 6 : i32
          %add3A_1408 = arith.addi %mul3A_1406, %add3A_1407 : i32
          %get3A_1409 = arith.index_cast %add3A_1408 : i32 to index
          %get3A_1410 = arith.constant 32 : index
          %get3A_1411 = tpu.vector_load %arg11[%get3A_1409, %get3A_1410] {strides = array<i32>} : memref<720x64xf32, #tpu.memory_space<vmem>>, vector<16xf32>,
          %sub3A_1412 = arith.subf %get3A_1411, %get3A_1110 : vector<16xf32>
          %mul3A_1413 = arith.mulf %sub3A_1412, %sub3A_1412 : vector<16xf32>
          %add3A_1414 = arith.addf %add3A_1404, %mul3A_1413 : vector<16xf32>
          %mul3A_1415 = arith.constant 9 : i32
          %mul3A_1416 = arith.muli %scan3A_1101, %mul3A_1415 : i32
          %add3A_1417 = arith.constant 6 : i32
          %add3A_1418 = arith.addi %mul3A_1416, %add3A_1417 : i32
          %get3A_1419 = arith.index_cast %add3A_1418 : i32 to index
          %get3A_1420 = arith.constant 48 : index
          %get3A_1421 = tpu.vector_load %arg11[%get3A_1419, %get3A_1420] {strides = array<i32>} : memref<720x64xf32, #tpu.memory_space<vmem>>, vector<16xf32>,
          %sub3A_1422 = arith.subf %get3A_1421, %get3A_1113 : vector<16xf32>
          %mul3A_1423 = arith.mulf %sub3A_1422, %sub3A_1422 : vector<16xf32>
          %add3A_1424 = arith.addf %add3A_1414, %mul3A_1423 : vector<16xf32>
          %reduce_sum3A_1425 = arith.constant true
          %reduce_sum3A_1426 = vector.broadcast %reduce_sum3A_1425 : i1 to vector<16xi1>
          %reduce_sum3A_1427 = tpu.scan <sum>, %add3A_1424 masked %reduce_sum3A_1426 : vector<16xf32>, vector<16xi1> -> vector<16xf32>
          %reduce_sum3A_1428 = vector.extract %reduce_sum3A_1427[15] : f32 from vector<16xf32>
          %broadcast_in_dim3A_1429 = vector.broadcast %reduce_sum3A_1428 : f32 to vector<16xf32>
          %select_n3A_1430 = arith.select %eq3A_65, %broadcast_in_dim3A_1429, %select_n3A_1385 : vector<16xi1>, vector<16xf32>
          %mul3A_1431 = arith.constant 9 : i32
          %mul3A_1432 = arith.muli %scan3A_1101, %mul3A_1431 : i32
          %add3A_1433 = arith.constant 7 : i32
          %add3A_1434 = arith.addi %mul3A_1432, %add3A_1433 : i32
          %get3A_1435 = arith.index_cast %add3A_1434 : i32 to index
          %get3A_1436 = arith.constant 0 : index
          %get3A_1437 = tpu.vector_load %arg11[%get3A_1435, %get3A_1436] {strides = array<i32>} : memref<720x64xf32, #tpu.memory_space<vmem>>, vector<16xf32>,
          %sub3A_1438 = arith.subf %get3A_1437, %get3A_1104 : vector<16xf32>
          %mul3A_1439 = arith.mulf %sub3A_1438, %sub3A_1438 : vector<16xf32>
          %mul3A_1440 = arith.constant 9 : i32
          %mul3A_1441 = arith.muli %scan3A_1101, %mul3A_1440 : i32
          %add3A_1442 = arith.constant 7 : i32
          %add3A_1443 = arith.addi %mul3A_1441, %add3A_1442 : i32
          %get3A_1444 = arith.index_cast %add3A_1443 : i32 to index
          %get3A_1445 = arith.constant 16 : index
          %get3A_1446 = tpu.vector_load %arg11[%get3A_1444, %get3A_1445] {strides = array<i32>} : memref<720x64xf32, #tpu.memory_space<vmem>>, vector<16xf32>,
          %sub3A_1447 = arith.subf %get3A_1446, %get3A_1107 : vector<16xf32>
          %mul3A_1448 = arith.mulf %sub3A_1447, %sub3A_1447 : vector<16xf32>
          %add3A_1449 = arith.addf %mul3A_1439, %mul3A_1448 : vector<16xf32>
          %mul3A_1450 = arith.constant 9 : i32
          %mul3A_1451 = arith.muli %scan3A_1101, %mul3A_1450 : i32
          %add3A_1452 = arith.constant 7 : i32
          %add3A_1453 = arith.addi %mul3A_1451, %add3A_1452 : i32
          %get3A_1454 = arith.index_cast %add3A_1453 : i32 to index
          %get3A_1455 = arith.constant 32 : index
          %get3A_1456 = tpu.vector_load %arg11[%get3A_1454, %get3A_1455] {strides = array<i32>} : memref<720x64xf32, #tpu.memory_space<vmem>>, vector<16xf32>,
          %sub3A_1457 = arith.subf %get3A_1456, %get3A_1110 : vector<16xf32>
          %mul3A_1458 = arith.mulf %sub3A_1457, %sub3A_1457 : vector<16xf32>
          %add3A_1459 = arith.addf %add3A_1449, %mul3A_1458 : vector<16xf32>
          %mul3A_1460 = arith.constant 9 : i32
          %mul3A_1461 = arith.muli %scan3A_1101, %mul3A_1460 : i32
          %add3A_1462 = arith.constant 7 : i32
          %add3A_1463 = arith.addi %mul3A_1461, %add3A_1462 : i32
          %get3A_1464 = arith.index_cast %add3A_1463 : i32 to index
          %get3A_1465 = arith.constant 48 : index
          %get3A_1466 = tpu.vector_load %arg11[%get3A_1464, %get3A_1465] {strides = array<i32>} : memref<720x64xf32, #tpu.memory_space<vmem>>, vector<16xf32>,
          %sub3A_1467 = arith.subf %get3A_1466, %get3A_1113 : vector<16xf32>
          %mul3A_1468 = arith.mulf %sub3A_1467, %sub3A_1467 : vector<16xf32>
          %add3A_1469 = arith.addf %add3A_1459, %mul3A_1468 : vector<16xf32>
          %reduce_sum3A_1470 = arith.constant true
          %reduce_sum3A_1471 = vector.broadcast %reduce_sum3A_1470 : i1 to vector<16xi1>
          %reduce_sum3A_1472 = tpu.scan <sum>, %add3A_1469 masked %reduce_sum3A_1471 : vector<16xf32>, vector<16xi1> -> vector<16xf32>
          %reduce_sum3A_1473 = vector.extract %reduce_sum3A_1472[15] : f32 from vector<16xf32>
          %broadcast_in_dim3A_1474 = vector.broadcast %reduce_sum3A_1473 : f32 to vector<16xf32>
          %select_n3A_1475 = arith.select %eq3A_68, %broadcast_in_dim3A_1474, %select_n3A_1430 : vector<16xi1>, vector<16xf32>
          %mul3A_1476 = arith.constant 9 : i32
          %mul3A_1477 = arith.muli %scan3A_1101, %mul3A_1476 : i32
          %add3A_1478 = arith.constant 8 : i32
          %add3A_1479 = arith.addi %mul3A_1477, %add3A_1478 : i32
          %get3A_1480 = arith.index_cast %add3A_1479 : i32 to index
          %get3A_1481 = arith.constant 0 : index
          %get3A_1482 = tpu.vector_load %arg11[%get3A_1480, %get3A_1481] {strides = array<i32>} : memref<720x64xf32, #tpu.memory_space<vmem>>, vector<16xf32>,
          %sub3A_1483 = arith.subf %get3A_1482, %get3A_1104 : vector<16xf32>
          %mul3A_1484 = arith.mulf %sub3A_1483, %sub3A_1483 : vector<16xf32>
          %mul3A_1485 = arith.constant 9 : i32
          %mul3A_1486 = arith.muli %scan3A_1101, %mul3A_1485 : i32
          %add3A_1487 = arith.constant 8 : i32
          %add3A_1488 = arith.addi %mul3A_1486, %add3A_1487 : i32
          %get3A_1489 = arith.index_cast %add3A_1488 : i32 to index
          %get3A_1490 = arith.constant 16 : index
          %get3A_1491 = tpu.vector_load %arg11[%get3A_1489, %get3A_1490] {strides = array<i32>} : memref<720x64xf32, #tpu.memory_space<vmem>>, vector<16xf32>,
          %sub3A_1492 = arith.subf %get3A_1491, %get3A_1107 : vector<16xf32>
          %mul3A_1493 = arith.mulf %sub3A_1492, %sub3A_1492 : vector<16xf32>
          %add3A_1494 = arith.addf %mul3A_1484, %mul3A_1493 : vector<16xf32>
          %mul3A_1495 = arith.constant 9 : i32
          %mul3A_1496 = arith.muli %scan3A_1101, %mul3A_1495 : i32
          %add3A_1497 = arith.constant 8 : i32
          %add3A_1498 = arith.addi %mul3A_1496, %add3A_1497 : i32
          %get3A_1499 = arith.index_cast %add3A_1498 : i32 to index
          %get3A_1500 = arith.constant 32 : index
          %get3A_1501 = tpu.vector_load %arg11[%get3A_1499, %get3A_1500] {strides = array<i32>} : memref<720x64xf32, #tpu.memory_space<vmem>>, vector<16xf32>,
          %sub3A_1502 = arith.subf %get3A_1501, %get3A_1110 : vector<16xf32>
          %mul3A_1503 = arith.mulf %sub3A_1502, %sub3A_1502 : vector<16xf32>
          %add3A_1504 = arith.addf %add3A_1494, %mul3A_1503 : vector<16xf32>
          %mul3A_1505 = arith.constant 9 : i32
          %mul3A_1506 = arith.muli %scan3A_1101, %mul3A_1505 : i32
          %add3A_1507 = arith.constant 8 : i32
          %add3A_1508 = arith.addi %mul3A_1506, %add3A_1507 : i32
          %get3A_1509 = arith.index_cast %add3A_1508 : i32 to index
          %get3A_1510 = arith.constant 48 : index
          %get3A_1511 = tpu.vector_load %arg11[%get3A_1509, %get3A_1510] {strides = array<i32>} : memref<720x64xf32, #tpu.memory_space<vmem>>, vector<16xf32>,
          %sub3A_1512 = arith.subf %get3A_1511, %get3A_1113 : vector<16xf32>
          %mul3A_1513 = arith.mulf %sub3A_1512, %sub3A_1512 : vector<16xf32>
          %add3A_1514 = arith.addf %add3A_1504, %mul3A_1513 : vector<16xf32>
          %reduce_sum3A_1515 = arith.constant true
          %reduce_sum3A_1516 = vector.broadcast %reduce_sum3A_1515 : i1 to vector<16xi1>
          %reduce_sum3A_1517 = tpu.scan <sum>, %add3A_1514 masked %reduce_sum3A_1516 : vector<16xf32>, vector<16xi1> -> vector<16xf32>
          %reduce_sum3A_1518 = vector.extract %reduce_sum3A_1517[15] : f32 from vector<16xf32>
          %broadcast_in_dim3A_1519 = vector.broadcast %reduce_sum3A_1518 : f32 to vector<16xf32>
          %select_n3A_1520 = arith.select %eq3A_71, %broadcast_in_dim3A_1519, %select_n3A_1475 : vector<16xi1>, vector<16xf32>
          %bitcast_convert_type3A_1521 = tpu.bitcast %select_n3A_1520 : vector<16xf32> -> vector<16xi32>
          %shift_right_arithmetic3A_1522 = arith.constant 1 : i32
          %shift_right_arithmetic3A_1523 = vector.broadcast %shift_right_arithmetic3A_1522 : i32 to vector<16xi32>
          %shift_right_arithmetic3A_1524 = arith.shrsi %bitcast_convert_type3A_1521, %shift_right_arithmetic3A_1523 : vector<16xi32>
          %sub3A_1525 = arith.constant 1597463007 : i32
          %sub3A_1526 = vector.broadcast %sub3A_1525 : i32 to vector<16xi32>
          %sub3A_1527 = arith.subi %sub3A_1526, %shift_right_arithmetic3A_1524 : vector<16xi32>
          %bitcast_convert_type3A_1528 = tpu.bitcast %sub3A_1527 : vector<16xi32> -> vector<16xf32>
          %mul3A_1529 = arith.constant 5.000000e-01 : f32
          %mul3A_1530 = vector.broadcast %mul3A_1529 : f32 to vector<16xf32>
          %mul3A_1531 = arith.mulf %mul3A_1530, %select_n3A_1520 : vector<16xf32>
          %mul3A_1532 = arith.mulf %mul3A_1531, %bitcast_convert_type3A_1528 : vector<16xf32>
          %mul3A_1533 = arith.mulf %mul3A_1532, %bitcast_convert_type3A_1528 : vector<16xf32>
          %sub3A_1534 = arith.constant 1.500000e+00 : f32
          %sub3A_1535 = vector.broadcast %sub3A_1534 : f32 to vector<16xf32>
          %sub3A_1536 = arith.subf %sub3A_1535, %mul3A_1533 : vector<16xf32>
          %mul3A_1537 = arith.mulf %bitcast_convert_type3A_1528, %sub3A_1536 : vector<16xf32>
          %mul3A_1538 = arith.mulf %mul3A_1531, %mul3A_1537 : vector<16xf32>
          %mul3A_1539 = arith.mulf %mul3A_1538, %mul3A_1537 : vector<16xf32>
          %sub3A_1540 = arith.constant 1.500000e+00 : f32
          %sub3A_1541 = vector.broadcast %sub3A_1540 : f32 to vector<16xf32>
          %sub3A_1542 = arith.subf %sub3A_1541, %mul3A_1539 : vector<16xf32>
          %mul3A_1543 = arith.mulf %mul3A_1537, %sub3A_1542 : vector<16xf32>
          %mul3A_1544 = arith.mulf %select_n3A_1520, %mul3A_1543 : vector<16xf32>
          %gather3A_1545 = vector.shape_cast %broadcast_in_dim3A : vector<16x1xi32> to vector<16xi32>
          %gather3A_1546 = tpu.dynamic_gather %mul3A_1544[%gather3A_1545] in [0] : vector<16xf32>, vector<16xi32> -> vector<16xf32>
          %add3A_1547 = arith.addf %mul3A_1544, %gather3A_1546 : vector<16xf32>
          %gather3A_1548 = vector.shape_cast %broadcast_in_dim3A_19 : vector<16x1xi32> to vector<16xi32>
          %gather3A_1549 = tpu.dynamic_gather %add3A_1547[%gather3A_1548] in [0] : vector<16xf32>, vector<16xi32> -> vector<16xf32>
          %add3A_1550 = arith.addf %add3A_1547, %gather3A_1549 : vector<16xf32>
          %gather3A_1551 = vector.shape_cast %broadcast_in_dim3A_23 : vector<16x1xi32> to vector<16xi32>
          %gather3A_1552 = tpu.dynamic_gather %add3A_1550[%gather3A_1551] in [0] : vector<16xf32>, vector<16xi32> -> vector<16xf32>
          %add3A_1553 = arith.addf %add3A_1550, %gather3A_1552 : vector<16xf32>
          %gather3A_1554 = vector.shape_cast %broadcast_in_dim3A_27 : vector<16x1xi32> to vector<16xi32>
          %gather3A_1555 = tpu.dynamic_gather %add3A_1553[%gather3A_1554] in [0] : vector<16xf32>, vector<16xi32> -> vector<16xf32>
          %add3A_1556 = arith.addf %add3A_1553, %gather3A_1555 : vector<16xf32>
          %mul3A_1557 = arith.mulf %get3A_1, %add3A_1556 : vector<16xf32>
          %div3A_1558 = arith.divf %get3A_3, %add3A_1556 : vector<16xf32>
          %min3A_1559 = arith.minimumf %mul3A_1544, %mul3A_1557 : vector<16xf32>
          %sub3A_1560 = arith.subf %mul3A_1557, %min3A_1559 : vector<16xf32>
          %mul3A_1561 = arith.mulf %sub3A_1560, %div3A_1558 : vector<16xf32>
          %broadcast_in_dim3A_1562 = arith.constant 1 : i32
          %broadcast_in_dim3A_1563 = vector.broadcast %broadcast_in_dim3A_1562 : i32 to vector<16xi32>
          %mul3A_1564 = vector.broadcast %scan3A_1101 : i32 to vector<16xi32>
          %mul3A_1565 = arith.muli %broadcast_in_dim3A_1563, %mul3A_1564 : vector<16xi32>
          tpu.vector_store_idx %arg17[%mul3A_1565, %iota3A], %mul3A_1561 masked %lt3A_13 : memref<80x9xf32, #tpu.memory_space<vmem>>[vector<16xi32>, vector<16xi32>], vector<16xf32>, vector<16xi1>
          %gather3A_1566 = vector.shape_cast %broadcast_in_dim3A_29 : vector<16x1xi32> to vector<16xi32>
          %gather3A_1567 = tpu.dynamic_gather %mul3A_1561[%gather3A_1566] in [0] : vector<16xf32>, vector<16xi32> -> vector<16xf32>
          %mul3A_1568 = arith.constant 9 : i32
          %mul3A_1569 = arith.muli %scan3A_1101, %mul3A_1568 : i32
          %add3A_1570 = arith.constant 0 : i32
          %add3A_1571 = arith.addi %mul3A_1569, %add3A_1570 : i32
          %get3A_1572 = arith.index_cast %add3A_1571 : i32 to index
          %get3A_1573 = arith.constant 0 : index
          %get3A_1574 = tpu.vector_load %arg11[%get3A_1572, %get3A_1573] {strides = array<i32>} : memref<720x64xf32, #tpu.memory_space<vmem>>, vector<16xf32>,
          %mul3A_1575 = arith.mulf %get3A_1574, %gather3A_1567 : vector<16xf32>
          %add3A_1576 = arith.addf %get3A_5, %mul3A_1575 : vector<16xf32>
          %mul3A_1577 = arith.constant 9 : i32
          %mul3A_1578 = arith.muli %scan3A_1101, %mul3A_1577 : i32
          %add3A_1579 = arith.constant 0 : i32
          %add3A_1580 = arith.addi %mul3A_1578, %add3A_1579 : i32
          %get3A_1581 = arith.index_cast %add3A_1580 : i32 to index
          %get3A_1582 = arith.constant 16 : index
          %get3A_1583 = tpu.vector_load %arg11[%get3A_1581, %get3A_1582] {strides = array<i32>} : memref<720x64xf32, #tpu.memory_space<vmem>>, vector<16xf32>,
          %mul3A_1584 = arith.mulf %get3A_1583, %gather3A_1567 : vector<16xf32>
          %add3A_1585 = arith.addf %get3A_7, %mul3A_1584 : vector<16xf32>
          %mul3A_1586 = arith.constant 9 : i32
          %mul3A_1587 = arith.muli %scan3A_1101, %mul3A_1586 : i32
          %add3A_1588 = arith.constant 0 : i32
          %add3A_1589 = arith.addi %mul3A_1587, %add3A_1588 : i32
          %get3A_1590 = arith.index_cast %add3A_1589 : i32 to index
          %get3A_1591 = arith.constant 32 : index
          %get3A_1592 = tpu.vector_load %arg11[%get3A_1590, %get3A_1591] {strides = array<i32>} : memref<720x64xf32, #tpu.memory_space<vmem>>, vector<16xf32>,
          %mul3A_1593 = arith.mulf %get3A_1592, %gather3A_1567 : vector<16xf32>
          %add3A_1594 = arith.addf %get3A_9, %mul3A_1593 : vector<16xf32>
          %mul3A_1595 = arith.constant 9 : i32
          %mul3A_1596 = arith.muli %scan3A_1101, %mul3A_1595 : i32
          %add3A_1597 = arith.constant 0 : i32
          %add3A_1598 = arith.addi %mul3A_1596, %add3A_1597 : i32
          %get3A_1599 = arith.index_cast %add3A_1598 : i32 to index
          %get3A_1600 = arith.constant 48 : index
          %get3A_1601 = tpu.vector_load %arg11[%get3A_1599, %get3A_1600] {strides = array<i32>} : memref<720x64xf32, #tpu.memory_space<vmem>>, vector<16xf32>,
          %mul3A_1602 = arith.mulf %get3A_1601, %gather3A_1567 : vector<16xf32>
          %add3A_1603 = arith.addf %get3A_11, %mul3A_1602 : vector<16xf32>
          %gather3A_1604 = vector.shape_cast %broadcast_in_dim3A_31 : vector<16x1xi32> to vector<16xi32>
          %gather3A_1605 = tpu.dynamic_gather %mul3A_1561[%gather3A_1604] in [0] : vector<16xf32>, vector<16xi32> -> vector<16xf32>
          %mul3A_1606 = arith.constant 9 : i32
          %mul3A_1607 = arith.muli %scan3A_1101, %mul3A_1606 : i32
          %add3A_1608 = arith.constant 1 : i32
          %add3A_1609 = arith.addi %mul3A_1607, %add3A_1608 : i32
          %get3A_1610 = arith.index_cast %add3A_1609 : i32 to index
          %get3A_1611 = arith.constant 0 : index
          %get3A_1612 = tpu.vector_load %arg11[%get3A_1610, %get3A_1611] {strides = array<i32>} : memref<720x64xf32, #tpu.memory_space<vmem>>, vector<16xf32>,
          %mul3A_1613 = arith.mulf %get3A_1612, %gather3A_1605 : vector<16xf32>
          %add3A_1614 = arith.addf %add3A_1576, %mul3A_1613 : vector<16xf32>
          %mul3A_1615 = arith.constant 9 : i32
          %mul3A_1616 = arith.muli %scan3A_1101, %mul3A_1615 : i32
          %add3A_1617 = arith.constant 1 : i32
          %add3A_1618 = arith.addi %mul3A_1616, %add3A_1617 : i32
          %get3A_1619 = arith.index_cast %add3A_1618 : i32 to index
          %get3A_1620 = arith.constant 16 : index
          %get3A_1621 = tpu.vector_load %arg11[%get3A_1619, %get3A_1620] {strides = array<i32>} : memref<720x64xf32, #tpu.memory_space<vmem>>, vector<16xf32>,
          %mul3A_1622 = arith.mulf %get3A_1621, %gather3A_1605 : vector<16xf32>
          %add3A_1623 = arith.addf %add3A_1585, %mul3A_1622 : vector<16xf32>
          %mul3A_1624 = arith.constant 9 : i32
          %mul3A_1625 = arith.muli %scan3A_1101, %mul3A_1624 : i32
          %add3A_1626 = arith.constant 1 : i32
          %add3A_1627 = arith.addi %mul3A_1625, %add3A_1626 : i32
          %get3A_1628 = arith.index_cast %add3A_1627 : i32 to index
          %get3A_1629 = arith.constant 32 : index
          %get3A_1630 = tpu.vector_load %arg11[%get3A_1628, %get3A_1629] {strides = array<i32>} : memref<720x64xf32, #tpu.memory_space<vmem>>, vector<16xf32>,
          %mul3A_1631 = arith.mulf %get3A_1630, %gather3A_1605 : vector<16xf32>
          %add3A_1632 = arith.addf %add3A_1594, %mul3A_1631 : vector<16xf32>
          %mul3A_1633 = arith.constant 9 : i32
          %mul3A_1634 = arith.muli %scan3A_1101, %mul3A_1633 : i32
          %add3A_1635 = arith.constant 1 : i32
          %add3A_1636 = arith.addi %mul3A_1634, %add3A_1635 : i32
          %get3A_1637 = arith.index_cast %add3A_1636 : i32 to index
          %get3A_1638 = arith.constant 48 : index
          %get3A_1639 = tpu.vector_load %arg11[%get3A_1637, %get3A_1638] {strides = array<i32>} : memref<720x64xf32, #tpu.memory_space<vmem>>, vector<16xf32>,
          %mul3A_1640 = arith.mulf %get3A_1639, %gather3A_1605 : vector<16xf32>
          %add3A_1641 = arith.addf %add3A_1603, %mul3A_1640 : vector<16xf32>
          %gather3A_1642 = vector.shape_cast %broadcast_in_dim3A_33 : vector<16x1xi32> to vector<16xi32>
          %gather3A_1643 = tpu.dynamic_gather %mul3A_1561[%gather3A_1642] in [0] : vector<16xf32>, vector<16xi32> -> vector<16xf32>
          %mul3A_1644 = arith.constant 9 : i32
          %mul3A_1645 = arith.muli %scan3A_1101, %mul3A_1644 : i32
          %add3A_1646 = arith.constant 2 : i32
          %add3A_1647 = arith.addi %mul3A_1645, %add3A_1646 : i32
          %get3A_1648 = arith.index_cast %add3A_1647 : i32 to index
          %get3A_1649 = arith.constant 0 : index
          %get3A_1650 = tpu.vector_load %arg11[%get3A_1648, %get3A_1649] {strides = array<i32>} : memref<720x64xf32, #tpu.memory_space<vmem>>, vector<16xf32>,
          %mul3A_1651 = arith.mulf %get3A_1650, %gather3A_1643 : vector<16xf32>
          %add3A_1652 = arith.addf %add3A_1614, %mul3A_1651 : vector<16xf32>
          %mul3A_1653 = arith.constant 9 : i32
          %mul3A_1654 = arith.muli %scan3A_1101, %mul3A_1653 : i32
          %add3A_1655 = arith.constant 2 : i32
          %add3A_1656 = arith.addi %mul3A_1654, %add3A_1655 : i32
          %get3A_1657 = arith.index_cast %add3A_1656 : i32 to index
          %get3A_1658 = arith.constant 16 : index
          %get3A_1659 = tpu.vector_load %arg11[%get3A_1657, %get3A_1658] {strides = array<i32>} : memref<720x64xf32, #tpu.memory_space<vmem>>, vector<16xf32>,
          %mul3A_1660 = arith.mulf %get3A_1659, %gather3A_1643 : vector<16xf32>
          %add3A_1661 = arith.addf %add3A_1623, %mul3A_1660 : vector<16xf32>
          %mul3A_1662 = arith.constant 9 : i32
          %mul3A_1663 = arith.muli %scan3A_1101, %mul3A_1662 : i32
          %add3A_1664 = arith.constant 2 : i32
          %add3A_1665 = arith.addi %mul3A_1663, %add3A_1664 : i32
          %get3A_1666 = arith.index_cast %add3A_1665 : i32 to index
          %get3A_1667 = arith.constant 32 : index
          %get3A_1668 = tpu.vector_load %arg11[%get3A_1666, %get3A_1667] {strides = array<i32>} : memref<720x64xf32, #tpu.memory_space<vmem>>, vector<16xf32>,
          %mul3A_1669 = arith.mulf %get3A_1668, %gather3A_1643 : vector<16xf32>
          %add3A_1670 = arith.addf %add3A_1632, %mul3A_1669 : vector<16xf32>
          %mul3A_1671 = arith.constant 9 : i32
          %mul3A_1672 = arith.muli %scan3A_1101, %mul3A_1671 : i32
          %add3A_1673 = arith.constant 2 : i32
          %add3A_1674 = arith.addi %mul3A_1672, %add3A_1673 : i32
          %get3A_1675 = arith.index_cast %add3A_1674 : i32 to index
          %get3A_1676 = arith.constant 48 : index
          %get3A_1677 = tpu.vector_load %arg11[%get3A_1675, %get3A_1676] {strides = array<i32>} : memref<720x64xf32, #tpu.memory_space<vmem>>, vector<16xf32>,
          %mul3A_1678 = arith.mulf %get3A_1677, %gather3A_1643 : vector<16xf32>
          %add3A_1679 = arith.addf %add3A_1641, %mul3A_1678 : vector<16xf32>
          %gather3A_1680 = vector.shape_cast %broadcast_in_dim3A_35 : vector<16x1xi32> to vector<16xi32>
          %gather3A_1681 = tpu.dynamic_gather %mul3A_1561[%gather3A_1680] in [0] : vector<16xf32>, vector<16xi32> -> vector<16xf32>
          %mul3A_1682 = arith.constant 9 : i32
          %mul3A_1683 = arith.muli %scan3A_1101, %mul3A_1682 : i32
          %add3A_1684 = arith.constant 3 : i32
          %add3A_1685 = arith.addi %mul3A_1683, %add3A_1684 : i32
          %get3A_1686 = arith.index_cast %add3A_1685 : i32 to index
          %get3A_1687 = arith.constant 0 : index
          %get3A_1688 = tpu.vector_load %arg11[%get3A_1686, %get3A_1687] {strides = array<i32>} : memref<720x64xf32, #tpu.memory_space<vmem>>, vector<16xf32>,
          %mul3A_1689 = arith.mulf %get3A_1688, %gather3A_1681 : vector<16xf32>
          %add3A_1690 = arith.addf %add3A_1652, %mul3A_1689 : vector<16xf32>
          %mul3A_1691 = arith.constant 9 : i32
          %mul3A_1692 = arith.muli %scan3A_1101, %mul3A_1691 : i32
          %add3A_1693 = arith.constant 3 : i32
          %add3A_1694 = arith.addi %mul3A_1692, %add3A_1693 : i32
          %get3A_1695 = arith.index_cast %add3A_1694 : i32 to index
          %get3A_1696 = arith.constant 16 : index
          %get3A_1697 = tpu.vector_load %arg11[%get3A_1695, %get3A_1696] {strides = array<i32>} : memref<720x64xf32, #tpu.memory_space<vmem>>, vector<16xf32>,
          %mul3A_1698 = arith.mulf %get3A_1697, %gather3A_1681 : vector<16xf32>
          %add3A_1699 = arith.addf %add3A_1661, %mul3A_1698 : vector<16xf32>
          %mul3A_1700 = arith.constant 9 : i32
          %mul3A_1701 = arith.muli %scan3A_1101, %mul3A_1700 : i32
          %add3A_1702 = arith.constant 3 : i32
          %add3A_1703 = arith.addi %mul3A_1701, %add3A_1702 : i32
          %get3A_1704 = arith.index_cast %add3A_1703 : i32 to index
          %get3A_1705 = arith.constant 32 : index
          %get3A_1706 = tpu.vector_load %arg11[%get3A_1704, %get3A_1705] {strides = array<i32>} : memref<720x64xf32, #tpu.memory_space<vmem>>, vector<16xf32>,
          %mul3A_1707 = arith.mulf %get3A_1706, %gather3A_1681 : vector<16xf32>
          %add3A_1708 = arith.addf %add3A_1670, %mul3A_1707 : vector<16xf32>
          %mul3A_1709 = arith.constant 9 : i32
          %mul3A_1710 = arith.muli %scan3A_1101, %mul3A_1709 : i32
          %add3A_1711 = arith.constant 3 : i32
          %add3A_1712 = arith.addi %mul3A_1710, %add3A_1711 : i32
          %get3A_1713 = arith.index_cast %add3A_1712 : i32 to index
          %get3A_1714 = arith.constant 48 : index
          %get3A_1715 = tpu.vector_load %arg11[%get3A_1713, %get3A_1714] {strides = array<i32>} : memref<720x64xf32, #tpu.memory_space<vmem>>, vector<16xf32>,
          %mul3A_1716 = arith.mulf %get3A_1715, %gather3A_1681 : vector<16xf32>
          %add3A_1717 = arith.addf %add3A_1679, %mul3A_1716 : vector<16xf32>
          %gather3A_1718 = vector.shape_cast %broadcast_in_dim3A_37 : vector<16x1xi32> to vector<16xi32>
          %gather3A_1719 = tpu.dynamic_gather %mul3A_1561[%gather3A_1718] in [0] : vector<16xf32>, vector<16xi32> -> vector<16xf32>
          %mul3A_1720 = arith.constant 9 : i32
          %mul3A_1721 = arith.muli %scan3A_1101, %mul3A_1720 : i32
          %add3A_1722 = arith.constant 4 : i32
          %add3A_1723 = arith.addi %mul3A_1721, %add3A_1722 : i32
          %get3A_1724 = arith.index_cast %add3A_1723 : i32 to index
          %get3A_1725 = arith.constant 0 : index
          %get3A_1726 = tpu.vector_load %arg11[%get3A_1724, %get3A_1725] {strides = array<i32>} : memref<720x64xf32, #tpu.memory_space<vmem>>, vector<16xf32>,
          %mul3A_1727 = arith.mulf %get3A_1726, %gather3A_1719 : vector<16xf32>
          %add3A_1728 = arith.addf %add3A_1690, %mul3A_1727 : vector<16xf32>
          %mul3A_1729 = arith.constant 9 : i32
          %mul3A_1730 = arith.muli %scan3A_1101, %mul3A_1729 : i32
          %add3A_1731 = arith.constant 4 : i32
          %add3A_1732 = arith.addi %mul3A_1730, %add3A_1731 : i32
          %get3A_1733 = arith.index_cast %add3A_1732 : i32 to index
          %get3A_1734 = arith.constant 16 : index
          %get3A_1735 = tpu.vector_load %arg11[%get3A_1733, %get3A_1734] {strides = array<i32>} : memref<720x64xf32, #tpu.memory_space<vmem>>, vector<16xf32>,
          %mul3A_1736 = arith.mulf %get3A_1735, %gather3A_1719 : vector<16xf32>
          %add3A_1737 = arith.addf %add3A_1699, %mul3A_1736 : vector<16xf32>
          %mul3A_1738 = arith.constant 9 : i32
          %mul3A_1739 = arith.muli %scan3A_1101, %mul3A_1738 : i32
          %add3A_1740 = arith.constant 4 : i32
          %add3A_1741 = arith.addi %mul3A_1739, %add3A_1740 : i32
          %get3A_1742 = arith.index_cast %add3A_1741 : i32 to index
          %get3A_1743 = arith.constant 32 : index
          %get3A_1744 = tpu.vector_load %arg11[%get3A_1742, %get3A_1743] {strides = array<i32>} : memref<720x64xf32, #tpu.memory_space<vmem>>, vector<16xf32>,
          %mul3A_1745 = arith.mulf %get3A_1744, %gather3A_1719 : vector<16xf32>
          %add3A_1746 = arith.addf %add3A_1708, %mul3A_1745 : vector<16xf32>
          %mul3A_1747 = arith.constant 9 : i32
          %mul3A_1748 = arith.muli %scan3A_1101, %mul3A_1747 : i32
          %add3A_1749 = arith.constant 4 : i32
          %add3A_1750 = arith.addi %mul3A_1748, %add3A_1749 : i32
          %get3A_1751 = arith.index_cast %add3A_1750 : i32 to index
          %get3A_1752 = arith.constant 48 : index
          %get3A_1753 = tpu.vector_load %arg11[%get3A_1751, %get3A_1752] {strides = array<i32>} : memref<720x64xf32, #tpu.memory_space<vmem>>, vector<16xf32>,
          %mul3A_1754 = arith.mulf %get3A_1753, %gather3A_1719 : vector<16xf32>
          %add3A_1755 = arith.addf %add3A_1717, %mul3A_1754 : vector<16xf32>
          %gather3A_1756 = vector.shape_cast %broadcast_in_dim3A_39 : vector<16x1xi32> to vector<16xi32>
          %gather3A_1757 = tpu.dynamic_gather %mul3A_1561[%gather3A_1756] in [0] : vector<16xf32>, vector<16xi32> -> vector<16xf32>
          %mul3A_1758 = arith.constant 9 : i32
          %mul3A_1759 = arith.muli %scan3A_1101, %mul3A_1758 : i32
          %add3A_1760 = arith.constant 5 : i32
          %add3A_1761 = arith.addi %mul3A_1759, %add3A_1760 : i32
          %get3A_1762 = arith.index_cast %add3A_1761 : i32 to index
          %get3A_1763 = arith.constant 0 : index
          %get3A_1764 = tpu.vector_load %arg11[%get3A_1762, %get3A_1763] {strides = array<i32>} : memref<720x64xf32, #tpu.memory_space<vmem>>, vector<16xf32>,
          %mul3A_1765 = arith.mulf %get3A_1764, %gather3A_1757 : vector<16xf32>
          %add3A_1766 = arith.addf %add3A_1728, %mul3A_1765 : vector<16xf32>
          %mul3A_1767 = arith.constant 9 : i32
          %mul3A_1768 = arith.muli %scan3A_1101, %mul3A_1767 : i32
          %add3A_1769 = arith.constant 5 : i32
          %add3A_1770 = arith.addi %mul3A_1768, %add3A_1769 : i32
          %get3A_1771 = arith.index_cast %add3A_1770 : i32 to index
          %get3A_1772 = arith.constant 16 : index
          %get3A_1773 = tpu.vector_load %arg11[%get3A_1771, %get3A_1772] {strides = array<i32>} : memref<720x64xf32, #tpu.memory_space<vmem>>, vector<16xf32>,
          %mul3A_1774 = arith.mulf %get3A_1773, %gather3A_1757 : vector<16xf32>
          %add3A_1775 = arith.addf %add3A_1737, %mul3A_1774 : vector<16xf32>
          %mul3A_1776 = arith.constant 9 : i32
          %mul3A_1777 = arith.muli %scan3A_1101, %mul3A_1776 : i32
          %add3A_1778 = arith.constant 5 : i32
          %add3A_1779 = arith.addi %mul3A_1777, %add3A_1778 : i32
          %get3A_1780 = arith.index_cast %add3A_1779 : i32 to index
          %get3A_1781 = arith.constant 32 : index
          %get3A_1782 = tpu.vector_load %arg11[%get3A_1780, %get3A_1781] {strides = array<i32>} : memref<720x64xf32, #tpu.memory_space<vmem>>, vector<16xf32>,
          %mul3A_1783 = arith.mulf %get3A_1782, %gather3A_1757 : vector<16xf32>
          %add3A_1784 = arith.addf %add3A_1746, %mul3A_1783 : vector<16xf32>
          %mul3A_1785 = arith.constant 9 : i32
          %mul3A_1786 = arith.muli %scan3A_1101, %mul3A_1785 : i32
          %add3A_1787 = arith.constant 5 : i32
          %add3A_1788 = arith.addi %mul3A_1786, %add3A_1787 : i32
          %get3A_1789 = arith.index_cast %add3A_1788 : i32 to index
          %get3A_1790 = arith.constant 48 : index
          %get3A_1791 = tpu.vector_load %arg11[%get3A_1789, %get3A_1790] {strides = array<i32>} : memref<720x64xf32, #tpu.memory_space<vmem>>, vector<16xf32>,
          %mul3A_1792 = arith.mulf %get3A_1791, %gather3A_1757 : vector<16xf32>
          %add3A_1793 = arith.addf %add3A_1755, %mul3A_1792 : vector<16xf32>
          %gather3A_1794 = vector.shape_cast %broadcast_in_dim3A_41 : vector<16x1xi32> to vector<16xi32>
          %gather3A_1795 = tpu.dynamic_gather %mul3A_1561[%gather3A_1794] in [0] : vector<16xf32>, vector<16xi32> -> vector<16xf32>
          %mul3A_1796 = arith.constant 9 : i32
          %mul3A_1797 = arith.muli %scan3A_1101, %mul3A_1796 : i32
          %add3A_1798 = arith.constant 6 : i32
          %add3A_1799 = arith.addi %mul3A_1797, %add3A_1798 : i32
          %get3A_1800 = arith.index_cast %add3A_1799 : i32 to index
          %get3A_1801 = arith.constant 0 : index
          %get3A_1802 = tpu.vector_load %arg11[%get3A_1800, %get3A_1801] {strides = array<i32>} : memref<720x64xf32, #tpu.memory_space<vmem>>, vector<16xf32>,
          %mul3A_1803 = arith.mulf %get3A_1802, %gather3A_1795 : vector<16xf32>
          %add3A_1804 = arith.addf %add3A_1766, %mul3A_1803 : vector<16xf32>
          %mul3A_1805 = arith.constant 9 : i32
          %mul3A_1806 = arith.muli %scan3A_1101, %mul3A_1805 : i32
          %add3A_1807 = arith.constant 6 : i32
          %add3A_1808 = arith.addi %mul3A_1806, %add3A_1807 : i32
          %get3A_1809 = arith.index_cast %add3A_1808 : i32 to index
          %get3A_1810 = arith.constant 16 : index
          %get3A_1811 = tpu.vector_load %arg11[%get3A_1809, %get3A_1810] {strides = array<i32>} : memref<720x64xf32, #tpu.memory_space<vmem>>, vector<16xf32>,
          %mul3A_1812 = arith.mulf %get3A_1811, %gather3A_1795 : vector<16xf32>
          %add3A_1813 = arith.addf %add3A_1775, %mul3A_1812 : vector<16xf32>
          %mul3A_1814 = arith.constant 9 : i32
          %mul3A_1815 = arith.muli %scan3A_1101, %mul3A_1814 : i32
          %add3A_1816 = arith.constant 6 : i32
          %add3A_1817 = arith.addi %mul3A_1815, %add3A_1816 : i32
          %get3A_1818 = arith.index_cast %add3A_1817 : i32 to index
          %get3A_1819 = arith.constant 32 : index
          %get3A_1820 = tpu.vector_load %arg11[%get3A_1818, %get3A_1819] {strides = array<i32>} : memref<720x64xf32, #tpu.memory_space<vmem>>, vector<16xf32>,
          %mul3A_1821 = arith.mulf %get3A_1820, %gather3A_1795 : vector<16xf32>
          %add3A_1822 = arith.addf %add3A_1784, %mul3A_1821 : vector<16xf32>
          %mul3A_1823 = arith.constant 9 : i32
          %mul3A_1824 = arith.muli %scan3A_1101, %mul3A_1823 : i32
          %add3A_1825 = arith.constant 6 : i32
          %add3A_1826 = arith.addi %mul3A_1824, %add3A_1825 : i32
          %get3A_1827 = arith.index_cast %add3A_1826 : i32 to index
          %get3A_1828 = arith.constant 48 : index
          %get3A_1829 = tpu.vector_load %arg11[%get3A_1827, %get3A_1828] {strides = array<i32>} : memref<720x64xf32, #tpu.memory_space<vmem>>, vector<16xf32>,
          %mul3A_1830 = arith.mulf %get3A_1829, %gather3A_1795 : vector<16xf32>
          %add3A_1831 = arith.addf %add3A_1793, %mul3A_1830 : vector<16xf32>
          %gather3A_1832 = vector.shape_cast %broadcast_in_dim3A_43 : vector<16x1xi32> to vector<16xi32>
          %gather3A_1833 = tpu.dynamic_gather %mul3A_1561[%gather3A_1832] in [0] : vector<16xf32>, vector<16xi32> -> vector<16xf32>
          %mul3A_1834 = arith.constant 9 : i32
          %mul3A_1835 = arith.muli %scan3A_1101, %mul3A_1834 : i32
          %add3A_1836 = arith.constant 7 : i32
          %add3A_1837 = arith.addi %mul3A_1835, %add3A_1836 : i32
          %get3A_1838 = arith.index_cast %add3A_1837 : i32 to index
          %get3A_1839 = arith.constant 0 : index
          %get3A_1840 = tpu.vector_load %arg11[%get3A_1838, %get3A_1839] {strides = array<i32>} : memref<720x64xf32, #tpu.memory_space<vmem>>, vector<16xf32>,
          %mul3A_1841 = arith.mulf %get3A_1840, %gather3A_1833 : vector<16xf32>
          %add3A_1842 = arith.addf %add3A_1804, %mul3A_1841 : vector<16xf32>
          %mul3A_1843 = arith.constant 9 : i32
          %mul3A_1844 = arith.muli %scan3A_1101, %mul3A_1843 : i32
          %add3A_1845 = arith.constant 7 : i32
          %add3A_1846 = arith.addi %mul3A_1844, %add3A_1845 : i32
          %get3A_1847 = arith.index_cast %add3A_1846 : i32 to index
          %get3A_1848 = arith.constant 16 : index
          %get3A_1849 = tpu.vector_load %arg11[%get3A_1847, %get3A_1848] {strides = array<i32>} : memref<720x64xf32, #tpu.memory_space<vmem>>, vector<16xf32>,
          %mul3A_1850 = arith.mulf %get3A_1849, %gather3A_1833 : vector<16xf32>
          %add3A_1851 = arith.addf %add3A_1813, %mul3A_1850 : vector<16xf32>
          %mul3A_1852 = arith.constant 9 : i32
          %mul3A_1853 = arith.muli %scan3A_1101, %mul3A_1852 : i32
          %add3A_1854 = arith.constant 7 : i32
          %add3A_1855 = arith.addi %mul3A_1853, %add3A_1854 : i32
          %get3A_1856 = arith.index_cast %add3A_1855 : i32 to index
          %get3A_1857 = arith.constant 32 : index
          %get3A_1858 = tpu.vector_load %arg11[%get3A_1856, %get3A_1857] {strides = array<i32>} : memref<720x64xf32, #tpu.memory_space<vmem>>, vector<16xf32>,
          %mul3A_1859 = arith.mulf %get3A_1858, %gather3A_1833 : vector<16xf32>
          %add3A_1860 = arith.addf %add3A_1822, %mul3A_1859 : vector<16xf32>
          %mul3A_1861 = arith.constant 9 : i32
          %mul3A_1862 = arith.muli %scan3A_1101, %mul3A_1861 : i32
          %add3A_1863 = arith.constant 7 : i32
          %add3A_1864 = arith.addi %mul3A_1862, %add3A_1863 : i32
          %get3A_1865 = arith.index_cast %add3A_1864 : i32 to index
          %get3A_1866 = arith.constant 48 : index
          %get3A_1867 = tpu.vector_load %arg11[%get3A_1865, %get3A_1866] {strides = array<i32>} : memref<720x64xf32, #tpu.memory_space<vmem>>, vector<16xf32>,
          %mul3A_1868 = arith.mulf %get3A_1867, %gather3A_1833 : vector<16xf32>
          %add3A_1869 = arith.addf %add3A_1831, %mul3A_1868 : vector<16xf32>
          %gather3A_1870 = vector.shape_cast %broadcast_in_dim3A_45 : vector<16x1xi32> to vector<16xi32>
          %gather3A_1871 = tpu.dynamic_gather %mul3A_1561[%gather3A_1870] in [0] : vector<16xf32>, vector<16xi32> -> vector<16xf32>
          %mul3A_1872 = arith.constant 9 : i32
          %mul3A_1873 = arith.muli %scan3A_1101, %mul3A_1872 : i32
          %add3A_1874 = arith.constant 8 : i32
          %add3A_1875 = arith.addi %mul3A_1873, %add3A_1874 : i32
          %get3A_1876 = arith.index_cast %add3A_1875 : i32 to index
          %get3A_1877 = arith.constant 0 : index
          %get3A_1878 = tpu.vector_load %arg11[%get3A_1876, %get3A_1877] {strides = array<i32>} : memref<720x64xf32, #tpu.memory_space<vmem>>, vector<16xf32>,
          %mul3A_1879 = arith.mulf %get3A_1878, %gather3A_1871 : vector<16xf32>
          %add3A_1880 = arith.addf %add3A_1842, %mul3A_1879 : vector<16xf32>
          %mul3A_1881 = arith.constant 9 : i32
          %mul3A_1882 = arith.muli %scan3A_1101, %mul3A_1881 : i32
          %add3A_1883 = arith.constant 8 : i32
          %add3A_1884 = arith.addi %mul3A_1882, %add3A_1883 : i32
          %get3A_1885 = arith.index_cast %add3A_1884 : i32 to index
          %get3A_1886 = arith.constant 16 : index
          %get3A_1887 = tpu.vector_load %arg11[%get3A_1885, %get3A_1886] {strides = array<i32>} : memref<720x64xf32, #tpu.memory_space<vmem>>, vector<16xf32>,
          %mul3A_1888 = arith.mulf %get3A_1887, %gather3A_1871 : vector<16xf32>
          %add3A_1889 = arith.addf %add3A_1851, %mul3A_1888 : vector<16xf32>
          %mul3A_1890 = arith.constant 9 : i32
          %mul3A_1891 = arith.muli %scan3A_1101, %mul3A_1890 : i32
          %add3A_1892 = arith.constant 8 : i32
          %add3A_1893 = arith.addi %mul3A_1891, %add3A_1892 : i32
          %get3A_1894 = arith.index_cast %add3A_1893 : i32 to index
          %get3A_1895 = arith.constant 32 : index
          %get3A_1896 = tpu.vector_load %arg11[%get3A_1894, %get3A_1895] {strides = array<i32>} : memref<720x64xf32, #tpu.memory_space<vmem>>, vector<16xf32>,
          %mul3A_1897 = arith.mulf %get3A_1896, %gather3A_1871 : vector<16xf32>
          %add3A_1898 = arith.addf %add3A_1860, %mul3A_1897 : vector<16xf32>
          %mul3A_1899 = arith.constant 9 : i32
          %mul3A_1900 = arith.muli %scan3A_1101, %mul3A_1899 : i32
          %add3A_1901 = arith.constant 8 : i32
          %add3A_1902 = arith.addi %mul3A_1900, %add3A_1901 : i32
          %get3A_1903 = arith.index_cast %add3A_1902 : i32 to index
          %get3A_1904 = arith.constant 48 : index
          %get3A_1905 = tpu.vector_load %arg11[%get3A_1903, %get3A_1904] {strides = array<i32>} : memref<720x64xf32, #tpu.memory_space<vmem>>, vector<16xf32>,
          %mul3A_1906 = arith.mulf %get3A_1905, %gather3A_1871 : vector<16xf32>
          %add3A_1907 = arith.addf %add3A_1869, %mul3A_1906 : vector<16xf32>
          %swap3A_1908 = arith.index_cast %scan3A_1101 : i32 to index
          %swap3A_1909 = arith.constant 0 : index
          %swap3A_1910 = tpu.vector_load %arg15[%swap3A_1908, %swap3A_1909] {strides = array<i32>} : memref<80x64xf32, #tpu.memory_space<vmem>>, vector<16xf32>,
          tpu.vector_store %arg15[%swap3A_1908, %swap3A_1909], %add3A_1880 {strides = array<i32>} : memref<80x64xf32, #tpu.memory_space<vmem>>, vector<16xf32>,
          %swap3A_1911 = arith.index_cast %scan3A_1101 : i32 to index
          %swap3A_1912 = arith.constant 16 : index
          %swap3A_1913 = tpu.vector_load %arg15[%swap3A_1911, %swap3A_1912] {strides = array<i32>} : memref<80x64xf32, #tpu.memory_space<vmem>>, vector<16xf32>,
          tpu.vector_store %arg15[%swap3A_1911, %swap3A_1912], %add3A_1889 {strides = array<i32>} : memref<80x64xf32, #tpu.memory_space<vmem>>, vector<16xf32>,
          %swap3A_1914 = arith.index_cast %scan3A_1101 : i32 to index
          %swap3A_1915 = arith.constant 32 : index
          %swap3A_1916 = tpu.vector_load %arg15[%swap3A_1914, %swap3A_1915] {strides = array<i32>} : memref<80x64xf32, #tpu.memory_space<vmem>>, vector<16xf32>,
          tpu.vector_store %arg15[%swap3A_1914, %swap3A_1915], %add3A_1898 {strides = array<i32>} : memref<80x64xf32, #tpu.memory_space<vmem>>, vector<16xf32>,
          %swap3A_1917 = arith.index_cast %scan3A_1101 : i32 to index
          %swap3A_1918 = arith.constant 48 : index
          %swap3A_1919 = tpu.vector_load %arg15[%swap3A_1917, %swap3A_1918] {strides = array<i32>} : memref<80x64xf32, #tpu.memory_space<vmem>>, vector<16xf32>,
          tpu.vector_store %arg15[%swap3A_1917, %swap3A_1918], %add3A_1907 {strides = array<i32>} : memref<80x64xf32, #tpu.memory_space<vmem>>, vector<16xf32>,
        }
        %scan3A_277 = arith.constant 80 : i32
        %mul3A_278 = arith.constant 80 : i32
        %mul3A_279 = arith.muli %add3A_172, %mul3A_278 : i32
        %dma_start3A_280 = arith.constant 0 : i32
        %dma_start3A_281 = tpu.memref_slice %arg7[%mul3A_279, %dma_start3A_280] : memref<100000x64xf32, #tpu.memory_space<hbm>> -> memref<80x64xf32, #tpu.memory_space<hbm>>
        %dma_start3A_282 = arith.constant 0 : i32
        %dma_start3A_283 = tpu.memref_slice %arg7[%mul3A_279, %dma_start3A_282] : memref<100000x64xf32, #tpu.memory_space<hbm>> -> memref<80x64xf32, #tpu.memory_space<hbm>>
        tpu.enqueue_dma source(%arg15 : memref<80x64xf32, #tpu.memory_space<vmem>>) target(%dma_start3A_283 : memref<80x64xf32, #tpu.memory_space<hbm>>) target_semaphore(%arg25 : memref<!tpu.dma_semaphore, #tpu.memory_space<semaphore_mem>>)
        %mul3A_284 = arith.constant 80 : i32
        %mul3A_285 = arith.muli %add3A_172, %mul3A_284 : i32
        %dma_start3A_286 = arith.constant 0 : i32
        %dma_start3A_287 = tpu.memref_slice %arg8[%mul3A_285, %dma_start3A_286] : memref<100000x9xf32, #tpu.memory_space<hbm>> -> memref<80x9xf32, #tpu.memory_space<hbm>>
        %dma_start3A_288 = arith.constant 0 : i32
        %dma_start3A_289 = tpu.memref_slice %arg8[%mul3A_285, %dma_start3A_288] : memref<100000x9xf32, #tpu.memory_space<hbm>> -> memref<80x9xf32, #tpu.memory_space<hbm>>
        tpu.enqueue_dma source(%arg17 : memref<80x9xf32, #tpu.memory_space<vmem>>) target(%dma_start3A_289 : memref<80x9xf32, #tpu.memory_space<hbm>>) target_semaphore(%arg25 : memref<!tpu.dma_semaphore, #tpu.memory_space<semaphore_mem>>)
      } else {
      }
      %mul3A_183 = arith.constant 2 : i32
      %mul3A_184 = arith.muli %scan3A_165, %mul3A_183 : i32
      %add3A_185 = arith.constant 1 : i32
      %add3A_186 = arith.addi %mul3A_184, %add3A_185 : i32
      %mul3A_187 = arith.constant 32 : i32
      %mul3A_188 = arith.muli %add3A_186, %mul3A_187 : i32
      %add3A_189 = arith.addi %add3A, %mul3A_188 : i32
      %add3A_190 = arith.constant 32 : i32
      %add3A_191 = arith.addi %add3A_189, %add3A_190 : i32
      %lt3A_192 = arith.constant 1250 : i32
      %lt3A_193 = arith.cmpi slt, %add3A_191, %lt3A_192 : i32
      %convert_element_type3A_194 = arith.extui %lt3A_193 : i1 to i32
      %cond3A_195 = arith.constant 0 : i32
      %cond3A_196 = arith.cmpi ne, %convert_element_type3A_194, %cond3A_195 : i32
      scf.if %cond3A_196 {
        "tpu.region"() ({
          %run_scoped3A = tpu.sem_alloc : memref<!tpu.dma_semaphore, #tpu.memory_space<semaphore_mem>>
          %dma_start3A_268 = arith.constant 0 : i32
          %dma_start3A_269 = arith.constant 0 : i32
          %dma_start3A_270 = tpu.memref_slice %arg4[%add3A_191, %dma_start3A_268, %dma_start3A_269] : memref<1250x6x120xi32, #tpu.memory_space<hbm>> -> memref<1x6x120xi32, #tpu.memory_space<hbm>>
          %dma_start3A_271 = tpu.memref_squeeze %dma_start3A_270 : memref<1x6x120xi32, #tpu.memory_space<hbm>> -> memref<6x120xi32, #tpu.memory_space<hbm>>
          %dma_start3A_272 = arith.constant 0 : i32
          %dma_start3A_273 = arith.constant 0 : i32
          %dma_start3A_274 = tpu.memref_slice %arg4[%add3A_191, %dma_start3A_272, %dma_start3A_273] : memref<1250x6x120xi32, #tpu.memory_space<hbm>> -> memref<1x6x120xi32, #tpu.memory_space<hbm>>
          %dma_start3A_275 = tpu.memref_squeeze %dma_start3A_274 : memref<1x6x120xi32, #tpu.memory_space<hbm>> -> memref<6x120xi32, #tpu.memory_space<hbm>>
          tpu.enqueue_dma source(%dma_start3A_275 : memref<6x120xi32, #tpu.memory_space<hbm>>) target(%arg9 : memref<6x120xi32, #tpu.memory_space<vmem>>) target_semaphore(%run_scoped3A : memref<!tpu.dma_semaphore, #tpu.memory_space<semaphore_mem>>)
          %dma_wait3A_276 = arith.constant 0 : i32
          %dma_wait3A_277 = arith.constant 0 : i32
          %dma_wait3A_278 = tpu.memref_slice %arg4[%add3A_191, %dma_wait3A_276, %dma_wait3A_277] : memref<1250x6x120xi32, #tpu.memory_space<hbm>> -> memref<1x6x120xi32, #tpu.memory_space<hbm>>
          %dma_wait3A_279 = tpu.memref_squeeze %dma_wait3A_278 : memref<1x6x120xi32, #tpu.memory_space<hbm>> -> memref<6x120xi32, #tpu.memory_space<hbm>>
          %dma_wait3A_280 = arith.constant 0 : i32
          %dma_wait3A_281 = arith.constant 0 : i32
          %dma_wait3A_282 = tpu.memref_slice %arg4[%add3A_191, %dma_wait3A_280, %dma_wait3A_281] : memref<1250x6x120xi32, #tpu.memory_space<hbm>> -> memref<1x6x120xi32, #tpu.memory_space<hbm>>
          %dma_wait3A_283 = tpu.memref_squeeze %dma_wait3A_282 : memref<1x6x120xi32, #tpu.memory_space<hbm>> -> memref<6x120xi32, #tpu.memory_space<hbm>>
          tpu.wait_dma2 semaphore(%run_scoped3A : memref<!tpu.dma_semaphore, #tpu.memory_space<semaphore_mem>>) src(%dma_wait3A_283 : memref<6x120xi32, #tpu.memory_space<hbm>>) dst(%arg9 : memref<6x120xi32, #tpu.memory_space<vmem>>)
          tpu.yield
        }) : () -> ()
        %dma_start3A_202 = arith.constant 0 : i32
        %dma_start3A_203 = arith.constant 0 : i32
        %dma_start3A_204 = arith.constant 0 : i32
        %dma_start3A_205 = tpu.memref_slice %arg11[%dma_start3A_203, %dma_start3A_204] : memref<720x64xf32, #tpu.memory_space<vmem>> -> memref<120x64xf32, #tpu.memory_space<vmem>>
        %dma_start3A_206 = arith.constant 0 : i32
        %dma_start3A_207 = tpu.memref_slice %arg9[%dma_start3A_202, %dma_start3A_206] : memref<6x120xi32, #tpu.memory_space<vmem>> -> memref<1x120xi32, #tpu.memory_space<vmem>>
        %dma_start3A_208 = tpu.memref_squeeze %dma_start3A_207 : memref<1x120xi32, #tpu.memory_space<vmem>> -> memref<120xi32, #tpu.memory_space<vmem>>
        %dma_start3A_209 = arith.constant 0 : i32
        %dma_start3A_210 = arith.constant 0 : i32
        %dma_start3A_211 = tpu.memref_slice %arg3[%dma_start3A_209, %dma_start3A_210] : memref<100000x64xf32, #tpu.memory_space<hbm>> -> memref<100000x64xf32, #tpu.memory_space<hbm>>
        tpu.enqueue_indirect_dma source(%dma_start3A_211 : memref<100000x64xf32, #tpu.memory_space<hbm>>) target(%dma_start3A_205 : memref<120x64xf32, #tpu.memory_space<vmem>>) offsets(%dma_start3A_208 : memref<120xi32, #tpu.memory_space<vmem>>) semaphore(%arg21 : memref<!tpu.dma_semaphore, #tpu.memory_space<semaphore_mem>>)
        %dma_start3A_212 = arith.constant 1 : i32
        %dma_start3A_213 = arith.constant 120 : i32
        %dma_start3A_214 = arith.constant 0 : i32
        %dma_start3A_215 = tpu.memref_slice %arg11[%dma_start3A_213, %dma_start3A_214] : memref<720x64xf32, #tpu.memory_space<vmem>> -> memref<120x64xf32, #tpu.memory_space<vmem>>
        %dma_start3A_216 = arith.constant 0 : i32
        %dma_start3A_217 = tpu.memref_slice %arg9[%dma_start3A_212, %dma_start3A_216] : memref<6x120xi32, #tpu.memory_space<vmem>> -> memref<1x120xi32, #tpu.memory_space<vmem>>
        %dma_start3A_218 = tpu.memref_squeeze %dma_start3A_217 : memref<1x120xi32, #tpu.memory_space<vmem>> -> memref<120xi32, #tpu.memory_space<vmem>>
        %dma_start3A_219 = arith.constant 0 : i32
        %dma_start3A_220 = arith.constant 0 : i32
        %dma_start3A_221 = tpu.memref_slice %arg3[%dma_start3A_219, %dma_start3A_220] : memref<100000x64xf32, #tpu.memory_space<hbm>> -> memref<100000x64xf32, #tpu.memory_space<hbm>>
        tpu.enqueue_indirect_dma source(%dma_start3A_221 : memref<100000x64xf32, #tpu.memory_space<hbm>>) target(%dma_start3A_215 : memref<120x64xf32, #tpu.memory_space<vmem>>) offsets(%dma_start3A_218 : memref<120xi32, #tpu.memory_space<vmem>>) semaphore(%arg21 : memref<!tpu.dma_semaphore, #tpu.memory_space<semaphore_mem>>)
        %dma_start3A_222 = arith.constant 2 : i32
        %dma_start3A_223 = arith.constant 240 : i32
        %dma_start3A_224 = arith.constant 0 : i32
        %dma_start3A_225 = tpu.memref_slice %arg11[%dma_start3A_223, %dma_start3A_224] : memref<720x64xf32, #tpu.memory_space<vmem>> -> memref<120x64xf32, #tpu.memory_space<vmem>>
        %dma_start3A_226 = arith.constant 0 : i32
        %dma_start3A_227 = tpu.memref_slice %arg9[%dma_start3A_222, %dma_start3A_226] : memref<6x120xi32, #tpu.memory_space<vmem>> -> memref<1x120xi32, #tpu.memory_space<vmem>>
        %dma_start3A_228 = tpu.memref_squeeze %dma_start3A_227 : memref<1x120xi32, #tpu.memory_space<vmem>> -> memref<120xi32, #tpu.memory_space<vmem>>
        %dma_start3A_229 = arith.constant 0 : i32
        %dma_start3A_230 = arith.constant 0 : i32
        %dma_start3A_231 = tpu.memref_slice %arg3[%dma_start3A_229, %dma_start3A_230] : memref<100000x64xf32, #tpu.memory_space<hbm>> -> memref<100000x64xf32, #tpu.memory_space<hbm>>
        tpu.enqueue_indirect_dma source(%dma_start3A_231 : memref<100000x64xf32, #tpu.memory_space<hbm>>) target(%dma_start3A_225 : memref<120x64xf32, #tpu.memory_space<vmem>>) offsets(%dma_start3A_228 : memref<120xi32, #tpu.memory_space<vmem>>) semaphore(%arg21 : memref<!tpu.dma_semaphore, #tpu.memory_space<semaphore_mem>>)
        %dma_start3A_232 = arith.constant 3 : i32
        %dma_start3A_233 = arith.constant 360 : i32
        %dma_start3A_234 = arith.constant 0 : i32
        %dma_start3A_235 = tpu.memref_slice %arg11[%dma_start3A_233, %dma_start3A_234] : memref<720x64xf32, #tpu.memory_space<vmem>> -> memref<120x64xf32, #tpu.memory_space<vmem>>
        %dma_start3A_236 = arith.constant 0 : i32
        %dma_start3A_237 = tpu.memref_slice %arg9[%dma_start3A_232, %dma_start3A_236] : memref<6x120xi32, #tpu.memory_space<vmem>> -> memref<1x120xi32, #tpu.memory_space<vmem>>
        %dma_start3A_238 = tpu.memref_squeeze %dma_start3A_237 : memref<1x120xi32, #tpu.memory_space<vmem>> -> memref<120xi32, #tpu.memory_space<vmem>>
        %dma_start3A_239 = arith.constant 0 : i32
        %dma_start3A_240 = arith.constant 0 : i32
        %dma_start3A_241 = tpu.memref_slice %arg3[%dma_start3A_239, %dma_start3A_240] : memref<100000x64xf32, #tpu.memory_space<hbm>> -> memref<100000x64xf32, #tpu.memory_space<hbm>>
        tpu.enqueue_indirect_dma source(%dma_start3A_241 : memref<100000x64xf32, #tpu.memory_space<hbm>>) target(%dma_start3A_235 : memref<120x64xf32, #tpu.memory_space<vmem>>) offsets(%dma_start3A_238 : memref<120xi32, #tpu.memory_space<vmem>>) semaphore(%arg21 : memref<!tpu.dma_semaphore, #tpu.memory_space<semaphore_mem>>)
        %dma_start3A_242 = arith.constant 4 : i32
        %dma_start3A_243 = arith.constant 480 : i32
        %dma_start3A_244 = arith.constant 0 : i32
        %dma_start3A_245 = tpu.memref_slice %arg11[%dma_start3A_243, %dma_start3A_244] : memref<720x64xf32, #tpu.memory_space<vmem>> -> memref<120x64xf32, #tpu.memory_space<vmem>>
        %dma_start3A_246 = arith.constant 0 : i32
        %dma_start3A_247 = tpu.memref_slice %arg9[%dma_start3A_242, %dma_start3A_246] : memref<6x120xi32, #tpu.memory_space<vmem>> -> memref<1x120xi32, #tpu.memory_space<vmem>>
        %dma_start3A_248 = tpu.memref_squeeze %dma_start3A_247 : memref<1x120xi32, #tpu.memory_space<vmem>> -> memref<120xi32, #tpu.memory_space<vmem>>
        %dma_start3A_249 = arith.constant 0 : i32
        %dma_start3A_250 = arith.constant 0 : i32
        %dma_start3A_251 = tpu.memref_slice %arg3[%dma_start3A_249, %dma_start3A_250] : memref<100000x64xf32, #tpu.memory_space<hbm>> -> memref<100000x64xf32, #tpu.memory_space<hbm>>
        tpu.enqueue_indirect_dma source(%dma_start3A_251 : memref<100000x64xf32, #tpu.memory_space<hbm>>) target(%dma_start3A_245 : memref<120x64xf32, #tpu.memory_space<vmem>>) offsets(%dma_start3A_248 : memref<120xi32, #tpu.memory_space<vmem>>) semaphore(%arg21 : memref<!tpu.dma_semaphore, #tpu.memory_space<semaphore_mem>>)
        %dma_start3A_252 = arith.constant 5 : i32
        %dma_start3A_253 = arith.constant 600 : i32
        %dma_start3A_254 = arith.constant 0 : i32
        %dma_start3A_255 = tpu.memref_slice %arg11[%dma_start3A_253, %dma_start3A_254] : memref<720x64xf32, #tpu.memory_space<vmem>> -> memref<120x64xf32, #tpu.memory_space<vmem>>
        %dma_start3A_256 = arith.constant 0 : i32
        %dma_start3A_257 = tpu.memref_slice %arg9[%dma_start3A_252, %dma_start3A_256] : memref<6x120xi32, #tpu.memory_space<vmem>> -> memref<1x120xi32, #tpu.memory_space<vmem>>
        %dma_start3A_258 = tpu.memref_squeeze %dma_start3A_257 : memref<1x120xi32, #tpu.memory_space<vmem>> -> memref<120xi32, #tpu.memory_space<vmem>>
        %dma_start3A_259 = arith.constant 0 : i32
        %dma_start3A_260 = arith.constant 0 : i32
        %dma_start3A_261 = tpu.memref_slice %arg3[%dma_start3A_259, %dma_start3A_260] : memref<100000x64xf32, #tpu.memory_space<hbm>> -> memref<100000x64xf32, #tpu.memory_space<hbm>>
        tpu.enqueue_indirect_dma source(%dma_start3A_261 : memref<100000x64xf32, #tpu.memory_space<hbm>>) target(%dma_start3A_255 : memref<120x64xf32, #tpu.memory_space<vmem>>) offsets(%dma_start3A_258 : memref<120xi32, #tpu.memory_space<vmem>>) semaphore(%arg21 : memref<!tpu.dma_semaphore, #tpu.memory_space<semaphore_mem>>)
        %mul3A_262 = arith.constant 80 : i32
        %mul3A_263 = arith.muli %add3A_191, %mul3A_262 : i32
        %dma_start3A_264 = arith.constant 0 : i32
        %dma_start3A_265 = tpu.memref_slice %arg2[%mul3A_263, %dma_start3A_264] : memref<100000x64xf32, #tpu.memory_space<hbm>> -> memref<80x64xf32, #tpu.memory_space<hbm>>
        %dma_start3A_266 = arith.constant 0 : i32
        %dma_start3A_267 = tpu.memref_slice %arg2[%mul3A_263, %dma_start3A_266] : memref<100000x64xf32, #tpu.memory_space<hbm>> -> memref<80x64xf32, #tpu.memory_space<hbm>>
        tpu.enqueue_dma source(%dma_start3A_267 : memref<80x64xf32, #tpu.memory_space<hbm>>) target(%arg13 : memref<80x64xf32, #tpu.memory_space<vmem>>) target_semaphore(%arg23 : memref<!tpu.dma_semaphore, #tpu.memory_space<semaphore_mem>>)
      } else {
      }
      %lt3A_197 = arith.constant 1250 : i32
      %lt3A_198 = arith.cmpi slt, %add3A_189, %lt3A_197 : i32
      %convert_element_type3A_199 = arith.extui %lt3A_198 : i1 to i32
      %cond3A_200 = arith.constant 0 : i32
      %cond3A_201 = arith.cmpi ne, %convert_element_type3A_199, %cond3A_200 : i32
      scf.if %cond3A_201 {
        %dma_wait3A_202 = arith.constant 0 : i32
        %dma_wait3A_203 = arith.constant 0 : i32
        %dma_wait3A_204 = arith.constant 0 : i32
        %dma_wait3A_205 = tpu.memref_slice %arg12[%dma_wait3A_203, %dma_wait3A_204] : memref<720x64xf32, #tpu.memory_space<vmem>> -> memref<120x64xf32, #tpu.memory_space<vmem>>
        %dma_wait3A_206 = arith.constant 0 : i32
        %dma_wait3A_207 = tpu.memref_slice %arg10[%dma_wait3A_202, %dma_wait3A_206] : memref<6x120xi32, #tpu.memory_space<vmem>> -> memref<1x120xi32, #tpu.memory_space<vmem>>
        %dma_wait3A_208 = tpu.memref_squeeze %dma_wait3A_207 : memref<1x120xi32, #tpu.memory_space<vmem>> -> memref<120xi32, #tpu.memory_space<vmem>>
        %dma_wait3A_209 = arith.constant 0 : i32
        %dma_wait3A_210 = arith.constant 0 : i32
        %dma_wait3A_211 = tpu.memref_slice %arg3[%dma_wait3A_209, %dma_wait3A_210] : memref<100000x64xf32, #tpu.memory_space<hbm>> -> memref<100000x64xf32, #tpu.memory_space<hbm>>
        tpu.wait_indirect_dma semaphore(%arg22 : memref<!tpu.dma_semaphore, #tpu.memory_space<semaphore_mem>>) src(%dma_wait3A_211 : memref<100000x64xf32, #tpu.memory_space<hbm>>) dst(%dma_wait3A_205 : memref<120x64xf32, #tpu.memory_space<vmem>>)
        %dma_wait3A_212 = arith.constant 1 : i32
        %dma_wait3A_213 = arith.constant 120 : i32
        %dma_wait3A_214 = arith.constant 0 : i32
        %dma_wait3A_215 = tpu.memref_slice %arg12[%dma_wait3A_213, %dma_wait3A_214] : memref<720x64xf32, #tpu.memory_space<vmem>> -> memref<120x64xf32, #tpu.memory_space<vmem>>
        %dma_wait3A_216 = arith.constant 0 : i32
        %dma_wait3A_217 = tpu.memref_slice %arg10[%dma_wait3A_212, %dma_wait3A_216] : memref<6x120xi32, #tpu.memory_space<vmem>> -> memref<1x120xi32, #tpu.memory_space<vmem>>
        %dma_wait3A_218 = tpu.memref_squeeze %dma_wait3A_217 : memref<1x120xi32, #tpu.memory_space<vmem>> -> memref<120xi32, #tpu.memory_space<vmem>>
        %dma_wait3A_219 = arith.constant 0 : i32
        %dma_wait3A_220 = arith.constant 0 : i32
        %dma_wait3A_221 = tpu.memref_slice %arg3[%dma_wait3A_219, %dma_wait3A_220] : memref<100000x64xf32, #tpu.memory_space<hbm>> -> memref<100000x64xf32, #tpu.memory_space<hbm>>
        tpu.wait_indirect_dma semaphore(%arg22 : memref<!tpu.dma_semaphore, #tpu.memory_space<semaphore_mem>>) src(%dma_wait3A_221 : memref<100000x64xf32, #tpu.memory_space<hbm>>) dst(%dma_wait3A_215 : memref<120x64xf32, #tpu.memory_space<vmem>>)
        %dma_wait3A_222 = arith.constant 2 : i32
        %dma_wait3A_223 = arith.constant 240 : i32
        %dma_wait3A_224 = arith.constant 0 : i32
        %dma_wait3A_225 = tpu.memref_slice %arg12[%dma_wait3A_223, %dma_wait3A_224] : memref<720x64xf32, #tpu.memory_space<vmem>> -> memref<120x64xf32, #tpu.memory_space<vmem>>
        %dma_wait3A_226 = arith.constant 0 : i32
        %dma_wait3A_227 = tpu.memref_slice %arg10[%dma_wait3A_222, %dma_wait3A_226] : memref<6x120xi32, #tpu.memory_space<vmem>> -> memref<1x120xi32, #tpu.memory_space<vmem>>
        %dma_wait3A_228 = tpu.memref_squeeze %dma_wait3A_227 : memref<1x120xi32, #tpu.memory_space<vmem>> -> memref<120xi32, #tpu.memory_space<vmem>>
        %dma_wait3A_229 = arith.constant 0 : i32
        %dma_wait3A_230 = arith.constant 0 : i32
        %dma_wait3A_231 = tpu.memref_slice %arg3[%dma_wait3A_229, %dma_wait3A_230] : memref<100000x64xf32, #tpu.memory_space<hbm>> -> memref<100000x64xf32, #tpu.memory_space<hbm>>
        tpu.wait_indirect_dma semaphore(%arg22 : memref<!tpu.dma_semaphore, #tpu.memory_space<semaphore_mem>>) src(%dma_wait3A_231 : memref<100000x64xf32, #tpu.memory_space<hbm>>) dst(%dma_wait3A_225 : memref<120x64xf32, #tpu.memory_space<vmem>>)
        %dma_wait3A_232 = arith.constant 3 : i32
        %dma_wait3A_233 = arith.constant 360 : i32
        %dma_wait3A_234 = arith.constant 0 : i32
        %dma_wait3A_235 = tpu.memref_slice %arg12[%dma_wait3A_233, %dma_wait3A_234] : memref<720x64xf32, #tpu.memory_space<vmem>> -> memref<120x64xf32, #tpu.memory_space<vmem>>
        %dma_wait3A_236 = arith.constant 0 : i32
        %dma_wait3A_237 = tpu.memref_slice %arg10[%dma_wait3A_232, %dma_wait3A_236] : memref<6x120xi32, #tpu.memory_space<vmem>> -> memref<1x120xi32, #tpu.memory_space<vmem>>
        %dma_wait3A_238 = tpu.memref_squeeze %dma_wait3A_237 : memref<1x120xi32, #tpu.memory_space<vmem>> -> memref<120xi32, #tpu.memory_space<vmem>>
        %dma_wait3A_239 = arith.constant 0 : i32
        %dma_wait3A_240 = arith.constant 0 : i32
        %dma_wait3A_241 = tpu.memref_slice %arg3[%dma_wait3A_239, %dma_wait3A_240] : memref<100000x64xf32, #tpu.memory_space<hbm>> -> memref<100000x64xf32, #tpu.memory_space<hbm>>
        tpu.wait_indirect_dma semaphore(%arg22 : memref<!tpu.dma_semaphore, #tpu.memory_space<semaphore_mem>>) src(%dma_wait3A_241 : memref<100000x64xf32, #tpu.memory_space<hbm>>) dst(%dma_wait3A_235 : memref<120x64xf32, #tpu.memory_space<vmem>>)
        %dma_wait3A_242 = arith.constant 4 : i32
        %dma_wait3A_243 = arith.constant 480 : i32
        %dma_wait3A_244 = arith.constant 0 : i32
        %dma_wait3A_245 = tpu.memref_slice %arg12[%dma_wait3A_243, %dma_wait3A_244] : memref<720x64xf32, #tpu.memory_space<vmem>> -> memref<120x64xf32, #tpu.memory_space<vmem>>
        %dma_wait3A_246 = arith.constant 0 : i32
        %dma_wait3A_247 = tpu.memref_slice %arg10[%dma_wait3A_242, %dma_wait3A_246] : memref<6x120xi32, #tpu.memory_space<vmem>> -> memref<1x120xi32, #tpu.memory_space<vmem>>
        %dma_wait3A_248 = tpu.memref_squeeze %dma_wait3A_247 : memref<1x120xi32, #tpu.memory_space<vmem>> -> memref<120xi32, #tpu.memory_space<vmem>>
        %dma_wait3A_249 = arith.constant 0 : i32
        %dma_wait3A_250 = arith.constant 0 : i32
        %dma_wait3A_251 = tpu.memref_slice %arg3[%dma_wait3A_249, %dma_wait3A_250] : memref<100000x64xf32, #tpu.memory_space<hbm>> -> memref<100000x64xf32, #tpu.memory_space<hbm>>
        tpu.wait_indirect_dma semaphore(%arg22 : memref<!tpu.dma_semaphore, #tpu.memory_space<semaphore_mem>>) src(%dma_wait3A_251 : memref<100000x64xf32, #tpu.memory_space<hbm>>) dst(%dma_wait3A_245 : memref<120x64xf32, #tpu.memory_space<vmem>>)
        %dma_wait3A_252 = arith.constant 5 : i32
        %dma_wait3A_253 = arith.constant 600 : i32
        %dma_wait3A_254 = arith.constant 0 : i32
        %dma_wait3A_255 = tpu.memref_slice %arg12[%dma_wait3A_253, %dma_wait3A_254] : memref<720x64xf32, #tpu.memory_space<vmem>> -> memref<120x64xf32, #tpu.memory_space<vmem>>
        %dma_wait3A_256 = arith.constant 0 : i32
        %dma_wait3A_257 = tpu.memref_slice %arg10[%dma_wait3A_252, %dma_wait3A_256] : memref<6x120xi32, #tpu.memory_space<vmem>> -> memref<1x120xi32, #tpu.memory_space<vmem>>
        %dma_wait3A_258 = tpu.memref_squeeze %dma_wait3A_257 : memref<1x120xi32, #tpu.memory_space<vmem>> -> memref<120xi32, #tpu.memory_space<vmem>>
        %dma_wait3A_259 = arith.constant 0 : i32
        %dma_wait3A_260 = arith.constant 0 : i32
        %dma_wait3A_261 = tpu.memref_slice %arg3[%dma_wait3A_259, %dma_wait3A_260] : memref<100000x64xf32, #tpu.memory_space<hbm>> -> memref<100000x64xf32, #tpu.memory_space<hbm>>
        tpu.wait_indirect_dma semaphore(%arg22 : memref<!tpu.dma_semaphore, #tpu.memory_space<semaphore_mem>>) src(%dma_wait3A_261 : memref<100000x64xf32, #tpu.memory_space<hbm>>) dst(%dma_wait3A_255 : memref<120x64xf32, #tpu.memory_space<vmem>>)
        %dma_wait3A_262 = arith.constant 0 : i32
        %dma_wait3A_263 = arith.constant 0 : i32
        %dma_wait3A_264 = tpu.memref_slice %arg2[%dma_wait3A_262, %dma_wait3A_263] : memref<100000x64xf32, #tpu.memory_space<hbm>> -> memref<80x64xf32, #tpu.memory_space<hbm>>
        %dma_wait3A_265 = arith.constant 0 : i32
        %dma_wait3A_266 = arith.constant 0 : i32
        %dma_wait3A_267 = tpu.memref_slice %arg2[%dma_wait3A_265, %dma_wait3A_266] : memref<100000x64xf32, #tpu.memory_space<hbm>> -> memref<80x64xf32, #tpu.memory_space<hbm>>
        tpu.wait_dma2 semaphore(%arg24 : memref<!tpu.dma_semaphore, #tpu.memory_space<semaphore_mem>>) src(%dma_wait3A_267 : memref<80x64xf32, #tpu.memory_space<hbm>>) dst(%arg14 : memref<80x64xf32, #tpu.memory_space<vmem>>)
        %ge3A = arith.constant 1 : i32
        %ge3A_268 = arith.cmpi sge, %scan3A_165, %ge3A : i32
        %convert_element_type3A_269 = arith.extui %ge3A_268 : i1 to i32
        %cond3A_270 = arith.constant 0 : i32
        %cond3A_271 = arith.cmpi ne, %convert_element_type3A_269, %cond3A_270 : i32
        scf.if %cond3A_271 {
          %dma_wait3A_290 = arith.constant 0 : i32
          %dma_wait3A_291 = arith.constant 0 : i32
          %dma_wait3A_292 = tpu.memref_slice %arg7[%dma_wait3A_290, %dma_wait3A_291] : memref<100000x64xf32, #tpu.memory_space<hbm>> -> memref<80x64xf32, #tpu.memory_space<hbm>>
          %dma_wait3A_293 = arith.constant 0 : i32
          %dma_wait3A_294 = arith.constant 0 : i32
          %dma_wait3A_295 = tpu.memref_slice %arg7[%dma_wait3A_293, %dma_wait3A_294] : memref<100000x64xf32, #tpu.memory_space<hbm>> -> memref<80x64xf32, #tpu.memory_space<hbm>>
          tpu.wait_dma2 semaphore(%arg26 : memref<!tpu.dma_semaphore, #tpu.memory_space<semaphore_mem>>) src(%arg16 : memref<80x64xf32, #tpu.memory_space<vmem>>) dst(%dma_wait3A_295 : memref<80x64xf32, #tpu.memory_space<hbm>>)
          %dma_wait3A_296 = arith.constant 0 : i32
          %dma_wait3A_297 = arith.constant 0 : i32
          %dma_wait3A_298 = tpu.memref_slice %arg8[%dma_wait3A_296, %dma_wait3A_297] : memref<100000x9xf32, #tpu.memory_space<hbm>> -> memref<80x9xf32, #tpu.memory_space<hbm>>
          %dma_wait3A_299 = arith.constant 0 : i32
          %dma_wait3A_300 = arith.constant 0 : i32
          %dma_wait3A_301 = tpu.memref_slice %arg8[%dma_wait3A_299, %dma_wait3A_300] : memref<100000x9xf32, #tpu.memory_space<hbm>> -> memref<80x9xf32, #tpu.memory_space<hbm>>
          tpu.wait_dma2 semaphore(%arg26 : memref<!tpu.dma_semaphore, #tpu.memory_space<semaphore_mem>>) src(%arg18 : memref<80x9xf32, #tpu.memory_space<vmem>>) dst(%dma_wait3A_301 : memref<80x9xf32, #tpu.memory_space<hbm>>)
        } else {
        }
        %scan3A_272 = arith.constant 0 : i32
        %scan3A_273 = arith.constant 0 : i32
        %scan3A_274 = arith.constant 80 : i32
        %scan3A_275 = arith.addi %scan3A_273, %scan3A_274 : i32
        %scan3A_276 = arith.constant 2 : i32
        scf.for %scan3A_290 = %scan3A_273 to %scan3A_275 step %scan3A_276  : i32 {
          %get3A_291 = arith.index_cast %scan3A_290 : i32 to index
          %get3A_292 = arith.constant 0 : index
          %get3A_293 = tpu.vector_load %arg14[%get3A_291, %get3A_292] {strides = array<i32>} : memref<80x64xf32, #tpu.memory_space<vmem>>, vector<16xf32>,
          %get3A_294 = arith.index_cast %scan3A_290 : i32 to index
          %get3A_295 = arith.constant 16 : index
          %get3A_296 = tpu.vector_load %arg14[%get3A_294, %get3A_295] {strides = array<i32>} : memref<80x64xf32, #tpu.memory_space<vmem>>, vector<16xf32>,
          %get3A_297 = arith.index_cast %scan3A_290 : i32 to index
          %get3A_298 = arith.constant 32 : index
          %get3A_299 = tpu.vector_load %arg14[%get3A_297, %get3A_298] {strides = array<i32>} : memref<80x64xf32, #tpu.memory_space<vmem>>, vector<16xf32>,
          %get3A_300 = arith.index_cast %scan3A_290 : i32 to index
          %get3A_301 = arith.constant 48 : index
          %get3A_302 = tpu.vector_load %arg14[%get3A_300, %get3A_301] {strides = array<i32>} : memref<80x64xf32, #tpu.memory_space<vmem>>, vector<16xf32>,
          %broadcast_in_dim3A_303 = arith.constant 0.000000e+00 : f32
          %broadcast_in_dim3A_304 = vector.broadcast %broadcast_in_dim3A_303 : f32 to vector<16xf32>
          %mul3A_305 = arith.constant 9 : i32
          %mul3A_306 = arith.muli %scan3A_290, %mul3A_305 : i32
          %add3A_307 = arith.constant 0 : i32
          %add3A_308 = arith.addi %mul3A_306, %add3A_307 : i32
          %get3A_309 = arith.index_cast %add3A_308 : i32 to index
          %get3A_310 = arith.constant 0 : index
          %get3A_311 = tpu.vector_load %arg12[%get3A_309, %get3A_310] {strides = array<i32>} : memref<720x64xf32, #tpu.memory_space<vmem>>, vector<16xf32>,
          %sub3A = arith.subf %get3A_311, %get3A_293 : vector<16xf32>
          %mul3A_312 = arith.mulf %sub3A, %sub3A : vector<16xf32>
          %mul3A_313 = arith.constant 9 : i32
          %mul3A_314 = arith.muli %scan3A_290, %mul3A_313 : i32
          %add3A_315 = arith.constant 0 : i32
          %add3A_316 = arith.addi %mul3A_314, %add3A_315 : i32
          %get3A_317 = arith.index_cast %add3A_316 : i32 to index
          %get3A_318 = arith.constant 16 : index
          %get3A_319 = tpu.vector_load %arg12[%get3A_317, %get3A_318] {strides = array<i32>} : memref<720x64xf32, #tpu.memory_space<vmem>>, vector<16xf32>,
          %sub3A_320 = arith.subf %get3A_319, %get3A_296 : vector<16xf32>
          %mul3A_321 = arith.mulf %sub3A_320, %sub3A_320 : vector<16xf32>
          %add3A_322 = arith.addf %mul3A_312, %mul3A_321 : vector<16xf32>
          %mul3A_323 = arith.constant 9 : i32
          %mul3A_324 = arith.muli %scan3A_290, %mul3A_323 : i32
          %add3A_325 = arith.constant 0 : i32
          %add3A_326 = arith.addi %mul3A_324, %add3A_325 : i32
          %get3A_327 = arith.index_cast %add3A_326 : i32 to index
          %get3A_328 = arith.constant 32 : index
          %get3A_329 = tpu.vector_load %arg12[%get3A_327, %get3A_328] {strides = array<i32>} : memref<720x64xf32, #tpu.memory_space<vmem>>, vector<16xf32>,
          %sub3A_330 = arith.subf %get3A_329, %get3A_299 : vector<16xf32>
          %mul3A_331 = arith.mulf %sub3A_330, %sub3A_330 : vector<16xf32>
          %add3A_332 = arith.addf %add3A_322, %mul3A_331 : vector<16xf32>
          %mul3A_333 = arith.constant 9 : i32
          %mul3A_334 = arith.muli %scan3A_290, %mul3A_333 : i32
          %add3A_335 = arith.constant 0 : i32
          %add3A_336 = arith.addi %mul3A_334, %add3A_335 : i32
          %get3A_337 = arith.index_cast %add3A_336 : i32 to index
          %get3A_338 = arith.constant 48 : index
          %get3A_339 = tpu.vector_load %arg12[%get3A_337, %get3A_338] {strides = array<i32>} : memref<720x64xf32, #tpu.memory_space<vmem>>, vector<16xf32>,
          %sub3A_340 = arith.subf %get3A_339, %get3A_302 : vector<16xf32>
          %mul3A_341 = arith.mulf %sub3A_340, %sub3A_340 : vector<16xf32>
          %add3A_342 = arith.addf %add3A_332, %mul3A_341 : vector<16xf32>
          %reduce_sum3A = arith.constant true
          %reduce_sum3A_343 = vector.broadcast %reduce_sum3A : i1 to vector<16xi1>
          %reduce_sum3A_344 = tpu.scan <sum>, %add3A_342 masked %reduce_sum3A_343 : vector<16xf32>, vector<16xi1> -> vector<16xf32>
          %reduce_sum3A_345 = vector.extract %reduce_sum3A_344[15] : f32 from vector<16xf32>
          %broadcast_in_dim3A_346 = vector.broadcast %reduce_sum3A_345 : f32 to vector<16xf32>
          %select_n3A = arith.select %eq3A_47, %broadcast_in_dim3A_346, %broadcast_in_dim3A_304 : vector<16xi1>, vector<16xf32>
          %mul3A_347 = arith.constant 9 : i32
          %mul3A_348 = arith.muli %scan3A_290, %mul3A_347 : i32
          %add3A_349 = arith.constant 1 : i32
          %add3A_350 = arith.addi %mul3A_348, %add3A_349 : i32
          %get3A_351 = arith.index_cast %add3A_350 : i32 to index
          %get3A_352 = arith.constant 0 : index
          %get3A_353 = tpu.vector_load %arg12[%get3A_351, %get3A_352] {strides = array<i32>} : memref<720x64xf32, #tpu.memory_space<vmem>>, vector<16xf32>,
          %sub3A_354 = arith.subf %get3A_353, %get3A_293 : vector<16xf32>
          %mul3A_355 = arith.mulf %sub3A_354, %sub3A_354 : vector<16xf32>
          %mul3A_356 = arith.constant 9 : i32
          %mul3A_357 = arith.muli %scan3A_290, %mul3A_356 : i32
          %add3A_358 = arith.constant 1 : i32
          %add3A_359 = arith.addi %mul3A_357, %add3A_358 : i32
          %get3A_360 = arith.index_cast %add3A_359 : i32 to index
          %get3A_361 = arith.constant 16 : index
          %get3A_362 = tpu.vector_load %arg12[%get3A_360, %get3A_361] {strides = array<i32>} : memref<720x64xf32, #tpu.memory_space<vmem>>, vector<16xf32>,
          %sub3A_363 = arith.subf %get3A_362, %get3A_296 : vector<16xf32>
          %mul3A_364 = arith.mulf %sub3A_363, %sub3A_363 : vector<16xf32>
          %add3A_365 = arith.addf %mul3A_355, %mul3A_364 : vector<16xf32>
          %mul3A_366 = arith.constant 9 : i32
          %mul3A_367 = arith.muli %scan3A_290, %mul3A_366 : i32
          %add3A_368 = arith.constant 1 : i32
          %add3A_369 = arith.addi %mul3A_367, %add3A_368 : i32
          %get3A_370 = arith.index_cast %add3A_369 : i32 to index
          %get3A_371 = arith.constant 32 : index
          %get3A_372 = tpu.vector_load %arg12[%get3A_370, %get3A_371] {strides = array<i32>} : memref<720x64xf32, #tpu.memory_space<vmem>>, vector<16xf32>,
          %sub3A_373 = arith.subf %get3A_372, %get3A_299 : vector<16xf32>
          %mul3A_374 = arith.mulf %sub3A_373, %sub3A_373 : vector<16xf32>
          %add3A_375 = arith.addf %add3A_365, %mul3A_374 : vector<16xf32>
          %mul3A_376 = arith.constant 9 : i32
          %mul3A_377 = arith.muli %scan3A_290, %mul3A_376 : i32
          %add3A_378 = arith.constant 1 : i32
          %add3A_379 = arith.addi %mul3A_377, %add3A_378 : i32
          %get3A_380 = arith.index_cast %add3A_379 : i32 to index
          %get3A_381 = arith.constant 48 : index
          %get3A_382 = tpu.vector_load %arg12[%get3A_380, %get3A_381] {strides = array<i32>} : memref<720x64xf32, #tpu.memory_space<vmem>>, vector<16xf32>,
          %sub3A_383 = arith.subf %get3A_382, %get3A_302 : vector<16xf32>
          %mul3A_384 = arith.mulf %sub3A_383, %sub3A_383 : vector<16xf32>
          %add3A_385 = arith.addf %add3A_375, %mul3A_384 : vector<16xf32>
          %reduce_sum3A_386 = arith.constant true
          %reduce_sum3A_387 = vector.broadcast %reduce_sum3A_386 : i1 to vector<16xi1>
          %reduce_sum3A_388 = tpu.scan <sum>, %add3A_385 masked %reduce_sum3A_387 : vector<16xf32>, vector<16xi1> -> vector<16xf32>
          %reduce_sum3A_389 = vector.extract %reduce_sum3A_388[15] : f32 from vector<16xf32>
          %broadcast_in_dim3A_390 = vector.broadcast %reduce_sum3A_389 : f32 to vector<16xf32>
          %select_n3A_391 = arith.select %eq3A_50, %broadcast_in_dim3A_390, %select_n3A : vector<16xi1>, vector<16xf32>
          %mul3A_392 = arith.constant 9 : i32
          %mul3A_393 = arith.muli %scan3A_290, %mul3A_392 : i32
          %add3A_394 = arith.constant 2 : i32
          %add3A_395 = arith.addi %mul3A_393, %add3A_394 : i32
          %get3A_396 = arith.index_cast %add3A_395 : i32 to index
          %get3A_397 = arith.constant 0 : index
          %get3A_398 = tpu.vector_load %arg12[%get3A_396, %get3A_397] {strides = array<i32>} : memref<720x64xf32, #tpu.memory_space<vmem>>, vector<16xf32>,
          %sub3A_399 = arith.subf %get3A_398, %get3A_293 : vector<16xf32>
          %mul3A_400 = arith.mulf %sub3A_399, %sub3A_399 : vector<16xf32>
          %mul3A_401 = arith.constant 9 : i32
          %mul3A_402 = arith.muli %scan3A_290, %mul3A_401 : i32
          %add3A_403 = arith.constant 2 : i32
          %add3A_404 = arith.addi %mul3A_402, %add3A_403 : i32
          %get3A_405 = arith.index_cast %add3A_404 : i32 to index
          %get3A_406 = arith.constant 16 : index
          %get3A_407 = tpu.vector_load %arg12[%get3A_405, %get3A_406] {strides = array<i32>} : memref<720x64xf32, #tpu.memory_space<vmem>>, vector<16xf32>,
          %sub3A_408 = arith.subf %get3A_407, %get3A_296 : vector<16xf32>
          %mul3A_409 = arith.mulf %sub3A_408, %sub3A_408 : vector<16xf32>
          %add3A_410 = arith.addf %mul3A_400, %mul3A_409 : vector<16xf32>
          %mul3A_411 = arith.constant 9 : i32
          %mul3A_412 = arith.muli %scan3A_290, %mul3A_411 : i32
          %add3A_413 = arith.constant 2 : i32
          %add3A_414 = arith.addi %mul3A_412, %add3A_413 : i32
          %get3A_415 = arith.index_cast %add3A_414 : i32 to index
          %get3A_416 = arith.constant 32 : index
          %get3A_417 = tpu.vector_load %arg12[%get3A_415, %get3A_416] {strides = array<i32>} : memref<720x64xf32, #tpu.memory_space<vmem>>, vector<16xf32>,
          %sub3A_418 = arith.subf %get3A_417, %get3A_299 : vector<16xf32>
          %mul3A_419 = arith.mulf %sub3A_418, %sub3A_418 : vector<16xf32>
          %add3A_420 = arith.addf %add3A_410, %mul3A_419 : vector<16xf32>
          %mul3A_421 = arith.constant 9 : i32
          %mul3A_422 = arith.muli %scan3A_290, %mul3A_421 : i32
          %add3A_423 = arith.constant 2 : i32
          %add3A_424 = arith.addi %mul3A_422, %add3A_423 : i32
          %get3A_425 = arith.index_cast %add3A_424 : i32 to index
          %get3A_426 = arith.constant 48 : index
          %get3A_427 = tpu.vector_load %arg12[%get3A_425, %get3A_426] {strides = array<i32>} : memref<720x64xf32, #tpu.memory_space<vmem>>, vector<16xf32>,
          %sub3A_428 = arith.subf %get3A_427, %get3A_302 : vector<16xf32>
          %mul3A_429 = arith.mulf %sub3A_428, %sub3A_428 : vector<16xf32>
          %add3A_430 = arith.addf %add3A_420, %mul3A_429 : vector<16xf32>
          %reduce_sum3A_431 = arith.constant true
          %reduce_sum3A_432 = vector.broadcast %reduce_sum3A_431 : i1 to vector<16xi1>
          %reduce_sum3A_433 = tpu.scan <sum>, %add3A_430 masked %reduce_sum3A_432 : vector<16xf32>, vector<16xi1> -> vector<16xf32>
          %reduce_sum3A_434 = vector.extract %reduce_sum3A_433[15] : f32 from vector<16xf32>
          %broadcast_in_dim3A_435 = vector.broadcast %reduce_sum3A_434 : f32 to vector<16xf32>
          %select_n3A_436 = arith.select %eq3A_53, %broadcast_in_dim3A_435, %select_n3A_391 : vector<16xi1>, vector<16xf32>
          %mul3A_437 = arith.constant 9 : i32
          %mul3A_438 = arith.muli %scan3A_290, %mul3A_437 : i32
          %add3A_439 = arith.constant 3 : i32
          %add3A_440 = arith.addi %mul3A_438, %add3A_439 : i32
          %get3A_441 = arith.index_cast %add3A_440 : i32 to index
          %get3A_442 = arith.constant 0 : index
          %get3A_443 = tpu.vector_load %arg12[%get3A_441, %get3A_442] {strides = array<i32>} : memref<720x64xf32, #tpu.memory_space<vmem>>, vector<16xf32>,
          %sub3A_444 = arith.subf %get3A_443, %get3A_293 : vector<16xf32>
          %mul3A_445 = arith.mulf %sub3A_444, %sub3A_444 : vector<16xf32>
          %mul3A_446 = arith.constant 9 : i32
          %mul3A_447 = arith.muli %scan3A_290, %mul3A_446 : i32
          %add3A_448 = arith.constant 3 : i32
          %add3A_449 = arith.addi %mul3A_447, %add3A_448 : i32
          %get3A_450 = arith.index_cast %add3A_449 : i32 to index
          %get3A_451 = arith.constant 16 : index
          %get3A_452 = tpu.vector_load %arg12[%get3A_450, %get3A_451] {strides = array<i32>} : memref<720x64xf32, #tpu.memory_space<vmem>>, vector<16xf32>,
          %sub3A_453 = arith.subf %get3A_452, %get3A_296 : vector<16xf32>
          %mul3A_454 = arith.mulf %sub3A_453, %sub3A_453 : vector<16xf32>
          %add3A_455 = arith.addf %mul3A_445, %mul3A_454 : vector<16xf32>
          %mul3A_456 = arith.constant 9 : i32
          %mul3A_457 = arith.muli %scan3A_290, %mul3A_456 : i32
          %add3A_458 = arith.constant 3 : i32
          %add3A_459 = arith.addi %mul3A_457, %add3A_458 : i32
          %get3A_460 = arith.index_cast %add3A_459 : i32 to index
          %get3A_461 = arith.constant 32 : index
          %get3A_462 = tpu.vector_load %arg12[%get3A_460, %get3A_461] {strides = array<i32>} : memref<720x64xf32, #tpu.memory_space<vmem>>, vector<16xf32>,
          %sub3A_463 = arith.subf %get3A_462, %get3A_299 : vector<16xf32>
          %mul3A_464 = arith.mulf %sub3A_463, %sub3A_463 : vector<16xf32>
          %add3A_465 = arith.addf %add3A_455, %mul3A_464 : vector<16xf32>
          %mul3A_466 = arith.constant 9 : i32
          %mul3A_467 = arith.muli %scan3A_290, %mul3A_466 : i32
          %add3A_468 = arith.constant 3 : i32
          %add3A_469 = arith.addi %mul3A_467, %add3A_468 : i32
          %get3A_470 = arith.index_cast %add3A_469 : i32 to index
          %get3A_471 = arith.constant 48 : index
          %get3A_472 = tpu.vector_load %arg12[%get3A_470, %get3A_471] {strides = array<i32>} : memref<720x64xf32, #tpu.memory_space<vmem>>, vector<16xf32>,
          %sub3A_473 = arith.subf %get3A_472, %get3A_302 : vector<16xf32>
          %mul3A_474 = arith.mulf %sub3A_473, %sub3A_473 : vector<16xf32>
          %add3A_475 = arith.addf %add3A_465, %mul3A_474 : vector<16xf32>
          %reduce_sum3A_476 = arith.constant true
          %reduce_sum3A_477 = vector.broadcast %reduce_sum3A_476 : i1 to vector<16xi1>
          %reduce_sum3A_478 = tpu.scan <sum>, %add3A_475 masked %reduce_sum3A_477 : vector<16xf32>, vector<16xi1> -> vector<16xf32>
          %reduce_sum3A_479 = vector.extract %reduce_sum3A_478[15] : f32 from vector<16xf32>
          %broadcast_in_dim3A_480 = vector.broadcast %reduce_sum3A_479 : f32 to vector<16xf32>
          %select_n3A_481 = arith.select %eq3A_56, %broadcast_in_dim3A_480, %select_n3A_436 : vector<16xi1>, vector<16xf32>
          %mul3A_482 = arith.constant 9 : i32
          %mul3A_483 = arith.muli %scan3A_290, %mul3A_482 : i32
          %add3A_484 = arith.constant 4 : i32
          %add3A_485 = arith.addi %mul3A_483, %add3A_484 : i32
          %get3A_486 = arith.index_cast %add3A_485 : i32 to index
          %get3A_487 = arith.constant 0 : index
          %get3A_488 = tpu.vector_load %arg12[%get3A_486, %get3A_487] {strides = array<i32>} : memref<720x64xf32, #tpu.memory_space<vmem>>, vector<16xf32>,
          %sub3A_489 = arith.subf %get3A_488, %get3A_293 : vector<16xf32>
          %mul3A_490 = arith.mulf %sub3A_489, %sub3A_489 : vector<16xf32>
          %mul3A_491 = arith.constant 9 : i32
          %mul3A_492 = arith.muli %scan3A_290, %mul3A_491 : i32
          %add3A_493 = arith.constant 4 : i32
          %add3A_494 = arith.addi %mul3A_492, %add3A_493 : i32
          %get3A_495 = arith.index_cast %add3A_494 : i32 to index
          %get3A_496 = arith.constant 16 : index
          %get3A_497 = tpu.vector_load %arg12[%get3A_495, %get3A_496] {strides = array<i32>} : memref<720x64xf32, #tpu.memory_space<vmem>>, vector<16xf32>,
          %sub3A_498 = arith.subf %get3A_497, %get3A_296 : vector<16xf32>
          %mul3A_499 = arith.mulf %sub3A_498, %sub3A_498 : vector<16xf32>
          %add3A_500 = arith.addf %mul3A_490, %mul3A_499 : vector<16xf32>
          %mul3A_501 = arith.constant 9 : i32
          %mul3A_502 = arith.muli %scan3A_290, %mul3A_501 : i32
          %add3A_503 = arith.constant 4 : i32
          %add3A_504 = arith.addi %mul3A_502, %add3A_503 : i32
          %get3A_505 = arith.index_cast %add3A_504 : i32 to index
          %get3A_506 = arith.constant 32 : index
          %get3A_507 = tpu.vector_load %arg12[%get3A_505, %get3A_506] {strides = array<i32>} : memref<720x64xf32, #tpu.memory_space<vmem>>, vector<16xf32>,
          %sub3A_508 = arith.subf %get3A_507, %get3A_299 : vector<16xf32>
          %mul3A_509 = arith.mulf %sub3A_508, %sub3A_508 : vector<16xf32>
          %add3A_510 = arith.addf %add3A_500, %mul3A_509 : vector<16xf32>
          %mul3A_511 = arith.constant 9 : i32
          %mul3A_512 = arith.muli %scan3A_290, %mul3A_511 : i32
          %add3A_513 = arith.constant 4 : i32
          %add3A_514 = arith.addi %mul3A_512, %add3A_513 : i32
          %get3A_515 = arith.index_cast %add3A_514 : i32 to index
          %get3A_516 = arith.constant 48 : index
          %get3A_517 = tpu.vector_load %arg12[%get3A_515, %get3A_516] {strides = array<i32>} : memref<720x64xf32, #tpu.memory_space<vmem>>, vector<16xf32>,
          %sub3A_518 = arith.subf %get3A_517, %get3A_302 : vector<16xf32>
          %mul3A_519 = arith.mulf %sub3A_518, %sub3A_518 : vector<16xf32>
          %add3A_520 = arith.addf %add3A_510, %mul3A_519 : vector<16xf32>
          %reduce_sum3A_521 = arith.constant true
          %reduce_sum3A_522 = vector.broadcast %reduce_sum3A_521 : i1 to vector<16xi1>
          %reduce_sum3A_523 = tpu.scan <sum>, %add3A_520 masked %reduce_sum3A_522 : vector<16xf32>, vector<16xi1> -> vector<16xf32>
          %reduce_sum3A_524 = vector.extract %reduce_sum3A_523[15] : f32 from vector<16xf32>
          %broadcast_in_dim3A_525 = vector.broadcast %reduce_sum3A_524 : f32 to vector<16xf32>
          %select_n3A_526 = arith.select %eq3A_59, %broadcast_in_dim3A_525, %select_n3A_481 : vector<16xi1>, vector<16xf32>
          %mul3A_527 = arith.constant 9 : i32
          %mul3A_528 = arith.muli %scan3A_290, %mul3A_527 : i32
          %add3A_529 = arith.constant 5 : i32
          %add3A_530 = arith.addi %mul3A_528, %add3A_529 : i32
          %get3A_531 = arith.index_cast %add3A_530 : i32 to index
          %get3A_532 = arith.constant 0 : index
          %get3A_533 = tpu.vector_load %arg12[%get3A_531, %get3A_532] {strides = array<i32>} : memref<720x64xf32, #tpu.memory_space<vmem>>, vector<16xf32>,
          %sub3A_534 = arith.subf %get3A_533, %get3A_293 : vector<16xf32>
          %mul3A_535 = arith.mulf %sub3A_534, %sub3A_534 : vector<16xf32>
          %mul3A_536 = arith.constant 9 : i32
          %mul3A_537 = arith.muli %scan3A_290, %mul3A_536 : i32
          %add3A_538 = arith.constant 5 : i32
          %add3A_539 = arith.addi %mul3A_537, %add3A_538 : i32
          %get3A_540 = arith.index_cast %add3A_539 : i32 to index
          %get3A_541 = arith.constant 16 : index
          %get3A_542 = tpu.vector_load %arg12[%get3A_540, %get3A_541] {strides = array<i32>} : memref<720x64xf32, #tpu.memory_space<vmem>>, vector<16xf32>,
          %sub3A_543 = arith.subf %get3A_542, %get3A_296 : vector<16xf32>
          %mul3A_544 = arith.mulf %sub3A_543, %sub3A_543 : vector<16xf32>
          %add3A_545 = arith.addf %mul3A_535, %mul3A_544 : vector<16xf32>
          %mul3A_546 = arith.constant 9 : i32
          %mul3A_547 = arith.muli %scan3A_290, %mul3A_546 : i32
          %add3A_548 = arith.constant 5 : i32
          %add3A_549 = arith.addi %mul3A_547, %add3A_548 : i32
          %get3A_550 = arith.index_cast %add3A_549 : i32 to index
          %get3A_551 = arith.constant 32 : index
          %get3A_552 = tpu.vector_load %arg12[%get3A_550, %get3A_551] {strides = array<i32>} : memref<720x64xf32, #tpu.memory_space<vmem>>, vector<16xf32>,
          %sub3A_553 = arith.subf %get3A_552, %get3A_299 : vector<16xf32>
          %mul3A_554 = arith.mulf %sub3A_553, %sub3A_553 : vector<16xf32>
          %add3A_555 = arith.addf %add3A_545, %mul3A_554 : vector<16xf32>
          %mul3A_556 = arith.constant 9 : i32
          %mul3A_557 = arith.muli %scan3A_290, %mul3A_556 : i32
          %add3A_558 = arith.constant 5 : i32
          %add3A_559 = arith.addi %mul3A_557, %add3A_558 : i32
          %get3A_560 = arith.index_cast %add3A_559 : i32 to index
          %get3A_561 = arith.constant 48 : index
          %get3A_562 = tpu.vector_load %arg12[%get3A_560, %get3A_561] {strides = array<i32>} : memref<720x64xf32, #tpu.memory_space<vmem>>, vector<16xf32>,
          %sub3A_563 = arith.subf %get3A_562, %get3A_302 : vector<16xf32>
          %mul3A_564 = arith.mulf %sub3A_563, %sub3A_563 : vector<16xf32>
          %add3A_565 = arith.addf %add3A_555, %mul3A_564 : vector<16xf32>
          %reduce_sum3A_566 = arith.constant true
          %reduce_sum3A_567 = vector.broadcast %reduce_sum3A_566 : i1 to vector<16xi1>
          %reduce_sum3A_568 = tpu.scan <sum>, %add3A_565 masked %reduce_sum3A_567 : vector<16xf32>, vector<16xi1> -> vector<16xf32>
          %reduce_sum3A_569 = vector.extract %reduce_sum3A_568[15] : f32 from vector<16xf32>
          %broadcast_in_dim3A_570 = vector.broadcast %reduce_sum3A_569 : f32 to vector<16xf32>
          %select_n3A_571 = arith.select %eq3A_62, %broadcast_in_dim3A_570, %select_n3A_526 : vector<16xi1>, vector<16xf32>
          %mul3A_572 = arith.constant 9 : i32
          %mul3A_573 = arith.muli %scan3A_290, %mul3A_572 : i32
          %add3A_574 = arith.constant 6 : i32
          %add3A_575 = arith.addi %mul3A_573, %add3A_574 : i32
          %get3A_576 = arith.index_cast %add3A_575 : i32 to index
          %get3A_577 = arith.constant 0 : index
          %get3A_578 = tpu.vector_load %arg12[%get3A_576, %get3A_577] {strides = array<i32>} : memref<720x64xf32, #tpu.memory_space<vmem>>, vector<16xf32>,
          %sub3A_579 = arith.subf %get3A_578, %get3A_293 : vector<16xf32>
          %mul3A_580 = arith.mulf %sub3A_579, %sub3A_579 : vector<16xf32>
          %mul3A_581 = arith.constant 9 : i32
          %mul3A_582 = arith.muli %scan3A_290, %mul3A_581 : i32
          %add3A_583 = arith.constant 6 : i32
          %add3A_584 = arith.addi %mul3A_582, %add3A_583 : i32
          %get3A_585 = arith.index_cast %add3A_584 : i32 to index
          %get3A_586 = arith.constant 16 : index
          %get3A_587 = tpu.vector_load %arg12[%get3A_585, %get3A_586] {strides = array<i32>} : memref<720x64xf32, #tpu.memory_space<vmem>>, vector<16xf32>,
          %sub3A_588 = arith.subf %get3A_587, %get3A_296 : vector<16xf32>
          %mul3A_589 = arith.mulf %sub3A_588, %sub3A_588 : vector<16xf32>
          %add3A_590 = arith.addf %mul3A_580, %mul3A_589 : vector<16xf32>
          %mul3A_591 = arith.constant 9 : i32
          %mul3A_592 = arith.muli %scan3A_290, %mul3A_591 : i32
          %add3A_593 = arith.constant 6 : i32
          %add3A_594 = arith.addi %mul3A_592, %add3A_593 : i32
          %get3A_595 = arith.index_cast %add3A_594 : i32 to index
          %get3A_596 = arith.constant 32 : index
          %get3A_597 = tpu.vector_load %arg12[%get3A_595, %get3A_596] {strides = array<i32>} : memref<720x64xf32, #tpu.memory_space<vmem>>, vector<16xf32>,
          %sub3A_598 = arith.subf %get3A_597, %get3A_299 : vector<16xf32>
          %mul3A_599 = arith.mulf %sub3A_598, %sub3A_598 : vector<16xf32>
          %add3A_600 = arith.addf %add3A_590, %mul3A_599 : vector<16xf32>
          %mul3A_601 = arith.constant 9 : i32
          %mul3A_602 = arith.muli %scan3A_290, %mul3A_601 : i32
          %add3A_603 = arith.constant 6 : i32
          %add3A_604 = arith.addi %mul3A_602, %add3A_603 : i32
          %get3A_605 = arith.index_cast %add3A_604 : i32 to index
          %get3A_606 = arith.constant 48 : index
          %get3A_607 = tpu.vector_load %arg12[%get3A_605, %get3A_606] {strides = array<i32>} : memref<720x64xf32, #tpu.memory_space<vmem>>, vector<16xf32>,
          %sub3A_608 = arith.subf %get3A_607, %get3A_302 : vector<16xf32>
          %mul3A_609 = arith.mulf %sub3A_608, %sub3A_608 : vector<16xf32>
          %add3A_610 = arith.addf %add3A_600, %mul3A_609 : vector<16xf32>
          %reduce_sum3A_611 = arith.constant true
          %reduce_sum3A_612 = vector.broadcast %reduce_sum3A_611 : i1 to vector<16xi1>
          %reduce_sum3A_613 = tpu.scan <sum>, %add3A_610 masked %reduce_sum3A_612 : vector<16xf32>, vector<16xi1> -> vector<16xf32>
          %reduce_sum3A_614 = vector.extract %reduce_sum3A_613[15] : f32 from vector<16xf32>
          %broadcast_in_dim3A_615 = vector.broadcast %reduce_sum3A_614 : f32 to vector<16xf32>
          %select_n3A_616 = arith.select %eq3A_65, %broadcast_in_dim3A_615, %select_n3A_571 : vector<16xi1>, vector<16xf32>
          %mul3A_617 = arith.constant 9 : i32
          %mul3A_618 = arith.muli %scan3A_290, %mul3A_617 : i32
          %add3A_619 = arith.constant 7 : i32
          %add3A_620 = arith.addi %mul3A_618, %add3A_619 : i32
          %get3A_621 = arith.index_cast %add3A_620 : i32 to index
          %get3A_622 = arith.constant 0 : index
          %get3A_623 = tpu.vector_load %arg12[%get3A_621, %get3A_622] {strides = array<i32>} : memref<720x64xf32, #tpu.memory_space<vmem>>, vector<16xf32>,
          %sub3A_624 = arith.subf %get3A_623, %get3A_293 : vector<16xf32>
          %mul3A_625 = arith.mulf %sub3A_624, %sub3A_624 : vector<16xf32>
          %mul3A_626 = arith.constant 9 : i32
          %mul3A_627 = arith.muli %scan3A_290, %mul3A_626 : i32
          %add3A_628 = arith.constant 7 : i32
          %add3A_629 = arith.addi %mul3A_627, %add3A_628 : i32
          %get3A_630 = arith.index_cast %add3A_629 : i32 to index
          %get3A_631 = arith.constant 16 : index
          %get3A_632 = tpu.vector_load %arg12[%get3A_630, %get3A_631] {strides = array<i32>} : memref<720x64xf32, #tpu.memory_space<vmem>>, vector<16xf32>,
          %sub3A_633 = arith.subf %get3A_632, %get3A_296 : vector<16xf32>
          %mul3A_634 = arith.mulf %sub3A_633, %sub3A_633 : vector<16xf32>
          %add3A_635 = arith.addf %mul3A_625, %mul3A_634 : vector<16xf32>
          %mul3A_636 = arith.constant 9 : i32
          %mul3A_637 = arith.muli %scan3A_290, %mul3A_636 : i32
          %add3A_638 = arith.constant 7 : i32
          %add3A_639 = arith.addi %mul3A_637, %add3A_638 : i32
          %get3A_640 = arith.index_cast %add3A_639 : i32 to index
          %get3A_641 = arith.constant 32 : index
          %get3A_642 = tpu.vector_load %arg12[%get3A_640, %get3A_641] {strides = array<i32>} : memref<720x64xf32, #tpu.memory_space<vmem>>, vector<16xf32>,
          %sub3A_643 = arith.subf %get3A_642, %get3A_299 : vector<16xf32>
          %mul3A_644 = arith.mulf %sub3A_643, %sub3A_643 : vector<16xf32>
          %add3A_645 = arith.addf %add3A_635, %mul3A_644 : vector<16xf32>
          %mul3A_646 = arith.constant 9 : i32
          %mul3A_647 = arith.muli %scan3A_290, %mul3A_646 : i32
          %add3A_648 = arith.constant 7 : i32
          %add3A_649 = arith.addi %mul3A_647, %add3A_648 : i32
          %get3A_650 = arith.index_cast %add3A_649 : i32 to index
          %get3A_651 = arith.constant 48 : index
          %get3A_652 = tpu.vector_load %arg12[%get3A_650, %get3A_651] {strides = array<i32>} : memref<720x64xf32, #tpu.memory_space<vmem>>, vector<16xf32>,
          %sub3A_653 = arith.subf %get3A_652, %get3A_302 : vector<16xf32>
          %mul3A_654 = arith.mulf %sub3A_653, %sub3A_653 : vector<16xf32>
          %add3A_655 = arith.addf %add3A_645, %mul3A_654 : vector<16xf32>
          %reduce_sum3A_656 = arith.constant true
          %reduce_sum3A_657 = vector.broadcast %reduce_sum3A_656 : i1 to vector<16xi1>
          %reduce_sum3A_658 = tpu.scan <sum>, %add3A_655 masked %reduce_sum3A_657 : vector<16xf32>, vector<16xi1> -> vector<16xf32>
          %reduce_sum3A_659 = vector.extract %reduce_sum3A_658[15] : f32 from vector<16xf32>
          %broadcast_in_dim3A_660 = vector.broadcast %reduce_sum3A_659 : f32 to vector<16xf32>
          %select_n3A_661 = arith.select %eq3A_68, %broadcast_in_dim3A_660, %select_n3A_616 : vector<16xi1>, vector<16xf32>
          %mul3A_662 = arith.constant 9 : i32
          %mul3A_663 = arith.muli %scan3A_290, %mul3A_662 : i32
          %add3A_664 = arith.constant 8 : i32
          %add3A_665 = arith.addi %mul3A_663, %add3A_664 : i32
          %get3A_666 = arith.index_cast %add3A_665 : i32 to index
          %get3A_667 = arith.constant 0 : index
          %get3A_668 = tpu.vector_load %arg12[%get3A_666, %get3A_667] {strides = array<i32>} : memref<720x64xf32, #tpu.memory_space<vmem>>, vector<16xf32>,
          %sub3A_669 = arith.subf %get3A_668, %get3A_293 : vector<16xf32>
          %mul3A_670 = arith.mulf %sub3A_669, %sub3A_669 : vector<16xf32>
          %mul3A_671 = arith.constant 9 : i32
          %mul3A_672 = arith.muli %scan3A_290, %mul3A_671 : i32
          %add3A_673 = arith.constant 8 : i32
          %add3A_674 = arith.addi %mul3A_672, %add3A_673 : i32
          %get3A_675 = arith.index_cast %add3A_674 : i32 to index
          %get3A_676 = arith.constant 16 : index
          %get3A_677 = tpu.vector_load %arg12[%get3A_675, %get3A_676] {strides = array<i32>} : memref<720x64xf32, #tpu.memory_space<vmem>>, vector<16xf32>,
          %sub3A_678 = arith.subf %get3A_677, %get3A_296 : vector<16xf32>
          %mul3A_679 = arith.mulf %sub3A_678, %sub3A_678 : vector<16xf32>
          %add3A_680 = arith.addf %mul3A_670, %mul3A_679 : vector<16xf32>
          %mul3A_681 = arith.constant 9 : i32
          %mul3A_682 = arith.muli %scan3A_290, %mul3A_681 : i32
          %add3A_683 = arith.constant 8 : i32
          %add3A_684 = arith.addi %mul3A_682, %add3A_683 : i32
          %get3A_685 = arith.index_cast %add3A_684 : i32 to index
          %get3A_686 = arith.constant 32 : index
          %get3A_687 = tpu.vector_load %arg12[%get3A_685, %get3A_686] {strides = array<i32>} : memref<720x64xf32, #tpu.memory_space<vmem>>, vector<16xf32>,
          %sub3A_688 = arith.subf %get3A_687, %get3A_299 : vector<16xf32>
          %mul3A_689 = arith.mulf %sub3A_688, %sub3A_688 : vector<16xf32>
          %add3A_690 = arith.addf %add3A_680, %mul3A_689 : vector<16xf32>
          %mul3A_691 = arith.constant 9 : i32
          %mul3A_692 = arith.muli %scan3A_290, %mul3A_691 : i32
          %add3A_693 = arith.constant 8 : i32
          %add3A_694 = arith.addi %mul3A_692, %add3A_693 : i32
          %get3A_695 = arith.index_cast %add3A_694 : i32 to index
          %get3A_696 = arith.constant 48 : index
          %get3A_697 = tpu.vector_load %arg12[%get3A_695, %get3A_696] {strides = array<i32>} : memref<720x64xf32, #tpu.memory_space<vmem>>, vector<16xf32>,
          %sub3A_698 = arith.subf %get3A_697, %get3A_302 : vector<16xf32>
          %mul3A_699 = arith.mulf %sub3A_698, %sub3A_698 : vector<16xf32>
          %add3A_700 = arith.addf %add3A_690, %mul3A_699 : vector<16xf32>
          %reduce_sum3A_701 = arith.constant true
          %reduce_sum3A_702 = vector.broadcast %reduce_sum3A_701 : i1 to vector<16xi1>
          %reduce_sum3A_703 = tpu.scan <sum>, %add3A_700 masked %reduce_sum3A_702 : vector<16xf32>, vector<16xi1> -> vector<16xf32>
          %reduce_sum3A_704 = vector.extract %reduce_sum3A_703[15] : f32 from vector<16xf32>
          %broadcast_in_dim3A_705 = vector.broadcast %reduce_sum3A_704 : f32 to vector<16xf32>
          %select_n3A_706 = arith.select %eq3A_71, %broadcast_in_dim3A_705, %select_n3A_661 : vector<16xi1>, vector<16xf32>
          %bitcast_convert_type3A = tpu.bitcast %select_n3A_706 : vector<16xf32> -> vector<16xi32>
          %shift_right_arithmetic3A = arith.constant 1 : i32
          %shift_right_arithmetic3A_707 = vector.broadcast %shift_right_arithmetic3A : i32 to vector<16xi32>
          %shift_right_arithmetic3A_708 = arith.shrsi %bitcast_convert_type3A, %shift_right_arithmetic3A_707 : vector<16xi32>
          %sub3A_709 = arith.constant 1597463007 : i32
          %sub3A_710 = vector.broadcast %sub3A_709 : i32 to vector<16xi32>
          %sub3A_711 = arith.subi %sub3A_710, %shift_right_arithmetic3A_708 : vector<16xi32>
          %bitcast_convert_type3A_712 = tpu.bitcast %sub3A_711 : vector<16xi32> -> vector<16xf32>
          %mul3A_713 = arith.constant 5.000000e-01 : f32
          %mul3A_714 = vector.broadcast %mul3A_713 : f32 to vector<16xf32>
          %mul3A_715 = arith.mulf %mul3A_714, %select_n3A_706 : vector<16xf32>
          %mul3A_716 = arith.mulf %mul3A_715, %bitcast_convert_type3A_712 : vector<16xf32>
          %mul3A_717 = arith.mulf %mul3A_716, %bitcast_convert_type3A_712 : vector<16xf32>
          %sub3A_718 = arith.constant 1.500000e+00 : f32
          %sub3A_719 = vector.broadcast %sub3A_718 : f32 to vector<16xf32>
          %sub3A_720 = arith.subf %sub3A_719, %mul3A_717 : vector<16xf32>
          %mul3A_721 = arith.mulf %bitcast_convert_type3A_712, %sub3A_720 : vector<16xf32>
          %mul3A_722 = arith.mulf %mul3A_715, %mul3A_721 : vector<16xf32>
          %mul3A_723 = arith.mulf %mul3A_722, %mul3A_721 : vector<16xf32>
          %sub3A_724 = arith.constant 1.500000e+00 : f32
          %sub3A_725 = vector.broadcast %sub3A_724 : f32 to vector<16xf32>
          %sub3A_726 = arith.subf %sub3A_725, %mul3A_723 : vector<16xf32>
          %mul3A_727 = arith.mulf %mul3A_721, %sub3A_726 : vector<16xf32>
          %mul3A_728 = arith.mulf %select_n3A_706, %mul3A_727 : vector<16xf32>
          %gather3A = vector.shape_cast %broadcast_in_dim3A : vector<16x1xi32> to vector<16xi32>
          %gather3A_729 = tpu.dynamic_gather %mul3A_728[%gather3A] in [0] : vector<16xf32>, vector<16xi32> -> vector<16xf32>
          %add3A_730 = arith.addf %mul3A_728, %gather3A_729 : vector<16xf32>
          %gather3A_731 = vector.shape_cast %broadcast_in_dim3A_19 : vector<16x1xi32> to vector<16xi32>
          %gather3A_732 = tpu.dynamic_gather %add3A_730[%gather3A_731] in [0] : vector<16xf32>, vector<16xi32> -> vector<16xf32>
          %add3A_733 = arith.addf %add3A_730, %gather3A_732 : vector<16xf32>
          %gather3A_734 = vector.shape_cast %broadcast_in_dim3A_23 : vector<16x1xi32> to vector<16xi32>
          %gather3A_735 = tpu.dynamic_gather %add3A_733[%gather3A_734] in [0] : vector<16xf32>, vector<16xi32> -> vector<16xf32>
          %add3A_736 = arith.addf %add3A_733, %gather3A_735 : vector<16xf32>
          %gather3A_737 = vector.shape_cast %broadcast_in_dim3A_27 : vector<16x1xi32> to vector<16xi32>
          %gather3A_738 = tpu.dynamic_gather %add3A_736[%gather3A_737] in [0] : vector<16xf32>, vector<16xi32> -> vector<16xf32>
          %add3A_739 = arith.addf %add3A_736, %gather3A_738 : vector<16xf32>
          %mul3A_740 = arith.mulf %get3A_1, %add3A_739 : vector<16xf32>
          %div3A = arith.divf %get3A_3, %add3A_739 : vector<16xf32>
          %min3A = arith.minimumf %mul3A_728, %mul3A_740 : vector<16xf32>
          %sub3A_741 = arith.subf %mul3A_740, %min3A : vector<16xf32>
          %mul3A_742 = arith.mulf %sub3A_741, %div3A : vector<16xf32>
          %broadcast_in_dim3A_743 = arith.constant 1 : i32
          %broadcast_in_dim3A_744 = vector.broadcast %broadcast_in_dim3A_743 : i32 to vector<16xi32>
          %mul3A_745 = vector.broadcast %scan3A_290 : i32 to vector<16xi32>
          %mul3A_746 = arith.muli %broadcast_in_dim3A_744, %mul3A_745 : vector<16xi32>
          tpu.vector_store_idx %arg18[%mul3A_746, %iota3A], %mul3A_742 masked %lt3A_13 : memref<80x9xf32, #tpu.memory_space<vmem>>[vector<16xi32>, vector<16xi32>], vector<16xf32>, vector<16xi1>
          %gather3A_747 = vector.shape_cast %broadcast_in_dim3A_29 : vector<16x1xi32> to vector<16xi32>
          %gather3A_748 = tpu.dynamic_gather %mul3A_742[%gather3A_747] in [0] : vector<16xf32>, vector<16xi32> -> vector<16xf32>
          %mul3A_749 = arith.constant 9 : i32
          %mul3A_750 = arith.muli %scan3A_290, %mul3A_749 : i32
          %add3A_751 = arith.constant 0 : i32
          %add3A_752 = arith.addi %mul3A_750, %add3A_751 : i32
          %get3A_753 = arith.index_cast %add3A_752 : i32 to index
          %get3A_754 = arith.constant 0 : index
          %get3A_755 = tpu.vector_load %arg12[%get3A_753, %get3A_754] {strides = array<i32>} : memref<720x64xf32, #tpu.memory_space<vmem>>, vector<16xf32>,
          %mul3A_756 = arith.mulf %get3A_755, %gather3A_748 : vector<16xf32>
          %add3A_757 = arith.addf %get3A_5, %mul3A_756 : vector<16xf32>
          %mul3A_758 = arith.constant 9 : i32
          %mul3A_759 = arith.muli %scan3A_290, %mul3A_758 : i32
          %add3A_760 = arith.constant 0 : i32
          %add3A_761 = arith.addi %mul3A_759, %add3A_760 : i32
          %get3A_762 = arith.index_cast %add3A_761 : i32 to index
          %get3A_763 = arith.constant 16 : index
          %get3A_764 = tpu.vector_load %arg12[%get3A_762, %get3A_763] {strides = array<i32>} : memref<720x64xf32, #tpu.memory_space<vmem>>, vector<16xf32>,
          %mul3A_765 = arith.mulf %get3A_764, %gather3A_748 : vector<16xf32>
          %add3A_766 = arith.addf %get3A_7, %mul3A_765 : vector<16xf32>
          %mul3A_767 = arith.constant 9 : i32
          %mul3A_768 = arith.muli %scan3A_290, %mul3A_767 : i32
          %add3A_769 = arith.constant 0 : i32
          %add3A_770 = arith.addi %mul3A_768, %add3A_769 : i32
          %get3A_771 = arith.index_cast %add3A_770 : i32 to index
          %get3A_772 = arith.constant 32 : index
          %get3A_773 = tpu.vector_load %arg12[%get3A_771, %get3A_772] {strides = array<i32>} : memref<720x64xf32, #tpu.memory_space<vmem>>, vector<16xf32>,
          %mul3A_774 = arith.mulf %get3A_773, %gather3A_748 : vector<16xf32>
          %add3A_775 = arith.addf %get3A_9, %mul3A_774 : vector<16xf32>
          %mul3A_776 = arith.constant 9 : i32
          %mul3A_777 = arith.muli %scan3A_290, %mul3A_776 : i32
          %add3A_778 = arith.constant 0 : i32
          %add3A_779 = arith.addi %mul3A_777, %add3A_778 : i32
          %get3A_780 = arith.index_cast %add3A_779 : i32 to index
          %get3A_781 = arith.constant 48 : index
          %get3A_782 = tpu.vector_load %arg12[%get3A_780, %get3A_781] {strides = array<i32>} : memref<720x64xf32, #tpu.memory_space<vmem>>, vector<16xf32>,
          %mul3A_783 = arith.mulf %get3A_782, %gather3A_748 : vector<16xf32>
          %add3A_784 = arith.addf %get3A_11, %mul3A_783 : vector<16xf32>
          %gather3A_785 = vector.shape_cast %broadcast_in_dim3A_31 : vector<16x1xi32> to vector<16xi32>
          %gather3A_786 = tpu.dynamic_gather %mul3A_742[%gather3A_785] in [0] : vector<16xf32>, vector<16xi32> -> vector<16xf32>
          %mul3A_787 = arith.constant 9 : i32
          %mul3A_788 = arith.muli %scan3A_290, %mul3A_787 : i32
          %add3A_789 = arith.constant 1 : i32
          %add3A_790 = arith.addi %mul3A_788, %add3A_789 : i32
          %get3A_791 = arith.index_cast %add3A_790 : i32 to index
          %get3A_792 = arith.constant 0 : index
          %get3A_793 = tpu.vector_load %arg12[%get3A_791, %get3A_792] {strides = array<i32>} : memref<720x64xf32, #tpu.memory_space<vmem>>, vector<16xf32>,
          %mul3A_794 = arith.mulf %get3A_793, %gather3A_786 : vector<16xf32>
          %add3A_795 = arith.addf %add3A_757, %mul3A_794 : vector<16xf32>
          %mul3A_796 = arith.constant 9 : i32
          %mul3A_797 = arith.muli %scan3A_290, %mul3A_796 : i32
          %add3A_798 = arith.constant 1 : i32
          %add3A_799 = arith.addi %mul3A_797, %add3A_798 : i32
          %get3A_800 = arith.index_cast %add3A_799 : i32 to index
          %get3A_801 = arith.constant 16 : index
          %get3A_802 = tpu.vector_load %arg12[%get3A_800, %get3A_801] {strides = array<i32>} : memref<720x64xf32, #tpu.memory_space<vmem>>, vector<16xf32>,
          %mul3A_803 = arith.mulf %get3A_802, %gather3A_786 : vector<16xf32>
          %add3A_804 = arith.addf %add3A_766, %mul3A_803 : vector<16xf32>
          %mul3A_805 = arith.constant 9 : i32
          %mul3A_806 = arith.muli %scan3A_290, %mul3A_805 : i32
          %add3A_807 = arith.constant 1 : i32
          %add3A_808 = arith.addi %mul3A_806, %add3A_807 : i32
          %get3A_809 = arith.index_cast %add3A_808 : i32 to index
          %get3A_810 = arith.constant 32 : index
          %get3A_811 = tpu.vector_load %arg12[%get3A_809, %get3A_810] {strides = array<i32>} : memref<720x64xf32, #tpu.memory_space<vmem>>, vector<16xf32>,
          %mul3A_812 = arith.mulf %get3A_811, %gather3A_786 : vector<16xf32>
          %add3A_813 = arith.addf %add3A_775, %mul3A_812 : vector<16xf32>
          %mul3A_814 = arith.constant 9 : i32
          %mul3A_815 = arith.muli %scan3A_290, %mul3A_814 : i32
          %add3A_816 = arith.constant 1 : i32
          %add3A_817 = arith.addi %mul3A_815, %add3A_816 : i32
          %get3A_818 = arith.index_cast %add3A_817 : i32 to index
          %get3A_819 = arith.constant 48 : index
          %get3A_820 = tpu.vector_load %arg12[%get3A_818, %get3A_819] {strides = array<i32>} : memref<720x64xf32, #tpu.memory_space<vmem>>, vector<16xf32>,
          %mul3A_821 = arith.mulf %get3A_820, %gather3A_786 : vector<16xf32>
          %add3A_822 = arith.addf %add3A_784, %mul3A_821 : vector<16xf32>
          %gather3A_823 = vector.shape_cast %broadcast_in_dim3A_33 : vector<16x1xi32> to vector<16xi32>
          %gather3A_824 = tpu.dynamic_gather %mul3A_742[%gather3A_823] in [0] : vector<16xf32>, vector<16xi32> -> vector<16xf32>
          %mul3A_825 = arith.constant 9 : i32
          %mul3A_826 = arith.muli %scan3A_290, %mul3A_825 : i32
          %add3A_827 = arith.constant 2 : i32
          %add3A_828 = arith.addi %mul3A_826, %add3A_827 : i32
          %get3A_829 = arith.index_cast %add3A_828 : i32 to index
          %get3A_830 = arith.constant 0 : index
          %get3A_831 = tpu.vector_load %arg12[%get3A_829, %get3A_830] {strides = array<i32>} : memref<720x64xf32, #tpu.memory_space<vmem>>, vector<16xf32>,
          %mul3A_832 = arith.mulf %get3A_831, %gather3A_824 : vector<16xf32>
          %add3A_833 = arith.addf %add3A_795, %mul3A_832 : vector<16xf32>
          %mul3A_834 = arith.constant 9 : i32
          %mul3A_835 = arith.muli %scan3A_290, %mul3A_834 : i32
          %add3A_836 = arith.constant 2 : i32
          %add3A_837 = arith.addi %mul3A_835, %add3A_836 : i32
          %get3A_838 = arith.index_cast %add3A_837 : i32 to index
          %get3A_839 = arith.constant 16 : index
          %get3A_840 = tpu.vector_load %arg12[%get3A_838, %get3A_839] {strides = array<i32>} : memref<720x64xf32, #tpu.memory_space<vmem>>, vector<16xf32>,
          %mul3A_841 = arith.mulf %get3A_840, %gather3A_824 : vector<16xf32>
          %add3A_842 = arith.addf %add3A_804, %mul3A_841 : vector<16xf32>
          %mul3A_843 = arith.constant 9 : i32
          %mul3A_844 = arith.muli %scan3A_290, %mul3A_843 : i32
          %add3A_845 = arith.constant 2 : i32
          %add3A_846 = arith.addi %mul3A_844, %add3A_845 : i32
          %get3A_847 = arith.index_cast %add3A_846 : i32 to index
          %get3A_848 = arith.constant 32 : index
          %get3A_849 = tpu.vector_load %arg12[%get3A_847, %get3A_848] {strides = array<i32>} : memref<720x64xf32, #tpu.memory_space<vmem>>, vector<16xf32>,
          %mul3A_850 = arith.mulf %get3A_849, %gather3A_824 : vector<16xf32>
          %add3A_851 = arith.addf %add3A_813, %mul3A_850 : vector<16xf32>
          %mul3A_852 = arith.constant 9 : i32
          %mul3A_853 = arith.muli %scan3A_290, %mul3A_852 : i32
          %add3A_854 = arith.constant 2 : i32
          %add3A_855 = arith.addi %mul3A_853, %add3A_854 : i32
          %get3A_856 = arith.index_cast %add3A_855 : i32 to index
          %get3A_857 = arith.constant 48 : index
          %get3A_858 = tpu.vector_load %arg12[%get3A_856, %get3A_857] {strides = array<i32>} : memref<720x64xf32, #tpu.memory_space<vmem>>, vector<16xf32>,
          %mul3A_859 = arith.mulf %get3A_858, %gather3A_824 : vector<16xf32>
          %add3A_860 = arith.addf %add3A_822, %mul3A_859 : vector<16xf32>
          %gather3A_861 = vector.shape_cast %broadcast_in_dim3A_35 : vector<16x1xi32> to vector<16xi32>
          %gather3A_862 = tpu.dynamic_gather %mul3A_742[%gather3A_861] in [0] : vector<16xf32>, vector<16xi32> -> vector<16xf32>
          %mul3A_863 = arith.constant 9 : i32
          %mul3A_864 = arith.muli %scan3A_290, %mul3A_863 : i32
          %add3A_865 = arith.constant 3 : i32
          %add3A_866 = arith.addi %mul3A_864, %add3A_865 : i32
          %get3A_867 = arith.index_cast %add3A_866 : i32 to index
          %get3A_868 = arith.constant 0 : index
          %get3A_869 = tpu.vector_load %arg12[%get3A_867, %get3A_868] {strides = array<i32>} : memref<720x64xf32, #tpu.memory_space<vmem>>, vector<16xf32>,
          %mul3A_870 = arith.mulf %get3A_869, %gather3A_862 : vector<16xf32>
          %add3A_871 = arith.addf %add3A_833, %mul3A_870 : vector<16xf32>
          %mul3A_872 = arith.constant 9 : i32
          %mul3A_873 = arith.muli %scan3A_290, %mul3A_872 : i32
          %add3A_874 = arith.constant 3 : i32
          %add3A_875 = arith.addi %mul3A_873, %add3A_874 : i32
          %get3A_876 = arith.index_cast %add3A_875 : i32 to index
          %get3A_877 = arith.constant 16 : index
          %get3A_878 = tpu.vector_load %arg12[%get3A_876, %get3A_877] {strides = array<i32>} : memref<720x64xf32, #tpu.memory_space<vmem>>, vector<16xf32>,
          %mul3A_879 = arith.mulf %get3A_878, %gather3A_862 : vector<16xf32>
          %add3A_880 = arith.addf %add3A_842, %mul3A_879 : vector<16xf32>
          %mul3A_881 = arith.constant 9 : i32
          %mul3A_882 = arith.muli %scan3A_290, %mul3A_881 : i32
          %add3A_883 = arith.constant 3 : i32
          %add3A_884 = arith.addi %mul3A_882, %add3A_883 : i32
          %get3A_885 = arith.index_cast %add3A_884 : i32 to index
          %get3A_886 = arith.constant 32 : index
          %get3A_887 = tpu.vector_load %arg12[%get3A_885, %get3A_886] {strides = array<i32>} : memref<720x64xf32, #tpu.memory_space<vmem>>, vector<16xf32>,
          %mul3A_888 = arith.mulf %get3A_887, %gather3A_862 : vector<16xf32>
          %add3A_889 = arith.addf %add3A_851, %mul3A_888 : vector<16xf32>
          %mul3A_890 = arith.constant 9 : i32
          %mul3A_891 = arith.muli %scan3A_290, %mul3A_890 : i32
          %add3A_892 = arith.constant 3 : i32
          %add3A_893 = arith.addi %mul3A_891, %add3A_892 : i32
          %get3A_894 = arith.index_cast %add3A_893 : i32 to index
          %get3A_895 = arith.constant 48 : index
          %get3A_896 = tpu.vector_load %arg12[%get3A_894, %get3A_895] {strides = array<i32>} : memref<720x64xf32, #tpu.memory_space<vmem>>, vector<16xf32>,
          %mul3A_897 = arith.mulf %get3A_896, %gather3A_862 : vector<16xf32>
          %add3A_898 = arith.addf %add3A_860, %mul3A_897 : vector<16xf32>
          %gather3A_899 = vector.shape_cast %broadcast_in_dim3A_37 : vector<16x1xi32> to vector<16xi32>
          %gather3A_900 = tpu.dynamic_gather %mul3A_742[%gather3A_899] in [0] : vector<16xf32>, vector<16xi32> -> vector<16xf32>
          %mul3A_901 = arith.constant 9 : i32
          %mul3A_902 = arith.muli %scan3A_290, %mul3A_901 : i32
          %add3A_903 = arith.constant 4 : i32
          %add3A_904 = arith.addi %mul3A_902, %add3A_903 : i32
          %get3A_905 = arith.index_cast %add3A_904 : i32 to index
          %get3A_906 = arith.constant 0 : index
          %get3A_907 = tpu.vector_load %arg12[%get3A_905, %get3A_906] {strides = array<i32>} : memref<720x64xf32, #tpu.memory_space<vmem>>, vector<16xf32>,
          %mul3A_908 = arith.mulf %get3A_907, %gather3A_900 : vector<16xf32>
          %add3A_909 = arith.addf %add3A_871, %mul3A_908 : vector<16xf32>
          %mul3A_910 = arith.constant 9 : i32
          %mul3A_911 = arith.muli %scan3A_290, %mul3A_910 : i32
          %add3A_912 = arith.constant 4 : i32
          %add3A_913 = arith.addi %mul3A_911, %add3A_912 : i32
          %get3A_914 = arith.index_cast %add3A_913 : i32 to index
          %get3A_915 = arith.constant 16 : index
          %get3A_916 = tpu.vector_load %arg12[%get3A_914, %get3A_915] {strides = array<i32>} : memref<720x64xf32, #tpu.memory_space<vmem>>, vector<16xf32>,
          %mul3A_917 = arith.mulf %get3A_916, %gather3A_900 : vector<16xf32>
          %add3A_918 = arith.addf %add3A_880, %mul3A_917 : vector<16xf32>
          %mul3A_919 = arith.constant 9 : i32
          %mul3A_920 = arith.muli %scan3A_290, %mul3A_919 : i32
          %add3A_921 = arith.constant 4 : i32
          %add3A_922 = arith.addi %mul3A_920, %add3A_921 : i32
          %get3A_923 = arith.index_cast %add3A_922 : i32 to index
          %get3A_924 = arith.constant 32 : index
          %get3A_925 = tpu.vector_load %arg12[%get3A_923, %get3A_924] {strides = array<i32>} : memref<720x64xf32, #tpu.memory_space<vmem>>, vector<16xf32>,
          %mul3A_926 = arith.mulf %get3A_925, %gather3A_900 : vector<16xf32>
          %add3A_927 = arith.addf %add3A_889, %mul3A_926 : vector<16xf32>
          %mul3A_928 = arith.constant 9 : i32
          %mul3A_929 = arith.muli %scan3A_290, %mul3A_928 : i32
          %add3A_930 = arith.constant 4 : i32
          %add3A_931 = arith.addi %mul3A_929, %add3A_930 : i32
          %get3A_932 = arith.index_cast %add3A_931 : i32 to index
          %get3A_933 = arith.constant 48 : index
          %get3A_934 = tpu.vector_load %arg12[%get3A_932, %get3A_933] {strides = array<i32>} : memref<720x64xf32, #tpu.memory_space<vmem>>, vector<16xf32>,
          %mul3A_935 = arith.mulf %get3A_934, %gather3A_900 : vector<16xf32>
          %add3A_936 = arith.addf %add3A_898, %mul3A_935 : vector<16xf32>
          %gather3A_937 = vector.shape_cast %broadcast_in_dim3A_39 : vector<16x1xi32> to vector<16xi32>
          %gather3A_938 = tpu.dynamic_gather %mul3A_742[%gather3A_937] in [0] : vector<16xf32>, vector<16xi32> -> vector<16xf32>
          %mul3A_939 = arith.constant 9 : i32
          %mul3A_940 = arith.muli %scan3A_290, %mul3A_939 : i32
          %add3A_941 = arith.constant 5 : i32
          %add3A_942 = arith.addi %mul3A_940, %add3A_941 : i32
          %get3A_943 = arith.index_cast %add3A_942 : i32 to index
          %get3A_944 = arith.constant 0 : index
          %get3A_945 = tpu.vector_load %arg12[%get3A_943, %get3A_944] {strides = array<i32>} : memref<720x64xf32, #tpu.memory_space<vmem>>, vector<16xf32>,
          %mul3A_946 = arith.mulf %get3A_945, %gather3A_938 : vector<16xf32>
          %add3A_947 = arith.addf %add3A_909, %mul3A_946 : vector<16xf32>
          %mul3A_948 = arith.constant 9 : i32
          %mul3A_949 = arith.muli %scan3A_290, %mul3A_948 : i32
          %add3A_950 = arith.constant 5 : i32
          %add3A_951 = arith.addi %mul3A_949, %add3A_950 : i32
          %get3A_952 = arith.index_cast %add3A_951 : i32 to index
          %get3A_953 = arith.constant 16 : index
          %get3A_954 = tpu.vector_load %arg12[%get3A_952, %get3A_953] {strides = array<i32>} : memref<720x64xf32, #tpu.memory_space<vmem>>, vector<16xf32>,
          %mul3A_955 = arith.mulf %get3A_954, %gather3A_938 : vector<16xf32>
          %add3A_956 = arith.addf %add3A_918, %mul3A_955 : vector<16xf32>
          %mul3A_957 = arith.constant 9 : i32
          %mul3A_958 = arith.muli %scan3A_290, %mul3A_957 : i32
          %add3A_959 = arith.constant 5 : i32
          %add3A_960 = arith.addi %mul3A_958, %add3A_959 : i32
          %get3A_961 = arith.index_cast %add3A_960 : i32 to index
          %get3A_962 = arith.constant 32 : index
          %get3A_963 = tpu.vector_load %arg12[%get3A_961, %get3A_962] {strides = array<i32>} : memref<720x64xf32, #tpu.memory_space<vmem>>, vector<16xf32>,
          %mul3A_964 = arith.mulf %get3A_963, %gather3A_938 : vector<16xf32>
          %add3A_965 = arith.addf %add3A_927, %mul3A_964 : vector<16xf32>
          %mul3A_966 = arith.constant 9 : i32
          %mul3A_967 = arith.muli %scan3A_290, %mul3A_966 : i32
          %add3A_968 = arith.constant 5 : i32
          %add3A_969 = arith.addi %mul3A_967, %add3A_968 : i32
          %get3A_970 = arith.index_cast %add3A_969 : i32 to index
          %get3A_971 = arith.constant 48 : index
          %get3A_972 = tpu.vector_load %arg12[%get3A_970, %get3A_971] {strides = array<i32>} : memref<720x64xf32, #tpu.memory_space<vmem>>, vector<16xf32>,
          %mul3A_973 = arith.mulf %get3A_972, %gather3A_938 : vector<16xf32>
          %add3A_974 = arith.addf %add3A_936, %mul3A_973 : vector<16xf32>
          %gather3A_975 = vector.shape_cast %broadcast_in_dim3A_41 : vector<16x1xi32> to vector<16xi32>
          %gather3A_976 = tpu.dynamic_gather %mul3A_742[%gather3A_975] in [0] : vector<16xf32>, vector<16xi32> -> vector<16xf32>
          %mul3A_977 = arith.constant 9 : i32
          %mul3A_978 = arith.muli %scan3A_290, %mul3A_977 : i32
          %add3A_979 = arith.constant 6 : i32
          %add3A_980 = arith.addi %mul3A_978, %add3A_979 : i32
          %get3A_981 = arith.index_cast %add3A_980 : i32 to index
          %get3A_982 = arith.constant 0 : index
          %get3A_983 = tpu.vector_load %arg12[%get3A_981, %get3A_982] {strides = array<i32>} : memref<720x64xf32, #tpu.memory_space<vmem>>, vector<16xf32>,
          %mul3A_984 = arith.mulf %get3A_983, %gather3A_976 : vector<16xf32>
          %add3A_985 = arith.addf %add3A_947, %mul3A_984 : vector<16xf32>
          %mul3A_986 = arith.constant 9 : i32
          %mul3A_987 = arith.muli %scan3A_290, %mul3A_986 : i32
          %add3A_988 = arith.constant 6 : i32
          %add3A_989 = arith.addi %mul3A_987, %add3A_988 : i32
          %get3A_990 = arith.index_cast %add3A_989 : i32 to index
          %get3A_991 = arith.constant 16 : index
          %get3A_992 = tpu.vector_load %arg12[%get3A_990, %get3A_991] {strides = array<i32>} : memref<720x64xf32, #tpu.memory_space<vmem>>, vector<16xf32>,
          %mul3A_993 = arith.mulf %get3A_992, %gather3A_976 : vector<16xf32>
          %add3A_994 = arith.addf %add3A_956, %mul3A_993 : vector<16xf32>
          %mul3A_995 = arith.constant 9 : i32
          %mul3A_996 = arith.muli %scan3A_290, %mul3A_995 : i32
          %add3A_997 = arith.constant 6 : i32
          %add3A_998 = arith.addi %mul3A_996, %add3A_997 : i32
          %get3A_999 = arith.index_cast %add3A_998 : i32 to index
          %get3A_1000 = arith.constant 32 : index
          %get3A_1001 = tpu.vector_load %arg12[%get3A_999, %get3A_1000] {strides = array<i32>} : memref<720x64xf32, #tpu.memory_space<vmem>>, vector<16xf32>,
          %mul3A_1002 = arith.mulf %get3A_1001, %gather3A_976 : vector<16xf32>
          %add3A_1003 = arith.addf %add3A_965, %mul3A_1002 : vector<16xf32>
          %mul3A_1004 = arith.constant 9 : i32
          %mul3A_1005 = arith.muli %scan3A_290, %mul3A_1004 : i32
          %add3A_1006 = arith.constant 6 : i32
          %add3A_1007 = arith.addi %mul3A_1005, %add3A_1006 : i32
          %get3A_1008 = arith.index_cast %add3A_1007 : i32 to index
          %get3A_1009 = arith.constant 48 : index
          %get3A_1010 = tpu.vector_load %arg12[%get3A_1008, %get3A_1009] {strides = array<i32>} : memref<720x64xf32, #tpu.memory_space<vmem>>, vector<16xf32>,
          %mul3A_1011 = arith.mulf %get3A_1010, %gather3A_976 : vector<16xf32>
          %add3A_1012 = arith.addf %add3A_974, %mul3A_1011 : vector<16xf32>
          %gather3A_1013 = vector.shape_cast %broadcast_in_dim3A_43 : vector<16x1xi32> to vector<16xi32>
          %gather3A_1014 = tpu.dynamic_gather %mul3A_742[%gather3A_1013] in [0] : vector<16xf32>, vector<16xi32> -> vector<16xf32>
          %mul3A_1015 = arith.constant 9 : i32
          %mul3A_1016 = arith.muli %scan3A_290, %mul3A_1015 : i32
          %add3A_1017 = arith.constant 7 : i32
          %add3A_1018 = arith.addi %mul3A_1016, %add3A_1017 : i32
          %get3A_1019 = arith.index_cast %add3A_1018 : i32 to index
          %get3A_1020 = arith.constant 0 : index
          %get3A_1021 = tpu.vector_load %arg12[%get3A_1019, %get3A_1020] {strides = array<i32>} : memref<720x64xf32, #tpu.memory_space<vmem>>, vector<16xf32>,
          %mul3A_1022 = arith.mulf %get3A_1021, %gather3A_1014 : vector<16xf32>
          %add3A_1023 = arith.addf %add3A_985, %mul3A_1022 : vector<16xf32>
          %mul3A_1024 = arith.constant 9 : i32
          %mul3A_1025 = arith.muli %scan3A_290, %mul3A_1024 : i32
          %add3A_1026 = arith.constant 7 : i32
          %add3A_1027 = arith.addi %mul3A_1025, %add3A_1026 : i32
          %get3A_1028 = arith.index_cast %add3A_1027 : i32 to index
          %get3A_1029 = arith.constant 16 : index
          %get3A_1030 = tpu.vector_load %arg12[%get3A_1028, %get3A_1029] {strides = array<i32>} : memref<720x64xf32, #tpu.memory_space<vmem>>, vector<16xf32>,
          %mul3A_1031 = arith.mulf %get3A_1030, %gather3A_1014 : vector<16xf32>
          %add3A_1032 = arith.addf %add3A_994, %mul3A_1031 : vector<16xf32>
          %mul3A_1033 = arith.constant 9 : i32
          %mul3A_1034 = arith.muli %scan3A_290, %mul3A_1033 : i32
          %add3A_1035 = arith.constant 7 : i32
          %add3A_1036 = arith.addi %mul3A_1034, %add3A_1035 : i32
          %get3A_1037 = arith.index_cast %add3A_1036 : i32 to index
          %get3A_1038 = arith.constant 32 : index
          %get3A_1039 = tpu.vector_load %arg12[%get3A_1037, %get3A_1038] {strides = array<i32>} : memref<720x64xf32, #tpu.memory_space<vmem>>, vector<16xf32>,
          %mul3A_1040 = arith.mulf %get3A_1039, %gather3A_1014 : vector<16xf32>
          %add3A_1041 = arith.addf %add3A_1003, %mul3A_1040 : vector<16xf32>
          %mul3A_1042 = arith.constant 9 : i32
          %mul3A_1043 = arith.muli %scan3A_290, %mul3A_1042 : i32
          %add3A_1044 = arith.constant 7 : i32
          %add3A_1045 = arith.addi %mul3A_1043, %add3A_1044 : i32
          %get3A_1046 = arith.index_cast %add3A_1045 : i32 to index
          %get3A_1047 = arith.constant 48 : index
          %get3A_1048 = tpu.vector_load %arg12[%get3A_1046, %get3A_1047] {strides = array<i32>} : memref<720x64xf32, #tpu.memory_space<vmem>>, vector<16xf32>,
          %mul3A_1049 = arith.mulf %get3A_1048, %gather3A_1014 : vector<16xf32>
          %add3A_1050 = arith.addf %add3A_1012, %mul3A_1049 : vector<16xf32>
          %gather3A_1051 = vector.shape_cast %broadcast_in_dim3A_45 : vector<16x1xi32> to vector<16xi32>
          %gather3A_1052 = tpu.dynamic_gather %mul3A_742[%gather3A_1051] in [0] : vector<16xf32>, vector<16xi32> -> vector<16xf32>
          %mul3A_1053 = arith.constant 9 : i32
          %mul3A_1054 = arith.muli %scan3A_290, %mul3A_1053 : i32
          %add3A_1055 = arith.constant 8 : i32
          %add3A_1056 = arith.addi %mul3A_1054, %add3A_1055 : i32
          %get3A_1057 = arith.index_cast %add3A_1056 : i32 to index
          %get3A_1058 = arith.constant 0 : index
          %get3A_1059 = tpu.vector_load %arg12[%get3A_1057, %get3A_1058] {strides = array<i32>} : memref<720x64xf32, #tpu.memory_space<vmem>>, vector<16xf32>,
          %mul3A_1060 = arith.mulf %get3A_1059, %gather3A_1052 : vector<16xf32>
          %add3A_1061 = arith.addf %add3A_1023, %mul3A_1060 : vector<16xf32>
          %mul3A_1062 = arith.constant 9 : i32
          %mul3A_1063 = arith.muli %scan3A_290, %mul3A_1062 : i32
          %add3A_1064 = arith.constant 8 : i32
          %add3A_1065 = arith.addi %mul3A_1063, %add3A_1064 : i32
          %get3A_1066 = arith.index_cast %add3A_1065 : i32 to index
          %get3A_1067 = arith.constant 16 : index
          %get3A_1068 = tpu.vector_load %arg12[%get3A_1066, %get3A_1067] {strides = array<i32>} : memref<720x64xf32, #tpu.memory_space<vmem>>, vector<16xf32>,
          %mul3A_1069 = arith.mulf %get3A_1068, %gather3A_1052 : vector<16xf32>
          %add3A_1070 = arith.addf %add3A_1032, %mul3A_1069 : vector<16xf32>
          %mul3A_1071 = arith.constant 9 : i32
          %mul3A_1072 = arith.muli %scan3A_290, %mul3A_1071 : i32
          %add3A_1073 = arith.constant 8 : i32
          %add3A_1074 = arith.addi %mul3A_1072, %add3A_1073 : i32
          %get3A_1075 = arith.index_cast %add3A_1074 : i32 to index
          %get3A_1076 = arith.constant 32 : index
          %get3A_1077 = tpu.vector_load %arg12[%get3A_1075, %get3A_1076] {strides = array<i32>} : memref<720x64xf32, #tpu.memory_space<vmem>>, vector<16xf32>,
          %mul3A_1078 = arith.mulf %get3A_1077, %gather3A_1052 : vector<16xf32>
          %add3A_1079 = arith.addf %add3A_1041, %mul3A_1078 : vector<16xf32>
          %mul3A_1080 = arith.constant 9 : i32
          %mul3A_1081 = arith.muli %scan3A_290, %mul3A_1080 : i32
          %add3A_1082 = arith.constant 8 : i32
          %add3A_1083 = arith.addi %mul3A_1081, %add3A_1082 : i32
          %get3A_1084 = arith.index_cast %add3A_1083 : i32 to index
          %get3A_1085 = arith.constant 48 : index
          %get3A_1086 = tpu.vector_load %arg12[%get3A_1084, %get3A_1085] {strides = array<i32>} : memref<720x64xf32, #tpu.memory_space<vmem>>, vector<16xf32>,
          %mul3A_1087 = arith.mulf %get3A_1086, %gather3A_1052 : vector<16xf32>
          %add3A_1088 = arith.addf %add3A_1050, %mul3A_1087 : vector<16xf32>
          %swap3A = arith.index_cast %scan3A_290 : i32 to index
          %swap3A_1089 = arith.constant 0 : index
          %swap3A_1090 = tpu.vector_load %arg16[%swap3A, %swap3A_1089] {strides = array<i32>} : memref<80x64xf32, #tpu.memory_space<vmem>>, vector<16xf32>,
          tpu.vector_store %arg16[%swap3A, %swap3A_1089], %add3A_1061 {strides = array<i32>} : memref<80x64xf32, #tpu.memory_space<vmem>>, vector<16xf32>,
          %swap3A_1091 = arith.index_cast %scan3A_290 : i32 to index
          %swap3A_1092 = arith.constant 16 : index
          %swap3A_1093 = tpu.vector_load %arg16[%swap3A_1091, %swap3A_1092] {strides = array<i32>} : memref<80x64xf32, #tpu.memory_space<vmem>>, vector<16xf32>,
          tpu.vector_store %arg16[%swap3A_1091, %swap3A_1092], %add3A_1070 {strides = array<i32>} : memref<80x64xf32, #tpu.memory_space<vmem>>, vector<16xf32>,
          %swap3A_1094 = arith.index_cast %scan3A_290 : i32 to index
          %swap3A_1095 = arith.constant 32 : index
          %swap3A_1096 = tpu.vector_load %arg16[%swap3A_1094, %swap3A_1095] {strides = array<i32>} : memref<80x64xf32, #tpu.memory_space<vmem>>, vector<16xf32>,
          tpu.vector_store %arg16[%swap3A_1094, %swap3A_1095], %add3A_1079 {strides = array<i32>} : memref<80x64xf32, #tpu.memory_space<vmem>>, vector<16xf32>,
          %swap3A_1097 = arith.index_cast %scan3A_290 : i32 to index
          %swap3A_1098 = arith.constant 48 : index
          %swap3A_1099 = tpu.vector_load %arg16[%swap3A_1097, %swap3A_1098] {strides = array<i32>} : memref<80x64xf32, #tpu.memory_space<vmem>>, vector<16xf32>,
          tpu.vector_store %arg16[%swap3A_1097, %swap3A_1098], %add3A_1088 {strides = array<i32>} : memref<80x64xf32, #tpu.memory_space<vmem>>, vector<16xf32>,
          %scan3A_1100 = arith.constant 1 : i32
          %scan3A_1101 = arith.addi %scan3A_290, %scan3A_1100 : i32
          %get3A_1102 = arith.index_cast %scan3A_1101 : i32 to index
          %get3A_1103 = arith.constant 0 : index
          %get3A_1104 = tpu.vector_load %arg14[%get3A_1102, %get3A_1103] {strides = array<i32>} : memref<80x64xf32, #tpu.memory_space<vmem>>, vector<16xf32>,
          %get3A_1105 = arith.index_cast %scan3A_1101 : i32 to index
          %get3A_1106 = arith.constant 16 : index
          %get3A_1107 = tpu.vector_load %arg14[%get3A_1105, %get3A_1106] {strides = array<i32>} : memref<80x64xf32, #tpu.memory_space<vmem>>, vector<16xf32>,
          %get3A_1108 = arith.index_cast %scan3A_1101 : i32 to index
          %get3A_1109 = arith.constant 32 : index
          %get3A_1110 = tpu.vector_load %arg14[%get3A_1108, %get3A_1109] {strides = array<i32>} : memref<80x64xf32, #tpu.memory_space<vmem>>, vector<16xf32>,
          %get3A_1111 = arith.index_cast %scan3A_1101 : i32 to index
          %get3A_1112 = arith.constant 48 : index
          %get3A_1113 = tpu.vector_load %arg14[%get3A_1111, %get3A_1112] {strides = array<i32>} : memref<80x64xf32, #tpu.memory_space<vmem>>, vector<16xf32>,
          %broadcast_in_dim3A_1114 = arith.constant 0.000000e+00 : f32
          %broadcast_in_dim3A_1115 = vector.broadcast %broadcast_in_dim3A_1114 : f32 to vector<16xf32>
          %mul3A_1116 = arith.constant 9 : i32
          %mul3A_1117 = arith.muli %scan3A_1101, %mul3A_1116 : i32
          %add3A_1118 = arith.constant 0 : i32
          %add3A_1119 = arith.addi %mul3A_1117, %add3A_1118 : i32
          %get3A_1120 = arith.index_cast %add3A_1119 : i32 to index
          %get3A_1121 = arith.constant 0 : index
          %get3A_1122 = tpu.vector_load %arg12[%get3A_1120, %get3A_1121] {strides = array<i32>} : memref<720x64xf32, #tpu.memory_space<vmem>>, vector<16xf32>,
          %sub3A_1123 = arith.subf %get3A_1122, %get3A_1104 : vector<16xf32>
          %mul3A_1124 = arith.mulf %sub3A_1123, %sub3A_1123 : vector<16xf32>
          %mul3A_1125 = arith.constant 9 : i32
          %mul3A_1126 = arith.muli %scan3A_1101, %mul3A_1125 : i32
          %add3A_1127 = arith.constant 0 : i32
          %add3A_1128 = arith.addi %mul3A_1126, %add3A_1127 : i32
          %get3A_1129 = arith.index_cast %add3A_1128 : i32 to index
          %get3A_1130 = arith.constant 16 : index
          %get3A_1131 = tpu.vector_load %arg12[%get3A_1129, %get3A_1130] {strides = array<i32>} : memref<720x64xf32, #tpu.memory_space<vmem>>, vector<16xf32>,
          %sub3A_1132 = arith.subf %get3A_1131, %get3A_1107 : vector<16xf32>
          %mul3A_1133 = arith.mulf %sub3A_1132, %sub3A_1132 : vector<16xf32>
          %add3A_1134 = arith.addf %mul3A_1124, %mul3A_1133 : vector<16xf32>
          %mul3A_1135 = arith.constant 9 : i32
          %mul3A_1136 = arith.muli %scan3A_1101, %mul3A_1135 : i32
          %add3A_1137 = arith.constant 0 : i32
          %add3A_1138 = arith.addi %mul3A_1136, %add3A_1137 : i32
          %get3A_1139 = arith.index_cast %add3A_1138 : i32 to index
          %get3A_1140 = arith.constant 32 : index
          %get3A_1141 = tpu.vector_load %arg12[%get3A_1139, %get3A_1140] {strides = array<i32>} : memref<720x64xf32, #tpu.memory_space<vmem>>, vector<16xf32>,
          %sub3A_1142 = arith.subf %get3A_1141, %get3A_1110 : vector<16xf32>
          %mul3A_1143 = arith.mulf %sub3A_1142, %sub3A_1142 : vector<16xf32>
          %add3A_1144 = arith.addf %add3A_1134, %mul3A_1143 : vector<16xf32>
          %mul3A_1145 = arith.constant 9 : i32
          %mul3A_1146 = arith.muli %scan3A_1101, %mul3A_1145 : i32
          %add3A_1147 = arith.constant 0 : i32
          %add3A_1148 = arith.addi %mul3A_1146, %add3A_1147 : i32
          %get3A_1149 = arith.index_cast %add3A_1148 : i32 to index
          %get3A_1150 = arith.constant 48 : index
          %get3A_1151 = tpu.vector_load %arg12[%get3A_1149, %get3A_1150] {strides = array<i32>} : memref<720x64xf32, #tpu.memory_space<vmem>>, vector<16xf32>,
          %sub3A_1152 = arith.subf %get3A_1151, %get3A_1113 : vector<16xf32>
          %mul3A_1153 = arith.mulf %sub3A_1152, %sub3A_1152 : vector<16xf32>
          %add3A_1154 = arith.addf %add3A_1144, %mul3A_1153 : vector<16xf32>
          %reduce_sum3A_1155 = arith.constant true
          %reduce_sum3A_1156 = vector.broadcast %reduce_sum3A_1155 : i1 to vector<16xi1>
          %reduce_sum3A_1157 = tpu.scan <sum>, %add3A_1154 masked %reduce_sum3A_1156 : vector<16xf32>, vector<16xi1> -> vector<16xf32>
          %reduce_sum3A_1158 = vector.extract %reduce_sum3A_1157[15] : f32 from vector<16xf32>
          %broadcast_in_dim3A_1159 = vector.broadcast %reduce_sum3A_1158 : f32 to vector<16xf32>
          %select_n3A_1160 = arith.select %eq3A_47, %broadcast_in_dim3A_1159, %broadcast_in_dim3A_1115 : vector<16xi1>, vector<16xf32>
          %mul3A_1161 = arith.constant 9 : i32
          %mul3A_1162 = arith.muli %scan3A_1101, %mul3A_1161 : i32
          %add3A_1163 = arith.constant 1 : i32
          %add3A_1164 = arith.addi %mul3A_1162, %add3A_1163 : i32
          %get3A_1165 = arith.index_cast %add3A_1164 : i32 to index
          %get3A_1166 = arith.constant 0 : index
          %get3A_1167 = tpu.vector_load %arg12[%get3A_1165, %get3A_1166] {strides = array<i32>} : memref<720x64xf32, #tpu.memory_space<vmem>>, vector<16xf32>,
          %sub3A_1168 = arith.subf %get3A_1167, %get3A_1104 : vector<16xf32>
          %mul3A_1169 = arith.mulf %sub3A_1168, %sub3A_1168 : vector<16xf32>
          %mul3A_1170 = arith.constant 9 : i32
          %mul3A_1171 = arith.muli %scan3A_1101, %mul3A_1170 : i32
          %add3A_1172 = arith.constant 1 : i32
          %add3A_1173 = arith.addi %mul3A_1171, %add3A_1172 : i32
          %get3A_1174 = arith.index_cast %add3A_1173 : i32 to index
          %get3A_1175 = arith.constant 16 : index
          %get3A_1176 = tpu.vector_load %arg12[%get3A_1174, %get3A_1175] {strides = array<i32>} : memref<720x64xf32, #tpu.memory_space<vmem>>, vector<16xf32>,
          %sub3A_1177 = arith.subf %get3A_1176, %get3A_1107 : vector<16xf32>
          %mul3A_1178 = arith.mulf %sub3A_1177, %sub3A_1177 : vector<16xf32>
          %add3A_1179 = arith.addf %mul3A_1169, %mul3A_1178 : vector<16xf32>
          %mul3A_1180 = arith.constant 9 : i32
          %mul3A_1181 = arith.muli %scan3A_1101, %mul3A_1180 : i32
          %add3A_1182 = arith.constant 1 : i32
          %add3A_1183 = arith.addi %mul3A_1181, %add3A_1182 : i32
          %get3A_1184 = arith.index_cast %add3A_1183 : i32 to index
          %get3A_1185 = arith.constant 32 : index
          %get3A_1186 = tpu.vector_load %arg12[%get3A_1184, %get3A_1185] {strides = array<i32>} : memref<720x64xf32, #tpu.memory_space<vmem>>, vector<16xf32>,
          %sub3A_1187 = arith.subf %get3A_1186, %get3A_1110 : vector<16xf32>
          %mul3A_1188 = arith.mulf %sub3A_1187, %sub3A_1187 : vector<16xf32>
          %add3A_1189 = arith.addf %add3A_1179, %mul3A_1188 : vector<16xf32>
          %mul3A_1190 = arith.constant 9 : i32
          %mul3A_1191 = arith.muli %scan3A_1101, %mul3A_1190 : i32
          %add3A_1192 = arith.constant 1 : i32
          %add3A_1193 = arith.addi %mul3A_1191, %add3A_1192 : i32
          %get3A_1194 = arith.index_cast %add3A_1193 : i32 to index
          %get3A_1195 = arith.constant 48 : index
          %get3A_1196 = tpu.vector_load %arg12[%get3A_1194, %get3A_1195] {strides = array<i32>} : memref<720x64xf32, #tpu.memory_space<vmem>>, vector<16xf32>,
          %sub3A_1197 = arith.subf %get3A_1196, %get3A_1113 : vector<16xf32>
          %mul3A_1198 = arith.mulf %sub3A_1197, %sub3A_1197 : vector<16xf32>
          %add3A_1199 = arith.addf %add3A_1189, %mul3A_1198 : vector<16xf32>
          %reduce_sum3A_1200 = arith.constant true
          %reduce_sum3A_1201 = vector.broadcast %reduce_sum3A_1200 : i1 to vector<16xi1>
          %reduce_sum3A_1202 = tpu.scan <sum>, %add3A_1199 masked %reduce_sum3A_1201 : vector<16xf32>, vector<16xi1> -> vector<16xf32>
          %reduce_sum3A_1203 = vector.extract %reduce_sum3A_1202[15] : f32 from vector<16xf32>
          %broadcast_in_dim3A_1204 = vector.broadcast %reduce_sum3A_1203 : f32 to vector<16xf32>
          %select_n3A_1205 = arith.select %eq3A_50, %broadcast_in_dim3A_1204, %select_n3A_1160 : vector<16xi1>, vector<16xf32>
          %mul3A_1206 = arith.constant 9 : i32
          %mul3A_1207 = arith.muli %scan3A_1101, %mul3A_1206 : i32
          %add3A_1208 = arith.constant 2 : i32
          %add3A_1209 = arith.addi %mul3A_1207, %add3A_1208 : i32
          %get3A_1210 = arith.index_cast %add3A_1209 : i32 to index
          %get3A_1211 = arith.constant 0 : index
          %get3A_1212 = tpu.vector_load %arg12[%get3A_1210, %get3A_1211] {strides = array<i32>} : memref<720x64xf32, #tpu.memory_space<vmem>>, vector<16xf32>,
          %sub3A_1213 = arith.subf %get3A_1212, %get3A_1104 : vector<16xf32>
          %mul3A_1214 = arith.mulf %sub3A_1213, %sub3A_1213 : vector<16xf32>
          %mul3A_1215 = arith.constant 9 : i32
          %mul3A_1216 = arith.muli %scan3A_1101, %mul3A_1215 : i32
          %add3A_1217 = arith.constant 2 : i32
          %add3A_1218 = arith.addi %mul3A_1216, %add3A_1217 : i32
          %get3A_1219 = arith.index_cast %add3A_1218 : i32 to index
          %get3A_1220 = arith.constant 16 : index
          %get3A_1221 = tpu.vector_load %arg12[%get3A_1219, %get3A_1220] {strides = array<i32>} : memref<720x64xf32, #tpu.memory_space<vmem>>, vector<16xf32>,
          %sub3A_1222 = arith.subf %get3A_1221, %get3A_1107 : vector<16xf32>
          %mul3A_1223 = arith.mulf %sub3A_1222, %sub3A_1222 : vector<16xf32>
          %add3A_1224 = arith.addf %mul3A_1214, %mul3A_1223 : vector<16xf32>
          %mul3A_1225 = arith.constant 9 : i32
          %mul3A_1226 = arith.muli %scan3A_1101, %mul3A_1225 : i32
          %add3A_1227 = arith.constant 2 : i32
          %add3A_1228 = arith.addi %mul3A_1226, %add3A_1227 : i32
          %get3A_1229 = arith.index_cast %add3A_1228 : i32 to index
          %get3A_1230 = arith.constant 32 : index
          %get3A_1231 = tpu.vector_load %arg12[%get3A_1229, %get3A_1230] {strides = array<i32>} : memref<720x64xf32, #tpu.memory_space<vmem>>, vector<16xf32>,
          %sub3A_1232 = arith.subf %get3A_1231, %get3A_1110 : vector<16xf32>
          %mul3A_1233 = arith.mulf %sub3A_1232, %sub3A_1232 : vector<16xf32>
          %add3A_1234 = arith.addf %add3A_1224, %mul3A_1233 : vector<16xf32>
          %mul3A_1235 = arith.constant 9 : i32
          %mul3A_1236 = arith.muli %scan3A_1101, %mul3A_1235 : i32
          %add3A_1237 = arith.constant 2 : i32
          %add3A_1238 = arith.addi %mul3A_1236, %add3A_1237 : i32
          %get3A_1239 = arith.index_cast %add3A_1238 : i32 to index
          %get3A_1240 = arith.constant 48 : index
          %get3A_1241 = tpu.vector_load %arg12[%get3A_1239, %get3A_1240] {strides = array<i32>} : memref<720x64xf32, #tpu.memory_space<vmem>>, vector<16xf32>,
          %sub3A_1242 = arith.subf %get3A_1241, %get3A_1113 : vector<16xf32>
          %mul3A_1243 = arith.mulf %sub3A_1242, %sub3A_1242 : vector<16xf32>
          %add3A_1244 = arith.addf %add3A_1234, %mul3A_1243 : vector<16xf32>
          %reduce_sum3A_1245 = arith.constant true
          %reduce_sum3A_1246 = vector.broadcast %reduce_sum3A_1245 : i1 to vector<16xi1>
          %reduce_sum3A_1247 = tpu.scan <sum>, %add3A_1244 masked %reduce_sum3A_1246 : vector<16xf32>, vector<16xi1> -> vector<16xf32>
          %reduce_sum3A_1248 = vector.extract %reduce_sum3A_1247[15] : f32 from vector<16xf32>
          %broadcast_in_dim3A_1249 = vector.broadcast %reduce_sum3A_1248 : f32 to vector<16xf32>
          %select_n3A_1250 = arith.select %eq3A_53, %broadcast_in_dim3A_1249, %select_n3A_1205 : vector<16xi1>, vector<16xf32>
          %mul3A_1251 = arith.constant 9 : i32
          %mul3A_1252 = arith.muli %scan3A_1101, %mul3A_1251 : i32
          %add3A_1253 = arith.constant 3 : i32
          %add3A_1254 = arith.addi %mul3A_1252, %add3A_1253 : i32
          %get3A_1255 = arith.index_cast %add3A_1254 : i32 to index
          %get3A_1256 = arith.constant 0 : index
          %get3A_1257 = tpu.vector_load %arg12[%get3A_1255, %get3A_1256] {strides = array<i32>} : memref<720x64xf32, #tpu.memory_space<vmem>>, vector<16xf32>,
          %sub3A_1258 = arith.subf %get3A_1257, %get3A_1104 : vector<16xf32>
          %mul3A_1259 = arith.mulf %sub3A_1258, %sub3A_1258 : vector<16xf32>
          %mul3A_1260 = arith.constant 9 : i32
          %mul3A_1261 = arith.muli %scan3A_1101, %mul3A_1260 : i32
          %add3A_1262 = arith.constant 3 : i32
          %add3A_1263 = arith.addi %mul3A_1261, %add3A_1262 : i32
          %get3A_1264 = arith.index_cast %add3A_1263 : i32 to index
          %get3A_1265 = arith.constant 16 : index
          %get3A_1266 = tpu.vector_load %arg12[%get3A_1264, %get3A_1265] {strides = array<i32>} : memref<720x64xf32, #tpu.memory_space<vmem>>, vector<16xf32>,
          %sub3A_1267 = arith.subf %get3A_1266, %get3A_1107 : vector<16xf32>
          %mul3A_1268 = arith.mulf %sub3A_1267, %sub3A_1267 : vector<16xf32>
          %add3A_1269 = arith.addf %mul3A_1259, %mul3A_1268 : vector<16xf32>
          %mul3A_1270 = arith.constant 9 : i32
          %mul3A_1271 = arith.muli %scan3A_1101, %mul3A_1270 : i32
          %add3A_1272 = arith.constant 3 : i32
          %add3A_1273 = arith.addi %mul3A_1271, %add3A_1272 : i32
          %get3A_1274 = arith.index_cast %add3A_1273 : i32 to index
          %get3A_1275 = arith.constant 32 : index
          %get3A_1276 = tpu.vector_load %arg12[%get3A_1274, %get3A_1275] {strides = array<i32>} : memref<720x64xf32, #tpu.memory_space<vmem>>, vector<16xf32>,
          %sub3A_1277 = arith.subf %get3A_1276, %get3A_1110 : vector<16xf32>
          %mul3A_1278 = arith.mulf %sub3A_1277, %sub3A_1277 : vector<16xf32>
          %add3A_1279 = arith.addf %add3A_1269, %mul3A_1278 : vector<16xf32>
          %mul3A_1280 = arith.constant 9 : i32
          %mul3A_1281 = arith.muli %scan3A_1101, %mul3A_1280 : i32
          %add3A_1282 = arith.constant 3 : i32
          %add3A_1283 = arith.addi %mul3A_1281, %add3A_1282 : i32
          %get3A_1284 = arith.index_cast %add3A_1283 : i32 to index
          %get3A_1285 = arith.constant 48 : index
          %get3A_1286 = tpu.vector_load %arg12[%get3A_1284, %get3A_1285] {strides = array<i32>} : memref<720x64xf32, #tpu.memory_space<vmem>>, vector<16xf32>,
          %sub3A_1287 = arith.subf %get3A_1286, %get3A_1113 : vector<16xf32>
          %mul3A_1288 = arith.mulf %sub3A_1287, %sub3A_1287 : vector<16xf32>
          %add3A_1289 = arith.addf %add3A_1279, %mul3A_1288 : vector<16xf32>
          %reduce_sum3A_1290 = arith.constant true
          %reduce_sum3A_1291 = vector.broadcast %reduce_sum3A_1290 : i1 to vector<16xi1>
          %reduce_sum3A_1292 = tpu.scan <sum>, %add3A_1289 masked %reduce_sum3A_1291 : vector<16xf32>, vector<16xi1> -> vector<16xf32>
          %reduce_sum3A_1293 = vector.extract %reduce_sum3A_1292[15] : f32 from vector<16xf32>
          %broadcast_in_dim3A_1294 = vector.broadcast %reduce_sum3A_1293 : f32 to vector<16xf32>
          %select_n3A_1295 = arith.select %eq3A_56, %broadcast_in_dim3A_1294, %select_n3A_1250 : vector<16xi1>, vector<16xf32>
          %mul3A_1296 = arith.constant 9 : i32
          %mul3A_1297 = arith.muli %scan3A_1101, %mul3A_1296 : i32
          %add3A_1298 = arith.constant 4 : i32
          %add3A_1299 = arith.addi %mul3A_1297, %add3A_1298 : i32
          %get3A_1300 = arith.index_cast %add3A_1299 : i32 to index
          %get3A_1301 = arith.constant 0 : index
          %get3A_1302 = tpu.vector_load %arg12[%get3A_1300, %get3A_1301] {strides = array<i32>} : memref<720x64xf32, #tpu.memory_space<vmem>>, vector<16xf32>,
          %sub3A_1303 = arith.subf %get3A_1302, %get3A_1104 : vector<16xf32>
          %mul3A_1304 = arith.mulf %sub3A_1303, %sub3A_1303 : vector<16xf32>
          %mul3A_1305 = arith.constant 9 : i32
          %mul3A_1306 = arith.muli %scan3A_1101, %mul3A_1305 : i32
          %add3A_1307 = arith.constant 4 : i32
          %add3A_1308 = arith.addi %mul3A_1306, %add3A_1307 : i32
          %get3A_1309 = arith.index_cast %add3A_1308 : i32 to index
          %get3A_1310 = arith.constant 16 : index
          %get3A_1311 = tpu.vector_load %arg12[%get3A_1309, %get3A_1310] {strides = array<i32>} : memref<720x64xf32, #tpu.memory_space<vmem>>, vector<16xf32>,
          %sub3A_1312 = arith.subf %get3A_1311, %get3A_1107 : vector<16xf32>
          %mul3A_1313 = arith.mulf %sub3A_1312, %sub3A_1312 : vector<16xf32>
          %add3A_1314 = arith.addf %mul3A_1304, %mul3A_1313 : vector<16xf32>
          %mul3A_1315 = arith.constant 9 : i32
          %mul3A_1316 = arith.muli %scan3A_1101, %mul3A_1315 : i32
          %add3A_1317 = arith.constant 4 : i32
          %add3A_1318 = arith.addi %mul3A_1316, %add3A_1317 : i32
          %get3A_1319 = arith.index_cast %add3A_1318 : i32 to index
          %get3A_1320 = arith.constant 32 : index
          %get3A_1321 = tpu.vector_load %arg12[%get3A_1319, %get3A_1320] {strides = array<i32>} : memref<720x64xf32, #tpu.memory_space<vmem>>, vector<16xf32>,
          %sub3A_1322 = arith.subf %get3A_1321, %get3A_1110 : vector<16xf32>
          %mul3A_1323 = arith.mulf %sub3A_1322, %sub3A_1322 : vector<16xf32>
          %add3A_1324 = arith.addf %add3A_1314, %mul3A_1323 : vector<16xf32>
          %mul3A_1325 = arith.constant 9 : i32
          %mul3A_1326 = arith.muli %scan3A_1101, %mul3A_1325 : i32
          %add3A_1327 = arith.constant 4 : i32
          %add3A_1328 = arith.addi %mul3A_1326, %add3A_1327 : i32
          %get3A_1329 = arith.index_cast %add3A_1328 : i32 to index
          %get3A_1330 = arith.constant 48 : index
          %get3A_1331 = tpu.vector_load %arg12[%get3A_1329, %get3A_1330] {strides = array<i32>} : memref<720x64xf32, #tpu.memory_space<vmem>>, vector<16xf32>,
          %sub3A_1332 = arith.subf %get3A_1331, %get3A_1113 : vector<16xf32>
          %mul3A_1333 = arith.mulf %sub3A_1332, %sub3A_1332 : vector<16xf32>
          %add3A_1334 = arith.addf %add3A_1324, %mul3A_1333 : vector<16xf32>
          %reduce_sum3A_1335 = arith.constant true
          %reduce_sum3A_1336 = vector.broadcast %reduce_sum3A_1335 : i1 to vector<16xi1>
          %reduce_sum3A_1337 = tpu.scan <sum>, %add3A_1334 masked %reduce_sum3A_1336 : vector<16xf32>, vector<16xi1> -> vector<16xf32>
          %reduce_sum3A_1338 = vector.extract %reduce_sum3A_1337[15] : f32 from vector<16xf32>
          %broadcast_in_dim3A_1339 = vector.broadcast %reduce_sum3A_1338 : f32 to vector<16xf32>
          %select_n3A_1340 = arith.select %eq3A_59, %broadcast_in_dim3A_1339, %select_n3A_1295 : vector<16xi1>, vector<16xf32>
          %mul3A_1341 = arith.constant 9 : i32
          %mul3A_1342 = arith.muli %scan3A_1101, %mul3A_1341 : i32
          %add3A_1343 = arith.constant 5 : i32
          %add3A_1344 = arith.addi %mul3A_1342, %add3A_1343 : i32
          %get3A_1345 = arith.index_cast %add3A_1344 : i32 to index
          %get3A_1346 = arith.constant 0 : index
          %get3A_1347 = tpu.vector_load %arg12[%get3A_1345, %get3A_1346] {strides = array<i32>} : memref<720x64xf32, #tpu.memory_space<vmem>>, vector<16xf32>,
          %sub3A_1348 = arith.subf %get3A_1347, %get3A_1104 : vector<16xf32>
          %mul3A_1349 = arith.mulf %sub3A_1348, %sub3A_1348 : vector<16xf32>
          %mul3A_1350 = arith.constant 9 : i32
          %mul3A_1351 = arith.muli %scan3A_1101, %mul3A_1350 : i32
          %add3A_1352 = arith.constant 5 : i32
          %add3A_1353 = arith.addi %mul3A_1351, %add3A_1352 : i32
          %get3A_1354 = arith.index_cast %add3A_1353 : i32 to index
          %get3A_1355 = arith.constant 16 : index
          %get3A_1356 = tpu.vector_load %arg12[%get3A_1354, %get3A_1355] {strides = array<i32>} : memref<720x64xf32, #tpu.memory_space<vmem>>, vector<16xf32>,
          %sub3A_1357 = arith.subf %get3A_1356, %get3A_1107 : vector<16xf32>
          %mul3A_1358 = arith.mulf %sub3A_1357, %sub3A_1357 : vector<16xf32>
          %add3A_1359 = arith.addf %mul3A_1349, %mul3A_1358 : vector<16xf32>
          %mul3A_1360 = arith.constant 9 : i32
          %mul3A_1361 = arith.muli %scan3A_1101, %mul3A_1360 : i32
          %add3A_1362 = arith.constant 5 : i32
          %add3A_1363 = arith.addi %mul3A_1361, %add3A_1362 : i32
          %get3A_1364 = arith.index_cast %add3A_1363 : i32 to index
          %get3A_1365 = arith.constant 32 : index
          %get3A_1366 = tpu.vector_load %arg12[%get3A_1364, %get3A_1365] {strides = array<i32>} : memref<720x64xf32, #tpu.memory_space<vmem>>, vector<16xf32>,
          %sub3A_1367 = arith.subf %get3A_1366, %get3A_1110 : vector<16xf32>
          %mul3A_1368 = arith.mulf %sub3A_1367, %sub3A_1367 : vector<16xf32>
          %add3A_1369 = arith.addf %add3A_1359, %mul3A_1368 : vector<16xf32>
          %mul3A_1370 = arith.constant 9 : i32
          %mul3A_1371 = arith.muli %scan3A_1101, %mul3A_1370 : i32
          %add3A_1372 = arith.constant 5 : i32
          %add3A_1373 = arith.addi %mul3A_1371, %add3A_1372 : i32
          %get3A_1374 = arith.index_cast %add3A_1373 : i32 to index
          %get3A_1375 = arith.constant 48 : index
          %get3A_1376 = tpu.vector_load %arg12[%get3A_1374, %get3A_1375] {strides = array<i32>} : memref<720x64xf32, #tpu.memory_space<vmem>>, vector<16xf32>,
          %sub3A_1377 = arith.subf %get3A_1376, %get3A_1113 : vector<16xf32>
          %mul3A_1378 = arith.mulf %sub3A_1377, %sub3A_1377 : vector<16xf32>
          %add3A_1379 = arith.addf %add3A_1369, %mul3A_1378 : vector<16xf32>
          %reduce_sum3A_1380 = arith.constant true
          %reduce_sum3A_1381 = vector.broadcast %reduce_sum3A_1380 : i1 to vector<16xi1>
          %reduce_sum3A_1382 = tpu.scan <sum>, %add3A_1379 masked %reduce_sum3A_1381 : vector<16xf32>, vector<16xi1> -> vector<16xf32>
          %reduce_sum3A_1383 = vector.extract %reduce_sum3A_1382[15] : f32 from vector<16xf32>
          %broadcast_in_dim3A_1384 = vector.broadcast %reduce_sum3A_1383 : f32 to vector<16xf32>
          %select_n3A_1385 = arith.select %eq3A_62, %broadcast_in_dim3A_1384, %select_n3A_1340 : vector<16xi1>, vector<16xf32>
          %mul3A_1386 = arith.constant 9 : i32
          %mul3A_1387 = arith.muli %scan3A_1101, %mul3A_1386 : i32
          %add3A_1388 = arith.constant 6 : i32
          %add3A_1389 = arith.addi %mul3A_1387, %add3A_1388 : i32
          %get3A_1390 = arith.index_cast %add3A_1389 : i32 to index
          %get3A_1391 = arith.constant 0 : index
          %get3A_1392 = tpu.vector_load %arg12[%get3A_1390, %get3A_1391] {strides = array<i32>} : memref<720x64xf32, #tpu.memory_space<vmem>>, vector<16xf32>,
          %sub3A_1393 = arith.subf %get3A_1392, %get3A_1104 : vector<16xf32>
          %mul3A_1394 = arith.mulf %sub3A_1393, %sub3A_1393 : vector<16xf32>
          %mul3A_1395 = arith.constant 9 : i32
          %mul3A_1396 = arith.muli %scan3A_1101, %mul3A_1395 : i32
          %add3A_1397 = arith.constant 6 : i32
          %add3A_1398 = arith.addi %mul3A_1396, %add3A_1397 : i32
          %get3A_1399 = arith.index_cast %add3A_1398 : i32 to index
          %get3A_1400 = arith.constant 16 : index
          %get3A_1401 = tpu.vector_load %arg12[%get3A_1399, %get3A_1400] {strides = array<i32>} : memref<720x64xf32, #tpu.memory_space<vmem>>, vector<16xf32>,
          %sub3A_1402 = arith.subf %get3A_1401, %get3A_1107 : vector<16xf32>
          %mul3A_1403 = arith.mulf %sub3A_1402, %sub3A_1402 : vector<16xf32>
          %add3A_1404 = arith.addf %mul3A_1394, %mul3A_1403 : vector<16xf32>
          %mul3A_1405 = arith.constant 9 : i32
          %mul3A_1406 = arith.muli %scan3A_1101, %mul3A_1405 : i32
          %add3A_1407 = arith.constant 6 : i32
          %add3A_1408 = arith.addi %mul3A_1406, %add3A_1407 : i32
          %get3A_1409 = arith.index_cast %add3A_1408 : i32 to index
          %get3A_1410 = arith.constant 32 : index
          %get3A_1411 = tpu.vector_load %arg12[%get3A_1409, %get3A_1410] {strides = array<i32>} : memref<720x64xf32, #tpu.memory_space<vmem>>, vector<16xf32>,
          %sub3A_1412 = arith.subf %get3A_1411, %get3A_1110 : vector<16xf32>
          %mul3A_1413 = arith.mulf %sub3A_1412, %sub3A_1412 : vector<16xf32>
          %add3A_1414 = arith.addf %add3A_1404, %mul3A_1413 : vector<16xf32>
          %mul3A_1415 = arith.constant 9 : i32
          %mul3A_1416 = arith.muli %scan3A_1101, %mul3A_1415 : i32
          %add3A_1417 = arith.constant 6 : i32
          %add3A_1418 = arith.addi %mul3A_1416, %add3A_1417 : i32
          %get3A_1419 = arith.index_cast %add3A_1418 : i32 to index
          %get3A_1420 = arith.constant 48 : index
          %get3A_1421 = tpu.vector_load %arg12[%get3A_1419, %get3A_1420] {strides = array<i32>} : memref<720x64xf32, #tpu.memory_space<vmem>>, vector<16xf32>,
          %sub3A_1422 = arith.subf %get3A_1421, %get3A_1113 : vector<16xf32>
          %mul3A_1423 = arith.mulf %sub3A_1422, %sub3A_1422 : vector<16xf32>
          %add3A_1424 = arith.addf %add3A_1414, %mul3A_1423 : vector<16xf32>
          %reduce_sum3A_1425 = arith.constant true
          %reduce_sum3A_1426 = vector.broadcast %reduce_sum3A_1425 : i1 to vector<16xi1>
          %reduce_sum3A_1427 = tpu.scan <sum>, %add3A_1424 masked %reduce_sum3A_1426 : vector<16xf32>, vector<16xi1> -> vector<16xf32>
          %reduce_sum3A_1428 = vector.extract %reduce_sum3A_1427[15] : f32 from vector<16xf32>
          %broadcast_in_dim3A_1429 = vector.broadcast %reduce_sum3A_1428 : f32 to vector<16xf32>
          %select_n3A_1430 = arith.select %eq3A_65, %broadcast_in_dim3A_1429, %select_n3A_1385 : vector<16xi1>, vector<16xf32>
          %mul3A_1431 = arith.constant 9 : i32
          %mul3A_1432 = arith.muli %scan3A_1101, %mul3A_1431 : i32
          %add3A_1433 = arith.constant 7 : i32
          %add3A_1434 = arith.addi %mul3A_1432, %add3A_1433 : i32
          %get3A_1435 = arith.index_cast %add3A_1434 : i32 to index
          %get3A_1436 = arith.constant 0 : index
          %get3A_1437 = tpu.vector_load %arg12[%get3A_1435, %get3A_1436] {strides = array<i32>} : memref<720x64xf32, #tpu.memory_space<vmem>>, vector<16xf32>,
          %sub3A_1438 = arith.subf %get3A_1437, %get3A_1104 : vector<16xf32>
          %mul3A_1439 = arith.mulf %sub3A_1438, %sub3A_1438 : vector<16xf32>
          %mul3A_1440 = arith.constant 9 : i32
          %mul3A_1441 = arith.muli %scan3A_1101, %mul3A_1440 : i32
          %add3A_1442 = arith.constant 7 : i32
          %add3A_1443 = arith.addi %mul3A_1441, %add3A_1442 : i32
          %get3A_1444 = arith.index_cast %add3A_1443 : i32 to index
          %get3A_1445 = arith.constant 16 : index
          %get3A_1446 = tpu.vector_load %arg12[%get3A_1444, %get3A_1445] {strides = array<i32>} : memref<720x64xf32, #tpu.memory_space<vmem>>, vector<16xf32>,
          %sub3A_1447 = arith.subf %get3A_1446, %get3A_1107 : vector<16xf32>
          %mul3A_1448 = arith.mulf %sub3A_1447, %sub3A_1447 : vector<16xf32>
          %add3A_1449 = arith.addf %mul3A_1439, %mul3A_1448 : vector<16xf32>
          %mul3A_1450 = arith.constant 9 : i32
          %mul3A_1451 = arith.muli %scan3A_1101, %mul3A_1450 : i32
          %add3A_1452 = arith.constant 7 : i32
          %add3A_1453 = arith.addi %mul3A_1451, %add3A_1452 : i32
          %get3A_1454 = arith.index_cast %add3A_1453 : i32 to index
          %get3A_1455 = arith.constant 32 : index
          %get3A_1456 = tpu.vector_load %arg12[%get3A_1454, %get3A_1455] {strides = array<i32>} : memref<720x64xf32, #tpu.memory_space<vmem>>, vector<16xf32>,
          %sub3A_1457 = arith.subf %get3A_1456, %get3A_1110 : vector<16xf32>
          %mul3A_1458 = arith.mulf %sub3A_1457, %sub3A_1457 : vector<16xf32>
          %add3A_1459 = arith.addf %add3A_1449, %mul3A_1458 : vector<16xf32>
          %mul3A_1460 = arith.constant 9 : i32
          %mul3A_1461 = arith.muli %scan3A_1101, %mul3A_1460 : i32
          %add3A_1462 = arith.constant 7 : i32
          %add3A_1463 = arith.addi %mul3A_1461, %add3A_1462 : i32
          %get3A_1464 = arith.index_cast %add3A_1463 : i32 to index
          %get3A_1465 = arith.constant 48 : index
          %get3A_1466 = tpu.vector_load %arg12[%get3A_1464, %get3A_1465] {strides = array<i32>} : memref<720x64xf32, #tpu.memory_space<vmem>>, vector<16xf32>,
          %sub3A_1467 = arith.subf %get3A_1466, %get3A_1113 : vector<16xf32>
          %mul3A_1468 = arith.mulf %sub3A_1467, %sub3A_1467 : vector<16xf32>
          %add3A_1469 = arith.addf %add3A_1459, %mul3A_1468 : vector<16xf32>
          %reduce_sum3A_1470 = arith.constant true
          %reduce_sum3A_1471 = vector.broadcast %reduce_sum3A_1470 : i1 to vector<16xi1>
          %reduce_sum3A_1472 = tpu.scan <sum>, %add3A_1469 masked %reduce_sum3A_1471 : vector<16xf32>, vector<16xi1> -> vector<16xf32>
          %reduce_sum3A_1473 = vector.extract %reduce_sum3A_1472[15] : f32 from vector<16xf32>
          %broadcast_in_dim3A_1474 = vector.broadcast %reduce_sum3A_1473 : f32 to vector<16xf32>
          %select_n3A_1475 = arith.select %eq3A_68, %broadcast_in_dim3A_1474, %select_n3A_1430 : vector<16xi1>, vector<16xf32>
          %mul3A_1476 = arith.constant 9 : i32
          %mul3A_1477 = arith.muli %scan3A_1101, %mul3A_1476 : i32
          %add3A_1478 = arith.constant 8 : i32
          %add3A_1479 = arith.addi %mul3A_1477, %add3A_1478 : i32
          %get3A_1480 = arith.index_cast %add3A_1479 : i32 to index
          %get3A_1481 = arith.constant 0 : index
          %get3A_1482 = tpu.vector_load %arg12[%get3A_1480, %get3A_1481] {strides = array<i32>} : memref<720x64xf32, #tpu.memory_space<vmem>>, vector<16xf32>,
          %sub3A_1483 = arith.subf %get3A_1482, %get3A_1104 : vector<16xf32>
          %mul3A_1484 = arith.mulf %sub3A_1483, %sub3A_1483 : vector<16xf32>
          %mul3A_1485 = arith.constant 9 : i32
          %mul3A_1486 = arith.muli %scan3A_1101, %mul3A_1485 : i32
          %add3A_1487 = arith.constant 8 : i32
          %add3A_1488 = arith.addi %mul3A_1486, %add3A_1487 : i32
          %get3A_1489 = arith.index_cast %add3A_1488 : i32 to index
          %get3A_1490 = arith.constant 16 : index
          %get3A_1491 = tpu.vector_load %arg12[%get3A_1489, %get3A_1490] {strides = array<i32>} : memref<720x64xf32, #tpu.memory_space<vmem>>, vector<16xf32>,
          %sub3A_1492 = arith.subf %get3A_1491, %get3A_1107 : vector<16xf32>
          %mul3A_1493 = arith.mulf %sub3A_1492, %sub3A_1492 : vector<16xf32>
          %add3A_1494 = arith.addf %mul3A_1484, %mul3A_1493 : vector<16xf32>
          %mul3A_1495 = arith.constant 9 : i32
          %mul3A_1496 = arith.muli %scan3A_1101, %mul3A_1495 : i32
          %add3A_1497 = arith.constant 8 : i32
          %add3A_1498 = arith.addi %mul3A_1496, %add3A_1497 : i32
          %get3A_1499 = arith.index_cast %add3A_1498 : i32 to index
          %get3A_1500 = arith.constant 32 : index
          %get3A_1501 = tpu.vector_load %arg12[%get3A_1499, %get3A_1500] {strides = array<i32>} : memref<720x64xf32, #tpu.memory_space<vmem>>, vector<16xf32>,
          %sub3A_1502 = arith.subf %get3A_1501, %get3A_1110 : vector<16xf32>
          %mul3A_1503 = arith.mulf %sub3A_1502, %sub3A_1502 : vector<16xf32>
          %add3A_1504 = arith.addf %add3A_1494, %mul3A_1503 : vector<16xf32>
          %mul3A_1505 = arith.constant 9 : i32
          %mul3A_1506 = arith.muli %scan3A_1101, %mul3A_1505 : i32
          %add3A_1507 = arith.constant 8 : i32
          %add3A_1508 = arith.addi %mul3A_1506, %add3A_1507 : i32
          %get3A_1509 = arith.index_cast %add3A_1508 : i32 to index
          %get3A_1510 = arith.constant 48 : index
          %get3A_1511 = tpu.vector_load %arg12[%get3A_1509, %get3A_1510] {strides = array<i32>} : memref<720x64xf32, #tpu.memory_space<vmem>>, vector<16xf32>,
          %sub3A_1512 = arith.subf %get3A_1511, %get3A_1113 : vector<16xf32>
          %mul3A_1513 = arith.mulf %sub3A_1512, %sub3A_1512 : vector<16xf32>
          %add3A_1514 = arith.addf %add3A_1504, %mul3A_1513 : vector<16xf32>
          %reduce_sum3A_1515 = arith.constant true
          %reduce_sum3A_1516 = vector.broadcast %reduce_sum3A_1515 : i1 to vector<16xi1>
          %reduce_sum3A_1517 = tpu.scan <sum>, %add3A_1514 masked %reduce_sum3A_1516 : vector<16xf32>, vector<16xi1> -> vector<16xf32>
          %reduce_sum3A_1518 = vector.extract %reduce_sum3A_1517[15] : f32 from vector<16xf32>
          %broadcast_in_dim3A_1519 = vector.broadcast %reduce_sum3A_1518 : f32 to vector<16xf32>
          %select_n3A_1520 = arith.select %eq3A_71, %broadcast_in_dim3A_1519, %select_n3A_1475 : vector<16xi1>, vector<16xf32>
          %bitcast_convert_type3A_1521 = tpu.bitcast %select_n3A_1520 : vector<16xf32> -> vector<16xi32>
          %shift_right_arithmetic3A_1522 = arith.constant 1 : i32
          %shift_right_arithmetic3A_1523 = vector.broadcast %shift_right_arithmetic3A_1522 : i32 to vector<16xi32>
          %shift_right_arithmetic3A_1524 = arith.shrsi %bitcast_convert_type3A_1521, %shift_right_arithmetic3A_1523 : vector<16xi32>
          %sub3A_1525 = arith.constant 1597463007 : i32
          %sub3A_1526 = vector.broadcast %sub3A_1525 : i32 to vector<16xi32>
          %sub3A_1527 = arith.subi %sub3A_1526, %shift_right_arithmetic3A_1524 : vector<16xi32>
          %bitcast_convert_type3A_1528 = tpu.bitcast %sub3A_1527 : vector<16xi32> -> vector<16xf32>
          %mul3A_1529 = arith.constant 5.000000e-01 : f32
          %mul3A_1530 = vector.broadcast %mul3A_1529 : f32 to vector<16xf32>
          %mul3A_1531 = arith.mulf %mul3A_1530, %select_n3A_1520 : vector<16xf32>
          %mul3A_1532 = arith.mulf %mul3A_1531, %bitcast_convert_type3A_1528 : vector<16xf32>
          %mul3A_1533 = arith.mulf %mul3A_1532, %bitcast_convert_type3A_1528 : vector<16xf32>
          %sub3A_1534 = arith.constant 1.500000e+00 : f32
          %sub3A_1535 = vector.broadcast %sub3A_1534 : f32 to vector<16xf32>
          %sub3A_1536 = arith.subf %sub3A_1535, %mul3A_1533 : vector<16xf32>
          %mul3A_1537 = arith.mulf %bitcast_convert_type3A_1528, %sub3A_1536 : vector<16xf32>
          %mul3A_1538 = arith.mulf %mul3A_1531, %mul3A_1537 : vector<16xf32>
          %mul3A_1539 = arith.mulf %mul3A_1538, %mul3A_1537 : vector<16xf32>
          %sub3A_1540 = arith.constant 1.500000e+00 : f32
          %sub3A_1541 = vector.broadcast %sub3A_1540 : f32 to vector<16xf32>
          %sub3A_1542 = arith.subf %sub3A_1541, %mul3A_1539 : vector<16xf32>
          %mul3A_1543 = arith.mulf %mul3A_1537, %sub3A_1542 : vector<16xf32>
          %mul3A_1544 = arith.mulf %select_n3A_1520, %mul3A_1543 : vector<16xf32>
          %gather3A_1545 = vector.shape_cast %broadcast_in_dim3A : vector<16x1xi32> to vector<16xi32>
          %gather3A_1546 = tpu.dynamic_gather %mul3A_1544[%gather3A_1545] in [0] : vector<16xf32>, vector<16xi32> -> vector<16xf32>
          %add3A_1547 = arith.addf %mul3A_1544, %gather3A_1546 : vector<16xf32>
          %gather3A_1548 = vector.shape_cast %broadcast_in_dim3A_19 : vector<16x1xi32> to vector<16xi32>
          %gather3A_1549 = tpu.dynamic_gather %add3A_1547[%gather3A_1548] in [0] : vector<16xf32>, vector<16xi32> -> vector<16xf32>
          %add3A_1550 = arith.addf %add3A_1547, %gather3A_1549 : vector<16xf32>
          %gather3A_1551 = vector.shape_cast %broadcast_in_dim3A_23 : vector<16x1xi32> to vector<16xi32>
          %gather3A_1552 = tpu.dynamic_gather %add3A_1550[%gather3A_1551] in [0] : vector<16xf32>, vector<16xi32> -> vector<16xf32>
          %add3A_1553 = arith.addf %add3A_1550, %gather3A_1552 : vector<16xf32>
          %gather3A_1554 = vector.shape_cast %broadcast_in_dim3A_27 : vector<16x1xi32> to vector<16xi32>
          %gather3A_1555 = tpu.dynamic_gather %add3A_1553[%gather3A_1554] in [0] : vector<16xf32>, vector<16xi32> -> vector<16xf32>
          %add3A_1556 = arith.addf %add3A_1553, %gather3A_1555 : vector<16xf32>
          %mul3A_1557 = arith.mulf %get3A_1, %add3A_1556 : vector<16xf32>
          %div3A_1558 = arith.divf %get3A_3, %add3A_1556 : vector<16xf32>
          %min3A_1559 = arith.minimumf %mul3A_1544, %mul3A_1557 : vector<16xf32>
          %sub3A_1560 = arith.subf %mul3A_1557, %min3A_1559 : vector<16xf32>
          %mul3A_1561 = arith.mulf %sub3A_1560, %div3A_1558 : vector<16xf32>
          %broadcast_in_dim3A_1562 = arith.constant 1 : i32
          %broadcast_in_dim3A_1563 = vector.broadcast %broadcast_in_dim3A_1562 : i32 to vector<16xi32>
          %mul3A_1564 = vector.broadcast %scan3A_1101 : i32 to vector<16xi32>
          %mul3A_1565 = arith.muli %broadcast_in_dim3A_1563, %mul3A_1564 : vector<16xi32>
          tpu.vector_store_idx %arg18[%mul3A_1565, %iota3A], %mul3A_1561 masked %lt3A_13 : memref<80x9xf32, #tpu.memory_space<vmem>>[vector<16xi32>, vector<16xi32>], vector<16xf32>, vector<16xi1>
          %gather3A_1566 = vector.shape_cast %broadcast_in_dim3A_29 : vector<16x1xi32> to vector<16xi32>
          %gather3A_1567 = tpu.dynamic_gather %mul3A_1561[%gather3A_1566] in [0] : vector<16xf32>, vector<16xi32> -> vector<16xf32>
          %mul3A_1568 = arith.constant 9 : i32
          %mul3A_1569 = arith.muli %scan3A_1101, %mul3A_1568 : i32
          %add3A_1570 = arith.constant 0 : i32
          %add3A_1571 = arith.addi %mul3A_1569, %add3A_1570 : i32
          %get3A_1572 = arith.index_cast %add3A_1571 : i32 to index
          %get3A_1573 = arith.constant 0 : index
          %get3A_1574 = tpu.vector_load %arg12[%get3A_1572, %get3A_1573] {strides = array<i32>} : memref<720x64xf32, #tpu.memory_space<vmem>>, vector<16xf32>,
          %mul3A_1575 = arith.mulf %get3A_1574, %gather3A_1567 : vector<16xf32>
          %add3A_1576 = arith.addf %get3A_5, %mul3A_1575 : vector<16xf32>
          %mul3A_1577 = arith.constant 9 : i32
          %mul3A_1578 = arith.muli %scan3A_1101, %mul3A_1577 : i32
          %add3A_1579 = arith.constant 0 : i32
          %add3A_1580 = arith.addi %mul3A_1578, %add3A_1579 : i32
          %get3A_1581 = arith.index_cast %add3A_1580 : i32 to index
          %get3A_1582 = arith.constant 16 : index
          %get3A_1583 = tpu.vector_load %arg12[%get3A_1581, %get3A_1582] {strides = array<i32>} : memref<720x64xf32, #tpu.memory_space<vmem>>, vector<16xf32>,
          %mul3A_1584 = arith.mulf %get3A_1583, %gather3A_1567 : vector<16xf32>
          %add3A_1585 = arith.addf %get3A_7, %mul3A_1584 : vector<16xf32>
          %mul3A_1586 = arith.constant 9 : i32
          %mul3A_1587 = arith.muli %scan3A_1101, %mul3A_1586 : i32
          %add3A_1588 = arith.constant 0 : i32
          %add3A_1589 = arith.addi %mul3A_1587, %add3A_1588 : i32
          %get3A_1590 = arith.index_cast %add3A_1589 : i32 to index
          %get3A_1591 = arith.constant 32 : index
          %get3A_1592 = tpu.vector_load %arg12[%get3A_1590, %get3A_1591] {strides = array<i32>} : memref<720x64xf32, #tpu.memory_space<vmem>>, vector<16xf32>,
          %mul3A_1593 = arith.mulf %get3A_1592, %gather3A_1567 : vector<16xf32>
          %add3A_1594 = arith.addf %get3A_9, %mul3A_1593 : vector<16xf32>
          %mul3A_1595 = arith.constant 9 : i32
          %mul3A_1596 = arith.muli %scan3A_1101, %mul3A_1595 : i32
          %add3A_1597 = arith.constant 0 : i32
          %add3A_1598 = arith.addi %mul3A_1596, %add3A_1597 : i32
          %get3A_1599 = arith.index_cast %add3A_1598 : i32 to index
          %get3A_1600 = arith.constant 48 : index
          %get3A_1601 = tpu.vector_load %arg12[%get3A_1599, %get3A_1600] {strides = array<i32>} : memref<720x64xf32, #tpu.memory_space<vmem>>, vector<16xf32>,
          %mul3A_1602 = arith.mulf %get3A_1601, %gather3A_1567 : vector<16xf32>
          %add3A_1603 = arith.addf %get3A_11, %mul3A_1602 : vector<16xf32>
          %gather3A_1604 = vector.shape_cast %broadcast_in_dim3A_31 : vector<16x1xi32> to vector<16xi32>
          %gather3A_1605 = tpu.dynamic_gather %mul3A_1561[%gather3A_1604] in [0] : vector<16xf32>, vector<16xi32> -> vector<16xf32>
          %mul3A_1606 = arith.constant 9 : i32
          %mul3A_1607 = arith.muli %scan3A_1101, %mul3A_1606 : i32
          %add3A_1608 = arith.constant 1 : i32
          %add3A_1609 = arith.addi %mul3A_1607, %add3A_1608 : i32
          %get3A_1610 = arith.index_cast %add3A_1609 : i32 to index
          %get3A_1611 = arith.constant 0 : index
          %get3A_1612 = tpu.vector_load %arg12[%get3A_1610, %get3A_1611] {strides = array<i32>} : memref<720x64xf32, #tpu.memory_space<vmem>>, vector<16xf32>,
          %mul3A_1613 = arith.mulf %get3A_1612, %gather3A_1605 : vector<16xf32>
          %add3A_1614 = arith.addf %add3A_1576, %mul3A_1613 : vector<16xf32>
          %mul3A_1615 = arith.constant 9 : i32
          %mul3A_1616 = arith.muli %scan3A_1101, %mul3A_1615 : i32
          %add3A_1617 = arith.constant 1 : i32
          %add3A_1618 = arith.addi %mul3A_1616, %add3A_1617 : i32
          %get3A_1619 = arith.index_cast %add3A_1618 : i32 to index
          %get3A_1620 = arith.constant 16 : index
          %get3A_1621 = tpu.vector_load %arg12[%get3A_1619, %get3A_1620] {strides = array<i32>} : memref<720x64xf32, #tpu.memory_space<vmem>>, vector<16xf32>,
          %mul3A_1622 = arith.mulf %get3A_1621, %gather3A_1605 : vector<16xf32>
          %add3A_1623 = arith.addf %add3A_1585, %mul3A_1622 : vector<16xf32>
          %mul3A_1624 = arith.constant 9 : i32
          %mul3A_1625 = arith.muli %scan3A_1101, %mul3A_1624 : i32
          %add3A_1626 = arith.constant 1 : i32
          %add3A_1627 = arith.addi %mul3A_1625, %add3A_1626 : i32
          %get3A_1628 = arith.index_cast %add3A_1627 : i32 to index
          %get3A_1629 = arith.constant 32 : index
          %get3A_1630 = tpu.vector_load %arg12[%get3A_1628, %get3A_1629] {strides = array<i32>} : memref<720x64xf32, #tpu.memory_space<vmem>>, vector<16xf32>,
          %mul3A_1631 = arith.mulf %get3A_1630, %gather3A_1605 : vector<16xf32>
          %add3A_1632 = arith.addf %add3A_1594, %mul3A_1631 : vector<16xf32>
          %mul3A_1633 = arith.constant 9 : i32
          %mul3A_1634 = arith.muli %scan3A_1101, %mul3A_1633 : i32
          %add3A_1635 = arith.constant 1 : i32
          %add3A_1636 = arith.addi %mul3A_1634, %add3A_1635 : i32
          %get3A_1637 = arith.index_cast %add3A_1636 : i32 to index
          %get3A_1638 = arith.constant 48 : index
          %get3A_1639 = tpu.vector_load %arg12[%get3A_1637, %get3A_1638] {strides = array<i32>} : memref<720x64xf32, #tpu.memory_space<vmem>>, vector<16xf32>,
          %mul3A_1640 = arith.mulf %get3A_1639, %gather3A_1605 : vector<16xf32>
          %add3A_1641 = arith.addf %add3A_1603, %mul3A_1640 : vector<16xf32>
          %gather3A_1642 = vector.shape_cast %broadcast_in_dim3A_33 : vector<16x1xi32> to vector<16xi32>
          %gather3A_1643 = tpu.dynamic_gather %mul3A_1561[%gather3A_1642] in [0] : vector<16xf32>, vector<16xi32> -> vector<16xf32>
          %mul3A_1644 = arith.constant 9 : i32
          %mul3A_1645 = arith.muli %scan3A_1101, %mul3A_1644 : i32
          %add3A_1646 = arith.constant 2 : i32
          %add3A_1647 = arith.addi %mul3A_1645, %add3A_1646 : i32
          %get3A_1648 = arith.index_cast %add3A_1647 : i32 to index
          %get3A_1649 = arith.constant 0 : index
          %get3A_1650 = tpu.vector_load %arg12[%get3A_1648, %get3A_1649] {strides = array<i32>} : memref<720x64xf32, #tpu.memory_space<vmem>>, vector<16xf32>,
          %mul3A_1651 = arith.mulf %get3A_1650, %gather3A_1643 : vector<16xf32>
          %add3A_1652 = arith.addf %add3A_1614, %mul3A_1651 : vector<16xf32>
          %mul3A_1653 = arith.constant 9 : i32
          %mul3A_1654 = arith.muli %scan3A_1101, %mul3A_1653 : i32
          %add3A_1655 = arith.constant 2 : i32
          %add3A_1656 = arith.addi %mul3A_1654, %add3A_1655 : i32
          %get3A_1657 = arith.index_cast %add3A_1656 : i32 to index
          %get3A_1658 = arith.constant 16 : index
          %get3A_1659 = tpu.vector_load %arg12[%get3A_1657, %get3A_1658] {strides = array<i32>} : memref<720x64xf32, #tpu.memory_space<vmem>>, vector<16xf32>,
          %mul3A_1660 = arith.mulf %get3A_1659, %gather3A_1643 : vector<16xf32>
          %add3A_1661 = arith.addf %add3A_1623, %mul3A_1660 : vector<16xf32>
          %mul3A_1662 = arith.constant 9 : i32
          %mul3A_1663 = arith.muli %scan3A_1101, %mul3A_1662 : i32
          %add3A_1664 = arith.constant 2 : i32
          %add3A_1665 = arith.addi %mul3A_1663, %add3A_1664 : i32
          %get3A_1666 = arith.index_cast %add3A_1665 : i32 to index
          %get3A_1667 = arith.constant 32 : index
          %get3A_1668 = tpu.vector_load %arg12[%get3A_1666, %get3A_1667] {strides = array<i32>} : memref<720x64xf32, #tpu.memory_space<vmem>>, vector<16xf32>,
          %mul3A_1669 = arith.mulf %get3A_1668, %gather3A_1643 : vector<16xf32>
          %add3A_1670 = arith.addf %add3A_1632, %mul3A_1669 : vector<16xf32>
          %mul3A_1671 = arith.constant 9 : i32
          %mul3A_1672 = arith.muli %scan3A_1101, %mul3A_1671 : i32
          %add3A_1673 = arith.constant 2 : i32
          %add3A_1674 = arith.addi %mul3A_1672, %add3A_1673 : i32
          %get3A_1675 = arith.index_cast %add3A_1674 : i32 to index
          %get3A_1676 = arith.constant 48 : index
          %get3A_1677 = tpu.vector_load %arg12[%get3A_1675, %get3A_1676] {strides = array<i32>} : memref<720x64xf32, #tpu.memory_space<vmem>>, vector<16xf32>,
          %mul3A_1678 = arith.mulf %get3A_1677, %gather3A_1643 : vector<16xf32>
          %add3A_1679 = arith.addf %add3A_1641, %mul3A_1678 : vector<16xf32>
          %gather3A_1680 = vector.shape_cast %broadcast_in_dim3A_35 : vector<16x1xi32> to vector<16xi32>
          %gather3A_1681 = tpu.dynamic_gather %mul3A_1561[%gather3A_1680] in [0] : vector<16xf32>, vector<16xi32> -> vector<16xf32>
          %mul3A_1682 = arith.constant 9 : i32
          %mul3A_1683 = arith.muli %scan3A_1101, %mul3A_1682 : i32
          %add3A_1684 = arith.constant 3 : i32
          %add3A_1685 = arith.addi %mul3A_1683, %add3A_1684 : i32
          %get3A_1686 = arith.index_cast %add3A_1685 : i32 to index
          %get3A_1687 = arith.constant 0 : index
          %get3A_1688 = tpu.vector_load %arg12[%get3A_1686, %get3A_1687] {strides = array<i32>} : memref<720x64xf32, #tpu.memory_space<vmem>>, vector<16xf32>,
          %mul3A_1689 = arith.mulf %get3A_1688, %gather3A_1681 : vector<16xf32>
          %add3A_1690 = arith.addf %add3A_1652, %mul3A_1689 : vector<16xf32>
          %mul3A_1691 = arith.constant 9 : i32
          %mul3A_1692 = arith.muli %scan3A_1101, %mul3A_1691 : i32
          %add3A_1693 = arith.constant 3 : i32
          %add3A_1694 = arith.addi %mul3A_1692, %add3A_1693 : i32
          %get3A_1695 = arith.index_cast %add3A_1694 : i32 to index
          %get3A_1696 = arith.constant 16 : index
          %get3A_1697 = tpu.vector_load %arg12[%get3A_1695, %get3A_1696] {strides = array<i32>} : memref<720x64xf32, #tpu.memory_space<vmem>>, vector<16xf32>,
          %mul3A_1698 = arith.mulf %get3A_1697, %gather3A_1681 : vector<16xf32>
          %add3A_1699 = arith.addf %add3A_1661, %mul3A_1698 : vector<16xf32>
          %mul3A_1700 = arith.constant 9 : i32
          %mul3A_1701 = arith.muli %scan3A_1101, %mul3A_1700 : i32
          %add3A_1702 = arith.constant 3 : i32
          %add3A_1703 = arith.addi %mul3A_1701, %add3A_1702 : i32
          %get3A_1704 = arith.index_cast %add3A_1703 : i32 to index
          %get3A_1705 = arith.constant 32 : index
          %get3A_1706 = tpu.vector_load %arg12[%get3A_1704, %get3A_1705] {strides = array<i32>} : memref<720x64xf32, #tpu.memory_space<vmem>>, vector<16xf32>,
          %mul3A_1707 = arith.mulf %get3A_1706, %gather3A_1681 : vector<16xf32>
          %add3A_1708 = arith.addf %add3A_1670, %mul3A_1707 : vector<16xf32>
          %mul3A_1709 = arith.constant 9 : i32
          %mul3A_1710 = arith.muli %scan3A_1101, %mul3A_1709 : i32
          %add3A_1711 = arith.constant 3 : i32
          %add3A_1712 = arith.addi %mul3A_1710, %add3A_1711 : i32
          %get3A_1713 = arith.index_cast %add3A_1712 : i32 to index
          %get3A_1714 = arith.constant 48 : index
          %get3A_1715 = tpu.vector_load %arg12[%get3A_1713, %get3A_1714] {strides = array<i32>} : memref<720x64xf32, #tpu.memory_space<vmem>>, vector<16xf32>,
          %mul3A_1716 = arith.mulf %get3A_1715, %gather3A_1681 : vector<16xf32>
          %add3A_1717 = arith.addf %add3A_1679, %mul3A_1716 : vector<16xf32>
          %gather3A_1718 = vector.shape_cast %broadcast_in_dim3A_37 : vector<16x1xi32> to vector<16xi32>
          %gather3A_1719 = tpu.dynamic_gather %mul3A_1561[%gather3A_1718] in [0] : vector<16xf32>, vector<16xi32> -> vector<16xf32>
          %mul3A_1720 = arith.constant 9 : i32
          %mul3A_1721 = arith.muli %scan3A_1101, %mul3A_1720 : i32
          %add3A_1722 = arith.constant 4 : i32
          %add3A_1723 = arith.addi %mul3A_1721, %add3A_1722 : i32
          %get3A_1724 = arith.index_cast %add3A_1723 : i32 to index
          %get3A_1725 = arith.constant 0 : index
          %get3A_1726 = tpu.vector_load %arg12[%get3A_1724, %get3A_1725] {strides = array<i32>} : memref<720x64xf32, #tpu.memory_space<vmem>>, vector<16xf32>,
          %mul3A_1727 = arith.mulf %get3A_1726, %gather3A_1719 : vector<16xf32>
          %add3A_1728 = arith.addf %add3A_1690, %mul3A_1727 : vector<16xf32>
          %mul3A_1729 = arith.constant 9 : i32
          %mul3A_1730 = arith.muli %scan3A_1101, %mul3A_1729 : i32
          %add3A_1731 = arith.constant 4 : i32
          %add3A_1732 = arith.addi %mul3A_1730, %add3A_1731 : i32
          %get3A_1733 = arith.index_cast %add3A_1732 : i32 to index
          %get3A_1734 = arith.constant 16 : index
          %get3A_1735 = tpu.vector_load %arg12[%get3A_1733, %get3A_1734] {strides = array<i32>} : memref<720x64xf32, #tpu.memory_space<vmem>>, vector<16xf32>,
          %mul3A_1736 = arith.mulf %get3A_1735, %gather3A_1719 : vector<16xf32>
          %add3A_1737 = arith.addf %add3A_1699, %mul3A_1736 : vector<16xf32>
          %mul3A_1738 = arith.constant 9 : i32
          %mul3A_1739 = arith.muli %scan3A_1101, %mul3A_1738 : i32
          %add3A_1740 = arith.constant 4 : i32
          %add3A_1741 = arith.addi %mul3A_1739, %add3A_1740 : i32
          %get3A_1742 = arith.index_cast %add3A_1741 : i32 to index
          %get3A_1743 = arith.constant 32 : index
          %get3A_1744 = tpu.vector_load %arg12[%get3A_1742, %get3A_1743] {strides = array<i32>} : memref<720x64xf32, #tpu.memory_space<vmem>>, vector<16xf32>,
          %mul3A_1745 = arith.mulf %get3A_1744, %gather3A_1719 : vector<16xf32>
          %add3A_1746 = arith.addf %add3A_1708, %mul3A_1745 : vector<16xf32>
          %mul3A_1747 = arith.constant 9 : i32
          %mul3A_1748 = arith.muli %scan3A_1101, %mul3A_1747 : i32
          %add3A_1749 = arith.constant 4 : i32
          %add3A_1750 = arith.addi %mul3A_1748, %add3A_1749 : i32
          %get3A_1751 = arith.index_cast %add3A_1750 : i32 to index
          %get3A_1752 = arith.constant 48 : index
          %get3A_1753 = tpu.vector_load %arg12[%get3A_1751, %get3A_1752] {strides = array<i32>} : memref<720x64xf32, #tpu.memory_space<vmem>>, vector<16xf32>,
          %mul3A_1754 = arith.mulf %get3A_1753, %gather3A_1719 : vector<16xf32>
          %add3A_1755 = arith.addf %add3A_1717, %mul3A_1754 : vector<16xf32>
          %gather3A_1756 = vector.shape_cast %broadcast_in_dim3A_39 : vector<16x1xi32> to vector<16xi32>
          %gather3A_1757 = tpu.dynamic_gather %mul3A_1561[%gather3A_1756] in [0] : vector<16xf32>, vector<16xi32> -> vector<16xf32>
          %mul3A_1758 = arith.constant 9 : i32
          %mul3A_1759 = arith.muli %scan3A_1101, %mul3A_1758 : i32
          %add3A_1760 = arith.constant 5 : i32
          %add3A_1761 = arith.addi %mul3A_1759, %add3A_1760 : i32
          %get3A_1762 = arith.index_cast %add3A_1761 : i32 to index
          %get3A_1763 = arith.constant 0 : index
          %get3A_1764 = tpu.vector_load %arg12[%get3A_1762, %get3A_1763] {strides = array<i32>} : memref<720x64xf32, #tpu.memory_space<vmem>>, vector<16xf32>,
          %mul3A_1765 = arith.mulf %get3A_1764, %gather3A_1757 : vector<16xf32>
          %add3A_1766 = arith.addf %add3A_1728, %mul3A_1765 : vector<16xf32>
          %mul3A_1767 = arith.constant 9 : i32
          %mul3A_1768 = arith.muli %scan3A_1101, %mul3A_1767 : i32
          %add3A_1769 = arith.constant 5 : i32
          %add3A_1770 = arith.addi %mul3A_1768, %add3A_1769 : i32
          %get3A_1771 = arith.index_cast %add3A_1770 : i32 to index
          %get3A_1772 = arith.constant 16 : index
          %get3A_1773 = tpu.vector_load %arg12[%get3A_1771, %get3A_1772] {strides = array<i32>} : memref<720x64xf32, #tpu.memory_space<vmem>>, vector<16xf32>,
          %mul3A_1774 = arith.mulf %get3A_1773, %gather3A_1757 : vector<16xf32>
          %add3A_1775 = arith.addf %add3A_1737, %mul3A_1774 : vector<16xf32>
          %mul3A_1776 = arith.constant 9 : i32
          %mul3A_1777 = arith.muli %scan3A_1101, %mul3A_1776 : i32
          %add3A_1778 = arith.constant 5 : i32
          %add3A_1779 = arith.addi %mul3A_1777, %add3A_1778 : i32
          %get3A_1780 = arith.index_cast %add3A_1779 : i32 to index
          %get3A_1781 = arith.constant 32 : index
          %get3A_1782 = tpu.vector_load %arg12[%get3A_1780, %get3A_1781] {strides = array<i32>} : memref<720x64xf32, #tpu.memory_space<vmem>>, vector<16xf32>,
          %mul3A_1783 = arith.mulf %get3A_1782, %gather3A_1757 : vector<16xf32>
          %add3A_1784 = arith.addf %add3A_1746, %mul3A_1783 : vector<16xf32>
          %mul3A_1785 = arith.constant 9 : i32
          %mul3A_1786 = arith.muli %scan3A_1101, %mul3A_1785 : i32
          %add3A_1787 = arith.constant 5 : i32
          %add3A_1788 = arith.addi %mul3A_1786, %add3A_1787 : i32
          %get3A_1789 = arith.index_cast %add3A_1788 : i32 to index
          %get3A_1790 = arith.constant 48 : index
          %get3A_1791 = tpu.vector_load %arg12[%get3A_1789, %get3A_1790] {strides = array<i32>} : memref<720x64xf32, #tpu.memory_space<vmem>>, vector<16xf32>,
          %mul3A_1792 = arith.mulf %get3A_1791, %gather3A_1757 : vector<16xf32>
          %add3A_1793 = arith.addf %add3A_1755, %mul3A_1792 : vector<16xf32>
          %gather3A_1794 = vector.shape_cast %broadcast_in_dim3A_41 : vector<16x1xi32> to vector<16xi32>
          %gather3A_1795 = tpu.dynamic_gather %mul3A_1561[%gather3A_1794] in [0] : vector<16xf32>, vector<16xi32> -> vector<16xf32>
          %mul3A_1796 = arith.constant 9 : i32
          %mul3A_1797 = arith.muli %scan3A_1101, %mul3A_1796 : i32
          %add3A_1798 = arith.constant 6 : i32
          %add3A_1799 = arith.addi %mul3A_1797, %add3A_1798 : i32
          %get3A_1800 = arith.index_cast %add3A_1799 : i32 to index
          %get3A_1801 = arith.constant 0 : index
          %get3A_1802 = tpu.vector_load %arg12[%get3A_1800, %get3A_1801] {strides = array<i32>} : memref<720x64xf32, #tpu.memory_space<vmem>>, vector<16xf32>,
          %mul3A_1803 = arith.mulf %get3A_1802, %gather3A_1795 : vector<16xf32>
          %add3A_1804 = arith.addf %add3A_1766, %mul3A_1803 : vector<16xf32>
          %mul3A_1805 = arith.constant 9 : i32
          %mul3A_1806 = arith.muli %scan3A_1101, %mul3A_1805 : i32
          %add3A_1807 = arith.constant 6 : i32
          %add3A_1808 = arith.addi %mul3A_1806, %add3A_1807 : i32
          %get3A_1809 = arith.index_cast %add3A_1808 : i32 to index
          %get3A_1810 = arith.constant 16 : index
          %get3A_1811 = tpu.vector_load %arg12[%get3A_1809, %get3A_1810] {strides = array<i32>} : memref<720x64xf32, #tpu.memory_space<vmem>>, vector<16xf32>,
          %mul3A_1812 = arith.mulf %get3A_1811, %gather3A_1795 : vector<16xf32>
          %add3A_1813 = arith.addf %add3A_1775, %mul3A_1812 : vector<16xf32>
          %mul3A_1814 = arith.constant 9 : i32
          %mul3A_1815 = arith.muli %scan3A_1101, %mul3A_1814 : i32
          %add3A_1816 = arith.constant 6 : i32
          %add3A_1817 = arith.addi %mul3A_1815, %add3A_1816 : i32
          %get3A_1818 = arith.index_cast %add3A_1817 : i32 to index
          %get3A_1819 = arith.constant 32 : index
          %get3A_1820 = tpu.vector_load %arg12[%get3A_1818, %get3A_1819] {strides = array<i32>} : memref<720x64xf32, #tpu.memory_space<vmem>>, vector<16xf32>,
          %mul3A_1821 = arith.mulf %get3A_1820, %gather3A_1795 : vector<16xf32>
          %add3A_1822 = arith.addf %add3A_1784, %mul3A_1821 : vector<16xf32>
          %mul3A_1823 = arith.constant 9 : i32
          %mul3A_1824 = arith.muli %scan3A_1101, %mul3A_1823 : i32
          %add3A_1825 = arith.constant 6 : i32
          %add3A_1826 = arith.addi %mul3A_1824, %add3A_1825 : i32
          %get3A_1827 = arith.index_cast %add3A_1826 : i32 to index
          %get3A_1828 = arith.constant 48 : index
          %get3A_1829 = tpu.vector_load %arg12[%get3A_1827, %get3A_1828] {strides = array<i32>} : memref<720x64xf32, #tpu.memory_space<vmem>>, vector<16xf32>,
          %mul3A_1830 = arith.mulf %get3A_1829, %gather3A_1795 : vector<16xf32>
          %add3A_1831 = arith.addf %add3A_1793, %mul3A_1830 : vector<16xf32>
          %gather3A_1832 = vector.shape_cast %broadcast_in_dim3A_43 : vector<16x1xi32> to vector<16xi32>
          %gather3A_1833 = tpu.dynamic_gather %mul3A_1561[%gather3A_1832] in [0] : vector<16xf32>, vector<16xi32> -> vector<16xf32>
          %mul3A_1834 = arith.constant 9 : i32
          %mul3A_1835 = arith.muli %scan3A_1101, %mul3A_1834 : i32
          %add3A_1836 = arith.constant 7 : i32
          %add3A_1837 = arith.addi %mul3A_1835, %add3A_1836 : i32
          %get3A_1838 = arith.index_cast %add3A_1837 : i32 to index
          %get3A_1839 = arith.constant 0 : index
          %get3A_1840 = tpu.vector_load %arg12[%get3A_1838, %get3A_1839] {strides = array<i32>} : memref<720x64xf32, #tpu.memory_space<vmem>>, vector<16xf32>,
          %mul3A_1841 = arith.mulf %get3A_1840, %gather3A_1833 : vector<16xf32>
          %add3A_1842 = arith.addf %add3A_1804, %mul3A_1841 : vector<16xf32>
          %mul3A_1843 = arith.constant 9 : i32
          %mul3A_1844 = arith.muli %scan3A_1101, %mul3A_1843 : i32
          %add3A_1845 = arith.constant 7 : i32
          %add3A_1846 = arith.addi %mul3A_1844, %add3A_1845 : i32
          %get3A_1847 = arith.index_cast %add3A_1846 : i32 to index
          %get3A_1848 = arith.constant 16 : index
          %get3A_1849 = tpu.vector_load %arg12[%get3A_1847, %get3A_1848] {strides = array<i32>} : memref<720x64xf32, #tpu.memory_space<vmem>>, vector<16xf32>,
          %mul3A_1850 = arith.mulf %get3A_1849, %gather3A_1833 : vector<16xf32>
          %add3A_1851 = arith.addf %add3A_1813, %mul3A_1850 : vector<16xf32>
          %mul3A_1852 = arith.constant 9 : i32
          %mul3A_1853 = arith.muli %scan3A_1101, %mul3A_1852 : i32
          %add3A_1854 = arith.constant 7 : i32
          %add3A_1855 = arith.addi %mul3A_1853, %add3A_1854 : i32
          %get3A_1856 = arith.index_cast %add3A_1855 : i32 to index
          %get3A_1857 = arith.constant 32 : index
          %get3A_1858 = tpu.vector_load %arg12[%get3A_1856, %get3A_1857] {strides = array<i32>} : memref<720x64xf32, #tpu.memory_space<vmem>>, vector<16xf32>,
          %mul3A_1859 = arith.mulf %get3A_1858, %gather3A_1833 : vector<16xf32>
          %add3A_1860 = arith.addf %add3A_1822, %mul3A_1859 : vector<16xf32>
          %mul3A_1861 = arith.constant 9 : i32
          %mul3A_1862 = arith.muli %scan3A_1101, %mul3A_1861 : i32
          %add3A_1863 = arith.constant 7 : i32
          %add3A_1864 = arith.addi %mul3A_1862, %add3A_1863 : i32
          %get3A_1865 = arith.index_cast %add3A_1864 : i32 to index
          %get3A_1866 = arith.constant 48 : index
          %get3A_1867 = tpu.vector_load %arg12[%get3A_1865, %get3A_1866] {strides = array<i32>} : memref<720x64xf32, #tpu.memory_space<vmem>>, vector<16xf32>,
          %mul3A_1868 = arith.mulf %get3A_1867, %gather3A_1833 : vector<16xf32>
          %add3A_1869 = arith.addf %add3A_1831, %mul3A_1868 : vector<16xf32>
          %gather3A_1870 = vector.shape_cast %broadcast_in_dim3A_45 : vector<16x1xi32> to vector<16xi32>
          %gather3A_1871 = tpu.dynamic_gather %mul3A_1561[%gather3A_1870] in [0] : vector<16xf32>, vector<16xi32> -> vector<16xf32>
          %mul3A_1872 = arith.constant 9 : i32
          %mul3A_1873 = arith.muli %scan3A_1101, %mul3A_1872 : i32
          %add3A_1874 = arith.constant 8 : i32
          %add3A_1875 = arith.addi %mul3A_1873, %add3A_1874 : i32
          %get3A_1876 = arith.index_cast %add3A_1875 : i32 to index
          %get3A_1877 = arith.constant 0 : index
          %get3A_1878 = tpu.vector_load %arg12[%get3A_1876, %get3A_1877] {strides = array<i32>} : memref<720x64xf32, #tpu.memory_space<vmem>>, vector<16xf32>,
          %mul3A_1879 = arith.mulf %get3A_1878, %gather3A_1871 : vector<16xf32>
          %add3A_1880 = arith.addf %add3A_1842, %mul3A_1879 : vector<16xf32>
          %mul3A_1881 = arith.constant 9 : i32
          %mul3A_1882 = arith.muli %scan3A_1101, %mul3A_1881 : i32
          %add3A_1883 = arith.constant 8 : i32
          %add3A_1884 = arith.addi %mul3A_1882, %add3A_1883 : i32
          %get3A_1885 = arith.index_cast %add3A_1884 : i32 to index
          %get3A_1886 = arith.constant 16 : index
          %get3A_1887 = tpu.vector_load %arg12[%get3A_1885, %get3A_1886] {strides = array<i32>} : memref<720x64xf32, #tpu.memory_space<vmem>>, vector<16xf32>,
          %mul3A_1888 = arith.mulf %get3A_1887, %gather3A_1871 : vector<16xf32>
          %add3A_1889 = arith.addf %add3A_1851, %mul3A_1888 : vector<16xf32>
          %mul3A_1890 = arith.constant 9 : i32
          %mul3A_1891 = arith.muli %scan3A_1101, %mul3A_1890 : i32
          %add3A_1892 = arith.constant 8 : i32
          %add3A_1893 = arith.addi %mul3A_1891, %add3A_1892 : i32
          %get3A_1894 = arith.index_cast %add3A_1893 : i32 to index
          %get3A_1895 = arith.constant 32 : index
          %get3A_1896 = tpu.vector_load %arg12[%get3A_1894, %get3A_1895] {strides = array<i32>} : memref<720x64xf32, #tpu.memory_space<vmem>>, vector<16xf32>,
          %mul3A_1897 = arith.mulf %get3A_1896, %gather3A_1871 : vector<16xf32>
          %add3A_1898 = arith.addf %add3A_1860, %mul3A_1897 : vector<16xf32>
          %mul3A_1899 = arith.constant 9 : i32
          %mul3A_1900 = arith.muli %scan3A_1101, %mul3A_1899 : i32
          %add3A_1901 = arith.constant 8 : i32
          %add3A_1902 = arith.addi %mul3A_1900, %add3A_1901 : i32
          %get3A_1903 = arith.index_cast %add3A_1902 : i32 to index
          %get3A_1904 = arith.constant 48 : index
          %get3A_1905 = tpu.vector_load %arg12[%get3A_1903, %get3A_1904] {strides = array<i32>} : memref<720x64xf32, #tpu.memory_space<vmem>>, vector<16xf32>,
          %mul3A_1906 = arith.mulf %get3A_1905, %gather3A_1871 : vector<16xf32>
          %add3A_1907 = arith.addf %add3A_1869, %mul3A_1906 : vector<16xf32>
          %swap3A_1908 = arith.index_cast %scan3A_1101 : i32 to index
          %swap3A_1909 = arith.constant 0 : index
          %swap3A_1910 = tpu.vector_load %arg16[%swap3A_1908, %swap3A_1909] {strides = array<i32>} : memref<80x64xf32, #tpu.memory_space<vmem>>, vector<16xf32>,
          tpu.vector_store %arg16[%swap3A_1908, %swap3A_1909], %add3A_1880 {strides = array<i32>} : memref<80x64xf32, #tpu.memory_space<vmem>>, vector<16xf32>,
          %swap3A_1911 = arith.index_cast %scan3A_1101 : i32 to index
          %swap3A_1912 = arith.constant 16 : index
          %swap3A_1913 = tpu.vector_load %arg16[%swap3A_1911, %swap3A_1912] {strides = array<i32>} : memref<80x64xf32, #tpu.memory_space<vmem>>, vector<16xf32>,
          tpu.vector_store %arg16[%swap3A_1911, %swap3A_1912], %add3A_1889 {strides = array<i32>} : memref<80x64xf32, #tpu.memory_space<vmem>>, vector<16xf32>,
          %swap3A_1914 = arith.index_cast %scan3A_1101 : i32 to index
          %swap3A_1915 = arith.constant 32 : index
          %swap3A_1916 = tpu.vector_load %arg16[%swap3A_1914, %swap3A_1915] {strides = array<i32>} : memref<80x64xf32, #tpu.memory_space<vmem>>, vector<16xf32>,
          tpu.vector_store %arg16[%swap3A_1914, %swap3A_1915], %add3A_1898 {strides = array<i32>} : memref<80x64xf32, #tpu.memory_space<vmem>>, vector<16xf32>,
          %swap3A_1917 = arith.index_cast %scan3A_1101 : i32 to index
          %swap3A_1918 = arith.constant 48 : index
          %swap3A_1919 = tpu.vector_load %arg16[%swap3A_1917, %swap3A_1918] {strides = array<i32>} : memref<80x64xf32, #tpu.memory_space<vmem>>, vector<16xf32>,
          tpu.vector_store %arg16[%swap3A_1917, %swap3A_1918], %add3A_1907 {strides = array<i32>} : memref<80x64xf32, #tpu.memory_space<vmem>>, vector<16xf32>,
        }
        %scan3A_277 = arith.constant 80 : i32
        %mul3A_278 = arith.constant 80 : i32
        %mul3A_279 = arith.muli %add3A_189, %mul3A_278 : i32
        %dma_start3A_280 = arith.constant 0 : i32
        %dma_start3A_281 = tpu.memref_slice %arg7[%mul3A_279, %dma_start3A_280] : memref<100000x64xf32, #tpu.memory_space<hbm>> -> memref<80x64xf32, #tpu.memory_space<hbm>>
        %dma_start3A_282 = arith.constant 0 : i32
        %dma_start3A_283 = tpu.memref_slice %arg7[%mul3A_279, %dma_start3A_282] : memref<100000x64xf32, #tpu.memory_space<hbm>> -> memref<80x64xf32, #tpu.memory_space<hbm>>
        tpu.enqueue_dma source(%arg16 : memref<80x64xf32, #tpu.memory_space<vmem>>) target(%dma_start3A_283 : memref<80x64xf32, #tpu.memory_space<hbm>>) target_semaphore(%arg26 : memref<!tpu.dma_semaphore, #tpu.memory_space<semaphore_mem>>)
        %mul3A_284 = arith.constant 80 : i32
        %mul3A_285 = arith.muli %add3A_189, %mul3A_284 : i32
        %dma_start3A_286 = arith.constant 0 : i32
        %dma_start3A_287 = tpu.memref_slice %arg8[%mul3A_285, %dma_start3A_286] : memref<100000x9xf32, #tpu.memory_space<hbm>> -> memref<80x9xf32, #tpu.memory_space<hbm>>
        %dma_start3A_288 = arith.constant 0 : i32
        %dma_start3A_289 = tpu.memref_slice %arg8[%mul3A_285, %dma_start3A_288] : memref<100000x9xf32, #tpu.memory_space<hbm>> -> memref<80x9xf32, #tpu.memory_space<hbm>>
        tpu.enqueue_dma source(%arg18 : memref<80x9xf32, #tpu.memory_space<vmem>>) target(%dma_start3A_289 : memref<80x9xf32, #tpu.memory_space<hbm>>) target_semaphore(%arg26 : memref<!tpu.dma_semaphore, #tpu.memory_space<semaphore_mem>>)
      } else {
      }
    }
    %scan3A_141 = arith.constant 20 : i32
    %dma_wait3A = arith.constant 0 : i32
    %dma_wait3A_142 = arith.constant 0 : i32
    %dma_wait3A_143 = tpu.memref_slice %arg7[%dma_wait3A, %dma_wait3A_142] : memref<100000x64xf32, #tpu.memory_space<hbm>> -> memref<80x64xf32, #tpu.memory_space<hbm>>
    %dma_wait3A_144 = arith.constant 0 : i32
    %dma_wait3A_145 = arith.constant 0 : i32
    %dma_wait3A_146 = tpu.memref_slice %arg7[%dma_wait3A_144, %dma_wait3A_145] : memref<100000x64xf32, #tpu.memory_space<hbm>> -> memref<80x64xf32, #tpu.memory_space<hbm>>
    tpu.wait_dma2 semaphore(%arg25 : memref<!tpu.dma_semaphore, #tpu.memory_space<semaphore_mem>>) src(%arg15 : memref<80x64xf32, #tpu.memory_space<vmem>>) dst(%dma_wait3A_146 : memref<80x64xf32, #tpu.memory_space<hbm>>)
    %dma_wait3A_147 = arith.constant 0 : i32
    %dma_wait3A_148 = arith.constant 0 : i32
    %dma_wait3A_149 = tpu.memref_slice %arg8[%dma_wait3A_147, %dma_wait3A_148] : memref<100000x9xf32, #tpu.memory_space<hbm>> -> memref<80x9xf32, #tpu.memory_space<hbm>>
    %dma_wait3A_150 = arith.constant 0 : i32
    %dma_wait3A_151 = arith.constant 0 : i32
    %dma_wait3A_152 = tpu.memref_slice %arg8[%dma_wait3A_150, %dma_wait3A_151] : memref<100000x9xf32, #tpu.memory_space<hbm>> -> memref<80x9xf32, #tpu.memory_space<hbm>>
    tpu.wait_dma2 semaphore(%arg25 : memref<!tpu.dma_semaphore, #tpu.memory_space<semaphore_mem>>) src(%arg17 : memref<80x9xf32, #tpu.memory_space<vmem>>) dst(%dma_wait3A_152 : memref<80x9xf32, #tpu.memory_space<hbm>>)
    %dma_wait3A_153 = arith.constant 0 : i32
    %dma_wait3A_154 = arith.constant 0 : i32
    %dma_wait3A_155 = tpu.memref_slice %arg7[%dma_wait3A_153, %dma_wait3A_154] : memref<100000x64xf32, #tpu.memory_space<hbm>> -> memref<80x64xf32, #tpu.memory_space<hbm>>
    %dma_wait3A_156 = arith.constant 0 : i32
    %dma_wait3A_157 = arith.constant 0 : i32
    %dma_wait3A_158 = tpu.memref_slice %arg7[%dma_wait3A_156, %dma_wait3A_157] : memref<100000x64xf32, #tpu.memory_space<hbm>> -> memref<80x64xf32, #tpu.memory_space<hbm>>
    tpu.wait_dma2 semaphore(%arg26 : memref<!tpu.dma_semaphore, #tpu.memory_space<semaphore_mem>>) src(%arg16 : memref<80x64xf32, #tpu.memory_space<vmem>>) dst(%dma_wait3A_158 : memref<80x64xf32, #tpu.memory_space<hbm>>)
    %dma_wait3A_159 = arith.constant 0 : i32
    %dma_wait3A_160 = arith.constant 0 : i32
    %dma_wait3A_161 = tpu.memref_slice %arg8[%dma_wait3A_159, %dma_wait3A_160] : memref<100000x9xf32, #tpu.memory_space<hbm>> -> memref<80x9xf32, #tpu.memory_space<hbm>>
    %dma_wait3A_162 = arith.constant 0 : i32
    %dma_wait3A_163 = arith.constant 0 : i32
    %dma_wait3A_164 = tpu.memref_slice %arg8[%dma_wait3A_162, %dma_wait3A_163] : memref<100000x9xf32, #tpu.memory_space<hbm>> -> memref<80x9xf32, #tpu.memory_space<hbm>>
    tpu.wait_dma2 semaphore(%arg26 : memref<!tpu.dma_semaphore, #tpu.memory_space<semaphore_mem>>) src(%arg18 : memref<80x9xf32, #tpu.memory_space<vmem>>) dst(%dma_wait3A_164 : memref<80x9xf32, #tpu.memory_space<hbm>>)
    return
  }
}

</mosaic_0001>

<sc_bundles>
// kernel: _run.3.cloned.1.call-start
scs
__scs_entry_jumppad:
0x0: {  	(pc) =	sbr.rel $0x88, $3  }
0x1: {  	(tag) =	ssettag $0x0;
	lr =	simm.s32 $0x1  }
0x2: {  	[smem:$0x3F9C] =	sst lr;
	_ =	strace $0xD0000000  }
0x3: {  	_ = 	snop  }
0x4: {  	_ = 	snop  }
0x5: {  	_ = 	snop  }
0x6: {  	_ = 	snop  }
0x7: {  	_ = 	snop  }
__scs_overlays_trampoline_lowered:
0x8: {  	[smem:$0x3FAB] =	sst s0  }
0x9: {  	[smem:$0x3FAC] =	sst s1  }
0xa: {  	[smem:$0x3FAD] =	sst s2  }
0xb: {  	[smem:$0x3FAE] =	sst s3  }
0xc: {  	[smem:$0x3FAF] =	sst s4  }
0xd: {  	[smem:$0x3FB0] =	sst s5  }
0xe: {  	[smem:$0x3FB1] =	sst s6  }
0xf: {  	[smem:$0x3FB2] =	sst s7  }
0x10: {  	[smem:$0x3FB3] =	sst s8  }
0x11: {  	[smem:$0x3FB4] =	sst s9;
	s0 =	simm.s32 @!p0 $0x0  }
0x12: {  	s1 =	sld [smem:$0x3F9A];
	s0 =	simm.s32 @p0 $0x1  }
0x13: {  	[smem:$0x3FB5] =	sst s0;
	s0 =	simm.s32 @!p1 $0x0  }
0x14: {  	s2 =	sld [smem:$0x3F99];
	s0 =	simm.s32 @p1 $0x1  }
0x15: {  	[smem:$0x3FB6] =	sst s0;
	s0 =	simm.s32 @!p2 $0x0  }
0x16: {  	s3 =	sld [smem:$0x3FDB];
	s0 =	simm.s32 @p2 $0x1  }
0x17: {  	s4 =	simm.s32 $0x1BF5;
	[smem:$0x3FB8] =	sst s0  }
0x18: {  	s0 =	sld [smem:$0x3F9B];
	_ =	swait.ge [sflag:s4], $0x0  }
0x19: {  	s7 =	sld [smem:$0x3F9C]  }
0x1a: {  	s8 =	sadd.s32 $0xFFFFE003, lr  }
0x1b: {  	s9 =	sadd.s32 $0xFFFFFEF7, lr;
	s5 =	simm.s32 $0xFFFFFFFF;
	p2 =	slt.u32 s8, $0xFFFFF086  }
0x1c: {  	p1 =	slt.u32 s9, $0xF7A;
	s5 =	simm.s32 @!p2 $0x0  }
0x1d: {  	s5 =	simm.s32 @p1 $0x1;
	p0 =	seq.s32 s7, s2  }
0x1e: {  	s7 =	smul.u32 @!p0 $0xF7A, s2;
	p2 =	seq.s32 @!p0 s5, $0x0  }
0x1f: {  	s9 =	smul.u32 $0xF7A, s1;
	s8 =	simm.s32 @!p0 $0x1BF5;
	p2 =	por !p2, p0  }
0x20: {  	[sflag:s8] =	ssyncset.s32 @!p0 $0xFFFFF086;
	s6 =	sadd.s32 @!p0 s3, s7;
	s7 =	simm.s32 @!p0 $0x108  }
0x21: {  	s3 =	sadd.s32 s3, s9;
	s6 =	sadd.s32 @!p0 $0x88, s6;
	s7 =	simm.s32 @p2 $0x1082  }
0x22: {  	[simem:s7], [sflag:s8] =	dma.local @!p0 [hbm:s6], $0xF7A  }
0x23: {  	s9 =	sor.u32 $0xD0000000, s2;
	s6 =	simm.s32 $0x108;
	_ =	swait.ge @!p0 [sflag:s8], $0x0  }
0x24: {  	s3 =	sadd.s32 $0x88, s3;
	s6 =	simm.s32 @!p1 $0x1082;
	[sflag:s4] =	ssyncset.s32 $0xFFFFF086  }
0x25: {  	[simem:s6], [sflag:s4] =	dma.local [hbm:s3], $0xF7A  }
0x26: {  	[smem:$0x3F9C] =	sst s1;
	(tag) =	ssettag s2;
	_ =	strace s9  }
0x27: {  	s1 =	sld [smem:$0x3FAC]  }
0x28: {  	s2 =	sld [smem:$0x3FAD]  }
0x29: {  	s4 =	sld [smem:$0x3FAF]  }
0x2a: {  	p0 =	seq.s32 s5, $0x0;
	s5 =	sld [smem:$0x3FB0]  }
0x2b: {  	s6 =	sld [smem:$0x3FB1]  }
0x2c: {  	s7 =	sld [smem:$0x3FB2]  }
0x2d: {  	s3 =	simm.s32 $0x108;
	s8 =	sld [smem:$0x3FB3]  }
0x2e: {  	s3 =	simm.s32 @!p0 $0x1082;
	s9 =	sld [smem:$0x3FB4]  }
0x2f: {  	lr =	sadd.s32 s0, s3;
	s0 =	sld [smem:$0x3FAB]  }
0x30: {  	s3 =	sld [smem:$0x3FAE]  }
0x31: {  	[smem:$0x3FB7] =	sst s10  }
0x32: {  	s10 =	sld [smem:$0x3FB5];
	_ =	sdelay $0x3  }
0x33: {  	p0 =	seq.s32 s10, $0x1;
	s10 =	sld [smem:$0x3FB7];
	_ =	sdelay $0x3  }
0x34: {  	[smem:$0x3FB7] =	sst s10  }
0x35: {  	s10 =	sld [smem:$0x3FB6];
	_ =	sdelay $0x3  }
0x36: {  	p1 =	seq.s32 s10, $0x1;
	s10 =	sld [smem:$0x3FB7];
	_ =	sdelay $0x3  }
0x37: {  	[smem:$0x3FB7] =	sst s10  }
0x38: {  	s10 =	sld [smem:$0x3FB8]  }
0x39: {  	_ = 	snop;
	(pc) =	sbr.ind lr, $3  }
0x3a: {  	_ = 	snop  }
0x3b: {  	_ = 	snop  }
0x3c: {  	p2 =	seq.s32 s10, $0x1;
	s10 =	sld [smem:$0x3FB7]  }
0x3d: {  	_ =	shalt  }
0x3e: {  	_ =	shalt  }
0x3f: {  	_ =	shalt  }
0x40: {  	_ =	shalt  }
0x41: {  	_ =	shalt  }
0x42: {  	_ =	shalt  }
0x43: {  	_ =	shalt  }
0x44: {  	_ =	shalt  }
0x45: {  	_ =	shalt  }
0x46: {  	_ =	shalt  }
0x47: {  	_ =	shalt  }
0x48: {  	_ =	shalt  }
0x49: {  	_ =	shalt  }
0x4a: {  	_ =	shalt  }
0x4b: {  	_ =	shalt  }
0x4c: {  	_ =	shalt  }
0x4d: {  	_ =	shalt  }
0x4e: {  	_ =	shalt  }
0x4f: {  	_ =	shalt  }
0x50: {  	_ =	shalt  }
0x51: {  	_ =	shalt  }
0x52: {  	_ =	shalt  }
0x53: {  	_ =	shalt  }
0x54: {  	_ =	shalt  }
0x55: {  	_ =	shalt  }
0x56: {  	_ =	shalt  }
0x57: {  	_ =	shalt  }
0x58: {  	_ =	shalt  }
0x59: {  	_ =	shalt  }
0x5a: {  	_ =	shalt  }
0x5b: {  	_ =	shalt  }
0x5c: {  	_ =	shalt  }
0x5d: {  	_ =	shalt  }
0x5e: {  	_ =	shalt  }
0x5f: {  	_ =	shalt  }
0x60: {  	_ =	shalt  }
0x61: {  	_ =	shalt  }
0x62: {  	_ =	shalt  }
0x63: {  	_ =	shalt  }
0x64: {  	_ =	shalt  }
0x65: {  	_ =	shalt  }
0x66: {  	_ =	shalt  }
0x67: {  	_ =	shalt  }
0x68: {  	_ =	shalt  }
0x69: {  	_ =	shalt  }
0x6a: {  	_ =	shalt  }
0x6b: {  	_ =	shalt  }
0x6c: {  	_ =	shalt  }
0x6d: {  	_ =	shalt  }
0x6e: {  	_ =	shalt  }
0x6f: {  	_ =	shalt  }
0x70: {  	_ =	shalt  }
0x71: {  	_ =	shalt  }
0x72: {  	_ =	shalt  }
0x73: {  	_ =	shalt  }
0x74: {  	_ =	shalt  }
0x75: {  	_ =	shalt  }
0x76: {  	_ =	shalt  }
0x77: {  	_ =	shalt  }
0x78: {  	_ =	shalt  }
0x79: {  	_ =	shalt  }
0x7a: {  	_ =	shalt  }
0x7b: {  	_ =	shalt  }
0x7c: {  	_ =	shalt  }
0x7d: {  	_ =	shalt  }
0x7e: {  	_ =	shalt  }
0x7f: {  	_ =	shalt  }
0x80: {  	_ =	shalt  }
0x81: {  	_ =	shalt  }
0x82: {  	_ =	shalt  }
0x83: {  	_ =	shalt  }
0x84: {  	_ =	shalt  }
0x85: {  	_ =	shalt  }
0x86: {  	_ =	shalt  }
0x87: {  	_ =	shalt  }
.Lfunc_end0:
.L_simem_size_0:
called_computation_lowered:
.L_overlay_start_0:
0x88: {  	s2 =	sld [smem:$0x3FD9]  }
0x89: {  	s3 =	sld [smem:$0x3FFE];
	_ =	sdelay $0x1  }
0x8a: {  	s1 =	srdreg.scid  }
0x8b: {  	s0 =	sand.u32 $0x1, s1  }
0x8c: {  	s14 =	sshll.u32 s0, $0xA;
	s2 =	sadd.s32 s3, s2  }
0x8d: {  	s2 =	sadd.s32 s2, s14  }
0x8e: {  	[smem:$0x3FC3] =	sst s2  }
0x8f: {  	_ = 	snop  }
0x90: {  	s2 =	sld [smem:$0x3FD0];
	_ =	sdelay $0x1  }
0x91: {  	s15 =	sld [smem:$0x3FC6]  }
0x92: {  	s5 =	simm.s32 $0xA;
	s6 =	simm.s32 $0x10;
	s4 =	sld [smem:$0x3FC5]  }
0x93: {  	[smem:s6], [sflag:s5] =	dma.local [hbm:s2], $0x1  }
0x94: {  	_ =	swait.eq [sflag:s5], $0x1  }
0x95: {  	[sflag:s5] =	ssyncset.done $0x0  }
0x96: {  	s16 =	sld [smem:$0x10];
	[sflag:s5] =	ssyncadd.s32 $0xFFFFFFFF  }
0x97: {  	s17 =	sld [smem:$0x11];
	(tm) =	ssettm $0x1  }
0x98: {  	s18 =	sld [smem:$0x3FFB];
	_ =	sdelay $0x3  }
0x99: {  	_ =	strace s18  }
0x9a: {  	s6 =	sld [smem:$0x3FFC];
	_ =	sdelay $0x3  }
0x9b: {  	_ =	strace s6  }
0x9c: {  	s6 =	sld [smem:$0x3FFD];
	_ =	sdelay $0x3  }
0x9d: {  	_ =	strace s6  }
0x9e: {  	_ =	strace $0x8FFFFFFF  }
0x9f: {  	s19 =	sld [smem:$0x3FDB];
	_ =	sdelay $0x1  }
0xa0: {  	s7 =	simm.s32 $_scs_section_size  }
0xa1: {  	s8 =	simm.s32 $_size__tile_overlayer_lowered;
	s9 =	simm.s32 $_tile_overlayer_lowered  }
0xa2: {  	s22 =	simm.s32 $0x1BFF;
	s21 =	sshll.u32 s9, $0x1;
	s6 =	sadd.s32 s7, s19  }
0xa3: {  	s10 =	simm.s32 $0x0;
	s20 =	sshll.u32 s8, $0x1;
	s8 =	sadd.s32 s21, s6  }
0xa4: {  	[timem:s10], [sflag:s22] =	dma.local [hbm:s8], s20  }
0xa5: {  	_ =	swait.ge [sflag:s22], s20  }
0xa6: {  	s7 =	ssub.s32 $0x0, s20;
	[sflag:s22] =	ssyncset.done $0x0  }
0xa7: {  	[sflag:s22] =	ssyncadd.s32 s7;
	_ =	sdelay $0x1  }
0xa8: {  	s23 =	simm.s32 $0x1B8B  }
0xa9: {  	_ =	swait.ge [sflag:s23], $0x1  }
0xaa: {  	[sflag:s23] =	ssyncset.done $0x0  }
0xab: {  	s25 =	simm.s32 $0x1B8E;
	s24 =	sld [smem:$0x3FFE];
	[sflag:s23] =	ssyncadd.s32 $0xFFFFFFFF  }
0xac: {  	s26 =	simm.s32 $execute0_lowered;
	[smem:$0x3FD2] =	sst s25  }
0xad: {  	s8 =	sshll.u32 s26, $0x1;
	_ =	strace $0x80000046;
	[dreg:$0x1] =	wrdreg $0xFFFFFFFF  }
0xae: {  	s28 =	simm.s32 $_size_execute0_lowered;
	s6 =	sadd.s32 s6, s8;
	[dreg:$0x0] =	wrdreg $0x0  }
0xaf: {  	s8 =	sshll.u32 s28, $0x1;
	[dreg:$0x2] =	wrdreg s6  }
0xb0: {  	[dreg:$0x3] =	wrdreg s8  }
0xb1: {  	[dreg:$0x4] =	wrdreg $0xC0  }
0xb2: {  	_ =	task [dreg:s10], $0x5FFFF  }
0xb3: {  	[dreg:$0x1] =	wrdreg $0xFFFFFFFF  }
0xb4: {  	[dreg:$0x0] =	wrdreg $0x60  }
0xb5: {  	[dreg:$0x2] =	wrdreg s16  }
0xb6: {  	[dreg:$0x3] =	wrdreg s24  }
0xb7: {  	[dreg:$0x4] =	wrdreg s15  }
0xb8: {  	[dreg:$0x5] =	wrdreg s4  }
0xb9: {  	[dreg:$0x6] =	wrdreg s17  }
0xba: {  	[dreg:$0x7] =	wrdreg $0x9  }
0xbb: {  	_ =	task.clear_ibuf [dreg:s10], $0x8FFFF;
	_ =	strace $0x90000046  }
0xbc: {  	s29 =	simm.s32 $0x9;
	_ =	strace $0x80000048  }
0xbd: {  	_ =	swait.ge [sflag:s29], $0x1  }
0xbe: {  	[sflag:s29] =	ssyncadd.s32 $0xFFFFFFFF  }
0xbf: {  	_ =	strace $0x90000048  }
0xc0: {  	_ =	sfence  }
0xc1: {  	s30 =	sld [smem:$0x0];
	_ =	sdelay $0x2  }
0xc2: {  	s31 =	sshll.u32 s1, $0xD;
	s1 =	sshrl.u32 s1, $0x2  }
0xc3: {  	s3 =	sand.u32 $0x4000, s31;
	s1 =	sadd.s32 s1, s30  }
0xc4: {  	s0 =	sor.u32 s3, s0;
	s1 =	sshll.u32 s1, $0x11  }
0xc5: {  	s0 =	sor.u32 s1, s0  }
0xc6: {  	s0 =	sadd.s32 $0x8F2B, s0  }
0xc7: {  	[sflag:s0] =	ssyncadd.remote.s32 $0x1  }
0xc8: {  	_ =	sfence.sel $0xFFFF  }
0xc9: {  	[dreg:$0x0] =	wrdreg $0xFFFFFFFF;
	(pc) =	sbr.abs _section_cstart, $3  }
0xca: {  	[dreg:$0x1] =	wrdreg $0xFFFFFFFF  }
0xcb: {  	_ =	task.clear_ibuf [dreg:s10], $0x2FFFF;
	_ =	strace $0x9FFFFFFF  }
0xcc: {  	(tm) =	ssettm $0x7FFFFFFF  }
0xcd: {  	_ =	shalt  }
tec
execute0_lowered:
.L_overlay_start_1:
0x0: {  	(tag) =	ssettag $0x1  }
0x1: {  	vm0 =	vmmov $0x1;
	vm1 =	vcmask $0x324;
	v0 =	vimm.s32 $0xFEDCBA98  }
0x2: {  	s1 =	rddreg [dreg:$0x0];
	vm2 =	vcmask $0x724;
	vm3 =	vcmask $0xB24;
	vm4 =	vcmask $0xF24  }
0x3: {  	s0 =	rddreg [dreg:$0x1];
	vm5 =	vcmask $0x1324;
	v1 =	vimm.s32 $0x76543210;
	vm6 =	vcmask $0x1724  }
0x4: {  	s4 =	rddreg [dreg:$0x4];
	s6 =	simm.s32 $0x0;
	v2 =	vimm.s32 $0xBA98FEDC;
	v3 =	vimm.s32 $0x32107654;
	v4 =	vimm.s32 $0xDCFE98BA  }
0x5: {  	s2 =	srdreg.scid;
	s3 =	stileid.u32;
	v5 =	vimm.s32 $0x54761032;
	v6 =	vimm.s32 $0xEFCDAB89;
	v7 =	vimm.s32 $0x67452301;
	s15 =	simm.s32 $0x7  }
0x6: {  	s17 =	simm.s32 $0x78;
	vm7 =	vcmask $0x1B24;
	s23 =	simm.s32 $0x5FA0;
	s24 =	simm.s32 $0x1E0;
	vm8 =	vcmask $0x1F24;
	v8 =	vimm.s32 $0x3  }
0x7: {  	s28 =	simm.s32 $0x9BA0;
	s29 =	simm.s32 $0x16DA0;
	s30 =	simm.s32 $0x1;
	v9 =	vimm.s32 $0x4;
	v10 =	vimm.s32 $0x5;
	v11 =	vimm.s32 $0x6  }
0x8: {  	s31 =	simm.s32 $0x3;
	s14 =	simm.s32 $0x1C2A0;
	s16 =	simm.s32 $0x1A9A0;
	v12 =	vimm.s32 $0x7;
	v13 =	vimm.s32 $0x8;
	v0 =	vunpack.c.l.s4.s8 v0  }
0x9: {  	s13 =	simm.s32 $0x0;
	s2 =	sand.u32 $0x1, s2;
	s3 =	sshll.u32 s3, $0x1;
	v1 =	vunpack.c.l.s4.s8 v1;
	v2 =	vunpack.c.l.s4.s8 v2;
	v3 =	vunpack.c.l.s4.s8 v3  }
0xa: {  	[smem:$0x7FF] =	sst s6;
	s7 =	sadd.s32 $0x189800, s0;
	v4 =	vunpack.c.l.s4.s8 v4;
	v5 =	vunpack.c.l.s4.s8 v5;
	v6 =	vunpack.c.l.s4.s8 v6;
	s8 =	sor.u32 s2, s3  }
0xb: {  	s9 =	sadd.s32 $0x24CE00, s0;
	s10 =	sadd.s32 $0x2E00, s0;
	v7 =	vunpack.c.l.s4.s8 v7;
	s3 =	smul.u32 $0x5A, s8;
	v0 =	vunpack.c.0.s8.s32 v0;
	v2 =	vunpack.c.0.s8.s32 v2  }
0xc: {  	_ =	strace $0x80000047;
	s25 =	ssub.s32 $0x2, s2;
	s26 =	smul.u32 $0x280, s8;
	v3 =	vunpack.c.0.s8.s32 v3;
	v4 =	vunpack.c.0.s8.s32 v4;
	v5 =	vunpack.c.0.s8.s32 v5  }
.Ltmp0:
0xd: {  	s5 =	sshrl.u32 s25, $0x1;
	v6 =	vunpack.c.0.s8.s32 v6;
	v7 =	vunpack.c.0.s8.s32 v7;
	v1 =	vunpack.c.0.s8.s32 v1;
	s3 =	sadd.s32 s9, s3;
	(pc) =	sbr.rel .LBB2_1-.Ltmp0, $4  }
0xe: {  	s0 =	ssub.s32 s25, s5;
	s2 =	sadd.s32 s1, s26;
	v2 =	vcombine.low v3, v2;
	v3 =	vand.u32 $0xF, v0;
	v4 =	vcombine.low v5, v4;
	[dreg:$0x6] =	wrdreg s3  }
0xf: {  	s25 =	simm.s32 $0x7DA0;
	s0 =	smax.u32 s0, $0x1;
	v5 =	vcombine.low v7, v6;
	v0 =	vimm.s32 $0x1;
	v6 =	vimm.s32 $0x0;
	[dreg:$0x7] =	wrdreg s2  }
0x10: {  	s5 =	simm.s32 $0x195A0;
	s26 =	simm.s32 $0x258;
	v7 =	vimm.s32 $0x2;
	[dreg:$0x8] =	wrdreg s0;
	v1 =	vcombine.low v3, v1;
	v2 =	vand.u32 $0xF, v2  }
0x11: {  	s0 =	simm.s32 $0x1BDA0;
	s2 =	simm.s32 $0x2;
	s3 =	simm.s32 $0x4;
	v3 =	vand.u32 $0xF, v4;
	v4 =	vand.u32 $0xF, v5;
	v5 =	vlaneseq.u32  }
.LBB2_11:
0x12: {  	s11 =	simm.s32 $0x5  }
0x13: {  	_ =	swait.ge [sflag:s11], $0x1400  }
0x14: {  	[sflag:s11] =	ssyncset.done $0x0  }
0x15: {  	[sflag:s11] =	ssyncadd.s32 $0xFFFFEC00  }
0x16: {  	_ =	swait.ge [sflag:s11], $0x500  }
0x17: {  	[sflag:s11] =	ssyncset.done $0x0  }
0x18: {  	s12 =	simm.s32 $0x6;
	[sflag:s11] =	ssyncadd.s32 $0xFFFFFB00  }
0x19: {  	_ =	swait.ge [sflag:s12], $0x1400  }
0x1a: {  	[sflag:s12] =	ssyncset.done $0x0  }
0x1b: {  	[sflag:s12] =	ssyncadd.s32 $0xFFFFEC00  }
0x1c: {  	_ =	swait.ge [sflag:s12], $0x500  }
0x1d: {  	s13 =	rddreg [dreg:$0x9]  }
0x1e: {  	s22 =	rddreg [dreg:$0x8];
	s13 =	sadd.s32 $0x1, s13  }
0x1f: {  	p0 =	sne.s32 s13, s22  }
.Ltmp1:
0x20: {  	_ = 	snop;
	(pc) =	sbr.rel @!p0 .LBB2_12-.Ltmp1, $3  }
0x21: {  	_ =	sdelay $0x1  }
0x22: {  	[sflag:s12] =	ssyncset.done $0x0  }
0x23: {  	[sflag:s12] =	ssyncadd.s32 $0xFFFFFB00  }
.LBB2_1:
0x24: {  	[dreg:$0x9] =	wrdreg s13  }
0x25: {  	s11 =	rddreg [dreg:$0x2];
	s12 =	simm.s32 $0x1C7A0  }
0x26: {  	[tilespmem:s12], [sflag:$0x7] =	stream.linear.gather [hbm4b:s11+s6], $0x20, $0x38;
	[tilespmem:$0x1C800] =	vst v63  }
0x27: {  	_ =	swait.ge [sflag:s15], $0x20  }
0x28: {  	[sflag:s15] =	ssyncset.done $0x0  }
0x29: {  	[sflag:s15] =	ssyncadd.s32 $0xFFFFFFE0  }
0x2a: {  	s22 =	simm.s32 $0x1C7C0;
	s21 =	rddreg [dreg:$0x3]  }
0x2b: {  	[tilespmem:s22], [sflag:$0x7] =	stream.linear.gather [hbm4b:s21+s6], $0x40, $0x38;
	[tilespmem:$0x1C800] =	vst v63  }
0x2c: {  	_ =	swait.ge [sflag:s15], $0x40  }
0x2d: {  	[sflag:s15] =	ssyncset.done $0x0  }
0x2e: {  	[sflag:s15] =	ssyncadd.s32 $0xFFFFFFC0  }
0x2f: {  	v14 =	vld [tilespmem:$0x1C7A0]  }
0x30: {  	v15 =	vld [tilespmem:$0x1C7B0]  }
0x31: {  	v16 =	vld [tilespmem:$0x1C7C0]  }
0x32: {  	v17 =	vld [tilespmem:$0x1C7D0]  }
0x33: {  	s12 =	rddreg [dreg:$0x6];
	v18 =	vld [tilespmem:$0x1C7E0]  }
0x34: {  	v19 =	vld [tilespmem:$0x1C7F0];
	[tilespmem:s6], [sflag:$0x7] =	stream.linear.gather [hbm4b:s12+s6], $0x2D0, $0x38  }
0x35: {  	_ =	swait.ge [sflag:s15], $0x2D0  }
0x36: {  	[sflag:s15] =	ssyncset.done $0x0  }
0x37: {  	s13 =	simm.s32 $0x5A0;
	[sflag:s15] =	ssyncadd.s32 $0xFFFFFD30  }
0x38: {  	[tilespmem:s13], [sflag:$0x1] =	stream.indirect.gather [hbm4b:s7+s17], $0x40, s6, s17, $0xb8;
	[tilespmem:$0x1C800] =	vst v63  }
0x39: {  	s18 =	simm.s32 $0x23A0  }
0x3a: {  	[tilespmem:s18], [sflag:$0x1] =	stream.indirect.gather [hbm4b:s7+s17], $0x40, s17, s17, $0xb8;
	[tilespmem:$0x1C800] =	vst v63  }
0x3b: {  	s19 =	simm.s32 $0xF0;
	s20 =	simm.s32 $0x41A0  }
0x3c: {  	[tilespmem:s20], [sflag:$0x1] =	stream.indirect.gather [hbm4b:s7+s17], $0x40, s19, s17, $0xb8;
	[tilespmem:$0x1C800] =	vst v63  }
0x3d: {  	s21 =	simm.s32 $0x168  }
0x3e: {  	[tilespmem:s23], [sflag:$0x1] =	stream.indirect.gather [hbm4b:s7+s17], $0x40, s21, s17, $0xb8;
	[tilespmem:$0x1C800] =	vst v63  }
0x3f: {  	_ = 	snop  }
0x40: {  	[tilespmem:s25], [sflag:$0x1] =	stream.indirect.gather [hbm4b:s7+s17], $0x40, s24, s17, $0xb8;
	[tilespmem:$0x1C800] =	vst v63  }
.Ltmp2:
0x41: {  	_ = 	snop;
	(pc) =	sbr.rel .LBB2_2-.Ltmp2, $4  }
0x42: {  	_ = 	snop  }
0x43: {  	[tilespmem:s28], [sflag:$0x1] =	stream.indirect.gather [hbm4b:s7+s17], $0x40, s26, s17, $0xb8;
	[tilespmem:$0x1C800] =	vst v63  }
0x44: {  	s11 =	simm.s32 $0x0;
	s22 =	rddreg [dreg:$0x7]  }
0x45: {  	[tilespmem:s29], [sflag:$0x3] =	stream.linear.gather [hbm4b:s22+s6], $0x1400, $0x38;
	[tilespmem:$0x1C800] =	vst v63  }
.LBB2_10:
0x46: {  	s11 =	sadd.s32 $0x1, s11  }
0x47: {  	p0 =	sne.s32 s11, $0x14  }
.Ltmp3:
0x48: {  	_ = 	snop;
	(pc) =	sbr.rel @!p0 .LBB2_11-.Ltmp3, $1  }
0x49: {  	_ =	sdelay $0x3  }
.LBB2_2:
0x4a: {  	s12 =	sshll.u32 s11, $0x6  }
0x4b: {  	s13 =	sor.u32 s8, s12  }
0x4c: {  	s12 =	sor.u32 $0x20, s13  }
0x4d: {  	p0 =	sgt.u32 s12, $0x4E1  }
0x4e: {  	s18 =	smul.u32 @!p0 $0x5A, s12;
	_ =	sdelay $0x1  }
0x4f: {  	s19 =	simm.s32 @!p0 $0x0;
	s20 =	simm.s32 @!p0 $0x2D0;
	s18 =	sadd.s32 @!p0 s9, s18  }
0x50: {  	[tilespmem:s20], [sflag:$0x7] =	stream.linear.gather @!p0 [hbm4b:s18+s19], $0x2D0, $0x38;
	[tilespmem:$0x1C800] =	vst v63  }
0x51: {  	s18 =	simm.s32 @!p0 $0x7  }
0x52: {  	_ =	swait.ge @!p0 [sflag:s18], $0x2D0  }
0x53: {  	[sflag:s18] =	ssyncset.done @!p0 $0x0  }
0x54: {  	s21 =	simm.s32 @!p0 $0xB9A0;
	[sflag:s18] =	ssyncadd.s32 @!p0 $0xFFFFFD30;
	s18 =	simm.s32 @!p0 $0x78  }
0x55: {  	[tilespmem:s21], [sflag:$0x2] =	stream.indirect.gather @!p0 [hbm4b:s7+s18], $0x40, s20, s18, $0xb8;
	[tilespmem:$0x1C800] =	vst v63  }
0x56: {  	s20 =	simm.s32 @!p0 $0x348;
	s21 =	simm.s32 @!p0 $0xD7A0  }
0x57: {  	[tilespmem:s21], [sflag:$0x2] =	stream.indirect.gather @!p0 [hbm4b:s7+s18], $0x40, s20, s18, $0xb8;
	[tilespmem:$0x1C800] =	vst v63  }
0x58: {  	s20 =	simm.s32 @!p0 $0x3C0;
	s21 =	simm.s32 @!p0 $0xF5A0  }
0x59: {  	[tilespmem:s21], [sflag:$0x2] =	stream.indirect.gather @!p0 [hbm4b:s7+s18], $0x40, s20, s18, $0xb8;
	[tilespmem:$0x1C800] =	vst v63  }
0x5a: {  	s20 =	simm.s32 @!p0 $0x438;
	s21 =	simm.s32 @!p0 $0x113A0  }
0x5b: {  	[tilespmem:s21], [sflag:$0x2] =	stream.indirect.gather @!p0 [hbm4b:s7+s18], $0x40, s20, s18, $0xb8;
	[tilespmem:$0x1C800] =	vst v63  }
0x5c: {  	s20 =	simm.s32 @!p0 $0x4B0;
	s21 =	simm.s32 @!p0 $0x131A0  }
0x5d: {  	[tilespmem:s21], [sflag:$0x2] =	stream.indirect.gather @!p0 [hbm4b:s7+s18], $0x40, s20, s18, $0xb8;
	[tilespmem:$0x1C800] =	vst v63  }
0x5e: {  	s22 =	smul.u32 @!p0 $0x280, s12;
	s20 =	simm.s32 @!p0 $0x528;
	s21 =	simm.s32 @!p0 $0x14FA0  }
0x5f: {  	[tilespmem:s21], [sflag:$0x2] =	stream.indirect.gather @!p0 [hbm4b:s7+s18], $0x40, s20, s18, $0xb8;
	[tilespmem:$0x1C800] =	vst v63  }
0x60: {  	s18 =	sadd.s32 @!p0 s1, s22;
	s20 =	simm.s32 @!p0 $0x181A0  }
0x61: {  	[tilespmem:s20], [sflag:$0x4] =	stream.linear.gather @!p0 [hbm4b:s18+s19], $0x1400, $0x38;
	[tilespmem:$0x1C800] =	vst v63  }
0x62: {  	_ =	swait.ge [sflag:s30], $0x1E00  }
0x63: {  	[sflag:s30] =	ssyncset.done $0x0  }
0x64: {  	[sflag:s30] =	ssyncadd.s32 $0xFFFFE200  }
0x65: {  	_ =	swait.ge [sflag:s30], $0x1E00  }
0x66: {  	[sflag:s30] =	ssyncset.done $0x0  }
0x67: {  	[sflag:s30] =	ssyncadd.s32 $0xFFFFE200  }
0x68: {  	_ =	swait.ge [sflag:s30], $0x1E00  }
0x69: {  	[sflag:s30] =	ssyncset.done $0x0  }
0x6a: {  	[sflag:s30] =	ssyncadd.s32 $0xFFFFE200  }
0x6b: {  	_ =	swait.ge [sflag:s30], $0x1E00  }
0x6c: {  	[sflag:s30] =	ssyncset.done $0x0  }
0x6d: {  	[sflag:s30] =	ssyncadd.s32 $0xFFFFE200  }
0x6e: {  	_ =	swait.ge [sflag:s30], $0x1E00  }
0x6f: {  	[sflag:s30] =	ssyncset.done $0x0  }
0x70: {  	[sflag:s30] =	ssyncadd.s32 $0xFFFFE200  }
0x71: {  	_ =	swait.ge [sflag:s30], $0x1E00  }
0x72: {  	[sflag:s30] =	ssyncset.done $0x0  }
0x73: {  	[sflag:s30] =	ssyncadd.s32 $0xFFFFE200  }
0x74: {  	_ =	swait.ge [sflag:s31], $0x1400  }
0x75: {  	p1 =	seq.s32 s11, $0x0;
	[sflag:s31] =	ssyncset.done $0x0  }
0x76: {  	s18 =	simm.s32 @!p1 $0x5;
	[sflag:s31] =	ssyncadd.s32 $0xFFFFEC00  }
0x77: {  	_ =	swait.ge @!p1 [sflag:s18], $0x1400  }
0x78: {  	[sflag:s18] =	ssyncset.done @!p1 $0x0  }
0x79: {  	[sflag:s18] =	ssyncadd.s32 @!p1 $0xFFFFEC00  }
0x7a: {  	_ =	swait.ge @!p1 [sflag:s18], $0x500  }
0x7b: {  	s21 =	simm.s32 $0x7E0;
	s19 =	simm.s32 $0x195E0;
	[sflag:s18] =	ssyncset.done @!p1 $0x0  }
0x7c: {  	s20 =	simm.s32 $0x16DE0;
	[sflag:s18] =	ssyncadd.s32 @!p1 $0xFFFFFB00;
	s18 =	simm.s32 $0x0  }
.LBB2_3:
0x7d: {  	v20 =	vld [tilespmem:s20+$0xFFFFFFC0]  }
0x7e: {  	v21 =	vld [tilespmem:s20+$0xFFFFFFD0]  }
0x7f: {  	v22 =	vld [tilespmem:s21+$0xFFFFFDC0]  }
0x80: {  	v23 =	vld [tilespmem:s21+$0xFFFFFDD0]  }
0x81: {  	v24 =	vld [tilespmem:s20+$0xFFFFFFE0]  }
0x82: {  	v25 =	vld [tilespmem:s21+$0xFFFFFDE0]  }
0x83: {  	v26 =	vld [tilespmem:s20+$0xFFFFFFF0]  }
0x84: {  	v27 =	vld [tilespmem:s21+$0xFFFFFDF0]  }
0x85: {  	v28 =	vld [tilespmem:s21+$0xFFFFFE00]  }
0x86: {  	v29 =	vld [tilespmem:s21+$0xFFFFFE10]  }
0x87: {  	v30 =	vld [tilespmem:s21+$0xFFFFFE40]  }
0x88: {  	v31 =	vld [tilespmem:s21+$0xFFFFFE50]  }
0x89: {  	v39 =	vld [tilespmem:s21+$0xFFFFFE20]  }
0x8a: {  	v32 =	vld [tilespmem:s21+$0xFFFFFE60]  }
0x8b: {  	v41 =	vld [tilespmem:s21+$0xFFFFFE30]  }
0x8c: {  	v33 =	vld [tilespmem:s21+$0xFFFFFE70]  }
0x8d: {  	v34 =	vld [tilespmem:s21+$0xFFFFFE80]  }
0x8e: {  	v35 =	vld [tilespmem:s21+$0xFFFFFE90];
	v22 =	vsub.f32 v22, v20  }
0x8f: {  	v36 =	vld [tilespmem:s21+$0xFFFFFEC0];
	v23 =	vsub.f32 v23, v21;
	v25 =	vsub.f32 v25, v24  }
0x90: {  	v42 =	vld [tilespmem:s21+$0xFFFFFED0];
	v40 =	vsub.f32 v27, v26;
	v28 =	vsub.f32 v28, v20  }
0x91: {  	v48 =	vld [tilespmem:s21+$0xFFFFFEB0];
	v29 =	vsub.f32 v29, v21;
	v30 =	vsub.f32 v30, v20  }
0x92: {  	v51 =	vld [tilespmem:s21+$0xFFFFFEF0];
	v31 =	vsub.f32 v31, v21;
	v32 =	vsub.f32 v32, v24  }
0x93: {  	v37 =	vld [tilespmem:s21+$0xFFFFFF00];
	v27 =	vsub.f32 v41, v26;
	v47 =	vsub.f32 v33, v26  }
0x94: {  	v56 =	vld [tilespmem:s21+$0xFFFFFF60];
	v49 =	vsub.f32 v34, v20;
	v50 =	vsub.f32 v35, v21  }
0x95: {  	v63 =	vld [tilespmem:s21+$0xFFFFFF80];
	v36 =	vsub.f32 v36, v20;
	v22 =	vmul.f32 v22, v22;
	v23 =	vmul.f32 v23, v23  }
0x96: {  	v45 =	vld [tilespmem:s21+$0xFFFFFEA0];
	v55 =	vsub.f32 v48, v26;
	v38 =	vmul.f32 v25, v25;
	v28 =	vmul.f32 v28, v28  }
0x97: {  	v53 =	vld [tilespmem:s21+$0xFFFFFF50];
	v57 =	vsub.f32 v51, v26;
	v29 =	vmul.f32 v29, v29;
	v30 =	vmul.f32 v30, v30  }
0x98: {  	v58 =	vld [tilespmem:s21+$0xFFFFFF30];
	v59 =	vsub.f32 v37, v20;
	v31 =	vmul.f32 v31, v31;
	v44 =	vmul.f32 v32, v32  }
0x99: {  	v61 =	vld [tilespmem:s21+$0xFFFFFF70];
	v25 =	vsub.f32 v39, v24;
	v27 =	vmul.f32 v27, v27;
	v33 =	vmul.f32 v49, v49  }
0x9a: {  	v51 =	vld [tilespmem:s21+$0xFFFFFFF0];
	v34 =	vmul.f32 v50, v50;
	v32 =	vsub.f32 v56, v24;
	v49 =	vsub.f32 v63, v20  }
0x9b: {  	v46 =	vld [tilespmem:s21+$0xFFFFFEE0];
	v36 =	vmul.f32 v36, v36;
	v22 =	vadd.f32 v23, v22;
	v28 =	vadd.f32 v29, v28  }
0x9c: {  	v39 =	vld [tilespmem:s21+$0xFFFFFF40];
	v35 =	vmul.f32 v59, v59;
	v43 =	vadd.f32 v31, v30;
	v29 =	vsub.f32 v42, v21  }
0x9d: {  	v41 =	vld [tilespmem:s21+$0xFFFFFFC0];
	v23 =	vmul.f32 v40, v40;
	v31 =	vsub.f32 v45, v24;
	v52 =	vadd.f32 v34, v33  }
0x9e: {  	v25 =	vmul.f32 v25, v25;
	v33 =	vsub.f32 v53, v21;
	v45 =	vsub.f32 v58, v26  }
0x9f: {  	v30 =	vmul.f32 v47, v47;
	v47 =	vsub.f32 v61, v26;
	v59 =	vsub.f32 v51, v26  }
0xa0: {  	v40 =	vld [tilespmem:s21+$0xFFFFFF90];
	v32 =	vmul.f32 v32, v32;
	v22 =	vadd.f32 v38, v22;
	v25 =	vadd.f32 v25, v28  }
0xa1: {  	v54 =	vld [tilespmem:s21+$0xFFFFFF20];
	v29 =	vmul.f32 v29, v29;
	v28 =	vsub.f32 v46, v24;
	v62 =	vsub.f32 v39, v20  }
0xa2: {  	v38 =	vld [tilespmem:s21+$0xFFFFFF10];
	v31 =	vmul.f32 v31, v31;
	v20 =	vsub.f32 v41, v20;
	v22 =	vadd.f32 v23, v22  }
0xa3: {  	v48 =	vld [tilespmem:s21+$0xFFFFFFB0];
	v33 =	vmul.f32 v33, v33;
	v23 =	vadd.f32 v44, v43;
	v25 =	vadd.f32 v27, v25  }
0xa4: {  	v42 =	vld [tilespmem:s21+$0xFFFFFFD0];
	v29 =	vadd.f32 v29, v36;
	v28 =	vmul.f32 v28, v28;
	v27 =	vadd.f32 v31, v52  }
0xa5: {  	v46 =	vld [tilespmem:s21+$0xFFFFFFE0];
	v31 =	vmul.f32 v55, v55;
	v52 =	vmul.f32 v49, v49;
	v50 =	vsub.f32 v40, v21  }
0xa6: {  	v44 =	vld [tilespmem:s21+$0xFFFFFFA0];
	v20 =	vmul.f32 v20, v20;
	v23 =	vadd.f32 v30, v23;
	v28 =	vadd.f32 v28, v29  }
0xa7: {  	v29 =	vmul.f32 v57, v57;
	v30 =	vsub.f32 v54, v24;
	v60 =	vsub.f32 v38, v21  }
0xa8: {  	v27 =	vadd.f32 v31, v27;
	v31 =	vmul.f32 v45, v45;
	v38 =	vmul.f32 v62, v62  }
0xa9: {  	v57 =	vsub.f32 v48, v26;
	v21 =	vsub.f32 v42, v21;
	v36 =	vmul.f32 v60, v60  }
0xaa: {  	v53 =	vmul.f32 v50, v50;
	v54 =	vsub.f32 v46, v24;
	v43 =	vadd.f32 v33, v38  }
0xab: {  	v30 =	vmul.f32 v30, v30;
	v33 =	vsub.f32 v44, v24;
	v36 =	vadd.f32 v36, v35  }
0xac: {  	(xrf2) =	vadd.scan.msk.f32 $0xffff, v22;
	v28 =	vadd.f32 v29, v28;
	v21 =	vmul.f32 v21, v21;
	v55 =	vadd.f32 v53, v52  }
0xad: {  	(xrf2) =	vadd.scan.msk.f32 $0xffff, v25;
	v58 =	vmul.f32 v54, v54;
	v56 =	vmul.f32 v33, v33;
	v30 =	vadd.f32 v30, v36  }
0xae: {  	(xrf2) =	vadd.scan.msk.f32 $0xffff, v23;
	v29 =	vadd.f32 v32, v43;
	v32 =	vmul.f32 v47, v47;
	v20 =	vadd.f32 v21, v20  }
0xaf: {  	v61 =	vmul.f32 v57, v57;
	(xrf2) =	vadd.scan.msk.f32 $0xffff, v27;
	v24 =	vadd.f32 v56, v55;
	v60 =	vadd.f32 v31, v30  }
0xb0: {  	v63 =	vmul.f32 v59, v59;
	(xrf2) =	vadd.scan.msk.f32 $0xffff, v28;
	v62 =	vadd.f32 v32, v29;
	v20 =	vadd.f32 v58, v20  }
0xb1: {  	v24 =	vadd.f32 v61, v24;
	(xrf2) =	vadd.scan.msk.f32 $0xffff, v60  }
0xb2: {  	v20 =	vadd.f32 v63, v20;
	(xrf2) =	vadd.scan.msk.f32 $0xffff, v62  }
0xb3: {  	(xrf2) =	vadd.scan.msk.f32 $0xffff, v24  }
0xb4: {  	(xrf2) =	vadd.scan.msk.f32 $0xffff, v20;
	_ =	sdelay $0x1  }
0xb5: {  	v20, _, _ =	vpop (xrf2)  }
0xb6: {  	v20 =	vbroadcast v20, $0xF;
	v25, _, _ =	vpop (xrf2)  }
0xb7: {  	v21 =	vbroadcast v25, $0xF;
	v26, _, _ =	vpop (xrf2)  }
0xb8: {  	v20 =	vnsel vm0, $0x0, v20;
	v22 =	vbroadcast v26, $0xF;
	v27, _, _ =	vpop (xrf2)  }
0xb9: {  	v20 =	vsel vm1, v20, v21;
	v28 =	vbroadcast v27, $0xF;
	v29, _, _ =	vpop (xrf2)  }
0xba: {  	v20 =	vsel vm2, v20, v22;
	v30 =	vbroadcast v29, $0xF;
	v31, _, _ =	vpop (xrf2)  }
0xbb: {  	v20 =	vsel vm3, v20, v28;
	v32 =	vbroadcast v31, $0xF;
	v33, _, _ =	vpop (xrf2)  }
0xbc: {  	v20 =	vsel vm4, v20, v30;
	v34 =	vbroadcast v33, $0xF;
	v35, _, _ =	vpop (xrf2)  }
0xbd: {  	v20 =	vsel vm5, v20, v32;
	v36 =	vbroadcast v35, $0xF;
	v37, _, _ =	vpop (xrf2)  }
0xbe: {  	v20 =	vsel vm6, v20, v34;
	v38 =	vbroadcast v37, $0xF  }
0xbf: {  	v20 =	vsel vm7, v20, v36  }
0xc0: {  	v20 =	vsel vm8, v20, v38  }
0xc1: {  	v39 =	vshra.s32 v20, $0x1;
	v22 =	vmul.f32 $5.000000000e-01, v20  }
0xc2: {  	v21 =	vsub.s32 $0x5F3759DF, v39  }
0xc3: {  	v40 =	vmul.f32 v21, v22;
	_ =	sdelay $0x1  }
0xc4: {  	v23 =	vmul.f32 v21, v40;
	_ =	sdelay $0x1  }
0xc5: {  	v23 =	vsub.f32 $1.500000000e+00, v23;
	_ =	sdelay $0x1  }
0xc6: {  	v21 =	vmul.f32 v21, v23;
	_ =	sdelay $0x1  }
0xc7: {  	v22 =	vmul.f32 v21, v22;
	_ =	sdelay $0x1  }
0xc8: {  	v22 =	vmul.f32 v22, v21;
	_ =	sdelay $0x1  }
0xc9: {  	v22 =	vsub.f32 $1.500000000e+00, v22;
	_ =	sdelay $0x1  }
0xca: {  	v21 =	vmul.f32 v22, v21;
	_ =	sdelay $0x1  }
0xcb: {  	v20 =	vmul.f32 v21, v20;
	_ =	sdelay $0x1  }
0xcc: {  	v21 =	vperm.xlane v20, v1;
	_ =	sdelay $0x1  }
0xcd: {  	v21 =	vadd.f32 v20, v21;
	_ =	sdelay $0x1  }
0xce: {  	v41 =	vperm.xlane v21, v2;
	_ =	sdelay $0x1  }
0xcf: {  	v21 =	vadd.f32 v21, v41;
	_ =	sdelay $0x1  }
0xd0: {  	v22 =	vperm.xlane v21, v3;
	_ =	sdelay $0x1  }
0xd1: {  	v21 =	vadd.f32 v21, v22;
	_ =	sdelay $0x1  }
0xd2: {  	v22 =	vperm.xlane v21, v4;
	_ =	sdelay $0x1  }
0xd3: {  	v21 =	vadd.f32 v21, v22;
	_ =	sdelay $0x1  }
0xd4: {  	(erf) = vrcp.f32 v21;
	_ =	sdelay $0x6  }
0xd5: {  	v21 =	vmul.f32 v21, v14  }
0xd6: {  	s22 =	sshll.u32 s18, $0x4  }
0xd7: {  	v43 =	vor.u32 s22, v5;
	v20 =	vmin.f32 v20, v21;
	v42 =	vpop (erf)  }
0xd8: {  	v20 =	vsub.f32 v21, v20;
	v22 =	vmul.f32 v42, v15;
	_ =	sdelay $0x1  }
0xd9: {  	v20 =	vmul.f32 v20, v22;
	_ =	sdelay $0x1  }
0xda: {  	[tilespmem:v43+s0+$0x0] =	vst.idx.msk $0x1ff, v20  }
0xdb: {  	v44 =	vld [tilespmem:s21+$0xFFFFFDC0]  }
0xdc: {  	v45 =	vld [tilespmem:s21+$0xFFFFFDD0]  }
0xdd: {  	v23 =	vld [tilespmem:s21+$0xFFFFFDE0]  }
0xde: {  	v46 =	vld [tilespmem:s21+$0xFFFFFDF0]  }
0xdf: {  	v47 =	vld [tilespmem:s21+$0xFFFFFE00]  }
0xe0: {  	v48 =	vld [tilespmem:s21+$0xFFFFFE10]  }
0xe1: {  	v49 =	vld [tilespmem:s21+$0xFFFFFE20]  }
0xe2: {  	v50 =	vld [tilespmem:s21+$0xFFFFFE30]  }
0xe3: {  	v51 =	vld [tilespmem:s21+$0xFFFFFE40]  }
0xe4: {  	v52 =	vld [tilespmem:s21+$0xFFFFFE50]  }
0xe5: {  	v53 =	vld [tilespmem:s21+$0xFFFFFE60]  }
0xe6: {  	v55 =	vperm.xlane v20, v6;
	v54 =	vld [tilespmem:s21+$0xFFFFFE70]  }
0xe7: {  	v59 =	vperm.xlane v20, v0;
	v56 =	vld [tilespmem:s21+$0xFFFFFE80]  }
0xe8: {  	v63 =	vperm.xlane v20, v7;
	v57 =	vld [tilespmem:s21+$0xFFFFFE90];
	v21 =	vmul.f32 v44, v55  }
0xe9: {  	v58 =	vld [tilespmem:s21+$0xFFFFFEA0];
	v22 =	vmul.f32 v45, v55;
	v23 =	vmul.f32 v23, v55  }
0xea: {  	v60 =	vld [tilespmem:s21+$0xFFFFFEB0];
	v24 =	vmul.f32 v46, v55;
	v25 =	vmul.f32 v47, v59  }
0xeb: {  	v61 =	vld [tilespmem:s21+$0xFFFFFEC0];
	v26 =	vmul.f32 v48, v59;
	v27 =	vmul.f32 v49, v59  }
0xec: {  	v62 =	vld [tilespmem:s21+$0xFFFFFED0];
	v42 =	vmul.f32 v50, v59;
	v44 =	vmul.f32 v51, v63  }
0xed: {  	v41 =	vld [tilespmem:s21+$0xFFFFFEE0];
	v46 =	vmul.f32 v52, v63;
	v47 =	vperm.xlane v20, v8  }
0xee: {  	v43 =	vld [tilespmem:s21+$0xFFFFFEF0];
	v49 =	vmul.f32 v53, v63;
	v50 =	vmul.f32 v54, v63  }
0xef: {  	v45 =	vld [tilespmem:s21+$0xFFFFFF00];
	v63 =	vperm.xlane v20, v10;
	v21 =	vadd.f32 v21, v16;
	v22 =	vadd.f32 v22, v17  }
0xf0: {  	v51 =	vld [tilespmem:s21+$0xFFFFFF20];
	v23 =	vadd.f32 v23, v18;
	v52 =	vmul.f32 v56, v47;
	v53 =	vmul.f32 v57, v47  }
0xf1: {  	v48 =	vld [tilespmem:s21+$0xFFFFFF10];
	v24 =	vadd.f32 v24, v19;
	v55 =	vmul.f32 v58, v47;
	v56 =	vperm.xlane v20, v9  }
0xf2: {  	v54 =	vld [tilespmem:s21+$0xFFFFFF30];
	v58 =	vmul.f32 v60, v47;
	v21 =	vadd.f32 v25, v21;
	v22 =	vadd.f32 v26, v22  }
0xf3: {  	v59 =	vld [tilespmem:s21+$0xFFFFFF50];
	v23 =	vadd.f32 v27, v23;
	v60 =	vmul.f32 v61, v56;
	v62 =	vmul.f32 v62, v56  }
0xf4: {  	v57 =	vld [tilespmem:s21+$0xFFFFFF40];
	v24 =	vadd.f32 v42, v24;
	v42 =	vmul.f32 v41, v56;
	v28 =	vmul.f32 v43, v56  }
0xf5: {  	v40 =	vld [tilespmem:s21+$0xFFFFFF70];
	v47 =	vmul.f32 v51, v63;
	v21 =	vadd.f32 v44, v21;
	v22 =	vadd.f32 v46, v22  }
0xf6: {  	v61 =	vld [tilespmem:s21+$0xFFFFFF60];
	v23 =	vadd.f32 v49, v23;
	v24 =	vadd.f32 v50, v24;
	v44 =	vmul.f32 v45, v63  }
0xf7: {  	v43 =	vld [tilespmem:s21+$0xFFFFFF80];
	v45 =	vmul.f32 v48, v63;
	v48 =	vperm.xlane v20, v11;
	v21 =	vadd.f32 v52, v21  }
0xf8: {  	v51 =	vld [tilespmem:s21+$0xFFFFFFB0];
	v50 =	vmul.f32 v54, v63;
	v22 =	vadd.f32 v53, v22;
	v23 =	vadd.f32 v55, v23  }
0xf9: {  	v46 =	vld [tilespmem:s21+$0xFFFFFF90];
	v24 =	vadd.f32 v58, v24;
	v52 =	vmul.f32 v57, v48;
	v54 =	vmul.f32 v59, v48  }
0xfa: {  	v49 =	vld [tilespmem:s21+$0xFFFFFFA0];
	v55 =	vperm.xlane v20, v12;
	v58 =	vmul.f32 v40, v48;
	v21 =	vadd.f32 v60, v21  }
0xfb: {  	v53 =	vld [tilespmem:s21+$0xFFFFFFC0];
	v20 =	vperm.xlane v20, v13;
	v22 =	vadd.f32 v62, v22;
	v23 =	vadd.f32 v42, v23  }
0xfc: {  	v56 =	vld [tilespmem:s21+$0xFFFFFFD0];
	v57 =	vmul.f32 v61, v48;
	v24 =	vadd.f32 v28, v24;
	v21 =	vadd.f32 v44, v21  }
0xfd: {  	v59 =	vld [tilespmem:s21+$0xFFFFFFE0];
	v60 =	vmul.f32 v43, v55;
	v35 =	vmul.f32 v51, v55;
	v22 =	vadd.f32 v45, v22  }
0xfe: {  	v61 =	vld [tilespmem:s21+$0xFFFFFFF0];
	v62 =	vmul.f32 v46, v55;
	v23 =	vadd.f32 v47, v23;
	v21 =	vadd.f32 v52, v21  }
0xff: {  	v63 =	vmul.f32 v49, v55;
	v24 =	vadd.f32 v50, v24;
	v22 =	vadd.f32 v54, v22  }
0x100: {  	v27 =	vmul.f32 v53, v20;
	v23 =	vadd.f32 v57, v23;
	v21 =	vadd.f32 v60, v21  }
0x101: {  	v36 =	vmul.f32 v56, v20;
	v24 =	vadd.f32 v58, v24;
	v22 =	vadd.f32 v62, v22  }
0x102: {  	v37 =	vmul.f32 v59, v20;
	v23 =	vadd.f32 v63, v23;
	v21 =	vadd.f32 v27, v21  }
0x103: {  	v20 =	vmul.f32 v61, v20;
	v24 =	vadd.f32 v35, v24;
	v22 =	vadd.f32 v36, v22  }
0x104: {  	v23 =	vadd.f32 v37, v23;
	[tilespmem:s19+$0xFFFFFFC0] =	vst v21  }
0x105: {  	v20 =	vadd.f32 v20, v24;
	[tilespmem:s19+$0xFFFFFFD0] =	vst v22  }
0x106: {  	[tilespmem:s19+$0xFFFFFFE0] =	vst v23  }
0x107: {  	[tilespmem:s19+$0xFFFFFFF0] =	vst v20  }
0x108: {  	v20 =	vld [tilespmem:s20+$0x0]  }
0x109: {  	v21 =	vld [tilespmem:s20+$0x10]  }
0x10a: {  	v22 =	vld [tilespmem:s21+$0x0]  }
0x10b: {  	v23 =	vld [tilespmem:s21+$0x10]  }
0x10c: {  	v24 =	vld [tilespmem:s20+$0x20]  }
0x10d: {  	v38 =	vld [tilespmem:s21+$0x20]  }
0x10e: {  	v26 =	vld [tilespmem:s20+$0x30]  }
0x10f: {  	v39 =	vld [tilespmem:s21+$0x30]  }
0x110: {  	v40 =	vld [tilespmem:s21+$0x40]  }
0x111: {  	v41 =	vld [tilespmem:s21+$0x50]  }
0x112: {  	v42 =	vld [tilespmem:s21+$0x80]  }
0x113: {  	v43 =	vld [tilespmem:s21+$0x90]  }
0x114: {  	v45 =	vld [tilespmem:s21+$0x60]  }
0x115: {  	v46 =	vld [tilespmem:s21+$0xA0]  }
0x116: {  	v48 =	vld [tilespmem:s21+$0x70]  }
0x117: {  	v49 =	vld [tilespmem:s21+$0xB0]  }
0x118: {  	v50 =	vld [tilespmem:s21+$0xC0];
	v22 =	vsub.f32 v22, v20;
	v23 =	vsub.f32 v23, v21  }
0x119: {  	v51 =	vld [tilespmem:s21+$0xD0];
	v25 =	vsub.f32 v38, v24;
	v47 =	vsub.f32 v39, v26  }
0x11a: {  	v52 =	vld [tilespmem:s21+$0x100];
	v28 =	vsub.f32 v40, v20;
	v29 =	vsub.f32 v41, v21  }
0x11b: {  	v62 =	vld [tilespmem:s21+$0x130];
	v30 =	vsub.f32 v42, v20;
	v31 =	vsub.f32 v43, v21  }
0x11c: {  	v63 =	vld [tilespmem:s21+$0x140];
	v32 =	vsub.f32 v46, v24;
	v27 =	vsub.f32 v48, v26  }
0x11d: {  	v53 =	vld [tilespmem:s21+$0x110];
	v58 =	vsub.f32 v49, v26;
	v60 =	vsub.f32 v50, v20;
	v22 =	vmul.f32 v22, v22  }
0x11e: {  	v56 =	vld [tilespmem:s21+$0xE0];
	v61 =	vsub.f32 v51, v21;
	v23 =	vmul.f32 v23, v23;
	v44 =	vmul.f32 v25, v25  }
0x11f: {  	v59 =	vld [tilespmem:s21+$0xF0];
	v36 =	vsub.f32 v52, v20;
	v28 =	vmul.f32 v28, v28;
	v29 =	vmul.f32 v29, v29  }
0x120: {  	v42 =	vld [tilespmem:s21+$0x150];
	v49 =	vsub.f32 v62, v26;
	v30 =	vmul.f32 v30, v30;
	v31 =	vmul.f32 v31, v31  }
0x121: {  	v48 =	vld [tilespmem:s21+$0x1A0];
	v51 =	vsub.f32 v63, v20;
	v55 =	vmul.f32 v32, v32;
	v27 =	vmul.f32 v27, v27  }
0x122: {  	v50 =	vld [tilespmem:s21+$0x170];
	v25 =	vsub.f32 v45, v24;
	v33 =	vmul.f32 v60, v60;
	v34 =	vmul.f32 v61, v61  }
0x123: {  	v57 =	vld [tilespmem:s21+$0x120];
	v36 =	vmul.f32 v36, v36;
	v22 =	vadd.f32 v23, v22;
	v28 =	vadd.f32 v29, v28  }
0x124: {  	v45 =	vld [tilespmem:s21+$0x190];
	v35 =	vmul.f32 v51, v51;
	v54 =	vadd.f32 v31, v30;
	v29 =	vsub.f32 v53, v21  }
0x125: {  	v23 =	vmul.f32 v47, v47;
	v31 =	vsub.f32 v56, v24;
	v47 =	vsub.f32 v59, v26  }
0x126: {  	v43 =	vld [tilespmem:s21+$0x180];
	v25 =	vmul.f32 v25, v25;
	v52 =	vsub.f32 v42, v21;
	v32 =	vsub.f32 v48, v24  }
0x127: {  	v30 =	vmul.f32 v58, v58;
	v53 =	vld [tilespmem:s21+$0x1B0];
	v62 =	vsub.f32 v50, v26;
	v22 =	vadd.f32 v44, v22  }
0x128: {  	v56 =	vld [tilespmem:s21+$0x1D0];
	v25 =	vadd.f32 v25, v28;
	v29 =	vmul.f32 v29, v29;
	v28 =	vsub.f32 v57, v24  }
0x129: {  	v59 =	vld [tilespmem:s21+$0x210];
	v44 =	vadd.f32 v34, v33;
	v31 =	vmul.f32 v31, v31;
	v33 =	vsub.f32 v45, v21  }
0x12a: {  	v46 =	vld [tilespmem:s21+$0x160];
	v32 =	vmul.f32 v32, v32;
	v22 =	vadd.f32 v23, v22;
	v23 =	vadd.f32 v55, v54  }
0x12b: {  	v25 =	vadd.f32 v27, v25;
	v29 =	vadd.f32 v29, v36;
	v28 =	vmul.f32 v28, v28  }
0x12c: {  	v63 =	vld [tilespmem:s21+$0x220];
	v27 =	vadd.f32 v31, v44;
	v31 =	vmul.f32 v47, v47;
	v54 =	vsub.f32 v43, v20  }
0x12d: {  	v55 =	vld [tilespmem:s21+$0x1C0];
	v36 =	vmul.f32 v52, v52;
	v42 =	vsub.f32 v53, v26;
	v45 =	vsub.f32 v56, v21  }
0x12e: {  	v57 =	vld [tilespmem:s21+$0x200];
	v33 =	vmul.f32 v33, v33;
	v21 =	vsub.f32 v59, v21;
	v23 =	vadd.f32 v30, v23  }
0x12f: {  	v61 =	vld [tilespmem:s21+$0x1E0];
	v28 =	vadd.f32 v28, v29;
	v29 =	vmul.f32 v49, v49;
	v30 =	vsub.f32 v46, v24  }
0x130: {  	v43 =	vld [tilespmem:s21+$0x1F0];
	v38 =	vmul.f32 v54, v54;
	v27 =	vadd.f32 v31, v27;
	v58 =	vadd.f32 v36, v35  }
0x131: {  	v31 =	vmul.f32 v62, v62;
	v49 =	vsub.f32 v63, v24;
	v48 =	vmul.f32 v45, v45  }
0x132: {  	v46 =	vld [tilespmem:s21+$0x230];
	v21 =	vmul.f32 v21, v21;
	v28 =	vadd.f32 v29, v28;
	v44 =	vsub.f32 v55, v20  }
0x133: {  	v30 =	vmul.f32 v30, v30;
	v60 =	vadd.f32 v33, v38;
	v20 =	vsub.f32 v57, v20  }
0x134: {  	v33 =	vsub.f32 v61, v24;
	v53 =	vmul.f32 v49, v49;
	v47 =	vmul.f32 v44, v44  }
0x135: {  	(xrf2) =	vadd.scan.msk.f32 $0xffff, v22;
	v52 =	vsub.f32 v43, v26;
	v30 =	vadd.f32 v30, v58;
	v20 =	vmul.f32 v20, v20  }
0x136: {  	(xrf2) =	vadd.scan.msk.f32 $0xffff, v25;
	v29 =	vadd.f32 v32, v60;
	v51 =	vmul.f32 v33, v33;
	v50 =	vadd.f32 v48, v47  }
0x137: {  	(xrf2) =	vadd.scan.msk.f32 $0xffff, v23;
	v32 =	vmul.f32 v42, v42;
	v54 =	vsub.f32 v46, v26;
	v20 =	vadd.f32 v21, v20  }
0x138: {  	(xrf2) =	vadd.scan.msk.f32 $0xffff, v27;
	v56 =	vmul.f32 v52, v52;
	v55 =	vadd.f32 v31, v30;
	v24 =	vadd.f32 v51, v50  }
0x139: {  	(xrf2) =	vadd.scan.msk.f32 $0xffff, v28;
	v57 =	vadd.f32 v32, v29;
	v58 =	vmul.f32 v54, v54;
	v20 =	vadd.f32 v53, v20  }
0x13a: {  	(xrf2) =	vadd.scan.msk.f32 $0xffff, v55;
	v59 =	vadd.f32 v56, v24  }
0x13b: {  	(xrf2) =	vadd.scan.msk.f32 $0xffff, v57;
	v20 =	vadd.f32 v58, v20  }
0x13c: {  	(xrf2) =	vadd.scan.msk.f32 $0xffff, v59  }
0x13d: {  	(xrf2) =	vadd.scan.msk.f32 $0xffff, v20;
	_ =	sdelay $0x1  }
0x13e: {  	v20, _, _ =	vpop (xrf2)  }
0x13f: {  	v60, _, _ =	vpop (xrf2);
	v20 =	vbroadcast v20, $0xF  }
0x140: {  	v61, _, _ =	vpop (xrf2);
	v21 =	vbroadcast v60, $0xF  }
0x141: {  	v62, _, _ =	vpop (xrf2);
	v20 =	vnsel vm0, $0x0, v20;
	v22 =	vbroadcast v61, $0xF  }
0x142: {  	v63, _, _ =	vpop (xrf2);
	v20 =	vsel vm1, v20, v21;
	v28 =	vbroadcast v62, $0xF  }
0x143: {  	v29, _, _ =	vpop (xrf2);
	v20 =	vsel vm2, v20, v22;
	v30 =	vbroadcast v63, $0xF  }
0x144: {  	v31, _, _ =	vpop (xrf2);
	v20 =	vsel vm3, v20, v28;
	v32 =	vbroadcast v29, $0xF  }
0x145: {  	v20 =	vsel vm4, v20, v30;
	v34 =	vbroadcast v31, $0xF;
	v33, _, _ =	vpop (xrf2)  }
0x146: {  	v20 =	vsel vm5, v20, v32;
	v35 =	vbroadcast v33, $0xF;
	v36, _, _ =	vpop (xrf2)  }
0x147: {  	v20 =	vsel vm6, v20, v34;
	v37 =	vbroadcast v36, $0xF  }
0x148: {  	v20 =	vsel vm7, v20, v35  }
0x149: {  	v20 =	vsel vm8, v20, v37  }
0x14a: {  	v38 =	vshra.s32 v20, $0x1;
	v22 =	vmul.f32 $5.000000000e-01, v20  }
0x14b: {  	v21 =	vsub.s32 $0x5F3759DF, v38  }
0x14c: {  	v39 =	vmul.f32 v21, v22;
	_ =	sdelay $0x1  }
0x14d: {  	v23 =	vmul.f32 v21, v39;
	_ =	sdelay $0x1  }
0x14e: {  	v23 =	vsub.f32 $1.500000000e+00, v23;
	_ =	sdelay $0x1  }
0x14f: {  	v21 =	vmul.f32 v21, v23;
	_ =	sdelay $0x1  }
0x150: {  	v22 =	vmul.f32 v21, v22;
	_ =	sdelay $0x1  }
0x151: {  	v22 =	vmul.f32 v22, v21;
	_ =	sdelay $0x1  }
0x152: {  	v22 =	vsub.f32 $1.500000000e+00, v22;
	_ =	sdelay $0x1  }
0x153: {  	v21 =	vmul.f32 v22, v21;
	_ =	sdelay $0x1  }
0x154: {  	v20 =	vmul.f32 v21, v20;
	_ =	sdelay $0x1  }
0x155: {  	v21 =	vperm.xlane v20, v1;
	_ =	sdelay $0x1  }
0x156: {  	v21 =	vadd.f32 v20, v21;
	_ =	sdelay $0x1  }
0x157: {  	v40 =	vperm.xlane v21, v2;
	_ =	sdelay $0x1  }
0x158: {  	v21 =	vadd.f32 v21, v40;
	_ =	sdelay $0x1  }
0x159: {  	v22 =	vperm.xlane v21, v3;
	_ =	sdelay $0x1  }
0x15a: {  	v21 =	vadd.f32 v21, v22;
	_ =	sdelay $0x1  }
0x15b: {  	v22 =	vperm.xlane v21, v4;
	_ =	sdelay $0x1  }
0x15c: {  	v21 =	vadd.f32 v21, v22;
	_ =	sdelay $0x1  }
0x15d: {  	(erf) = vrcp.f32 v21;
	_ =	sdelay $0x6  }
0x15e: {  	v21 =	vmul.f32 v21, v14  }
0x15f: {  	s22 =	sadd.s32 $0x10, s22  }
0x160: {  	v42 =	vor.u32 s22, v5;
	v20 =	vmin.f32 v20, v21;
	v41 =	vpop (erf)  }
0x161: {  	v20 =	vsub.f32 v21, v20;
	v22 =	vmul.f32 v41, v15;
	_ =	sdelay $0x1  }
0x162: {  	v20 =	vmul.f32 v20, v22;
	_ =	sdelay $0x1  }
0x163: {  	[tilespmem:v42+s0+$0x0] =	vst.idx.msk $0x1ff, v20  }
0x164: {  	v43 =	vld [tilespmem:s21+$0x0]  }
0x165: {  	v44 =	vld [tilespmem:s21+$0x10]  }
0x166: {  	v23 =	vld [tilespmem:s21+$0x20]  }
0x167: {  	v45 =	vld [tilespmem:s21+$0x30]  }
0x168: {  	v46 =	vld [tilespmem:s21+$0x40]  }
0x169: {  	v47 =	vld [tilespmem:s21+$0x50]  }
0x16a: {  	v48 =	vld [tilespmem:s21+$0x60]  }
0x16b: {  	v49 =	vld [tilespmem:s21+$0x70]  }
0x16c: {  	v50 =	vld [tilespmem:s21+$0x80]  }
0x16d: {  	v51 =	vld [tilespmem:s21+$0x90]  }
0x16e: {  	v52 =	vld [tilespmem:s21+$0xA0]  }
0x16f: {  	v54 =	vperm.xlane v20, v6;
	v53 =	vld [tilespmem:s21+$0xB0]  }
0x170: {  	v58 =	vperm.xlane v20, v0;
	v55 =	vld [tilespmem:s21+$0xC0]  }
0x171: {  	v62 =	vperm.xlane v20, v7;
	v56 =	vld [tilespmem:s21+$0xD0];
	v21 =	vmul.f32 v43, v54  }
0x172: {  	v57 =	vld [tilespmem:s21+$0xE0];
	v22 =	vmul.f32 v44, v54;
	v23 =	vmul.f32 v23, v54  }
0x173: {  	v59 =	vld [tilespmem:s21+$0xF0];
	v24 =	vmul.f32 v45, v54;
	v25 =	vmul.f32 v46, v58  }
0x174: {  	v60 =	vld [tilespmem:s21+$0x100];
	v26 =	vmul.f32 v47, v58;
	v27 =	vmul.f32 v48, v58  }
0x175: {  	v61 =	vld [tilespmem:s21+$0x110];
	v37 =	vmul.f32 v49, v58;
	v42 =	vmul.f32 v50, v62  }
0x176: {  	v63 =	vld [tilespmem:s21+$0x120];
	v44 =	vmul.f32 v51, v62;
	v45 =	vperm.xlane v20, v8  }
0x177: {  	v28 =	vld [tilespmem:s21+$0x130];
	v47 =	vmul.f32 v52, v62;
	v48 =	vmul.f32 v53, v62  }
0x178: {  	v43 =	vld [tilespmem:s21+$0x140];
	v54 =	vperm.xlane v20, v9;
	v21 =	vadd.f32 v21, v16;
	v50 =	vmul.f32 v55, v45  }
0x179: {  	v46 =	vld [tilespmem:s21+$0x150];
	v22 =	vadd.f32 v22, v17;
	v51 =	vmul.f32 v56, v45;
	v53 =	vmul.f32 v57, v45  }
0x17a: {  	v49 =	vld [tilespmem:s21+$0x160];
	v23 =	vadd.f32 v23, v18;
	v56 =	vmul.f32 v59, v45;
	v58 =	vmul.f32 v60, v54  }
0x17b: {  	v52 =	vld [tilespmem:s21+$0x170];
	v24 =	vadd.f32 v24, v19;
	v60 =	vmul.f32 v61, v54;
	v61 =	vperm.xlane v20, v10  }
0x17c: {  	v55 =	vld [tilespmem:s21+$0x180];
	v63 =	vmul.f32 v63, v54;
	v28 =	vmul.f32 v28, v54;
	v21 =	vadd.f32 v25, v21  }
0x17d: {  	v59 =	vld [tilespmem:s21+$0x1A0];
	v45 =	vperm.xlane v20, v11;
	v22 =	vadd.f32 v26, v22;
	v23 =	vadd.f32 v27, v23  }
0x17e: {  	v62 =	vld [tilespmem:s21+$0x1B0];
	v24 =	vadd.f32 v37, v24;
	v41 =	vmul.f32 v43, v61;
	v21 =	vadd.f32 v42, v21  }
0x17f: {  	v57 =	vld [tilespmem:s21+$0x190];
	v22 =	vadd.f32 v44, v22;
	v23 =	vadd.f32 v47, v23;
	v42 =	vmul.f32 v46, v61  }
0x180: {  	v40 =	vld [tilespmem:s21+$0x1C0];
	v24 =	vadd.f32 v48, v24;
	v44 =	vmul.f32 v49, v61;
	v47 =	vmul.f32 v52, v61  }
0x181: {  	v43 =	vld [tilespmem:s21+$0x1D0];
	v52 =	vperm.xlane v20, v12;
	v20 =	vperm.xlane v20, v13;
	v21 =	vadd.f32 v50, v21  }
0x182: {  	v46 =	vld [tilespmem:s21+$0x1E0];
	v49 =	vmul.f32 v55, v45;
	v54 =	vmul.f32 v59, v45;
	v22 =	vadd.f32 v51, v22  }
0x183: {  	v48 =	vld [tilespmem:s21+$0x1F0];
	v55 =	vmul.f32 v62, v45;
	v23 =	vadd.f32 v53, v23;
	v21 =	vadd.f32 v58, v21  }
0x184: {  	v24 =	vadd.f32 v56, v24;
	v50 =	vld [tilespmem:s21+$0x200];
	v51 =	vmul.f32 v57, v45;
	v22 =	vadd.f32 v60, v22  }
0x185: {  	v53 =	vld [tilespmem:s21+$0x210];
	v57 =	vmul.f32 v40, v52;
	v23 =	vadd.f32 v63, v23;
	v21 =	vadd.f32 v41, v21  }
0x186: {  	v56 =	vld [tilespmem:s21+$0x220];
	v24 =	vadd.f32 v28, v24;
	v59 =	vmul.f32 v43, v52;
	v22 =	vadd.f32 v42, v22  }
0x187: {  	v58 =	vld [tilespmem:s21+$0x230];
	v60 =	vmul.f32 v46, v52;
	v23 =	vadd.f32 v44, v23;
	v21 =	vadd.f32 v49, v21  }
0x188: {  	v61 =	vmul.f32 v48, v52;
	v24 =	vadd.f32 v47, v24;
	v22 =	vadd.f32 v51, v22  }
0x189: {  	v27 =	vmul.f32 v50, v20;
	v23 =	vadd.f32 v54, v23;
	v21 =	vadd.f32 v57, v21  }
0x18a: {  	v62 =	vmul.f32 v53, v20;
	v24 =	vadd.f32 v55, v24;
	v22 =	vadd.f32 v59, v22  }
0x18b: {  	p2 =	slt.u32 s18, $0x4E;
	v63 =	vmul.f32 v56, v20;
	v23 =	vadd.f32 v60, v23;
	v21 =	vadd.f32 v27, v21  }
.Ltmp4:
0x18c: {  	v20 =	vmul.f32 v58, v20;
	v24 =	vadd.f32 v61, v24;
	v22 =	vadd.f32 v62, v22;
	(pc) =	sbr.rel @p2 .LBB2_3-.Ltmp4, $4  }
0x18d: {  	v23 =	vadd.f32 v63, v23;
	[tilespmem:s19+$0x0] =	vst v21  }
0x18e: {  	v20 =	vadd.f32 v20, v24;
	[tilespmem:s19+$0x10] =	vst v22  }
0x18f: {  	s18 =	sadd.s32 $0x2, s18;
	[tilespmem:s19+$0x20] =	vst v23  }
0x190: {  	s20 =	sadd.s32 $0x80, s20;
	s21 =	sadd.s32 $0x480, s21;
	[tilespmem:s19+$0x30] =	vst v20;
	s19 =	sadd.s32 $0x80, s19  }
0x191: {  	s18 =	smul.u32 $0x280, s13;
	p2 =	sgt.u32 s12, $0x4C1  }
.Ltmp5:
0x192: {  	_ = 	snop;
	(pc) =	sbr.rel @p2 .LBB2_6-.Ltmp5, $4  }
0x193: {  	s19 =	smul.u32 $0xA0, s13;
	s18 =	sadd.s32 s10, s18  }
0x194: {  	[hbm4b:s18+s6] =	stream.linear.scatter [tilespmem:s5], [sflag:$0x5], $0x1400, $0x38;
	[tilespmem:$0x1C800] =	vst v63  }
0x195: {  	s22 =	sadd.s32 s4, s19  }
0x196: {  	[hbm4b:s22+s6] =	stream.linear.scatter [tilespmem:s0], [sflag:$0x5], $0x500, $0x38;
	[tilespmem:$0x1C800] =	vst v63  }
0x197: {  	s13 =	sadd.s32 $0x40, s13  }
0x198: {  	s18 =	smul.u32 $0x5A, s13;
	_ =	sdelay $0x1  }
0x199: {  	s18 =	sadd.s32 s9, s18  }
0x19a: {  	[tilespmem:s6], [sflag:$0x7] =	stream.linear.gather [hbm4b:s18+s6], $0x2D0, $0x38;
	[tilespmem:$0x1C800] =	vst v63  }
0x19b: {  	_ =	swait.ge [sflag:s15], $0x2D0  }
0x19c: {  	[sflag:s15] =	ssyncset.done $0x0  }
0x19d: {  	s19 =	simm.s32 $0x5A0;
	[sflag:s15] =	ssyncadd.s32 $0xFFFFFD30  }
0x19e: {  	[tilespmem:s19], [sflag:$0x1] =	stream.indirect.gather [hbm4b:s7+s17], $0x40, s6, s17, $0xb8;
	[tilespmem:$0x1C800] =	vst v63  }
0x19f: {  	s20 =	simm.s32 $0x23A0  }
0x1a0: {  	[tilespmem:s20], [sflag:$0x1] =	stream.indirect.gather [hbm4b:s7+s17], $0x40, s17, s17, $0xb8;
	[tilespmem:$0x1C800] =	vst v63  }
0x1a1: {  	s21 =	simm.s32 $0xF0;
	s19 =	simm.s32 $0x41A0  }
0x1a2: {  	[tilespmem:s19], [sflag:$0x1] =	stream.indirect.gather [hbm4b:s7+s17], $0x40, s21, s17, $0xb8;
	[tilespmem:$0x1C800] =	vst v63  }
0x1a3: {  	s22 =	simm.s32 $0x168  }
0x1a4: {  	[tilespmem:s23], [sflag:$0x1] =	stream.indirect.gather [hbm4b:s7+s17], $0x40, s22, s17, $0xb8;
	[tilespmem:$0x1C800] =	vst v63  }
0x1a5: {  	_ = 	snop  }
0x1a6: {  	[tilespmem:s25], [sflag:$0x1] =	stream.indirect.gather [hbm4b:s7+s17], $0x40, s24, s17, $0xb8;
	[tilespmem:$0x1C800] =	vst v63  }
.Ltmp6:
0x1a7: {  	_ = 	snop;
	(pc) =	sbr.rel .LBB2_7-.Ltmp6, $4  }
0x1a8: {  	s13 =	smul.u32 $0x280, s13  }
0x1a9: {  	[tilespmem:s28], [sflag:$0x1] =	stream.indirect.gather [hbm4b:s7+s17], $0x40, s26, s17, $0xb8;
	[tilespmem:$0x1C800] =	vst v63  }
0x1aa: {  	s13 =	sadd.s32 s1, s13  }
0x1ab: {  	[tilespmem:s29], [sflag:$0x3] =	stream.linear.gather [hbm4b:s13+s6], $0x1400, $0x38;
	[tilespmem:$0x1C800] =	vst v63  }
.LBB2_6:
.Ltmp7:
0x1ac: {  	(pc) =	sbr.rel @p0 .LBB2_10-.Ltmp7, $1  }
0x1ad: {  	_ =	sdelay $0x3  }
.LBB2_7:
0x1ae: {  	_ =	swait.ge [sflag:s2], $0x1E00  }
0x1af: {  	[sflag:s2] =	ssyncset.done $0x0  }
0x1b0: {  	[sflag:s2] =	ssyncadd.s32 $0xFFFFE200  }
0x1b1: {  	_ =	swait.ge [sflag:s2], $0x1E00  }
0x1b2: {  	[sflag:s2] =	ssyncset.done $0x0  }
0x1b3: {  	[sflag:s2] =	ssyncadd.s32 $0xFFFFE200  }
0x1b4: {  	_ =	swait.ge [sflag:s2], $0x1E00  }
0x1b5: {  	[sflag:s2] =	ssyncset.done $0x0  }
0x1b6: {  	[sflag:s2] =	ssyncadd.s32 $0xFFFFE200  }
0x1b7: {  	_ =	swait.ge [sflag:s2], $0x1E00  }
0x1b8: {  	[sflag:s2] =	ssyncset.done $0x0  }
0x1b9: {  	[sflag:s2] =	ssyncadd.s32 $0xFFFFE200  }
0x1ba: {  	_ =	swait.ge [sflag:s2], $0x1E00  }
0x1bb: {  	[sflag:s2] =	ssyncset.done $0x0  }
0x1bc: {  	[sflag:s2] =	ssyncadd.s32 $0xFFFFE200  }
0x1bd: {  	_ =	swait.ge [sflag:s2], $0x1E00  }
0x1be: {  	[sflag:s2] =	ssyncset.done $0x0  }
0x1bf: {  	[sflag:s2] =	ssyncadd.s32 $0xFFFFE200  }
0x1c0: {  	_ =	swait.ge [sflag:s3], $0x1400  }
0x1c1: {  	[sflag:s3] =	ssyncset.done $0x0  }
0x1c2: {  	s13 =	simm.s32 @!p1 $0x6;
	[sflag:s3] =	ssyncadd.s32 $0xFFFFEC00  }
0x1c3: {  	_ =	swait.ge @!p1 [sflag:s13], $0x1400  }
0x1c4: {  	[sflag:s13] =	ssyncset.done @!p1 $0x0  }
0x1c5: {  	[sflag:s13] =	ssyncadd.s32 @!p1 $0xFFFFEC00  }
0x1c6: {  	_ =	swait.ge @!p1 [sflag:s13], $0x500  }
0x1c7: {  	s18 =	simm.s32 $0x1A9E0;
	s19 =	simm.s32 $0x181E0;
	[sflag:s13] =	ssyncset.done @!p1 $0x0  }
0x1c8: {  	s20 =	simm.s32 $0xBBE0;
	[sflag:s13] =	ssyncadd.s32 @!p1 $0xFFFFFB00;
	s13 =	simm.s32 $0x0  }
.LBB2_8:
0x1c9: {  	v20 =	vld [tilespmem:s19+$0xFFFFFFC0]  }
0x1ca: {  	v21 =	vld [tilespmem:s19+$0xFFFFFFD0]  }
0x1cb: {  	v22 =	vld [tilespmem:s20+$0xFFFFFDC0]  }
0x1cc: {  	v23 =	vld [tilespmem:s20+$0xFFFFFDD0]  }
0x1cd: {  	v24 =	vld [tilespmem:s19+$0xFFFFFFE0]  }
0x1ce: {  	v25 =	vld [tilespmem:s20+$0xFFFFFDE0]  }
0x1cf: {  	v26 =	vld [tilespmem:s19+$0xFFFFFFF0]  }
0x1d0: {  	v27 =	vld [tilespmem:s20+$0xFFFFFDF0]  }
0x1d1: {  	v28 =	vld [tilespmem:s20+$0xFFFFFE00]  }
0x1d2: {  	v29 =	vld [tilespmem:s20+$0xFFFFFE10]  }
0x1d3: {  	v30 =	vld [tilespmem:s20+$0xFFFFFE40]  }
0x1d4: {  	v31 =	vld [tilespmem:s20+$0xFFFFFE50]  }
0x1d5: {  	v39 =	vld [tilespmem:s20+$0xFFFFFE20]  }
0x1d6: {  	v32 =	vld [tilespmem:s20+$0xFFFFFE60]  }
0x1d7: {  	v41 =	vld [tilespmem:s20+$0xFFFFFE30]  }
0x1d8: {  	v33 =	vld [tilespmem:s20+$0xFFFFFE70]  }
0x1d9: {  	v34 =	vld [tilespmem:s20+$0xFFFFFE80]  }
0x1da: {  	v35 =	vld [tilespmem:s20+$0xFFFFFE90];
	v22 =	vsub.f32 v22, v20  }
0x1db: {  	v36 =	vld [tilespmem:s20+$0xFFFFFEC0];
	v23 =	vsub.f32 v23, v21;
	v25 =	vsub.f32 v25, v24  }
0x1dc: {  	v42 =	vld [tilespmem:s20+$0xFFFFFED0];
	v40 =	vsub.f32 v27, v26;
	v28 =	vsub.f32 v28, v20  }
0x1dd: {  	v48 =	vld [tilespmem:s20+$0xFFFFFEB0];
	v29 =	vsub.f32 v29, v21;
	v30 =	vsub.f32 v30, v20  }
0x1de: {  	v51 =	vld [tilespmem:s20+$0xFFFFFEF0];
	v31 =	vsub.f32 v31, v21;
	v32 =	vsub.f32 v32, v24  }
0x1df: {  	v37 =	vld [tilespmem:s20+$0xFFFFFF00];
	v27 =	vsub.f32 v41, v26;
	v47 =	vsub.f32 v33, v26  }
0x1e0: {  	v56 =	vld [tilespmem:s20+$0xFFFFFF60];
	v49 =	vsub.f32 v34, v20;
	v50 =	vsub.f32 v35, v21  }
0x1e1: {  	v63 =	vld [tilespmem:s20+$0xFFFFFF80];
	v36 =	vsub.f32 v36, v20;
	v22 =	vmul.f32 v22, v22;
	v23 =	vmul.f32 v23, v23  }
0x1e2: {  	v45 =	vld [tilespmem:s20+$0xFFFFFEA0];
	v55 =	vsub.f32 v48, v26;
	v38 =	vmul.f32 v25, v25;
	v28 =	vmul.f32 v28, v28  }
0x1e3: {  	v53 =	vld [tilespmem:s20+$0xFFFFFF50];
	v57 =	vsub.f32 v51, v26;
	v29 =	vmul.f32 v29, v29;
	v30 =	vmul.f32 v30, v30  }
0x1e4: {  	v58 =	vld [tilespmem:s20+$0xFFFFFF30];
	v59 =	vsub.f32 v37, v20;
	v31 =	vmul.f32 v31, v31;
	v44 =	vmul.f32 v32, v32  }
0x1e5: {  	v61 =	vld [tilespmem:s20+$0xFFFFFF70];
	v25 =	vsub.f32 v39, v24;
	v27 =	vmul.f32 v27, v27;
	v33 =	vmul.f32 v49, v49  }
0x1e6: {  	v51 =	vld [tilespmem:s20+$0xFFFFFFF0];
	v34 =	vmul.f32 v50, v50;
	v32 =	vsub.f32 v56, v24;
	v49 =	vsub.f32 v63, v20  }
0x1e7: {  	v46 =	vld [tilespmem:s20+$0xFFFFFEE0];
	v36 =	vmul.f32 v36, v36;
	v22 =	vadd.f32 v23, v22;
	v28 =	vadd.f32 v29, v28  }
0x1e8: {  	v39 =	vld [tilespmem:s20+$0xFFFFFF40];
	v35 =	vmul.f32 v59, v59;
	v43 =	vadd.f32 v31, v30;
	v29 =	vsub.f32 v42, v21  }
0x1e9: {  	v41 =	vld [tilespmem:s20+$0xFFFFFFC0];
	v23 =	vmul.f32 v40, v40;
	v31 =	vsub.f32 v45, v24;
	v52 =	vadd.f32 v34, v33  }
0x1ea: {  	v25 =	vmul.f32 v25, v25;
	v33 =	vsub.f32 v53, v21;
	v45 =	vsub.f32 v58, v26  }
0x1eb: {  	v30 =	vmul.f32 v47, v47;
	v47 =	vsub.f32 v61, v26;
	v59 =	vsub.f32 v51, v26  }
0x1ec: {  	v40 =	vld [tilespmem:s20+$0xFFFFFF90];
	v32 =	vmul.f32 v32, v32;
	v22 =	vadd.f32 v38, v22;
	v25 =	vadd.f32 v25, v28  }
0x1ed: {  	v54 =	vld [tilespmem:s20+$0xFFFFFF20];
	v29 =	vmul.f32 v29, v29;
	v28 =	vsub.f32 v46, v24;
	v62 =	vsub.f32 v39, v20  }
0x1ee: {  	v38 =	vld [tilespmem:s20+$0xFFFFFF10];
	v31 =	vmul.f32 v31, v31;
	v20 =	vsub.f32 v41, v20;
	v22 =	vadd.f32 v23, v22  }
0x1ef: {  	v48 =	vld [tilespmem:s20+$0xFFFFFFB0];
	v33 =	vmul.f32 v33, v33;
	v23 =	vadd.f32 v44, v43;
	v25 =	vadd.f32 v27, v25  }
0x1f0: {  	v42 =	vld [tilespmem:s20+$0xFFFFFFD0];
	v29 =	vadd.f32 v29, v36;
	v28 =	vmul.f32 v28, v28;
	v27 =	vadd.f32 v31, v52  }
0x1f1: {  	v46 =	vld [tilespmem:s20+$0xFFFFFFE0];
	v31 =	vmul.f32 v55, v55;
	v52 =	vmul.f32 v49, v49;
	v50 =	vsub.f32 v40, v21  }
0x1f2: {  	v44 =	vld [tilespmem:s20+$0xFFFFFFA0];
	v20 =	vmul.f32 v20, v20;
	v23 =	vadd.f32 v30, v23;
	v28 =	vadd.f32 v28, v29  }
0x1f3: {  	v29 =	vmul.f32 v57, v57;
	v30 =	vsub.f32 v54, v24;
	v60 =	vsub.f32 v38, v21  }
0x1f4: {  	v27 =	vadd.f32 v31, v27;
	v31 =	vmul.f32 v45, v45;
	v38 =	vmul.f32 v62, v62  }
0x1f5: {  	v57 =	vsub.f32 v48, v26;
	v21 =	vsub.f32 v42, v21;
	v36 =	vmul.f32 v60, v60  }
0x1f6: {  	v53 =	vmul.f32 v50, v50;
	v54 =	vsub.f32 v46, v24;
	v43 =	vadd.f32 v33, v38  }
0x1f7: {  	v30 =	vmul.f32 v30, v30;
	v33 =	vsub.f32 v44, v24;
	v36 =	vadd.f32 v36, v35  }
0x1f8: {  	(xrf2) =	vadd.scan.msk.f32 $0xffff, v22;
	v28 =	vadd.f32 v29, v28;
	v21 =	vmul.f32 v21, v21;
	v55 =	vadd.f32 v53, v52  }
0x1f9: {  	(xrf2) =	vadd.scan.msk.f32 $0xffff, v25;
	v58 =	vmul.f32 v54, v54;
	v56 =	vmul.f32 v33, v33;
	v30 =	vadd.f32 v30, v36  }
0x1fa: {  	(xrf2) =	vadd.scan.msk.f32 $0xffff, v23;
	v29 =	vadd.f32 v32, v43;
	v32 =	vmul.f32 v47, v47;
	v20 =	vadd.f32 v21, v20  }
0x1fb: {  	v61 =	vmul.f32 v57, v57;
	(xrf2) =	vadd.scan.msk.f32 $0xffff, v27;
	v24 =	vadd.f32 v56, v55;
	v60 =	vadd.f32 v31, v30  }
0x1fc: {  	v63 =	vmul.f32 v59, v59;
	(xrf2) =	vadd.scan.msk.f32 $0xffff, v28;
	v62 =	vadd.f32 v32, v29;
	v20 =	vadd.f32 v58, v20  }
0x1fd: {  	v24 =	vadd.f32 v61, v24;
	(xrf2) =	vadd.scan.msk.f32 $0xffff, v60  }
0x1fe: {  	v20 =	vadd.f32 v63, v20;
	(xrf2) =	vadd.scan.msk.f32 $0xffff, v62  }
0x1ff: {  	(xrf2) =	vadd.scan.msk.f32 $0xffff, v24  }
0x200: {  	(xrf2) =	vadd.scan.msk.f32 $0xffff, v20;
	_ =	sdelay $0x1  }
0x201: {  	v20, _, _ =	vpop (xrf2)  }
0x202: {  	v20 =	vbroadcast v20, $0xF;
	v25, _, _ =	vpop (xrf2)  }
0x203: {  	v21 =	vbroadcast v25, $0xF;
	v26, _, _ =	vpop (xrf2)  }
0x204: {  	v20 =	vnsel vm0, $0x0, v20;
	v22 =	vbroadcast v26, $0xF;
	v27, _, _ =	vpop (xrf2)  }
0x205: {  	v20 =	vsel vm1, v20, v21;
	v28 =	vbroadcast v27, $0xF;
	v29, _, _ =	vpop (xrf2)  }
0x206: {  	v20 =	vsel vm2, v20, v22;
	v30 =	vbroadcast v29, $0xF;
	v31, _, _ =	vpop (xrf2)  }
0x207: {  	v20 =	vsel vm3, v20, v28;
	v32 =	vbroadcast v31, $0xF;
	v33, _, _ =	vpop (xrf2)  }
0x208: {  	v20 =	vsel vm4, v20, v30;
	v34 =	vbroadcast v33, $0xF;
	v35, _, _ =	vpop (xrf2)  }
0x209: {  	v20 =	vsel vm5, v20, v32;
	v36 =	vbroadcast v35, $0xF;
	v37, _, _ =	vpop (xrf2)  }
0x20a: {  	v20 =	vsel vm6, v20, v34;
	v38 =	vbroadcast v37, $0xF  }
0x20b: {  	v20 =	vsel vm7, v20, v36  }
0x20c: {  	v20 =	vsel vm8, v20, v38  }
0x20d: {  	v39 =	vshra.s32 v20, $0x1;
	v22 =	vmul.f32 $5.000000000e-01, v20  }
0x20e: {  	v21 =	vsub.s32 $0x5F3759DF, v39  }
0x20f: {  	v40 =	vmul.f32 v21, v22;
	_ =	sdelay $0x1  }
0x210: {  	v23 =	vmul.f32 v21, v40;
	_ =	sdelay $0x1  }
0x211: {  	v23 =	vsub.f32 $1.500000000e+00, v23;
	_ =	sdelay $0x1  }
0x212: {  	v21 =	vmul.f32 v21, v23;
	_ =	sdelay $0x1  }
0x213: {  	v22 =	vmul.f32 v21, v22;
	_ =	sdelay $0x1  }
0x214: {  	v22 =	vmul.f32 v22, v21;
	_ =	sdelay $0x1  }
0x215: {  	v22 =	vsub.f32 $1.500000000e+00, v22;
	_ =	sdelay $0x1  }
0x216: {  	v21 =	vmul.f32 v22, v21;
	_ =	sdelay $0x1  }
0x217: {  	v20 =	vmul.f32 v21, v20;
	_ =	sdelay $0x1  }
0x218: {  	v21 =	vperm.xlane v20, v1;
	_ =	sdelay $0x1  }
0x219: {  	v21 =	vadd.f32 v20, v21;
	_ =	sdelay $0x1  }
0x21a: {  	v41 =	vperm.xlane v21, v2;
	_ =	sdelay $0x1  }
0x21b: {  	v21 =	vadd.f32 v21, v41;
	_ =	sdelay $0x1  }
0x21c: {  	v22 =	vperm.xlane v21, v3;
	_ =	sdelay $0x1  }
0x21d: {  	v21 =	vadd.f32 v21, v22;
	_ =	sdelay $0x1  }
0x21e: {  	v22 =	vperm.xlane v21, v4;
	_ =	sdelay $0x1  }
0x21f: {  	v21 =	vadd.f32 v21, v22;
	_ =	sdelay $0x1  }
0x220: {  	(erf) = vrcp.f32 v21;
	_ =	sdelay $0x6  }
0x221: {  	v21 =	vmul.f32 v21, v14  }
0x222: {  	s21 =	sshll.u32 s13, $0x4  }
0x223: {  	v43 =	vor.u32 s21, v5;
	v20 =	vmin.f32 v20, v21;
	v42 =	vpop (erf)  }
0x224: {  	v20 =	vsub.f32 v21, v20;
	v22 =	vmul.f32 v42, v15;
	_ =	sdelay $0x1  }
0x225: {  	v20 =	vmul.f32 v20, v22;
	_ =	sdelay $0x1  }
0x226: {  	[tilespmem:v43+s14+$0x0] =	vst.idx.msk $0x1ff, v20  }
0x227: {  	v44 =	vld [tilespmem:s20+$0xFFFFFDC0]  }
0x228: {  	v45 =	vld [tilespmem:s20+$0xFFFFFDD0]  }
0x229: {  	v23 =	vld [tilespmem:s20+$0xFFFFFDE0]  }
0x22a: {  	v46 =	vld [tilespmem:s20+$0xFFFFFDF0]  }
0x22b: {  	v47 =	vld [tilespmem:s20+$0xFFFFFE00]  }
0x22c: {  	v48 =	vld [tilespmem:s20+$0xFFFFFE10]  }
0x22d: {  	v49 =	vld [tilespmem:s20+$0xFFFFFE20]  }
0x22e: {  	v50 =	vld [tilespmem:s20+$0xFFFFFE30]  }
0x22f: {  	v51 =	vld [tilespmem:s20+$0xFFFFFE40]  }
0x230: {  	v52 =	vld [tilespmem:s20+$0xFFFFFE50]  }
0x231: {  	v53 =	vld [tilespmem:s20+$0xFFFFFE60]  }
0x232: {  	v55 =	vperm.xlane v20, v6;
	v54 =	vld [tilespmem:s20+$0xFFFFFE70]  }
0x233: {  	v59 =	vperm.xlane v20, v0;
	v56 =	vld [tilespmem:s20+$0xFFFFFE80]  }
0x234: {  	v63 =	vperm.xlane v20, v7;
	v57 =	vld [tilespmem:s20+$0xFFFFFE90];
	v21 =	vmul.f32 v44, v55  }
0x235: {  	v58 =	vld [tilespmem:s20+$0xFFFFFEA0];
	v22 =	vmul.f32 v45, v55;
	v23 =	vmul.f32 v23, v55  }
0x236: {  	v60 =	vld [tilespmem:s20+$0xFFFFFEB0];
	v24 =	vmul.f32 v46, v55;
	v25 =	vmul.f32 v47, v59  }
0x237: {  	v61 =	vld [tilespmem:s20+$0xFFFFFEC0];
	v26 =	vmul.f32 v48, v59;
	v27 =	vmul.f32 v49, v59  }
0x238: {  	v62 =	vld [tilespmem:s20+$0xFFFFFED0];
	v42 =	vmul.f32 v50, v59;
	v44 =	vmul.f32 v51, v63  }
0x239: {  	v41 =	vld [tilespmem:s20+$0xFFFFFEE0];
	v46 =	vmul.f32 v52, v63;
	v47 =	vperm.xlane v20, v8  }
0x23a: {  	v43 =	vld [tilespmem:s20+$0xFFFFFEF0];
	v49 =	vmul.f32 v53, v63;
	v50 =	vmul.f32 v54, v63  }
0x23b: {  	v45 =	vld [tilespmem:s20+$0xFFFFFF00];
	v63 =	vperm.xlane v20, v10;
	v21 =	vadd.f32 v21, v16;
	v22 =	vadd.f32 v22, v17  }
0x23c: {  	v51 =	vld [tilespmem:s20+$0xFFFFFF20];
	v23 =	vadd.f32 v23, v18;
	v52 =	vmul.f32 v56, v47;
	v53 =	vmul.f32 v57, v47  }
0x23d: {  	v48 =	vld [tilespmem:s20+$0xFFFFFF10];
	v24 =	vadd.f32 v24, v19;
	v55 =	vmul.f32 v58, v47;
	v56 =	vperm.xlane v20, v9  }
0x23e: {  	v54 =	vld [tilespmem:s20+$0xFFFFFF30];
	v58 =	vmul.f32 v60, v47;
	v21 =	vadd.f32 v25, v21;
	v22 =	vadd.f32 v26, v22  }
0x23f: {  	v59 =	vld [tilespmem:s20+$0xFFFFFF50];
	v23 =	vadd.f32 v27, v23;
	v60 =	vmul.f32 v61, v56;
	v62 =	vmul.f32 v62, v56  }
0x240: {  	v57 =	vld [tilespmem:s20+$0xFFFFFF40];
	v24 =	vadd.f32 v42, v24;
	v42 =	vmul.f32 v41, v56;
	v28 =	vmul.f32 v43, v56  }
0x241: {  	v40 =	vld [tilespmem:s20+$0xFFFFFF70];
	v47 =	vmul.f32 v51, v63;
	v21 =	vadd.f32 v44, v21;
	v22 =	vadd.f32 v46, v22  }
0x242: {  	v61 =	vld [tilespmem:s20+$0xFFFFFF60];
	v23 =	vadd.f32 v49, v23;
	v24 =	vadd.f32 v50, v24;
	v44 =	vmul.f32 v45, v63  }
0x243: {  	v43 =	vld [tilespmem:s20+$0xFFFFFF80];
	v45 =	vmul.f32 v48, v63;
	v48 =	vperm.xlane v20, v11;
	v21 =	vadd.f32 v52, v21  }
0x244: {  	v51 =	vld [tilespmem:s20+$0xFFFFFFB0];
	v50 =	vmul.f32 v54, v63;
	v22 =	vadd.f32 v53, v22;
	v23 =	vadd.f32 v55, v23  }
0x245: {  	v46 =	vld [tilespmem:s20+$0xFFFFFF90];
	v24 =	vadd.f32 v58, v24;
	v52 =	vmul.f32 v57, v48;
	v54 =	vmul.f32 v59, v48  }
0x246: {  	v49 =	vld [tilespmem:s20+$0xFFFFFFA0];
	v55 =	vperm.xlane v20, v12;
	v58 =	vmul.f32 v40, v48;
	v21 =	vadd.f32 v60, v21  }
0x247: {  	v53 =	vld [tilespmem:s20+$0xFFFFFFC0];
	v20 =	vperm.xlane v20, v13;
	v22 =	vadd.f32 v62, v22;
	v23 =	vadd.f32 v42, v23  }
0x248: {  	v56 =	vld [tilespmem:s20+$0xFFFFFFD0];
	v57 =	vmul.f32 v61, v48;
	v24 =	vadd.f32 v28, v24;
	v21 =	vadd.f32 v44, v21  }
0x249: {  	v59 =	vld [tilespmem:s20+$0xFFFFFFE0];
	v60 =	vmul.f32 v43, v55;
	v35 =	vmul.f32 v51, v55;
	v22 =	vadd.f32 v45, v22  }
0x24a: {  	v61 =	vld [tilespmem:s20+$0xFFFFFFF0];
	v62 =	vmul.f32 v46, v55;
	v23 =	vadd.f32 v47, v23;
	v21 =	vadd.f32 v52, v21  }
0x24b: {  	v63 =	vmul.f32 v49, v55;
	v24 =	vadd.f32 v50, v24;
	v22 =	vadd.f32 v54, v22  }
0x24c: {  	v27 =	vmul.f32 v53, v20;
	v23 =	vadd.f32 v57, v23;
	v21 =	vadd.f32 v60, v21  }
0x24d: {  	v36 =	vmul.f32 v56, v20;
	v24 =	vadd.f32 v58, v24;
	v22 =	vadd.f32 v62, v22  }
0x24e: {  	v37 =	vmul.f32 v59, v20;
	v23 =	vadd.f32 v63, v23;
	v21 =	vadd.f32 v27, v21  }
0x24f: {  	v20 =	vmul.f32 v61, v20;
	v24 =	vadd.f32 v35, v24;
	v22 =	vadd.f32 v36, v22  }
0x250: {  	v23 =	vadd.f32 v37, v23;
	[tilespmem:s18+$0xFFFFFFC0] =	vst v21  }
0x251: {  	v20 =	vadd.f32 v20, v24;
	[tilespmem:s18+$0xFFFFFFD0] =	vst v22  }
0x252: {  	[tilespmem:s18+$0xFFFFFFE0] =	vst v23  }
0x253: {  	[tilespmem:s18+$0xFFFFFFF0] =	vst v20  }
0x254: {  	v20 =	vld [tilespmem:s19+$0x0]  }
0x255: {  	v21 =	vld [tilespmem:s19+$0x10]  }
0x256: {  	v22 =	vld [tilespmem:s20+$0x0]  }
0x257: {  	v23 =	vld [tilespmem:s20+$0x10]  }
0x258: {  	v24 =	vld [tilespmem:s19+$0x20]  }
0x259: {  	v38 =	vld [tilespmem:s20+$0x20]  }
0x25a: {  	v26 =	vld [tilespmem:s19+$0x30]  }
0x25b: {  	v39 =	vld [tilespmem:s20+$0x30]  }
0x25c: {  	v40 =	vld [tilespmem:s20+$0x40]  }
0x25d: {  	v41 =	vld [tilespmem:s20+$0x50]  }
0x25e: {  	v42 =	vld [tilespmem:s20+$0x80]  }
0x25f: {  	v43 =	vld [tilespmem:s20+$0x90]  }
0x260: {  	v45 =	vld [tilespmem:s20+$0x60]  }
0x261: {  	v46 =	vld [tilespmem:s20+$0xA0]  }
0x262: {  	v48 =	vld [tilespmem:s20+$0x70]  }
0x263: {  	v49 =	vld [tilespmem:s20+$0xB0]  }
0x264: {  	v50 =	vld [tilespmem:s20+$0xC0];
	v22 =	vsub.f32 v22, v20;
	v23 =	vsub.f32 v23, v21  }
0x265: {  	v51 =	vld [tilespmem:s20+$0xD0];
	v25 =	vsub.f32 v38, v24;
	v47 =	vsub.f32 v39, v26  }
0x266: {  	v52 =	vld [tilespmem:s20+$0x100];
	v28 =	vsub.f32 v40, v20;
	v29 =	vsub.f32 v41, v21  }
0x267: {  	v62 =	vld [tilespmem:s20+$0x130];
	v30 =	vsub.f32 v42, v20;
	v31 =	vsub.f32 v43, v21  }
0x268: {  	v63 =	vld [tilespmem:s20+$0x140];
	v32 =	vsub.f32 v46, v24;
	v27 =	vsub.f32 v48, v26  }
0x269: {  	v53 =	vld [tilespmem:s20+$0x110];
	v58 =	vsub.f32 v49, v26;
	v60 =	vsub.f32 v50, v20;
	v22 =	vmul.f32 v22, v22  }
0x26a: {  	v56 =	vld [tilespmem:s20+$0xE0];
	v61 =	vsub.f32 v51, v21;
	v23 =	vmul.f32 v23, v23;
	v44 =	vmul.f32 v25, v25  }
0x26b: {  	v59 =	vld [tilespmem:s20+$0xF0];
	v36 =	vsub.f32 v52, v20;
	v28 =	vmul.f32 v28, v28;
	v29 =	vmul.f32 v29, v29  }
0x26c: {  	v42 =	vld [tilespmem:s20+$0x150];
	v49 =	vsub.f32 v62, v26;
	v30 =	vmul.f32 v30, v30;
	v31 =	vmul.f32 v31, v31  }
0x26d: {  	v48 =	vld [tilespmem:s20+$0x1A0];
	v51 =	vsub.f32 v63, v20;
	v55 =	vmul.f32 v32, v32;
	v27 =	vmul.f32 v27, v27  }
0x26e: {  	v50 =	vld [tilespmem:s20+$0x170];
	v25 =	vsub.f32 v45, v24;
	v33 =	vmul.f32 v60, v60;
	v34 =	vmul.f32 v61, v61  }
0x26f: {  	v57 =	vld [tilespmem:s20+$0x120];
	v36 =	vmul.f32 v36, v36;
	v22 =	vadd.f32 v23, v22;
	v28 =	vadd.f32 v29, v28  }
0x270: {  	v45 =	vld [tilespmem:s20+$0x190];
	v35 =	vmul.f32 v51, v51;
	v54 =	vadd.f32 v31, v30;
	v29 =	vsub.f32 v53, v21  }
0x271: {  	v23 =	vmul.f32 v47, v47;
	v31 =	vsub.f32 v56, v24;
	v47 =	vsub.f32 v59, v26  }
0x272: {  	v43 =	vld [tilespmem:s20+$0x180];
	v25 =	vmul.f32 v25, v25;
	v52 =	vsub.f32 v42, v21;
	v32 =	vsub.f32 v48, v24  }
0x273: {  	v30 =	vmul.f32 v58, v58;
	v53 =	vld [tilespmem:s20+$0x1B0];
	v62 =	vsub.f32 v50, v26;
	v22 =	vadd.f32 v44, v22  }
0x274: {  	v56 =	vld [tilespmem:s20+$0x1D0];
	v25 =	vadd.f32 v25, v28;
	v29 =	vmul.f32 v29, v29;
	v28 =	vsub.f32 v57, v24  }
0x275: {  	v59 =	vld [tilespmem:s20+$0x210];
	v44 =	vadd.f32 v34, v33;
	v31 =	vmul.f32 v31, v31;
	v33 =	vsub.f32 v45, v21  }
0x276: {  	v46 =	vld [tilespmem:s20+$0x160];
	v32 =	vmul.f32 v32, v32;
	v22 =	vadd.f32 v23, v22;
	v23 =	vadd.f32 v55, v54  }
0x277: {  	v25 =	vadd.f32 v27, v25;
	v29 =	vadd.f32 v29, v36;
	v28 =	vmul.f32 v28, v28  }
0x278: {  	v63 =	vld [tilespmem:s20+$0x220];
	v27 =	vadd.f32 v31, v44;
	v31 =	vmul.f32 v47, v47;
	v54 =	vsub.f32 v43, v20  }
0x279: {  	v55 =	vld [tilespmem:s20+$0x1C0];
	v36 =	vmul.f32 v52, v52;
	v42 =	vsub.f32 v53, v26;
	v45 =	vsub.f32 v56, v21  }
0x27a: {  	v57 =	vld [tilespmem:s20+$0x200];
	v33 =	vmul.f32 v33, v33;
	v21 =	vsub.f32 v59, v21;
	v23 =	vadd.f32 v30, v23  }
0x27b: {  	v61 =	vld [tilespmem:s20+$0x1E0];
	v28 =	vadd.f32 v28, v29;
	v29 =	vmul.f32 v49, v49;
	v30 =	vsub.f32 v46, v24  }
0x27c: {  	v43 =	vld [tilespmem:s20+$0x1F0];
	v38 =	vmul.f32 v54, v54;
	v27 =	vadd.f32 v31, v27;
	v58 =	vadd.f32 v36, v35  }
0x27d: {  	v31 =	vmul.f32 v62, v62;
	v49 =	vsub.f32 v63, v24;
	v48 =	vmul.f32 v45, v45  }
0x27e: {  	v46 =	vld [tilespmem:s20+$0x230];
	v21 =	vmul.f32 v21, v21;
	v28 =	vadd.f32 v29, v28;
	v44 =	vsub.f32 v55, v20  }
0x27f: {  	v30 =	vmul.f32 v30, v30;
	v60 =	vadd.f32 v33, v38;
	v20 =	vsub.f32 v57, v20  }
0x280: {  	v33 =	vsub.f32 v61, v24;
	v53 =	vmul.f32 v49, v49;
	v47 =	vmul.f32 v44, v44  }
0x281: {  	(xrf2) =	vadd.scan.msk.f32 $0xffff, v22;
	v52 =	vsub.f32 v43, v26;
	v30 =	vadd.f32 v30, v58;
	v20 =	vmul.f32 v20, v20  }
0x282: {  	(xrf2) =	vadd.scan.msk.f32 $0xffff, v25;
	v29 =	vadd.f32 v32, v60;
	v51 =	vmul.f32 v33, v33;
	v50 =	vadd.f32 v48, v47  }
0x283: {  	(xrf2) =	vadd.scan.msk.f32 $0xffff, v23;
	v32 =	vmul.f32 v42, v42;
	v54 =	vsub.f32 v46, v26;
	v20 =	vadd.f32 v21, v20  }
0x284: {  	(xrf2) =	vadd.scan.msk.f32 $0xffff, v27;
	v56 =	vmul.f32 v52, v52;
	v55 =	vadd.f32 v31, v30;
	v24 =	vadd.f32 v51, v50  }
0x285: {  	(xrf2) =	vadd.scan.msk.f32 $0xffff, v28;
	v57 =	vadd.f32 v32, v29;
	v58 =	vmul.f32 v54, v54;
	v20 =	vadd.f32 v53, v20  }
0x286: {  	(xrf2) =	vadd.scan.msk.f32 $0xffff, v55;
	v59 =	vadd.f32 v56, v24  }
0x287: {  	(xrf2) =	vadd.scan.msk.f32 $0xffff, v57;
	v20 =	vadd.f32 v58, v20  }
0x288: {  	(xrf2) =	vadd.scan.msk.f32 $0xffff, v59  }
0x289: {  	(xrf2) =	vadd.scan.msk.f32 $0xffff, v20;
	_ =	sdelay $0x1  }
0x28a: {  	v20, _, _ =	vpop (xrf2)  }
0x28b: {  	v60, _, _ =	vpop (xrf2);
	v20 =	vbroadcast v20, $0xF  }
0x28c: {  	v61, _, _ =	vpop (xrf2);
	v21 =	vbroadcast v60, $0xF  }
0x28d: {  	v62, _, _ =	vpop (xrf2);
	v20 =	vnsel vm0, $0x0, v20;
	v22 =	vbroadcast v61, $0xF  }
0x28e: {  	v63, _, _ =	vpop (xrf2);
	v20 =	vsel vm1, v20, v21;
	v28 =	vbroadcast v62, $0xF  }
0x28f: {  	v29, _, _ =	vpop (xrf2);
	v20 =	vsel vm2, v20, v22;
	v30 =	vbroadcast v63, $0xF  }
0x290: {  	v31, _, _ =	vpop (xrf2);
	v20 =	vsel vm3, v20, v28;
	v32 =	vbroadcast v29, $0xF  }
0x291: {  	v20 =	vsel vm4, v20, v30;
	v34 =	vbroadcast v31, $0xF;
	v33, _, _ =	vpop (xrf2)  }
0x292: {  	v20 =	vsel vm5, v20, v32;
	v35 =	vbroadcast v33, $0xF;
	v36, _, _ =	vpop (xrf2)  }
0x293: {  	v20 =	vsel vm6, v20, v34;
	v37 =	vbroadcast v36, $0xF  }
0x294: {  	v20 =	vsel vm7, v20, v35  }
0x295: {  	v20 =	vsel vm8, v20, v37  }
0x296: {  	v38 =	vshra.s32 v20, $0x1;
	v22 =	vmul.f32 $5.000000000e-01, v20  }
0x297: {  	v21 =	vsub.s32 $0x5F3759DF, v38  }
0x298: {  	v39 =	vmul.f32 v21, v22;
	_ =	sdelay $0x1  }
0x299: {  	v23 =	vmul.f32 v21, v39;
	_ =	sdelay $0x1  }
0x29a: {  	v23 =	vsub.f32 $1.500000000e+00, v23;
	_ =	sdelay $0x1  }
0x29b: {  	v21 =	vmul.f32 v21, v23;
	_ =	sdelay $0x1  }
0x29c: {  	v22 =	vmul.f32 v21, v22;
	_ =	sdelay $0x1  }
0x29d: {  	v22 =	vmul.f32 v22, v21;
	_ =	sdelay $0x1  }
0x29e: {  	v22 =	vsub.f32 $1.500000000e+00, v22;
	_ =	sdelay $0x1  }
0x29f: {  	v21 =	vmul.f32 v22, v21;
	_ =	sdelay $0x1  }
0x2a0: {  	v20 =	vmul.f32 v21, v20;
	_ =	sdelay $0x1  }
0x2a1: {  	v21 =	vperm.xlane v20, v1;
	_ =	sdelay $0x1  }
0x2a2: {  	v21 =	vadd.f32 v20, v21;
	_ =	sdelay $0x1  }
0x2a3: {  	v40 =	vperm.xlane v21, v2;
	_ =	sdelay $0x1  }
0x2a4: {  	v21 =	vadd.f32 v21, v40;
	_ =	sdelay $0x1  }
0x2a5: {  	v22 =	vperm.xlane v21, v3;
	_ =	sdelay $0x1  }
0x2a6: {  	v21 =	vadd.f32 v21, v22;
	_ =	sdelay $0x1  }
0x2a7: {  	v22 =	vperm.xlane v21, v4;
	_ =	sdelay $0x1  }
0x2a8: {  	v21 =	vadd.f32 v21, v22;
	_ =	sdelay $0x1  }
0x2a9: {  	(erf) = vrcp.f32 v21;
	_ =	sdelay $0x6  }
0x2aa: {  	v21 =	vmul.f32 v21, v14  }
0x2ab: {  	s21 =	sadd.s32 $0x10, s21  }
0x2ac: {  	v42 =	vor.u32 s21, v5;
	v20 =	vmin.f32 v20, v21;
	v41 =	vpop (erf)  }
0x2ad: {  	v20 =	vsub.f32 v21, v20;
	v22 =	vmul.f32 v41, v15;
	_ =	sdelay $0x1  }
0x2ae: {  	v20 =	vmul.f32 v20, v22;
	_ =	sdelay $0x1  }
0x2af: {  	[tilespmem:v42+s14+$0x0] =	vst.idx.msk $0x1ff, v20  }
0x2b0: {  	v43 =	vld [tilespmem:s20+$0x0]  }
0x2b1: {  	v44 =	vld [tilespmem:s20+$0x10]  }
0x2b2: {  	v23 =	vld [tilespmem:s20+$0x20]  }
0x2b3: {  	v45 =	vld [tilespmem:s20+$0x30]  }
0x2b4: {  	v46 =	vld [tilespmem:s20+$0x40]  }
0x2b5: {  	v47 =	vld [tilespmem:s20+$0x50]  }
0x2b6: {  	v48 =	vld [tilespmem:s20+$0x60]  }
0x2b7: {  	v49 =	vld [tilespmem:s20+$0x70]  }
0x2b8: {  	v50 =	vld [tilespmem:s20+$0x80]  }
0x2b9: {  	v51 =	vld [tilespmem:s20+$0x90]  }
0x2ba: {  	v52 =	vld [tilespmem:s20+$0xA0]  }
0x2bb: {  	v54 =	vperm.xlane v20, v6;
	v53 =	vld [tilespmem:s20+$0xB0]  }
0x2bc: {  	v58 =	vperm.xlane v20, v0;
	v55 =	vld [tilespmem:s20+$0xC0]  }
0x2bd: {  	v62 =	vperm.xlane v20, v7;
	v56 =	vld [tilespmem:s20+$0xD0];
	v21 =	vmul.f32 v43, v54  }
0x2be: {  	v57 =	vld [tilespmem:s20+$0xE0];
	v22 =	vmul.f32 v44, v54;
	v23 =	vmul.f32 v23, v54  }
0x2bf: {  	v59 =	vld [tilespmem:s20+$0xF0];
	v24 =	vmul.f32 v45, v54;
	v25 =	vmul.f32 v46, v58  }
0x2c0: {  	v60 =	vld [tilespmem:s20+$0x100];
	v26 =	vmul.f32 v47, v58;
	v27 =	vmul.f32 v48, v58  }
0x2c1: {  	v61 =	vld [tilespmem:s20+$0x110];
	v37 =	vmul.f32 v49, v58;
	v42 =	vmul.f32 v50, v62  }
0x2c2: {  	v63 =	vld [tilespmem:s20+$0x120];
	v44 =	vmul.f32 v51, v62;
	v45 =	vperm.xlane v20, v8  }
0x2c3: {  	v28 =	vld [tilespmem:s20+$0x130];
	v47 =	vmul.f32 v52, v62;
	v48 =	vmul.f32 v53, v62  }
0x2c4: {  	v43 =	vld [tilespmem:s20+$0x140];
	v54 =	vperm.xlane v20, v9;
	v21 =	vadd.f32 v21, v16;
	v50 =	vmul.f32 v55, v45  }
0x2c5: {  	v46 =	vld [tilespmem:s20+$0x150];
	v22 =	vadd.f32 v22, v17;
	v51 =	vmul.f32 v56, v45;
	v53 =	vmul.f32 v57, v45  }
0x2c6: {  	v49 =	vld [tilespmem:s20+$0x160];
	v23 =	vadd.f32 v23, v18;
	v56 =	vmul.f32 v59, v45;
	v58 =	vmul.f32 v60, v54  }
0x2c7: {  	v52 =	vld [tilespmem:s20+$0x170];
	v24 =	vadd.f32 v24, v19;
	v60 =	vmul.f32 v61, v54;
	v61 =	vperm.xlane v20, v10  }
0x2c8: {  	v55 =	vld [tilespmem:s20+$0x180];
	v63 =	vmul.f32 v63, v54;
	v28 =	vmul.f32 v28, v54;
	v21 =	vadd.f32 v25, v21  }
0x2c9: {  	v59 =	vld [tilespmem:s20+$0x1A0];
	v45 =	vperm.xlane v20, v11;
	v22 =	vadd.f32 v26, v22;
	v23 =	vadd.f32 v27, v23  }
0x2ca: {  	v62 =	vld [tilespmem:s20+$0x1B0];
	v24 =	vadd.f32 v37, v24;
	v41 =	vmul.f32 v43, v61;
	v21 =	vadd.f32 v42, v21  }
0x2cb: {  	v57 =	vld [tilespmem:s20+$0x190];
	v22 =	vadd.f32 v44, v22;
	v23 =	vadd.f32 v47, v23;
	v42 =	vmul.f32 v46, v61  }
0x2cc: {  	v40 =	vld [tilespmem:s20+$0x1C0];
	v24 =	vadd.f32 v48, v24;
	v44 =	vmul.f32 v49, v61;
	v47 =	vmul.f32 v52, v61  }
0x2cd: {  	v43 =	vld [tilespmem:s20+$0x1D0];
	v52 =	vperm.xlane v20, v12;
	v20 =	vperm.xlane v20, v13;
	v21 =	vadd.f32 v50, v21  }
0x2ce: {  	v46 =	vld [tilespmem:s20+$0x1E0];
	v49 =	vmul.f32 v55, v45;
	v54 =	vmul.f32 v59, v45;
	v22 =	vadd.f32 v51, v22  }
0x2cf: {  	v48 =	vld [tilespmem:s20+$0x1F0];
	v55 =	vmul.f32 v62, v45;
	v23 =	vadd.f32 v53, v23;
	v21 =	vadd.f32 v58, v21  }
0x2d0: {  	v24 =	vadd.f32 v56, v24;
	v50 =	vld [tilespmem:s20+$0x200];
	v51 =	vmul.f32 v57, v45;
	v22 =	vadd.f32 v60, v22  }
0x2d1: {  	v53 =	vld [tilespmem:s20+$0x210];
	v57 =	vmul.f32 v40, v52;
	v23 =	vadd.f32 v63, v23;
	v21 =	vadd.f32 v41, v21  }
0x2d2: {  	v56 =	vld [tilespmem:s20+$0x220];
	v24 =	vadd.f32 v28, v24;
	v59 =	vmul.f32 v43, v52;
	v22 =	vadd.f32 v42, v22  }
0x2d3: {  	v58 =	vld [tilespmem:s20+$0x230];
	v60 =	vmul.f32 v46, v52;
	v23 =	vadd.f32 v44, v23;
	v21 =	vadd.f32 v49, v21  }
0x2d4: {  	v61 =	vmul.f32 v48, v52;
	v24 =	vadd.f32 v47, v24;
	v22 =	vadd.f32 v51, v22  }
0x2d5: {  	v27 =	vmul.f32 v50, v20;
	v23 =	vadd.f32 v54, v23;
	v21 =	vadd.f32 v57, v21  }
0x2d6: {  	v62 =	vmul.f32 v53, v20;
	v24 =	vadd.f32 v55, v24;
	v22 =	vadd.f32 v59, v22  }
0x2d7: {  	p0 =	slt.u32 s13, $0x4E;
	v63 =	vmul.f32 v56, v20;
	v23 =	vadd.f32 v60, v23;
	v21 =	vadd.f32 v27, v21  }
.Ltmp8:
0x2d8: {  	v20 =	vmul.f32 v58, v20;
	v24 =	vadd.f32 v61, v24;
	v22 =	vadd.f32 v62, v22;
	(pc) =	sbr.rel @p0 .LBB2_8-.Ltmp8, $4  }
0x2d9: {  	v23 =	vadd.f32 v63, v23;
	[tilespmem:s18+$0x0] =	vst v21  }
0x2da: {  	v20 =	vadd.f32 v20, v24;
	[tilespmem:s18+$0x10] =	vst v22  }
0x2db: {  	s13 =	sadd.s32 $0x2, s13;
	[tilespmem:s18+$0x20] =	vst v23  }
0x2dc: {  	s19 =	sadd.s32 $0x80, s19;
	s20 =	sadd.s32 $0x480, s20;
	[tilespmem:s18+$0x30] =	vst v20;
	s18 =	sadd.s32 $0x80, s18  }
0x2dd: {  	s13 =	smul.u32 $0x280, s12  }
.Ltmp9:
0x2de: {  	_ = 	snop;
	(pc) =	sbr.rel .LBB2_10-.Ltmp9, $4  }
0x2df: {  	s22 =	smul.u32 $0xA0, s12;
	s13 =	sadd.s32 s10, s13  }
0x2e0: {  	[hbm4b:s13+s6] =	stream.linear.scatter [tilespmem:s16], [sflag:$0x6], $0x1400, $0x38;
	[tilespmem:$0x1C800] =	vst v63  }
0x2e1: {  	s12 =	sadd.s32 s4, s22  }
0x2e2: {  	[hbm4b:s12+s6] =	stream.linear.scatter [tilespmem:s14], [sflag:$0x6], $0x500, $0x38;
	[tilespmem:$0x1C800] =	vst v63  }
.LBB2_12:
0x2e3: {  	_ =	sfence.sel $0x180000  }
0x2e4: {  	[bflag:$0x0] =	sbarrier.arrive $0xFFFF  }
0x2e5: {  	_ =	strace $0x90000047  }
0x2e6: {  	s0 =	stileid.u32;
	[bflag:$0x2] =	sbarrier.arrive $0xFFFF  }
0x2e7: {  	p0 =	sne.s32 s0, $0x0;
	s0 =	rddreg [dreg:$0x5]  }
0x2e8: {  	s0 =	sadd.s32 @!p0 $0x100000, s0  }
0x2e9: {  	[sflag:s0] =	ssyncadd.tile.s32 @!p0 $0x1;
	_ =	shalt  }
.Lfunc_end2:
_tile_overlayer_lowered:
.L_overlay_start_2:
0x2ea: {  	(tag) =	ssettag $0x2  }
0x2eb: {  	s0 =	rddreg [dreg:$0x0];
	s2 =	stileid.u32  }
0x2ec: {  	s1 =	rddreg [dreg:$0x1];
	p0 =	sne.s32 s2, $0x0  }
0x2ed: {  	s3 =	rddreg [dreg:$0x2];
	[bflag:$0x3] =	sbarrier.arrive $0xFFFF;
	s2 =	simm.s32 @!p0 $0x1C07  }
0x2ee: {  	[timem:s3], [sflag:s2] =	dma.local @!p0 [hbm:s0], s1  }
0x2ef: {  	s0 =	simm.s32 @!p0 $0x7  }
0x2f0: {  	_ =	swait.ge @!p0 [sflag:s0], s1  }
0x2f1: {  	s1 =	ssub.s32 @!p0 $0x0, s1;
	[sflag:s0] =	ssyncset.done @!p0 $0x0  }
0x2f2: {  	[sflag:s0] =	ssyncadd.s32 @!p0 s1  }
0x2f3: {  	[bflag:$0x3] =	sbarrier.arrive $0xFFFF  }
0x2f4: {  	_ =	shalt  }

</sc_bundles>
